<compile_context>
chip_gen: v7x
topology: tpu7x:2x2x1
jax: 0.10.2.dev20260603
libtpu: 0.0.44.dev20260713+nightly
codegen_flags: <defaults>
</compile_context>

<pallas_src>
import functools

import jax
import jax.numpy as jnp
from jax import lax
from jax.experimental import pallas as pl
from jax.experimental.pallas import tpu as pltpu
from jax.experimental.pallas import tpu_sc as plsc

N = 10000
E = 320000
D = 128

NC = 2
NS = 16
NW = NC * NS

EDGES_PER_WORKER = E // NW
CHUNK = 80
NCHUNK = EDGES_PER_WORKER // CHUNK
assert NCHUNK * CHUNK == EDGES_PER_WORKER

NPAD = 10240
ROWS_PER_SUBCORE = NPAD // NS
ZCH = ROWS_PER_SUBCORE // CHUNK

_MESH = plsc.VectorSubcoreMesh(
    core_axis_name="c", subcore_axis_name="s", num_cores=NC,
    num_subcores=NS)


def _sc_aggregate(x, row, col, zeros_feat, ones_feat):

  @functools.partial(
      pl.kernel,
      out_type=[
          jax.ShapeDtypeStruct((NC, NPAD, D), jnp.float32),
          jax.ShapeDtypeStruct((NC, NPAD, D), jnp.float32),
      ],
      mesh=_MESH,
      scratch_types=[
          [pltpu.VMEM((1, CHUNK), jnp.int32) for _ in range(4)],
          [pltpu.VMEM((1, CHUNK), jnp.int32) for _ in range(4)],
          [pltpu.VMEM((CHUNK, D), jnp.float32) for _ in range(3)],
          pltpu.VMEM_SHARED((NPAD, D), jnp.float32),
          [pltpu.SemaphoreType.DMA for _ in range(4)],
          [pltpu.SemaphoreType.DMA for _ in range(3)],
          [pltpu.SemaphoreType.DMA for _ in range(3)],
      ],
  )
  def sc_kernel(x_hbm, row_hbm, col_hbm, zf_hbm, on_hbm,
                out_sum, out_cnt,
                colv, rowv, gv, acc, sem_i, sem_g, sem_s):
    cid = lax.axis_index("c")
    sid = lax.axis_index("s")
    wid = cid * NS + sid
    ebase = wid * EDGES_PER_WORKER
    zbase = sid * ROWS_PER_SUBCORE

    pltpu.sync_copy(zf_hbm, gv[0])

    @pl.loop(0, ZCH)
    def _(j):
      pltpu.async_copy(gv[0], acc.at[pl.ds(zbase + j * CHUNK, CHUNK)],
                       sem_g[0])

    @pl.loop(0, ZCH)
    def _(j):
      pltpu.make_async_copy(gv[0], acc.at[pl.ds(zbase, CHUNK)],
                            sem_g[0]).wait()

    plsc.subcore_barrier()

    def issue_idx(c, s):
      off = ebase + c * CHUNK
      pltpu.async_copy(col_hbm.at[pl.ds(off, CHUNK)], colv[s].at[0],
                       sem_i[s])
      pltpu.async_copy(row_hbm.at[pl.ds(off, CHUNK)], rowv[s].at[0],
                       sem_i[s])

    def wait_idx(s):
      pltpu.make_async_copy(col_hbm.at[pl.ds(0, CHUNK)], colv[s].at[0],
                            sem_i[s]).wait()
      pltpu.make_async_copy(row_hbm.at[pl.ds(0, CHUNK)], rowv[s].at[0],
                            sem_i[s]).wait()

    def issue_gather(s, g):
      pltpu.async_copy(x_hbm.at[colv[s].at[0]], gv[g], sem_g[g])

    def wait_gather(s, g):
      pltpu.make_async_copy(x_hbm.at[colv[s].at[0]], gv[g],
                            sem_g[g]).wait()

    def issue_scatter(g, s):
      pltpu.async_copy(gv[g], acc.at[rowv[s].at[0]], sem_s[g], add=True)

    def wait_scatter(g, s):
      pltpu.make_async_copy(gv[g], acc.at[rowv[s].at[0]],
                            sem_s[g]).wait()

    def visit(c, cm, first=False, do_gather=True, do_idx=True):
      i_cur, i_nxt, i_pre = cm % 4, (cm + 1) % 4, (cm + 3) % 4
      g_cur, g_nxt, g_prv = cm % 3, (cm + 1) % 3, (cm + 2) % 3
      if do_gather:
        wait_idx(i_nxt)
        issue_gather(i_nxt, g_nxt)
      wait_gather(i_cur, g_cur)
      issue_scatter(g_cur, i_cur)
      if not first:
        wait_scatter(g_prv, i_pre)
      if do_idx:
        issue_idx(c + 3, i_pre)

    issue_idx(0, 0)
    issue_idx(1, 1)
    issue_idx(2, 2)
    wait_idx(0)
    issue_gather(0, 0)
    visit(0, 0, first=True)

    @pl.loop(0, 10)
    def _(j):
      c = 1 + 12 * j
      for u in range(12):
        visit(c + u, 1 + u)

    visit(121, 121)
    visit(122, 122, do_idx=False)
    visit(123, 123, do_idx=False)
    visit(124, 124, do_gather=False, do_idx=False)
    wait_scatter(124 % 3, 124 % 4)

    plsc.subcore_barrier()

    for j in range(ZCH):
      g = j % 3
      b = zbase + j * CHUNK
      if j >= 3:
        pltpu.make_async_copy(gv[g], out_sum.at[cid, pl.ds(zbase, CHUNK)],
                              sem_s[g]).wait()
      pltpu.sync_copy(acc.at[pl.ds(b, CHUNK)], gv[g])
      pltpu.async_copy(gv[g], out_sum.at[cid, pl.ds(b, CHUNK)], sem_s[g])
    for g in range(3):
      pltpu.make_async_copy(gv[g], out_sum.at[cid, pl.ds(zbase, CHUNK)],
                            sem_s[g]).wait()

    pltpu.sync_copy(zf_hbm, gv[0])

    @pl.loop(0, ZCH)
    def _(j):
      pltpu.async_copy(gv[0], acc.at[pl.ds(zbase + j * CHUNK, CHUNK)],
                       sem_g[0])

    @pl.loop(0, ZCH)
    def _(j):
      pltpu.make_async_copy(gv[0], acc.at[pl.ds(zbase, CHUNK)],
                            sem_g[0]).wait()

    pltpu.sync_copy(on_hbm, gv[0])
    plsc.subcore_barrier()

    def cissue_scatter(s, g):
      pltpu.async_copy(gv[0], acc.at[rowv[s].at[0]], sem_s[g], add=True)

    def cwait_scatter(s, g):
      pltpu.make_async_copy(gv[0], acc.at[rowv[s].at[0]],
                            sem_s[g]).wait()

    def cissue_idx(c, s):
      off = ebase + c * CHUNK
      pltpu.async_copy(row_hbm.at[pl.ds(off, CHUNK)], rowv[s].at[0],
                       sem_i[s])

    def cwait_idx(s):
      pltpu.make_async_copy(row_hbm.at[pl.ds(0, CHUNK)], rowv[s].at[0],
                            sem_i[s]).wait()

    def cvisit(c, cm, first=False, do_idx=True):
      i_cur, i_pre = cm % 4, (cm + 3) % 4
      g_cur, g_prv = cm % 3, (cm + 2) % 3
      cwait_idx(i_cur)
      cissue_scatter(i_cur, g_cur)
      if not first:
        cwait_scatter(i_pre, g_prv)
      if do_idx:
        cissue_idx(c + 3, i_pre)

    cissue_idx(0, 0)
    cissue_idx(1, 1)
    cissue_idx(2, 2)
    cvisit(0, 0, first=True)

    @pl.loop(0, 10)
    def _(j):
      c = 1 + 12 * j
      for u in range(12):
        cvisit(c + u, 1 + u)

    cvisit(121, 121)
    cvisit(122, 122, do_idx=False)
    cvisit(123, 123, do_idx=False)
    cvisit(124, 124, do_idx=False)
    cwait_scatter(124 % 4, 124 % 3)

    plsc.subcore_barrier()

    for j in range(ZCH):
      g = 1 + j % 2
      b = zbase + j * CHUNK
      if j >= 2:
        pltpu.make_async_copy(gv[g], out_cnt.at[cid, pl.ds(zbase, CHUNK)],
                              sem_s[g]).wait()
      pltpu.sync_copy(acc.at[pl.ds(b, CHUNK)], gv[g])
      pltpu.async_copy(gv[g], out_cnt.at[cid, pl.ds(b, CHUNK)], sem_s[g])
    for g in (1, 2):
      pltpu.make_async_copy(gv[g], out_cnt.at[cid, pl.ds(zbase, CHUNK)],
                            sem_s[g]).wait()

  return sc_kernel(x, row, col, zeros_feat, ones_feat)


BLK = 1000


def _tc_self_body(x_ref, ws_ref, bs_ref, out_ref):
  out_ref[...] = (
      jnp.dot(x_ref[...], ws_ref[...], preferred_element_type=jnp.float32)
      + bs_ref[...])


def _tc_self(x, w_self_t, b_self):
  grid = (N // BLK,)
  return pl.pallas_call(
      _tc_self_body,
      grid=grid,
      in_specs=[
          pl.BlockSpec((BLK, D), lambda i: (i, 0)),
          pl.BlockSpec((D, D), lambda i: (0, 0)),
          pl.BlockSpec((1, D), lambda i: (0, 0)),
      ],
      out_specs=pl.BlockSpec((BLK, D), lambda i: (i, 0)),
      out_shape=jax.ShapeDtypeStruct((N, D), jnp.float32),
  )(x, w_self_t, b_self.reshape(1, D))


def _tc_body(sf_ref, ps_ref, pc_ref, wa_ref, ba_ref, g_ref, b_ref, out_ref):
  s = ps_ref[0] + ps_ref[1]
  c = pc_ref[0, :, 0:1] + pc_ref[1, :, 0:1]
  mean = s / (c + 1e-8)
  h = sf_ref[...]
  h = h + jnp.dot(mean, wa_ref[...], preferred_element_type=jnp.float32)
  h = h + ba_ref[...]
  h = jnp.maximum(h, 0.0)
  mu = jnp.mean(h, axis=1, keepdims=True)
  var = jnp.mean((h - mu) ** 2, axis=1, keepdims=True)
  out_ref[...] = (h - mu) * lax.rsqrt(var + 1e-5) * g_ref[...] + b_ref[...]


def _tc_finish(self_out, psum, pcnt, w_agg_t, b_agg, gamma, beta):
  grid = (N // BLK,)
  full128 = pl.BlockSpec((1, D), lambda i: (0, 0))
  return pl.pallas_call(
      _tc_body,
      grid=grid,
      in_specs=[
          pl.BlockSpec((BLK, D), lambda i: (i, 0)),
          pl.BlockSpec((NC, BLK, D), lambda i: (0, i, 0)),
          pl.BlockSpec((NC, BLK, D), lambda i: (0, i, 0)),
          pl.BlockSpec((D, D), lambda i: (0, 0)),
          full128, full128, full128,
      ],
      out_specs=pl.BlockSpec((BLK, D), lambda i: (i, 0)),
      out_shape=jax.ShapeDtypeStruct((N, D), jnp.float32),
  )(self_out, psum, pcnt, w_agg_t,
    b_agg.reshape(1, D), gamma.reshape(1, D), beta.reshape(1, D))


@jax.jit
def kernel(x, edge_index, W_self, b_self, W_agg, b_agg, gamma, beta):
  row = edge_index[0]
  col = edge_index[1]
  zeros_feat = jnp.zeros((CHUNK, D), jnp.float32)
  ones_feat = jnp.ones((CHUNK, D), jnp.float32)
  self_out = _tc_self(x, W_self.T, b_self)
  psum, pcnt = _sc_aggregate(x, row, col, zeros_feat, ones_feat)
  return _tc_finish(self_out, psum, pcnt, W_agg.T, b_agg, gamma, beta)

# --- scband reference (transcript-rebuilt; emitter-appended) ---
"""Pipeline reference for scband-graph-sagelayer-83167746719882 (READ-ONLY COPY).

The authoritative reference and input builder live on the scoring server;
editing this copy changes nothing except your own understanding.
"""

import jax, jax.numpy as jnp
import numpy as np

N = 10000
E = 320000
D = 128

def setup_inputs(seed: int = 0) -> dict:
    key = jax.random.key(seed)
    ks = jax.random.split(key, 8)
    x = jax.random.normal(ks[0], (N, D), dtype=jnp.float32)
    edge_index = jax.random.randint(ks[1], (2, E), 0, N, dtype=jnp.int32)
    s = 1.0 / np.sqrt(D)
    W_self = jax.random.uniform(ks[2], (D, D), dtype=jnp.float32, minval=-s, maxval=s)
    b_self = jax.random.uniform(ks[3], (D,), dtype=jnp.float32, minval=-s, maxval=s)
    W_agg = jax.random.uniform(ks[4], (D, D), dtype=jnp.float32, minval=-s, maxval=s)
    b_agg = jax.random.uniform(ks[5], (D,), dtype=jnp.float32, minval=-s, maxval=s)
    gamma = jnp.ones((D,), dtype=jnp.float32)
    beta = jnp.zeros((D,), dtype=jnp.float32)
    return {"x": x, "edge_index": edge_index, "W_self": W_self, "b_self": b_self, "W_agg": W_agg, "b_agg": b_agg, "gamma": gamma, "beta": beta}

def reference(x, edge_index, W_self, b_self, W_agg, b_agg, gamma, beta):
    row = edge_index[0]
    col = edge_index[1]
    num_nodes = x.shape[0]
    # self path
    self_out = x @ W_self.T + b_self
    # mean aggregation: scatter-add of neighbor features and degree counts
    neighbor_sum = jnp.zeros_like(x).at[row].add(x[col])
    neighbor_count = jnp.zeros((num_nodes, 1), dtype=x.dtype).at[row].add(jnp.ones((row.shape[0], 1), dtype=x.dtype))
    neighbor_mean = neighbor_sum / (neighbor_count + 1e-08)
    agg_out = neighbor_mean @ W_agg.T + b_agg
    out = self_out + agg_out
    out = jax.nn.relu(out)
    # LayerNorm (torch default eps=1e-5, biased variance)
    mu = jnp.mean(out, axis=-1, keepdims=True)
    var = jnp.mean((out - mu) ** 2, axis=-1, keepdims=True)
    out = (out - mu) / jnp.sqrt(var + 1e-05) * gamma + beta
    # dropout is identity in eval mode
    return out

if __name__ == "__main__":
    import jax
    _d = setup_inputs()
    print(jax.jit(kernel)(*tuple(_d.values())))

</pallas_src>

<mosaic_0001>
#map = affine_map<(d0, d1) -> (0, 0)>
#map1 = affine_map<(d0, d1) -> (0)>
#map2 = affine_map<(d0, d1) -> (0, 0, 0)>
module attributes {stable_mosaic.version = 14 : i64} {
  func.func @sc_kernel(%arg0: i32, %arg1: i32, %arg2: memref<10000x128xf32, #tpu.memory_space<hbm>>, %arg3: memref<320000xi32, #tpu.memory_space<hbm>>, %arg4: memref<320000xi32, #tpu.memory_space<hbm>>, %arg5: memref<80x128xf32, #tpu.memory_space<hbm>>, %arg6: memref<80x128xf32, #tpu.memory_space<hbm>>, %arg7: memref<2x10240x128xf32, #tpu.memory_space<hbm>>, %arg8: memref<2x10240x128xf32, #tpu.memory_space<hbm>>, %arg9: memref<1x80xi32, #tpu.memory_space<vmem>>, %arg10: memref<1x80xi32, #tpu.memory_space<vmem>>, %arg11: memref<1x80xi32, #tpu.memory_space<vmem>>, %arg12: memref<1x80xi32, #tpu.memory_space<vmem>>, %arg13: memref<1x80xi32, #tpu.memory_space<vmem>>, %arg14: memref<1x80xi32, #tpu.memory_space<vmem>>, %arg15: memref<1x80xi32, #tpu.memory_space<vmem>>, %arg16: memref<1x80xi32, #tpu.memory_space<vmem>>, %arg17: memref<80x128xf32, #tpu.memory_space<vmem>>, %arg18: memref<80x128xf32, #tpu.memory_space<vmem>>, %arg19: memref<80x128xf32, #tpu.memory_space<vmem>>, %arg20: memref<10240x128xf32, #tpu.memory_space<vmem_shared>>, %arg21: memref<!tpu.dma_semaphore, #tpu.memory_space<semaphore_mem>>, %arg22: memref<!tpu.dma_semaphore, #tpu.memory_space<semaphore_mem>>, %arg23: memref<!tpu.dma_semaphore, #tpu.memory_space<semaphore_mem>>, %arg24: memref<!tpu.dma_semaphore, #tpu.memory_space<semaphore_mem>>, %arg25: memref<!tpu.dma_semaphore, #tpu.memory_space<semaphore_mem>>, %arg26: memref<!tpu.dma_semaphore, #tpu.memory_space<semaphore_mem>>, %arg27: memref<!tpu.dma_semaphore, #tpu.memory_space<semaphore_mem>>, %arg28: memref<!tpu.dma_semaphore, #tpu.memory_space<semaphore_mem>>, %arg29: memref<!tpu.dma_semaphore, #tpu.memory_space<semaphore_mem>>, %arg30: memref<!tpu.dma_semaphore, #tpu.memory_space<semaphore_mem>>) attributes {dimension_semantics = [#tpu.dimension_semantics<core_parallel>, #tpu.dimension_semantics<subcore_parallel>], iteration_bounds = array<i64: 2, 16>, scalar_prefetch = 0 : i64, scratch_operands = 22 : i64, tpu.core_type = #tpu.core_type<sc_vector_subcore>, window_params = [{transform_indices = #map}, {transform_indices = #map1}, {transform_indices = #map1}, {transform_indices = #map}, {transform_indices = #map}, {transform_indices = #map2}, {transform_indices = #map2}]} {
    %mul3A = arith.constant 16 : i32
    %mul3A_0 = arith.muli %arg0, %mul3A : i32
    %add3A = arith.addi %mul3A_0, %arg1 : i32
    %mul3A_1 = arith.constant 10000 : i32
    %mul3A_2 = arith.muli %add3A, %mul3A_1 : i32
    %mul3A_3 = arith.constant 640 : i32
    %mul3A_4 = arith.muli %arg1, %mul3A_3 : i32
    "tpu.region"() ({
      %run_scoped3A = tpu.sem_alloc : memref<!tpu.dma_semaphore, #tpu.memory_space<semaphore_mem>>
      tpu.enqueue_dma source(%arg5 : memref<80x128xf32, #tpu.memory_space<hbm>>) target(%arg17 : memref<80x128xf32, #tpu.memory_space<vmem>>) target_semaphore(%run_scoped3A : memref<!tpu.dma_semaphore, #tpu.memory_space<semaphore_mem>>)
      tpu.wait_dma2 semaphore(%run_scoped3A : memref<!tpu.dma_semaphore, #tpu.memory_space<semaphore_mem>>) src(%arg5 : memref<80x128xf32, #tpu.memory_space<hbm>>) dst(%arg17 : memref<80x128xf32, #tpu.memory_space<vmem>>)
      tpu.yield
    }) : () -> ()
    %scan3A = arith.constant 0 : i32
    %scan3A_5 = arith.constant 8 : i32
    %scan3A_6 = arith.addi %scan3A, %scan3A_5 : i32
    %scan3A_7 = arith.constant 1 : i32
    scf.for %scan3A_789 = %scan3A to %scan3A_6 step %scan3A_7  : i32 {
      %mul3A_790 = arith.constant 1 : i32
      %mul3A_791 = arith.muli %scan3A_789, %mul3A_790 : i32
      %add3A_792 = arith.constant 0 : i32
      %add3A_793 = arith.addi %add3A_792, %mul3A_791 : i32
      %mul3A_794 = arith.constant 80 : i32
      %mul3A_795 = arith.muli %add3A_793, %mul3A_794 : i32
      %add3A_796 = arith.addi %mul3A_4, %mul3A_795 : i32
      %dma_start3A_797 = arith.constant 0 : i32
      %dma_start3A_798 = tpu.memref_slice %arg20[%add3A_796, %dma_start3A_797] : memref<10240x128xf32, #tpu.memory_space<vmem_shared>> -> memref<80x128xf32, #tpu.memory_space<vmem_shared>>
      %dma_start3A_799 = arith.constant 0 : i32
      %dma_start3A_800 = tpu.memref_slice %arg20[%add3A_796, %dma_start3A_799] : memref<10240x128xf32, #tpu.memory_space<vmem_shared>> -> memref<80x128xf32, #tpu.memory_space<vmem_shared>>
      tpu.enqueue_dma source(%arg17 : memref<80x128xf32, #tpu.memory_space<vmem>>) target(%dma_start3A_800 : memref<80x128xf32, #tpu.memory_space<vmem_shared>>) target_semaphore(%arg25 : memref<!tpu.dma_semaphore, #tpu.memory_space<semaphore_mem>>)
    }
    %scan3A_8 = arith.constant 8 : i32
    %scan3A_9 = arith.constant 0 : i32
    %scan3A_10 = arith.constant 8 : i32
    %scan3A_11 = arith.addi %scan3A_9, %scan3A_10 : i32
    %scan3A_12 = arith.constant 1 : i32
    scf.for %scan3A_789 = %scan3A_9 to %scan3A_11 step %scan3A_12  : i32 {
      %mul3A_790 = arith.constant 1 : i32
      %mul3A_791 = arith.muli %scan3A_789, %mul3A_790 : i32
      %add3A_792 = arith.constant 0 : i32
      %add3A_793 = arith.addi %add3A_792, %mul3A_791 : i32
      %dma_wait3A_794 = arith.constant 0 : i32
      %dma_wait3A_795 = tpu.memref_slice %arg20[%mul3A_4, %dma_wait3A_794] : memref<10240x128xf32, #tpu.memory_space<vmem_shared>> -> memref<80x128xf32, #tpu.memory_space<vmem_shared>>
      %dma_wait3A_796 = arith.constant 0 : i32
      %dma_wait3A_797 = tpu.memref_slice %arg20[%mul3A_4, %dma_wait3A_796] : memref<10240x128xf32, #tpu.memory_space<vmem_shared>> -> memref<80x128xf32, #tpu.memory_space<vmem_shared>>
      tpu.wait_dma2 semaphore(%arg25 : memref<!tpu.dma_semaphore, #tpu.memory_space<semaphore_mem>>) src(%arg17 : memref<80x128xf32, #tpu.memory_space<vmem>>) dst(%dma_wait3A_797 : memref<80x128xf32, #tpu.memory_space<vmem_shared>>)
    }
    %scan3A_13 = arith.constant 8 : i32
    %barrier3A = arith.constant 0 : index
    tpu.barrier barrier_id(%barrier3A)
    %add3A_14 = arith.constant 0 : i32
    %add3A_15 = arith.addi %mul3A_2, %add3A_14 : i32
    %dma_start3A = arith.constant 0 : i32
    %dma_start3A_16 = arith.constant 0 : i32
    %dma_start3A_17 = tpu.memref_slice %arg9[%dma_start3A, %dma_start3A_16] : memref<1x80xi32, #tpu.memory_space<vmem>> -> memref<1x80xi32, #tpu.memory_space<vmem>>
    %dma_start3A_18 = tpu.memref_squeeze %dma_start3A_17 : memref<1x80xi32, #tpu.memory_space<vmem>> -> memref<80xi32, #tpu.memory_space<vmem>>
    %dma_start3A_19 = tpu.memref_slice %arg4[%add3A_15] : memref<320000xi32, #tpu.memory_space<hbm>> -> memref<80xi32, #tpu.memory_space<hbm>>
    %dma_start3A_20 = arith.constant 0 : i32
    %dma_start3A_21 = tpu.memref_slice %arg9[%dma_start3A, %dma_start3A_20] : memref<1x80xi32, #tpu.memory_space<vmem>> -> memref<1x80xi32, #tpu.memory_space<vmem>>
    %dma_start3A_22 = tpu.memref_squeeze %dma_start3A_21 : memref<1x80xi32, #tpu.memory_space<vmem>> -> memref<80xi32, #tpu.memory_space<vmem>>
    %dma_start3A_23 = tpu.memref_slice %arg4[%add3A_15] : memref<320000xi32, #tpu.memory_space<hbm>> -> memref<80xi32, #tpu.memory_space<hbm>>
    tpu.enqueue_dma source(%dma_start3A_23 : memref<80xi32, #tpu.memory_space<hbm>>) target(%dma_start3A_22 : memref<80xi32, #tpu.memory_space<vmem>>) target_semaphore(%arg21 : memref<!tpu.dma_semaphore, #tpu.memory_space<semaphore_mem>>)
    %dma_start3A_24 = arith.constant 0 : i32
    %dma_start3A_25 = arith.constant 0 : i32
    %dma_start3A_26 = tpu.memref_slice %arg13[%dma_start3A_24, %dma_start3A_25] : memref<1x80xi32, #tpu.memory_space<vmem>> -> memref<1x80xi32, #tpu.memory_space<vmem>>
    %dma_start3A_27 = tpu.memref_squeeze %dma_start3A_26 : memref<1x80xi32, #tpu.memory_space<vmem>> -> memref<80xi32, #tpu.memory_space<vmem>>
    %dma_start3A_28 = tpu.memref_slice %arg3[%add3A_15] : memref<320000xi32, #tpu.memory_space<hbm>> -> memref<80xi32, #tpu.memory_space<hbm>>
    %dma_start3A_29 = arith.constant 0 : i32
    %dma_start3A_30 = tpu.memref_slice %arg13[%dma_start3A_24, %dma_start3A_29] : memref<1x80xi32, #tpu.memory_space<vmem>> -> memref<1x80xi32, #tpu.memory_space<vmem>>
    %dma_start3A_31 = tpu.memref_squeeze %dma_start3A_30 : memref<1x80xi32, #tpu.memory_space<vmem>> -> memref<80xi32, #tpu.memory_space<vmem>>
    %dma_start3A_32 = tpu.memref_slice %arg3[%add3A_15] : memref<320000xi32, #tpu.memory_space<hbm>> -> memref<80xi32, #tpu.memory_space<hbm>>
    tpu.enqueue_dma source(%dma_start3A_32 : memref<80xi32, #tpu.memory_space<hbm>>) target(%dma_start3A_31 : memref<80xi32, #tpu.memory_space<vmem>>) target_semaphore(%arg21 : memref<!tpu.dma_semaphore, #tpu.memory_space<semaphore_mem>>)
    %add3A_33 = arith.constant 80 : i32
    %add3A_34 = arith.addi %mul3A_2, %add3A_33 : i32
    %dma_start3A_35 = arith.constant 0 : i32
    %dma_start3A_36 = arith.constant 0 : i32
    %dma_start3A_37 = tpu.memref_slice %arg10[%dma_start3A_35, %dma_start3A_36] : memref<1x80xi32, #tpu.memory_space<vmem>> -> memref<1x80xi32, #tpu.memory_space<vmem>>
    %dma_start3A_38 = tpu.memref_squeeze %dma_start3A_37 : memref<1x80xi32, #tpu.memory_space<vmem>> -> memref<80xi32, #tpu.memory_space<vmem>>
    %dma_start3A_39 = tpu.memref_slice %arg4[%add3A_34] : memref<320000xi32, #tpu.memory_space<hbm>> -> memref<80xi32, #tpu.memory_space<hbm>>
    %dma_start3A_40 = arith.constant 0 : i32
    %dma_start3A_41 = tpu.memref_slice %arg10[%dma_start3A_35, %dma_start3A_40] : memref<1x80xi32, #tpu.memory_space<vmem>> -> memref<1x80xi32, #tpu.memory_space<vmem>>
    %dma_start3A_42 = tpu.memref_squeeze %dma_start3A_41 : memref<1x80xi32, #tpu.memory_space<vmem>> -> memref<80xi32, #tpu.memory_space<vmem>>
    %dma_start3A_43 = tpu.memref_slice %arg4[%add3A_34] : memref<320000xi32, #tpu.memory_space<hbm>> -> memref<80xi32, #tpu.memory_space<hbm>>
    tpu.enqueue_dma source(%dma_start3A_43 : memref<80xi32, #tpu.memory_space<hbm>>) target(%dma_start3A_42 : memref<80xi32, #tpu.memory_space<vmem>>) target_semaphore(%arg22 : memref<!tpu.dma_semaphore, #tpu.memory_space<semaphore_mem>>)
    %dma_start3A_44 = arith.constant 0 : i32
    %dma_start3A_45 = arith.constant 0 : i32
    %dma_start3A_46 = tpu.memref_slice %arg14[%dma_start3A_44, %dma_start3A_45] : memref<1x80xi32, #tpu.memory_space<vmem>> -> memref<1x80xi32, #tpu.memory_space<vmem>>
    %dma_start3A_47 = tpu.memref_squeeze %dma_start3A_46 : memref<1x80xi32, #tpu.memory_space<vmem>> -> memref<80xi32, #tpu.memory_space<vmem>>
    %dma_start3A_48 = tpu.memref_slice %arg3[%add3A_34] : memref<320000xi32, #tpu.memory_space<hbm>> -> memref<80xi32, #tpu.memory_space<hbm>>
    %dma_start3A_49 = arith.constant 0 : i32
    %dma_start3A_50 = tpu.memref_slice %arg14[%dma_start3A_44, %dma_start3A_49] : memref<1x80xi32, #tpu.memory_space<vmem>> -> memref<1x80xi32, #tpu.memory_space<vmem>>
    %dma_start3A_51 = tpu.memref_squeeze %dma_start3A_50 : memref<1x80xi32, #tpu.memory_space<vmem>> -> memref<80xi32, #tpu.memory_space<vmem>>
    %dma_start3A_52 = tpu.memref_slice %arg3[%add3A_34] : memref<320000xi32, #tpu.memory_space<hbm>> -> memref<80xi32, #tpu.memory_space<hbm>>
    tpu.enqueue_dma source(%dma_start3A_52 : memref<80xi32, #tpu.memory_space<hbm>>) target(%dma_start3A_51 : memref<80xi32, #tpu.memory_space<vmem>>) target_semaphore(%arg22 : memref<!tpu.dma_semaphore, #tpu.memory_space<semaphore_mem>>)
    %add3A_53 = arith.constant 160 : i32
    %add3A_54 = arith.addi %mul3A_2, %add3A_53 : i32
    %dma_start3A_55 = arith.constant 0 : i32
    %dma_start3A_56 = arith.constant 0 : i32
    %dma_start3A_57 = tpu.memref_slice %arg11[%dma_start3A_55, %dma_start3A_56] : memref<1x80xi32, #tpu.memory_space<vmem>> -> memref<1x80xi32, #tpu.memory_space<vmem>>
    %dma_start3A_58 = tpu.memref_squeeze %dma_start3A_57 : memref<1x80xi32, #tpu.memory_space<vmem>> -> memref<80xi32, #tpu.memory_space<vmem>>
    %dma_start3A_59 = tpu.memref_slice %arg4[%add3A_54] : memref<320000xi32, #tpu.memory_space<hbm>> -> memref<80xi32, #tpu.memory_space<hbm>>
    %dma_start3A_60 = arith.constant 0 : i32
    %dma_start3A_61 = tpu.memref_slice %arg11[%dma_start3A_55, %dma_start3A_60] : memref<1x80xi32, #tpu.memory_space<vmem>> -> memref<1x80xi32, #tpu.memory_space<vmem>>
    %dma_start3A_62 = tpu.memref_squeeze %dma_start3A_61 : memref<1x80xi32, #tpu.memory_space<vmem>> -> memref<80xi32, #tpu.memory_space<vmem>>
    %dma_start3A_63 = tpu.memref_slice %arg4[%add3A_54] : memref<320000xi32, #tpu.memory_space<hbm>> -> memref<80xi32, #tpu.memory_space<hbm>>
    tpu.enqueue_dma source(%dma_start3A_63 : memref<80xi32, #tpu.memory_space<hbm>>) target(%dma_start3A_62 : memref<80xi32, #tpu.memory_space<vmem>>) target_semaphore(%arg23 : memref<!tpu.dma_semaphore, #tpu.memory_space<semaphore_mem>>)
    %dma_start3A_64 = arith.constant 0 : i32
    %dma_start3A_65 = arith.constant 0 : i32
    %dma_start3A_66 = tpu.memref_slice %arg15[%dma_start3A_64, %dma_start3A_65] : memref<1x80xi32, #tpu.memory_space<vmem>> -> memref<1x80xi32, #tpu.memory_space<vmem>>
    %dma_start3A_67 = tpu.memref_squeeze %dma_start3A_66 : memref<1x80xi32, #tpu.memory_space<vmem>> -> memref<80xi32, #tpu.memory_space<vmem>>
    %dma_start3A_68 = tpu.memref_slice %arg3[%add3A_54] : memref<320000xi32, #tpu.memory_space<hbm>> -> memref<80xi32, #tpu.memory_space<hbm>>
    %dma_start3A_69 = arith.constant 0 : i32
    %dma_start3A_70 = tpu.memref_slice %arg15[%dma_start3A_64, %dma_start3A_69] : memref<1x80xi32, #tpu.memory_space<vmem>> -> memref<1x80xi32, #tpu.memory_space<vmem>>
    %dma_start3A_71 = tpu.memref_squeeze %dma_start3A_70 : memref<1x80xi32, #tpu.memory_space<vmem>> -> memref<80xi32, #tpu.memory_space<vmem>>
    %dma_start3A_72 = tpu.memref_slice %arg3[%add3A_54] : memref<320000xi32, #tpu.memory_space<hbm>> -> memref<80xi32, #tpu.memory_space<hbm>>
    tpu.enqueue_dma source(%dma_start3A_72 : memref<80xi32, #tpu.memory_space<hbm>>) target(%dma_start3A_71 : memref<80xi32, #tpu.memory_space<vmem>>) target_semaphore(%arg23 : memref<!tpu.dma_semaphore, #tpu.memory_space<semaphore_mem>>)
    %dma_wait3A = arith.constant 0 : i32
    %dma_wait3A_73 = arith.constant 0 : i32
    %dma_wait3A_74 = tpu.memref_slice %arg9[%dma_wait3A, %dma_wait3A_73] : memref<1x80xi32, #tpu.memory_space<vmem>> -> memref<1x80xi32, #tpu.memory_space<vmem>>
    %dma_wait3A_75 = tpu.memref_squeeze %dma_wait3A_74 : memref<1x80xi32, #tpu.memory_space<vmem>> -> memref<80xi32, #tpu.memory_space<vmem>>
    %dma_wait3A_76 = arith.constant 0 : i32
    %dma_wait3A_77 = tpu.memref_slice %arg4[%dma_wait3A_76] : memref<320000xi32, #tpu.memory_space<hbm>> -> memref<80xi32, #tpu.memory_space<hbm>>
    %dma_wait3A_78 = arith.constant 0 : i32
    %dma_wait3A_79 = tpu.memref_slice %arg9[%dma_wait3A, %dma_wait3A_78] : memref<1x80xi32, #tpu.memory_space<vmem>> -> memref<1x80xi32, #tpu.memory_space<vmem>>
    %dma_wait3A_80 = tpu.memref_squeeze %dma_wait3A_79 : memref<1x80xi32, #tpu.memory_space<vmem>> -> memref<80xi32, #tpu.memory_space<vmem>>
    %dma_wait3A_81 = arith.constant 0 : i32
    %dma_wait3A_82 = tpu.memref_slice %arg4[%dma_wait3A_81] : memref<320000xi32, #tpu.memory_space<hbm>> -> memref<80xi32, #tpu.memory_space<hbm>>
    tpu.wait_dma2 semaphore(%arg21 : memref<!tpu.dma_semaphore, #tpu.memory_space<semaphore_mem>>) src(%dma_wait3A_82 : memref<80xi32, #tpu.memory_space<hbm>>) dst(%dma_wait3A_80 : memref<80xi32, #tpu.memory_space<vmem>>)
    %dma_wait3A_83 = arith.constant 0 : i32
    %dma_wait3A_84 = arith.constant 0 : i32
    %dma_wait3A_85 = tpu.memref_slice %arg13[%dma_wait3A_83, %dma_wait3A_84] : memref<1x80xi32, #tpu.memory_space<vmem>> -> memref<1x80xi32, #tpu.memory_space<vmem>>
    %dma_wait3A_86 = tpu.memref_squeeze %dma_wait3A_85 : memref<1x80xi32, #tpu.memory_space<vmem>> -> memref<80xi32, #tpu.memory_space<vmem>>
    %dma_wait3A_87 = arith.constant 0 : i32
    %dma_wait3A_88 = tpu.memref_slice %arg3[%dma_wait3A_87] : memref<320000xi32, #tpu.memory_space<hbm>> -> memref<80xi32, #tpu.memory_space<hbm>>
    %dma_wait3A_89 = arith.constant 0 : i32
    %dma_wait3A_90 = tpu.memref_slice %arg13[%dma_wait3A_83, %dma_wait3A_89] : memref<1x80xi32, #tpu.memory_space<vmem>> -> memref<1x80xi32, #tpu.memory_space<vmem>>
    %dma_wait3A_91 = tpu.memref_squeeze %dma_wait3A_90 : memref<1x80xi32, #tpu.memory_space<vmem>> -> memref<80xi32, #tpu.memory_space<vmem>>
    %dma_wait3A_92 = arith.constant 0 : i32
    %dma_wait3A_93 = tpu.memref_slice %arg3[%dma_wait3A_92] : memref<320000xi32, #tpu.memory_space<hbm>> -> memref<80xi32, #tpu.memory_space<hbm>>
    tpu.wait_dma2 semaphore(%arg21 : memref<!tpu.dma_semaphore, #tpu.memory_space<semaphore_mem>>) src(%dma_wait3A_93 : memref<80xi32, #tpu.memory_space<hbm>>) dst(%dma_wait3A_91 : memref<80xi32, #tpu.memory_space<vmem>>)
    %dma_start3A_94 = arith.constant 0 : i32
    %dma_start3A_95 = arith.constant 0 : i32
    %dma_start3A_96 = tpu.memref_slice %arg9[%dma_start3A_94, %dma_start3A_95] : memref<1x80xi32, #tpu.memory_space<vmem>> -> memref<1x80xi32, #tpu.memory_space<vmem>>
    %dma_start3A_97 = tpu.memref_squeeze %dma_start3A_96 : memref<1x80xi32, #tpu.memory_space<vmem>> -> memref<80xi32, #tpu.memory_space<vmem>>
    %dma_start3A_98 = arith.constant 0 : i32
    %dma_start3A_99 = arith.constant 0 : i32
    %dma_start3A_100 = tpu.memref_slice %arg2[%dma_start3A_98, %dma_start3A_99] : memref<10000x128xf32, #tpu.memory_space<hbm>> -> memref<10000x128xf32, #tpu.memory_space<hbm>>
    tpu.enqueue_indirect_dma source(%dma_start3A_100 : memref<10000x128xf32, #tpu.memory_space<hbm>>) target(%arg17 : memref<80x128xf32, #tpu.memory_space<vmem>>) offsets(%dma_start3A_97 : memref<80xi32, #tpu.memory_space<vmem>>) semaphore(%arg25 : memref<!tpu.dma_semaphore, #tpu.memory_space<semaphore_mem>>)
    %dma_wait3A_101 = arith.constant 0 : i32
    %dma_wait3A_102 = arith.constant 0 : i32
    %dma_wait3A_103 = tpu.memref_slice %arg10[%dma_wait3A_101, %dma_wait3A_102] : memref<1x80xi32, #tpu.memory_space<vmem>> -> memref<1x80xi32, #tpu.memory_space<vmem>>
    %dma_wait3A_104 = tpu.memref_squeeze %dma_wait3A_103 : memref<1x80xi32, #tpu.memory_space<vmem>> -> memref<80xi32, #tpu.memory_space<vmem>>
    %dma_wait3A_105 = arith.constant 0 : i32
    %dma_wait3A_106 = tpu.memref_slice %arg4[%dma_wait3A_105] : memref<320000xi32, #tpu.memory_space<hbm>> -> memref<80xi32, #tpu.memory_space<hbm>>
    %dma_wait3A_107 = arith.constant 0 : i32
    %dma_wait3A_108 = tpu.memref_slice %arg10[%dma_wait3A_101, %dma_wait3A_107] : memref<1x80xi32, #tpu.memory_space<vmem>> -> memref<1x80xi32, #tpu.memory_space<vmem>>
    %dma_wait3A_109 = tpu.memref_squeeze %dma_wait3A_108 : memref<1x80xi32, #tpu.memory_space<vmem>> -> memref<80xi32, #tpu.memory_space<vmem>>
    %dma_wait3A_110 = arith.constant 0 : i32
    %dma_wait3A_111 = tpu.memref_slice %arg4[%dma_wait3A_110] : memref<320000xi32, #tpu.memory_space<hbm>> -> memref<80xi32, #tpu.memory_space<hbm>>
    tpu.wait_dma2 semaphore(%arg22 : memref<!tpu.dma_semaphore, #tpu.memory_space<semaphore_mem>>) src(%dma_wait3A_111 : memref<80xi32, #tpu.memory_space<hbm>>) dst(%dma_wait3A_109 : memref<80xi32, #tpu.memory_space<vmem>>)
    %dma_wait3A_112 = arith.constant 0 : i32
    %dma_wait3A_113 = arith.constant 0 : i32
    %dma_wait3A_114 = tpu.memref_slice %arg14[%dma_wait3A_112, %dma_wait3A_113] : memref<1x80xi32, #tpu.memory_space<vmem>> -> memref<1x80xi32, #tpu.memory_space<vmem>>
    %dma_wait3A_115 = tpu.memref_squeeze %dma_wait3A_114 : memref<1x80xi32, #tpu.memory_space<vmem>> -> memref<80xi32, #tpu.memory_space<vmem>>
    %dma_wait3A_116 = arith.constant 0 : i32
    %dma_wait3A_117 = tpu.memref_slice %arg3[%dma_wait3A_116] : memref<320000xi32, #tpu.memory_space<hbm>> -> memref<80xi32, #tpu.memory_space<hbm>>
    %dma_wait3A_118 = arith.constant 0 : i32
    %dma_wait3A_119 = tpu.memref_slice %arg14[%dma_wait3A_112, %dma_wait3A_118] : memref<1x80xi32, #tpu.memory_space<vmem>> -> memref<1x80xi32, #tpu.memory_space<vmem>>
    %dma_wait3A_120 = tpu.memref_squeeze %dma_wait3A_119 : memref<1x80xi32, #tpu.memory_space<vmem>> -> memref<80xi32, #tpu.memory_space<vmem>>
    %dma_wait3A_121 = arith.constant 0 : i32
    %dma_wait3A_122 = tpu.memref_slice %arg3[%dma_wait3A_121] : memref<320000xi32, #tpu.memory_space<hbm>> -> memref<80xi32, #tpu.memory_space<hbm>>
    tpu.wait_dma2 semaphore(%arg22 : memref<!tpu.dma_semaphore, #tpu.memory_space<semaphore_mem>>) src(%dma_wait3A_122 : memref<80xi32, #tpu.memory_space<hbm>>) dst(%dma_wait3A_120 : memref<80xi32, #tpu.memory_space<vmem>>)
    %dma_start3A_123 = arith.constant 0 : i32
    %dma_start3A_124 = arith.constant 0 : i32
    %dma_start3A_125 = tpu.memref_slice %arg10[%dma_start3A_123, %dma_start3A_124] : memref<1x80xi32, #tpu.memory_space<vmem>> -> memref<1x80xi32, #tpu.memory_space<vmem>>
    %dma_start3A_126 = tpu.memref_squeeze %dma_start3A_125 : memref<1x80xi32, #tpu.memory_space<vmem>> -> memref<80xi32, #tpu.memory_space<vmem>>
    %dma_start3A_127 = arith.constant 0 : i32
    %dma_start3A_128 = arith.constant 0 : i32
    %dma_start3A_129 = tpu.memref_slice %arg2[%dma_start3A_127, %dma_start3A_128] : memref<10000x128xf32, #tpu.memory_space<hbm>> -> memref<10000x128xf32, #tpu.memory_space<hbm>>
    tpu.enqueue_indirect_dma source(%dma_start3A_129 : memref<10000x128xf32, #tpu.memory_space<hbm>>) target(%arg18 : memref<80x128xf32, #tpu.memory_space<vmem>>) offsets(%dma_start3A_126 : memref<80xi32, #tpu.memory_space<vmem>>) semaphore(%arg26 : memref<!tpu.dma_semaphore, #tpu.memory_space<semaphore_mem>>)
    %dma_wait3A_130 = arith.constant 0 : i32
    %dma_wait3A_131 = arith.constant 0 : i32
    %dma_wait3A_132 = tpu.memref_slice %arg9[%dma_wait3A_130, %dma_wait3A_131] : memref<1x80xi32, #tpu.memory_space<vmem>> -> memref<1x80xi32, #tpu.memory_space<vmem>>
    %dma_wait3A_133 = tpu.memref_squeeze %dma_wait3A_132 : memref<1x80xi32, #tpu.memory_space<vmem>> -> memref<80xi32, #tpu.memory_space<vmem>>
    %dma_wait3A_134 = arith.constant 0 : i32
    %dma_wait3A_135 = arith.constant 0 : i32
    %dma_wait3A_136 = tpu.memref_slice %arg2[%dma_wait3A_134, %dma_wait3A_135] : memref<10000x128xf32, #tpu.memory_space<hbm>> -> memref<10000x128xf32, #tpu.memory_space<hbm>>
    tpu.wait_indirect_dma semaphore(%arg25 : memref<!tpu.dma_semaphore, #tpu.memory_space<semaphore_mem>>) src(%dma_wait3A_136 : memref<10000x128xf32, #tpu.memory_space<hbm>>) dst(%arg17 : memref<80x128xf32, #tpu.memory_space<vmem>>)
    %dma_start3A_137 = arith.constant 0 : i32
    %dma_start3A_138 = arith.constant 0 : i32
    %dma_start3A_139 = tpu.memref_slice %arg13[%dma_start3A_137, %dma_start3A_138] : memref<1x80xi32, #tpu.memory_space<vmem>> -> memref<1x80xi32, #tpu.memory_space<vmem>>
    %dma_start3A_140 = tpu.memref_squeeze %dma_start3A_139 : memref<1x80xi32, #tpu.memory_space<vmem>> -> memref<80xi32, #tpu.memory_space<vmem>>
    %dma_start3A_141 = arith.constant 0 : i32
    %dma_start3A_142 = arith.constant 0 : i32
    %dma_start3A_143 = tpu.memref_slice %arg20[%dma_start3A_141, %dma_start3A_142] : memref<10240x128xf32, #tpu.memory_space<vmem_shared>> -> memref<10240x128xf32, #tpu.memory_space<vmem_shared>>
    tpu.enqueue_indirect_dma source(%arg17 : memref<80x128xf32, #tpu.memory_space<vmem>>) target(%dma_start3A_143 : memref<10240x128xf32, #tpu.memory_space<vmem_shared>>) offsets(%dma_start3A_140 : memref<80xi32, #tpu.memory_space<vmem>>) semaphore(%arg28 : memref<!tpu.dma_semaphore, #tpu.memory_space<semaphore_mem>>) {add = true}
    %add3A_144 = arith.constant 240 : i32
    %add3A_145 = arith.addi %mul3A_2, %add3A_144 : i32
    %dma_start3A_146 = arith.constant 0 : i32
    %dma_start3A_147 = arith.constant 0 : i32
    %dma_start3A_148 = tpu.memref_slice %arg12[%dma_start3A_146, %dma_start3A_147] : memref<1x80xi32, #tpu.memory_space<vmem>> -> memref<1x80xi32, #tpu.memory_space<vmem>>
    %dma_start3A_149 = tpu.memref_squeeze %dma_start3A_148 : memref<1x80xi32, #tpu.memory_space<vmem>> -> memref<80xi32, #tpu.memory_space<vmem>>
    %dma_start3A_150 = tpu.memref_slice %arg4[%add3A_145] : memref<320000xi32, #tpu.memory_space<hbm>> -> memref<80xi32, #tpu.memory_space<hbm>>
    %dma_start3A_151 = arith.constant 0 : i32
    %dma_start3A_152 = tpu.memref_slice %arg12[%dma_start3A_146, %dma_start3A_151] : memref<1x80xi32, #tpu.memory_space<vmem>> -> memref<1x80xi32, #tpu.memory_space<vmem>>
    %dma_start3A_153 = tpu.memref_squeeze %dma_start3A_152 : memref<1x80xi32, #tpu.memory_space<vmem>> -> memref<80xi32, #tpu.memory_space<vmem>>
    %dma_start3A_154 = tpu.memref_slice %arg4[%add3A_145] : memref<320000xi32, #tpu.memory_space<hbm>> -> memref<80xi32, #tpu.memory_space<hbm>>
    tpu.enqueue_dma source(%dma_start3A_154 : memref<80xi32, #tpu.memory_space<hbm>>) target(%dma_start3A_153 : memref<80xi32, #tpu.memory_space<vmem>>) target_semaphore(%arg24 : memref<!tpu.dma_semaphore, #tpu.memory_space<semaphore_mem>>)
    %dma_start3A_155 = arith.constant 0 : i32
    %dma_start3A_156 = arith.constant 0 : i32
    %dma_start3A_157 = tpu.memref_slice %arg16[%dma_start3A_155, %dma_start3A_156] : memref<1x80xi32, #tpu.memory_space<vmem>> -> memref<1x80xi32, #tpu.memory_space<vmem>>
    %dma_start3A_158 = tpu.memref_squeeze %dma_start3A_157 : memref<1x80xi32, #tpu.memory_space<vmem>> -> memref<80xi32, #tpu.memory_space<vmem>>
    %dma_start3A_159 = tpu.memref_slice %arg3[%add3A_145] : memref<320000xi32, #tpu.memory_space<hbm>> -> memref<80xi32, #tpu.memory_space<hbm>>
    %dma_start3A_160 = arith.constant 0 : i32
    %dma_start3A_161 = tpu.memref_slice %arg16[%dma_start3A_155, %dma_start3A_160] : memref<1x80xi32, #tpu.memory_space<vmem>> -> memref<1x80xi32, #tpu.memory_space<vmem>>
    %dma_start3A_162 = tpu.memref_squeeze %dma_start3A_161 : memref<1x80xi32, #tpu.memory_space<vmem>> -> memref<80xi32, #tpu.memory_space<vmem>>
    %dma_start3A_163 = tpu.memref_slice %arg3[%add3A_145] : memref<320000xi32, #tpu.memory_space<hbm>> -> memref<80xi32, #tpu.memory_space<hbm>>
    tpu.enqueue_dma source(%dma_start3A_163 : memref<80xi32, #tpu.memory_space<hbm>>) target(%dma_start3A_162 : memref<80xi32, #tpu.memory_space<vmem>>) target_semaphore(%arg24 : memref<!tpu.dma_semaphore, #tpu.memory_space<semaphore_mem>>)
    %scan3A_164 = arith.constant 0 : i32
    %scan3A_165 = arith.constant 10 : i32
    %scan3A_166 = arith.addi %scan3A_164, %scan3A_165 : i32
    %scan3A_167 = arith.constant 1 : i32
    scf.for %scan3A_789 = %scan3A_164 to %scan3A_166 step %scan3A_167  : i32 {
      %mul3A_790 = arith.constant 1 : i32
      %mul3A_791 = arith.muli %scan3A_789, %mul3A_790 : i32
      %add3A_792 = arith.constant 0 : i32
      %add3A_793 = arith.addi %add3A_792, %mul3A_791 : i32
      %mul3A_794 = arith.constant 12 : i32
      %mul3A_795 = arith.muli %mul3A_794, %add3A_793 : i32
      %add3A_796 = arith.constant 1 : i32
      %add3A_797 = arith.addi %add3A_796, %mul3A_795 : i32
      %add3A_798 = arith.constant 0 : i32
      %add3A_799 = arith.addi %add3A_797, %add3A_798 : i32
      %dma_wait3A_800 = arith.constant 0 : i32
      %dma_wait3A_801 = arith.constant 0 : i32
      %dma_wait3A_802 = tpu.memref_slice %arg11[%dma_wait3A_800, %dma_wait3A_801] : memref<1x80xi32, #tpu.memory_space<vmem>> -> memref<1x80xi32, #tpu.memory_space<vmem>>
      %dma_wait3A_803 = tpu.memref_squeeze %dma_wait3A_802 : memref<1x80xi32, #tpu.memory_space<vmem>> -> memref<80xi32, #tpu.memory_space<vmem>>
      %dma_wait3A_804 = arith.constant 0 : i32
      %dma_wait3A_805 = tpu.memref_slice %arg4[%dma_wait3A_804] : memref<320000xi32, #tpu.memory_space<hbm>> -> memref<80xi32, #tpu.memory_space<hbm>>
      %dma_wait3A_806 = arith.constant 0 : i32
      %dma_wait3A_807 = tpu.memref_slice %arg11[%dma_wait3A_800, %dma_wait3A_806] : memref<1x80xi32, #tpu.memory_space<vmem>> -> memref<1x80xi32, #tpu.memory_space<vmem>>
      %dma_wait3A_808 = tpu.memref_squeeze %dma_wait3A_807 : memref<1x80xi32, #tpu.memory_space<vmem>> -> memref<80xi32, #tpu.memory_space<vmem>>
      %dma_wait3A_809 = arith.constant 0 : i32
      %dma_wait3A_810 = tpu.memref_slice %arg4[%dma_wait3A_809] : memref<320000xi32, #tpu.memory_space<hbm>> -> memref<80xi32, #tpu.memory_space<hbm>>
      tpu.wait_dma2 semaphore(%arg23 : memref<!tpu.dma_semaphore, #tpu.memory_space<semaphore_mem>>) src(%dma_wait3A_810 : memref<80xi32, #tpu.memory_space<hbm>>) dst(%dma_wait3A_808 : memref<80xi32, #tpu.memory_space<vmem>>)
      %dma_wait3A_811 = arith.constant 0 : i32
      %dma_wait3A_812 = arith.constant 0 : i32
      %dma_wait3A_813 = tpu.memref_slice %arg15[%dma_wait3A_811, %dma_wait3A_812] : memref<1x80xi32, #tpu.memory_space<vmem>> -> memref<1x80xi32, #tpu.memory_space<vmem>>
      %dma_wait3A_814 = tpu.memref_squeeze %dma_wait3A_813 : memref<1x80xi32, #tpu.memory_space<vmem>> -> memref<80xi32, #tpu.memory_space<vmem>>
      %dma_wait3A_815 = arith.constant 0 : i32
      %dma_wait3A_816 = tpu.memref_slice %arg3[%dma_wait3A_815] : memref<320000xi32, #tpu.memory_space<hbm>> -> memref<80xi32, #tpu.memory_space<hbm>>
      %dma_wait3A_817 = arith.constant 0 : i32
      %dma_wait3A_818 = tpu.memref_slice %arg15[%dma_wait3A_811, %dma_wait3A_817] : memref<1x80xi32, #tpu.memory_space<vmem>> -> memref<1x80xi32, #tpu.memory_space<vmem>>
      %dma_wait3A_819 = tpu.memref_squeeze %dma_wait3A_818 : memref<1x80xi32, #tpu.memory_space<vmem>> -> memref<80xi32, #tpu.memory_space<vmem>>
      %dma_wait3A_820 = arith.constant 0 : i32
      %dma_wait3A_821 = tpu.memref_slice %arg3[%dma_wait3A_820] : memref<320000xi32, #tpu.memory_space<hbm>> -> memref<80xi32, #tpu.memory_space<hbm>>
      tpu.wait_dma2 semaphore(%arg23 : memref<!tpu.dma_semaphore, #tpu.memory_space<semaphore_mem>>) src(%dma_wait3A_821 : memref<80xi32, #tpu.memory_space<hbm>>) dst(%dma_wait3A_819 : memref<80xi32, #tpu.memory_space<vmem>>)
      %dma_start3A_822 = arith.constant 0 : i32
      %dma_start3A_823 = arith.constant 0 : i32
      %dma_start3A_824 = tpu.memref_slice %arg11[%dma_start3A_822, %dma_start3A_823] : memref<1x80xi32, #tpu.memory_space<vmem>> -> memref<1x80xi32, #tpu.memory_space<vmem>>
      %dma_start3A_825 = tpu.memref_squeeze %dma_start3A_824 : memref<1x80xi32, #tpu.memory_space<vmem>> -> memref<80xi32, #tpu.memory_space<vmem>>
      %dma_start3A_826 = arith.constant 0 : i32
      %dma_start3A_827 = arith.constant 0 : i32
      %dma_start3A_828 = tpu.memref_slice %arg2[%dma_start3A_826, %dma_start3A_827] : memref<10000x128xf32, #tpu.memory_space<hbm>> -> memref<10000x128xf32, #tpu.memory_space<hbm>>
      tpu.enqueue_indirect_dma source(%dma_start3A_828 : memref<10000x128xf32, #tpu.memory_space<hbm>>) target(%arg19 : memref<80x128xf32, #tpu.memory_space<vmem>>) offsets(%dma_start3A_825 : memref<80xi32, #tpu.memory_space<vmem>>) semaphore(%arg27 : memref<!tpu.dma_semaphore, #tpu.memory_space<semaphore_mem>>)
      %dma_wait3A_829 = arith.constant 0 : i32
      %dma_wait3A_830 = arith.constant 0 : i32
      %dma_wait3A_831 = tpu.memref_slice %arg10[%dma_wait3A_829, %dma_wait3A_830] : memref<1x80xi32, #tpu.memory_space<vmem>> -> memref<1x80xi32, #tpu.memory_space<vmem>>
      %dma_wait3A_832 = tpu.memref_squeeze %dma_wait3A_831 : memref<1x80xi32, #tpu.memory_space<vmem>> -> memref<80xi32, #tpu.memory_space<vmem>>
      %dma_wait3A_833 = arith.constant 0 : i32
      %dma_wait3A_834 = arith.constant 0 : i32
      %dma_wait3A_835 = tpu.memref_slice %arg2[%dma_wait3A_833, %dma_wait3A_834] : memref<10000x128xf32, #tpu.memory_space<hbm>> -> memref<10000x128xf32, #tpu.memory_space<hbm>>
      tpu.wait_indirect_dma semaphore(%arg26 : memref<!tpu.dma_semaphore, #tpu.memory_space<semaphore_mem>>) src(%dma_wait3A_835 : memref<10000x128xf32, #tpu.memory_space<hbm>>) dst(%arg18 : memref<80x128xf32, #tpu.memory_space<vmem>>)
      %dma_start3A_836 = arith.constant 0 : i32
      %dma_start3A_837 = arith.constant 0 : i32
      %dma_start3A_838 = tpu.memref_slice %arg14[%dma_start3A_836, %dma_start3A_837] : memref<1x80xi32, #tpu.memory_space<vmem>> -> memref<1x80xi32, #tpu.memory_space<vmem>>
      %dma_start3A_839 = tpu.memref_squeeze %dma_start3A_838 : memref<1x80xi32, #tpu.memory_space<vmem>> -> memref<80xi32, #tpu.memory_space<vmem>>
      %dma_start3A_840 = arith.constant 0 : i32
      %dma_start3A_841 = arith.constant 0 : i32
      %dma_start3A_842 = tpu.memref_slice %arg20[%dma_start3A_840, %dma_start3A_841] : memref<10240x128xf32, #tpu.memory_space<vmem_shared>> -> memref<10240x128xf32, #tpu.memory_space<vmem_shared>>
      tpu.enqueue_indirect_dma source(%arg18 : memref<80x128xf32, #tpu.memory_space<vmem>>) target(%dma_start3A_842 : memref<10240x128xf32, #tpu.memory_space<vmem_shared>>) offsets(%dma_start3A_839 : memref<80xi32, #tpu.memory_space<vmem>>) semaphore(%arg29 : memref<!tpu.dma_semaphore, #tpu.memory_space<semaphore_mem>>) {add = true}
      %dma_wait3A_843 = arith.constant 0 : i32
      %dma_wait3A_844 = arith.constant 0 : i32
      %dma_wait3A_845 = tpu.memref_slice %arg13[%dma_wait3A_843, %dma_wait3A_844] : memref<1x80xi32, #tpu.memory_space<vmem>> -> memref<1x80xi32, #tpu.memory_space<vmem>>
      %dma_wait3A_846 = tpu.memref_squeeze %dma_wait3A_845 : memref<1x80xi32, #tpu.memory_space<vmem>> -> memref<80xi32, #tpu.memory_space<vmem>>
      %dma_wait3A_847 = arith.constant 0 : i32
      %dma_wait3A_848 = arith.constant 0 : i32
      %dma_wait3A_849 = tpu.memref_slice %arg20[%dma_wait3A_847, %dma_wait3A_848] : memref<10240x128xf32, #tpu.memory_space<vmem_shared>> -> memref<10240x128xf32, #tpu.memory_space<vmem_shared>>
      tpu.wait_indirect_dma semaphore(%arg28 : memref<!tpu.dma_semaphore, #tpu.memory_space<semaphore_mem>>) src(%arg17 : memref<80x128xf32, #tpu.memory_space<vmem>>) dst(%dma_wait3A_849 : memref<10240x128xf32, #tpu.memory_space<vmem_shared>>)
      %add3A_850 = arith.constant 3 : i32
      %add3A_851 = arith.addi %add3A_799, %add3A_850 : i32
      %mul3A_852 = arith.constant 80 : i32
      %mul3A_853 = arith.muli %add3A_851, %mul3A_852 : i32
      %add3A_854 = arith.addi %mul3A_2, %mul3A_853 : i32
      %dma_start3A_855 = arith.constant 0 : i32
      %dma_start3A_856 = arith.constant 0 : i32
      %dma_start3A_857 = tpu.memref_slice %arg9[%dma_start3A_855, %dma_start3A_856] : memref<1x80xi32, #tpu.memory_space<vmem>> -> memref<1x80xi32, #tpu.memory_space<vmem>>
      %dma_start3A_858 = tpu.memref_squeeze %dma_start3A_857 : memref<1x80xi32, #tpu.memory_space<vmem>> -> memref<80xi32, #tpu.memory_space<vmem>>
      %dma_start3A_859 = tpu.memref_slice %arg4[%add3A_854] : memref<320000xi32, #tpu.memory_space<hbm>> -> memref<80xi32, #tpu.memory_space<hbm>>
      %dma_start3A_860 = arith.constant 0 : i32
      %dma_start3A_861 = tpu.memref_slice %arg9[%dma_start3A_855, %dma_start3A_860] : memref<1x80xi32, #tpu.memory_space<vmem>> -> memref<1x80xi32, #tpu.memory_space<vmem>>
      %dma_start3A_862 = tpu.memref_squeeze %dma_start3A_861 : memref<1x80xi32, #tpu.memory_space<vmem>> -> memref<80xi32, #tpu.memory_space<vmem>>
      %dma_start3A_863 = tpu.memref_slice %arg4[%add3A_854] : memref<320000xi32, #tpu.memory_space<hbm>> -> memref<80xi32, #tpu.memory_space<hbm>>
      tpu.enqueue_dma source(%dma_start3A_863 : memref<80xi32, #tpu.memory_space<hbm>>) target(%dma_start3A_862 : memref<80xi32, #tpu.memory_space<vmem>>) target_semaphore(%arg21 : memref<!tpu.dma_semaphore, #tpu.memory_space<semaphore_mem>>)
      %dma_start3A_864 = arith.constant 0 : i32
      %dma_start3A_865 = arith.constant 0 : i32
      %dma_start3A_866 = tpu.memref_slice %arg13[%dma_start3A_864, %dma_start3A_865] : memref<1x80xi32, #tpu.memory_space<vmem>> -> memref<1x80xi32, #tpu.memory_space<vmem>>
      %dma_start3A_867 = tpu.memref_squeeze %dma_start3A_866 : memref<1x80xi32, #tpu.memory_space<vmem>> -> memref<80xi32, #tpu.memory_space<vmem>>
      %dma_start3A_868 = tpu.memref_slice %arg3[%add3A_854] : memref<320000xi32, #tpu.memory_space<hbm>> -> memref<80xi32, #tpu.memory_space<hbm>>
      %dma_start3A_869 = arith.constant 0 : i32
      %dma_start3A_870 = tpu.memref_slice %arg13[%dma_start3A_864, %dma_start3A_869] : memref<1x80xi32, #tpu.memory_space<vmem>> -> memref<1x80xi32, #tpu.memory_space<vmem>>
      %dma_start3A_871 = tpu.memref_squeeze %dma_start3A_870 : memref<1x80xi32, #tpu.memory_space<vmem>> -> memref<80xi32, #tpu.memory_space<vmem>>
      %dma_start3A_872 = tpu.memref_slice %arg3[%add3A_854] : memref<320000xi32, #tpu.memory_space<hbm>> -> memref<80xi32, #tpu.memory_space<hbm>>
      tpu.enqueue_dma source(%dma_start3A_872 : memref<80xi32, #tpu.memory_space<hbm>>) target(%dma_start3A_871 : memref<80xi32, #tpu.memory_space<vmem>>) target_semaphore(%arg21 : memref<!tpu.dma_semaphore, #tpu.memory_space<semaphore_mem>>)
      %add3A_873 = arith.constant 1 : i32
      %add3A_874 = arith.addi %add3A_797, %add3A_873 : i32
      %dma_wait3A_875 = arith.constant 0 : i32
      %dma_wait3A_876 = arith.constant 0 : i32
      %dma_wait3A_877 = tpu.memref_slice %arg12[%dma_wait3A_875, %dma_wait3A_876] : memref<1x80xi32, #tpu.memory_space<vmem>> -> memref<1x80xi32, #tpu.memory_space<vmem>>
      %dma_wait3A_878 = tpu.memref_squeeze %dma_wait3A_877 : memref<1x80xi32, #tpu.memory_space<vmem>> -> memref<80xi32, #tpu.memory_space<vmem>>
      %dma_wait3A_879 = arith.constant 0 : i32
      %dma_wait3A_880 = tpu.memref_slice %arg4[%dma_wait3A_879] : memref<320000xi32, #tpu.memory_space<hbm>> -> memref<80xi32, #tpu.memory_space<hbm>>
      %dma_wait3A_881 = arith.constant 0 : i32
      %dma_wait3A_882 = tpu.memref_slice %arg12[%dma_wait3A_875, %dma_wait3A_881] : memref<1x80xi32, #tpu.memory_space<vmem>> -> memref<1x80xi32, #tpu.memory_space<vmem>>
      %dma_wait3A_883 = tpu.memref_squeeze %dma_wait3A_882 : memref<1x80xi32, #tpu.memory_space<vmem>> -> memref<80xi32, #tpu.memory_space<vmem>>
      %dma_wait3A_884 = arith.constant 0 : i32
      %dma_wait3A_885 = tpu.memref_slice %arg4[%dma_wait3A_884] : memref<320000xi32, #tpu.memory_space<hbm>> -> memref<80xi32, #tpu.memory_space<hbm>>
      tpu.wait_dma2 semaphore(%arg24 : memref<!tpu.dma_semaphore, #tpu.memory_space<semaphore_mem>>) src(%dma_wait3A_885 : memref<80xi32, #tpu.memory_space<hbm>>) dst(%dma_wait3A_883 : memref<80xi32, #tpu.memory_space<vmem>>)
      %dma_wait3A_886 = arith.constant 0 : i32
      %dma_wait3A_887 = arith.constant 0 : i32
      %dma_wait3A_888 = tpu.memref_slice %arg16[%dma_wait3A_886, %dma_wait3A_887] : memref<1x80xi32, #tpu.memory_space<vmem>> -> memref<1x80xi32, #tpu.memory_space<vmem>>
      %dma_wait3A_889 = tpu.memref_squeeze %dma_wait3A_888 : memref<1x80xi32, #tpu.memory_space<vmem>> -> memref<80xi32, #tpu.memory_space<vmem>>
      %dma_wait3A_890 = arith.constant 0 : i32
      %dma_wait3A_891 = tpu.memref_slice %arg3[%dma_wait3A_890] : memref<320000xi32, #tpu.memory_space<hbm>> -> memref<80xi32, #tpu.memory_space<hbm>>
      %dma_wait3A_892 = arith.constant 0 : i32
      %dma_wait3A_893 = tpu.memref_slice %arg16[%dma_wait3A_886, %dma_wait3A_892] : memref<1x80xi32, #tpu.memory_space<vmem>> -> memref<1x80xi32, #tpu.memory_space<vmem>>
      %dma_wait3A_894 = tpu.memref_squeeze %dma_wait3A_893 : memref<1x80xi32, #tpu.memory_space<vmem>> -> memref<80xi32, #tpu.memory_space<vmem>>
      %dma_wait3A_895 = arith.constant 0 : i32
      %dma_wait3A_896 = tpu.memref_slice %arg3[%dma_wait3A_895] : memref<320000xi32, #tpu.memory_space<hbm>> -> memref<80xi32, #tpu.memory_space<hbm>>
      tpu.wait_dma2 semaphore(%arg24 : memref<!tpu.dma_semaphore, #tpu.memory_space<semaphore_mem>>) src(%dma_wait3A_896 : memref<80xi32, #tpu.memory_space<hbm>>) dst(%dma_wait3A_894 : memref<80xi32, #tpu.memory_space<vmem>>)
      %dma_start3A_897 = arith.constant 0 : i32
      %dma_start3A_898 = arith.constant 0 : i32
      %dma_start3A_899 = tpu.memref_slice %arg12[%dma_start3A_897, %dma_start3A_898] : memref<1x80xi32, #tpu.memory_space<vmem>> -> memref<1x80xi32, #tpu.memory_space<vmem>>
      %dma_start3A_900 = tpu.memref_squeeze %dma_start3A_899 : memref<1x80xi32, #tpu.memory_space<vmem>> -> memref<80xi32, #tpu.memory_space<vmem>>
      %dma_start3A_901 = arith.constant 0 : i32
      %dma_start3A_902 = arith.constant 0 : i32
      %dma_start3A_903 = tpu.memref_slice %arg2[%dma_start3A_901, %dma_start3A_902] : memref<10000x128xf32, #tpu.memory_space<hbm>> -> memref<10000x128xf32, #tpu.memory_space<hbm>>
      tpu.enqueue_indirect_dma source(%dma_start3A_903 : memref<10000x128xf32, #tpu.memory_space<hbm>>) target(%arg17 : memref<80x128xf32, #tpu.memory_space<vmem>>) offsets(%dma_start3A_900 : memref<80xi32, #tpu.memory_space<vmem>>) semaphore(%arg25 : memref<!tpu.dma_semaphore, #tpu.memory_space<semaphore_mem>>)
      %dma_wait3A_904 = arith.constant 0 : i32
      %dma_wait3A_905 = arith.constant 0 : i32
      %dma_wait3A_906 = tpu.memref_slice %arg11[%dma_wait3A_904, %dma_wait3A_905] : memref<1x80xi32, #tpu.memory_space<vmem>> -> memref<1x80xi32, #tpu.memory_space<vmem>>
      %dma_wait3A_907 = tpu.memref_squeeze %dma_wait3A_906 : memref<1x80xi32, #tpu.memory_space<vmem>> -> memref<80xi32, #tpu.memory_space<vmem>>
      %dma_wait3A_908 = arith.constant 0 : i32
      %dma_wait3A_909 = arith.constant 0 : i32
      %dma_wait3A_910 = tpu.memref_slice %arg2[%dma_wait3A_908, %dma_wait3A_909] : memref<10000x128xf32, #tpu.memory_space<hbm>> -> memref<10000x128xf32, #tpu.memory_space<hbm>>
      tpu.wait_indirect_dma semaphore(%arg27 : memref<!tpu.dma_semaphore, #tpu.memory_space<semaphore_mem>>) src(%dma_wait3A_910 : memref<10000x128xf32, #tpu.memory_space<hbm>>) dst(%arg19 : memref<80x128xf32, #tpu.memory_space<vmem>>)
      %dma_start3A_911 = arith.constant 0 : i32
      %dma_start3A_912 = arith.constant 0 : i32
      %dma_start3A_913 = tpu.memref_slice %arg15[%dma_start3A_911, %dma_start3A_912] : memref<1x80xi32, #tpu.memory_space<vmem>> -> memref<1x80xi32, #tpu.memory_space<vmem>>
      %dma_start3A_914 = tpu.memref_squeeze %dma_start3A_913 : memref<1x80xi32, #tpu.memory_space<vmem>> -> memref<80xi32, #tpu.memory_space<vmem>>
      %dma_start3A_915 = arith.constant 0 : i32
      %dma_start3A_916 = arith.constant 0 : i32
      %dma_start3A_917 = tpu.memref_slice %arg20[%dma_start3A_915, %dma_start3A_916] : memref<10240x128xf32, #tpu.memory_space<vmem_shared>> -> memref<10240x128xf32, #tpu.memory_space<vmem_shared>>
      tpu.enqueue_indirect_dma source(%arg19 : memref<80x128xf32, #tpu.memory_space<vmem>>) target(%dma_start3A_917 : memref<10240x128xf32, #tpu.memory_space<vmem_shared>>) offsets(%dma_start3A_914 : memref<80xi32, #tpu.memory_space<vmem>>) semaphore(%arg30 : memref<!tpu.dma_semaphore, #tpu.memory_space<semaphore_mem>>) {add = true}
      %dma_wait3A_918 = arith.constant 0 : i32
      %dma_wait3A_919 = arith.constant 0 : i32
      %dma_wait3A_920 = tpu.memref_slice %arg14[%dma_wait3A_918, %dma_wait3A_919] : memref<1x80xi32, #tpu.memory_space<vmem>> -> memref<1x80xi32, #tpu.memory_space<vmem>>
      %dma_wait3A_921 = tpu.memref_squeeze %dma_wait3A_920 : memref<1x80xi32, #tpu.memory_space<vmem>> -> memref<80xi32, #tpu.memory_space<vmem>>
      %dma_wait3A_922 = arith.constant 0 : i32
      %dma_wait3A_923 = arith.constant 0 : i32
      %dma_wait3A_924 = tpu.memref_slice %arg20[%dma_wait3A_922, %dma_wait3A_923] : memref<10240x128xf32, #tpu.memory_space<vmem_shared>> -> memref<10240x128xf32, #tpu.memory_space<vmem_shared>>
      tpu.wait_indirect_dma semaphore(%arg29 : memref<!tpu.dma_semaphore, #tpu.memory_space<semaphore_mem>>) src(%arg18 : memref<80x128xf32, #tpu.memory_space<vmem>>) dst(%dma_wait3A_924 : memref<10240x128xf32, #tpu.memory_space<vmem_shared>>)
      %add3A_925 = arith.constant 3 : i32
      %add3A_926 = arith.addi %add3A_874, %add3A_925 : i32
      %mul3A_927 = arith.constant 80 : i32
      %mul3A_928 = arith.muli %add3A_926, %mul3A_927 : i32
      %add3A_929 = arith.addi %mul3A_2, %mul3A_928 : i32
      %dma_start3A_930 = arith.constant 0 : i32
      %dma_start3A_931 = arith.constant 0 : i32
      %dma_start3A_932 = tpu.memref_slice %arg10[%dma_start3A_930, %dma_start3A_931] : memref<1x80xi32, #tpu.memory_space<vmem>> -> memref<1x80xi32, #tpu.memory_space<vmem>>
      %dma_start3A_933 = tpu.memref_squeeze %dma_start3A_932 : memref<1x80xi32, #tpu.memory_space<vmem>> -> memref<80xi32, #tpu.memory_space<vmem>>
      %dma_start3A_934 = tpu.memref_slice %arg4[%add3A_929] : memref<320000xi32, #tpu.memory_space<hbm>> -> memref<80xi32, #tpu.memory_space<hbm>>
      %dma_start3A_935 = arith.constant 0 : i32
      %dma_start3A_936 = tpu.memref_slice %arg10[%dma_start3A_930, %dma_start3A_935] : memref<1x80xi32, #tpu.memory_space<vmem>> -> memref<1x80xi32, #tpu.memory_space<vmem>>
      %dma_start3A_937 = tpu.memref_squeeze %dma_start3A_936 : memref<1x80xi32, #tpu.memory_space<vmem>> -> memref<80xi32, #tpu.memory_space<vmem>>
      %dma_start3A_938 = tpu.memref_slice %arg4[%add3A_929] : memref<320000xi32, #tpu.memory_space<hbm>> -> memref<80xi32, #tpu.memory_space<hbm>>
      tpu.enqueue_dma source(%dma_start3A_938 : memref<80xi32, #tpu.memory_space<hbm>>) target(%dma_start3A_937 : memref<80xi32, #tpu.memory_space<vmem>>) target_semaphore(%arg22 : memref<!tpu.dma_semaphore, #tpu.memory_space<semaphore_mem>>)
      %dma_start3A_939 = arith.constant 0 : i32
      %dma_start3A_940 = arith.constant 0 : i32
      %dma_start3A_941 = tpu.memref_slice %arg14[%dma_start3A_939, %dma_start3A_940] : memref<1x80xi32, #tpu.memory_space<vmem>> -> memref<1x80xi32, #tpu.memory_space<vmem>>
      %dma_start3A_942 = tpu.memref_squeeze %dma_start3A_941 : memref<1x80xi32, #tpu.memory_space<vmem>> -> memref<80xi32, #tpu.memory_space<vmem>>
      %dma_start3A_943 = tpu.memref_slice %arg3[%add3A_929] : memref<320000xi32, #tpu.memory_space<hbm>> -> memref<80xi32, #tpu.memory_space<hbm>>
      %dma_start3A_944 = arith.constant 0 : i32
      %dma_start3A_945 = tpu.memref_slice %arg14[%dma_start3A_939, %dma_start3A_944] : memref<1x80xi32, #tpu.memory_space<vmem>> -> memref<1x80xi32, #tpu.memory_space<vmem>>
      %dma_start3A_946 = tpu.memref_squeeze %dma_start3A_945 : memref<1x80xi32, #tpu.memory_space<vmem>> -> memref<80xi32, #tpu.memory_space<vmem>>
      %dma_start3A_947 = tpu.memref_slice %arg3[%add3A_929] : memref<320000xi32, #tpu.memory_space<hbm>> -> memref<80xi32, #tpu.memory_space<hbm>>
      tpu.enqueue_dma source(%dma_start3A_947 : memref<80xi32, #tpu.memory_space<hbm>>) target(%dma_start3A_946 : memref<80xi32, #tpu.memory_space<vmem>>) target_semaphore(%arg22 : memref<!tpu.dma_semaphore, #tpu.memory_space<semaphore_mem>>)
      %add3A_948 = arith.constant 2 : i32
      %add3A_949 = arith.addi %add3A_797, %add3A_948 : i32
      %dma_wait3A_950 = arith.constant 0 : i32
      %dma_wait3A_951 = arith.constant 0 : i32
      %dma_wait3A_952 = tpu.memref_slice %arg9[%dma_wait3A_950, %dma_wait3A_951] : memref<1x80xi32, #tpu.memory_space<vmem>> -> memref<1x80xi32, #tpu.memory_space<vmem>>
      %dma_wait3A_953 = tpu.memref_squeeze %dma_wait3A_952 : memref<1x80xi32, #tpu.memory_space<vmem>> -> memref<80xi32, #tpu.memory_space<vmem>>
      %dma_wait3A_954 = arith.constant 0 : i32
      %dma_wait3A_955 = tpu.memref_slice %arg4[%dma_wait3A_954] : memref<320000xi32, #tpu.memory_space<hbm>> -> memref<80xi32, #tpu.memory_space<hbm>>
      %dma_wait3A_956 = arith.constant 0 : i32
      %dma_wait3A_957 = tpu.memref_slice %arg9[%dma_wait3A_950, %dma_wait3A_956] : memref<1x80xi32, #tpu.memory_space<vmem>> -> memref<1x80xi32, #tpu.memory_space<vmem>>
      %dma_wait3A_958 = tpu.memref_squeeze %dma_wait3A_957 : memref<1x80xi32, #tpu.memory_space<vmem>> -> memref<80xi32, #tpu.memory_space<vmem>>
      %dma_wait3A_959 = arith.constant 0 : i32
      %dma_wait3A_960 = tpu.memref_slice %arg4[%dma_wait3A_959] : memref<320000xi32, #tpu.memory_space<hbm>> -> memref<80xi32, #tpu.memory_space<hbm>>
      tpu.wait_dma2 semaphore(%arg21 : memref<!tpu.dma_semaphore, #tpu.memory_space<semaphore_mem>>) src(%dma_wait3A_960 : memref<80xi32, #tpu.memory_space<hbm>>) dst(%dma_wait3A_958 : memref<80xi32, #tpu.memory_space<vmem>>)
      %dma_wait3A_961 = arith.constant 0 : i32
      %dma_wait3A_962 = arith.constant 0 : i32
      %dma_wait3A_963 = tpu.memref_slice %arg13[%dma_wait3A_961, %dma_wait3A_962] : memref<1x80xi32, #tpu.memory_space<vmem>> -> memref<1x80xi32, #tpu.memory_space<vmem>>
      %dma_wait3A_964 = tpu.memref_squeeze %dma_wait3A_963 : memref<1x80xi32, #tpu.memory_space<vmem>> -> memref<80xi32, #tpu.memory_space<vmem>>
      %dma_wait3A_965 = arith.constant 0 : i32
      %dma_wait3A_966 = tpu.memref_slice %arg3[%dma_wait3A_965] : memref<320000xi32, #tpu.memory_space<hbm>> -> memref<80xi32, #tpu.memory_space<hbm>>
      %dma_wait3A_967 = arith.constant 0 : i32
      %dma_wait3A_968 = tpu.memref_slice %arg13[%dma_wait3A_961, %dma_wait3A_967] : memref<1x80xi32, #tpu.memory_space<vmem>> -> memref<1x80xi32, #tpu.memory_space<vmem>>
      %dma_wait3A_969 = tpu.memref_squeeze %dma_wait3A_968 : memref<1x80xi32, #tpu.memory_space<vmem>> -> memref<80xi32, #tpu.memory_space<vmem>>
      %dma_wait3A_970 = arith.constant 0 : i32
      %dma_wait3A_971 = tpu.memref_slice %arg3[%dma_wait3A_970] : memref<320000xi32, #tpu.memory_space<hbm>> -> memref<80xi32, #tpu.memory_space<hbm>>
      tpu.wait_dma2 semaphore(%arg21 : memref<!tpu.dma_semaphore, #tpu.memory_space<semaphore_mem>>) src(%dma_wait3A_971 : memref<80xi32, #tpu.memory_space<hbm>>) dst(%dma_wait3A_969 : memref<80xi32, #tpu.memory_space<vmem>>)
      %dma_start3A_972 = arith.constant 0 : i32
      %dma_start3A_973 = arith.constant 0 : i32
      %dma_start3A_974 = tpu.memref_slice %arg9[%dma_start3A_972, %dma_start3A_973] : memref<1x80xi32, #tpu.memory_space<vmem>> -> memref<1x80xi32, #tpu.memory_space<vmem>>
      %dma_start3A_975 = tpu.memref_squeeze %dma_start3A_974 : memref<1x80xi32, #tpu.memory_space<vmem>> -> memref<80xi32, #tpu.memory_space<vmem>>
      %dma_start3A_976 = arith.constant 0 : i32
      %dma_start3A_977 = arith.constant 0 : i32
      %dma_start3A_978 = tpu.memref_slice %arg2[%dma_start3A_976, %dma_start3A_977] : memref<10000x128xf32, #tpu.memory_space<hbm>> -> memref<10000x128xf32, #tpu.memory_space<hbm>>
      tpu.enqueue_indirect_dma source(%dma_start3A_978 : memref<10000x128xf32, #tpu.memory_space<hbm>>) target(%arg18 : memref<80x128xf32, #tpu.memory_space<vmem>>) offsets(%dma_start3A_975 : memref<80xi32, #tpu.memory_space<vmem>>) semaphore(%arg26 : memref<!tpu.dma_semaphore, #tpu.memory_space<semaphore_mem>>)
      %dma_wait3A_979 = arith.constant 0 : i32
      %dma_wait3A_980 = arith.constant 0 : i32
      %dma_wait3A_981 = tpu.memref_slice %arg12[%dma_wait3A_979, %dma_wait3A_980] : memref<1x80xi32, #tpu.memory_space<vmem>> -> memref<1x80xi32, #tpu.memory_space<vmem>>
      %dma_wait3A_982 = tpu.memref_squeeze %dma_wait3A_981 : memref<1x80xi32, #tpu.memory_space<vmem>> -> memref<80xi32, #tpu.memory_space<vmem>>
      %dma_wait3A_983 = arith.constant 0 : i32
      %dma_wait3A_984 = arith.constant 0 : i32
      %dma_wait3A_985 = tpu.memref_slice %arg2[%dma_wait3A_983, %dma_wait3A_984] : memref<10000x128xf32, #tpu.memory_space<hbm>> -> memref<10000x128xf32, #tpu.memory_space<hbm>>
      tpu.wait_indirect_dma semaphore(%arg25 : memref<!tpu.dma_semaphore, #tpu.memory_space<semaphore_mem>>) src(%dma_wait3A_985 : memref<10000x128xf32, #tpu.memory_space<hbm>>) dst(%arg17 : memref<80x128xf32, #tpu.memory_space<vmem>>)
      %dma_start3A_986 = arith.constant 0 : i32
      %dma_start3A_987 = arith.constant 0 : i32
      %dma_start3A_988 = tpu.memref_slice %arg16[%dma_start3A_986, %dma_start3A_987] : memref<1x80xi32, #tpu.memory_space<vmem>> -> memref<1x80xi32, #tpu.memory_space<vmem>>
      %dma_start3A_989 = tpu.memref_squeeze %dma_start3A_988 : memref<1x80xi32, #tpu.memory_space<vmem>> -> memref<80xi32, #tpu.memory_space<vmem>>
      %dma_start3A_990 = arith.constant 0 : i32
      %dma_start3A_991 = arith.constant 0 : i32
      %dma_start3A_992 = tpu.memref_slice %arg20[%dma_start3A_990, %dma_start3A_991] : memref<10240x128xf32, #tpu.memory_space<vmem_shared>> -> memref<10240x128xf32, #tpu.memory_space<vmem_shared>>
      tpu.enqueue_indirect_dma source(%arg17 : memref<80x128xf32, #tpu.memory_space<vmem>>) target(%dma_start3A_992 : memref<10240x128xf32, #tpu.memory_space<vmem_shared>>) offsets(%dma_start3A_989 : memref<80xi32, #tpu.memory_space<vmem>>) semaphore(%arg28 : memref<!tpu.dma_semaphore, #tpu.memory_space<semaphore_mem>>) {add = true}
      %dma_wait3A_993 = arith.constant 0 : i32
      %dma_wait3A_994 = arith.constant 0 : i32
      %dma_wait3A_995 = tpu.memref_slice %arg15[%dma_wait3A_993, %dma_wait3A_994] : memref<1x80xi32, #tpu.memory_space<vmem>> -> memref<1x80xi32, #tpu.memory_space<vmem>>
      %dma_wait3A_996 = tpu.memref_squeeze %dma_wait3A_995 : memref<1x80xi32, #tpu.memory_space<vmem>> -> memref<80xi32, #tpu.memory_space<vmem>>
      %dma_wait3A_997 = arith.constant 0 : i32
      %dma_wait3A_998 = arith.constant 0 : i32
      %dma_wait3A_999 = tpu.memref_slice %arg20[%dma_wait3A_997, %dma_wait3A_998] : memref<10240x128xf32, #tpu.memory_space<vmem_shared>> -> memref<10240x128xf32, #tpu.memory_space<vmem_shared>>
      tpu.wait_indirect_dma semaphore(%arg30 : memref<!tpu.dma_semaphore, #tpu.memory_space<semaphore_mem>>) src(%arg19 : memref<80x128xf32, #tpu.memory_space<vmem>>) dst(%dma_wait3A_999 : memref<10240x128xf32, #tpu.memory_space<vmem_shared>>)
      %add3A_1000 = arith.constant 3 : i32
      %add3A_1001 = arith.addi %add3A_949, %add3A_1000 : i32
      %mul3A_1002 = arith.constant 80 : i32
      %mul3A_1003 = arith.muli %add3A_1001, %mul3A_1002 : i32
      %add3A_1004 = arith.addi %mul3A_2, %mul3A_1003 : i32
      %dma_start3A_1005 = arith.constant 0 : i32
      %dma_start3A_1006 = arith.constant 0 : i32
      %dma_start3A_1007 = tpu.memref_slice %arg11[%dma_start3A_1005, %dma_start3A_1006] : memref<1x80xi32, #tpu.memory_space<vmem>> -> memref<1x80xi32, #tpu.memory_space<vmem>>
      %dma_start3A_1008 = tpu.memref_squeeze %dma_start3A_1007 : memref<1x80xi32, #tpu.memory_space<vmem>> -> memref<80xi32, #tpu.memory_space<vmem>>
      %dma_start3A_1009 = tpu.memref_slice %arg4[%add3A_1004] : memref<320000xi32, #tpu.memory_space<hbm>> -> memref<80xi32, #tpu.memory_space<hbm>>
      %dma_start3A_1010 = arith.constant 0 : i32
      %dma_start3A_1011 = tpu.memref_slice %arg11[%dma_start3A_1005, %dma_start3A_1010] : memref<1x80xi32, #tpu.memory_space<vmem>> -> memref<1x80xi32, #tpu.memory_space<vmem>>
      %dma_start3A_1012 = tpu.memref_squeeze %dma_start3A_1011 : memref<1x80xi32, #tpu.memory_space<vmem>> -> memref<80xi32, #tpu.memory_space<vmem>>
      %dma_start3A_1013 = tpu.memref_slice %arg4[%add3A_1004] : memref<320000xi32, #tpu.memory_space<hbm>> -> memref<80xi32, #tpu.memory_space<hbm>>
      tpu.enqueue_dma source(%dma_start3A_1013 : memref<80xi32, #tpu.memory_space<hbm>>) target(%dma_start3A_1012 : memref<80xi32, #tpu.memory_space<vmem>>) target_semaphore(%arg23 : memref<!tpu.dma_semaphore, #tpu.memory_space<semaphore_mem>>)
      %dma_start3A_1014 = arith.constant 0 : i32
      %dma_start3A_1015 = arith.constant 0 : i32
      %dma_start3A_1016 = tpu.memref_slice %arg15[%dma_start3A_1014, %dma_start3A_1015] : memref<1x80xi32, #tpu.memory_space<vmem>> -> memref<1x80xi32, #tpu.memory_space<vmem>>
      %dma_start3A_1017 = tpu.memref_squeeze %dma_start3A_1016 : memref<1x80xi32, #tpu.memory_space<vmem>> -> memref<80xi32, #tpu.memory_space<vmem>>
      %dma_start3A_1018 = tpu.memref_slice %arg3[%add3A_1004] : memref<320000xi32, #tpu.memory_space<hbm>> -> memref<80xi32, #tpu.memory_space<hbm>>
      %dma_start3A_1019 = arith.constant 0 : i32
      %dma_start3A_1020 = tpu.memref_slice %arg15[%dma_start3A_1014, %dma_start3A_1019] : memref<1x80xi32, #tpu.memory_space<vmem>> -> memref<1x80xi32, #tpu.memory_space<vmem>>
      %dma_start3A_1021 = tpu.memref_squeeze %dma_start3A_1020 : memref<1x80xi32, #tpu.memory_space<vmem>> -> memref<80xi32, #tpu.memory_space<vmem>>
      %dma_start3A_1022 = tpu.memref_slice %arg3[%add3A_1004] : memref<320000xi32, #tpu.memory_space<hbm>> -> memref<80xi32, #tpu.memory_space<hbm>>
      tpu.enqueue_dma source(%dma_start3A_1022 : memref<80xi32, #tpu.memory_space<hbm>>) target(%dma_start3A_1021 : memref<80xi32, #tpu.memory_space<vmem>>) target_semaphore(%arg23 : memref<!tpu.dma_semaphore, #tpu.memory_space<semaphore_mem>>)
      %add3A_1023 = arith.constant 3 : i32
      %add3A_1024 = arith.addi %add3A_797, %add3A_1023 : i32
      %dma_wait3A_1025 = arith.constant 0 : i32
      %dma_wait3A_1026 = arith.constant 0 : i32
      %dma_wait3A_1027 = tpu.memref_slice %arg10[%dma_wait3A_1025, %dma_wait3A_1026] : memref<1x80xi32, #tpu.memory_space<vmem>> -> memref<1x80xi32, #tpu.memory_space<vmem>>
      %dma_wait3A_1028 = tpu.memref_squeeze %dma_wait3A_1027 : memref<1x80xi32, #tpu.memory_space<vmem>> -> memref<80xi32, #tpu.memory_space<vmem>>
      %dma_wait3A_1029 = arith.constant 0 : i32
      %dma_wait3A_1030 = tpu.memref_slice %arg4[%dma_wait3A_1029] : memref<320000xi32, #tpu.memory_space<hbm>> -> memref<80xi32, #tpu.memory_space<hbm>>
      %dma_wait3A_1031 = arith.constant 0 : i32
      %dma_wait3A_1032 = tpu.memref_slice %arg10[%dma_wait3A_1025, %dma_wait3A_1031] : memref<1x80xi32, #tpu.memory_space<vmem>> -> memref<1x80xi32, #tpu.memory_space<vmem>>
      %dma_wait3A_1033 = tpu.memref_squeeze %dma_wait3A_1032 : memref<1x80xi32, #tpu.memory_space<vmem>> -> memref<80xi32, #tpu.memory_space<vmem>>
      %dma_wait3A_1034 = arith.constant 0 : i32
      %dma_wait3A_1035 = tpu.memref_slice %arg4[%dma_wait3A_1034] : memref<320000xi32, #tpu.memory_space<hbm>> -> memref<80xi32, #tpu.memory_space<hbm>>
      tpu.wait_dma2 semaphore(%arg22 : memref<!tpu.dma_semaphore, #tpu.memory_space<semaphore_mem>>) src(%dma_wait3A_1035 : memref<80xi32, #tpu.memory_space<hbm>>) dst(%dma_wait3A_1033 : memref<80xi32, #tpu.memory_space<vmem>>)
      %dma_wait3A_1036 = arith.constant 0 : i32
      %dma_wait3A_1037 = arith.constant 0 : i32
      %dma_wait3A_1038 = tpu.memref_slice %arg14[%dma_wait3A_1036, %dma_wait3A_1037] : memref<1x80xi32, #tpu.memory_space<vmem>> -> memref<1x80xi32, #tpu.memory_space<vmem>>
      %dma_wait3A_1039 = tpu.memref_squeeze %dma_wait3A_1038 : memref<1x80xi32, #tpu.memory_space<vmem>> -> memref<80xi32, #tpu.memory_space<vmem>>
      %dma_wait3A_1040 = arith.constant 0 : i32
      %dma_wait3A_1041 = tpu.memref_slice %arg3[%dma_wait3A_1040] : memref<320000xi32, #tpu.memory_space<hbm>> -> memref<80xi32, #tpu.memory_space<hbm>>
      %dma_wait3A_1042 = arith.constant 0 : i32
      %dma_wait3A_1043 = tpu.memref_slice %arg14[%dma_wait3A_1036, %dma_wait3A_1042] : memref<1x80xi32, #tpu.memory_space<vmem>> -> memref<1x80xi32, #tpu.memory_space<vmem>>
      %dma_wait3A_1044 = tpu.memref_squeeze %dma_wait3A_1043 : memref<1x80xi32, #tpu.memory_space<vmem>> -> memref<80xi32, #tpu.memory_space<vmem>>
      %dma_wait3A_1045 = arith.constant 0 : i32
      %dma_wait3A_1046 = tpu.memref_slice %arg3[%dma_wait3A_1045] : memref<320000xi32, #tpu.memory_space<hbm>> -> memref<80xi32, #tpu.memory_space<hbm>>
      tpu.wait_dma2 semaphore(%arg22 : memref<!tpu.dma_semaphore, #tpu.memory_space<semaphore_mem>>) src(%dma_wait3A_1046 : memref<80xi32, #tpu.memory_space<hbm>>) dst(%dma_wait3A_1044 : memref<80xi32, #tpu.memory_space<vmem>>)
      %dma_start3A_1047 = arith.constant 0 : i32
      %dma_start3A_1048 = arith.constant 0 : i32
      %dma_start3A_1049 = tpu.memref_slice %arg10[%dma_start3A_1047, %dma_start3A_1048] : memref<1x80xi32, #tpu.memory_space<vmem>> -> memref<1x80xi32, #tpu.memory_space<vmem>>
      %dma_start3A_1050 = tpu.memref_squeeze %dma_start3A_1049 : memref<1x80xi32, #tpu.memory_space<vmem>> -> memref<80xi32, #tpu.memory_space<vmem>>
      %dma_start3A_1051 = arith.constant 0 : i32
      %dma_start3A_1052 = arith.constant 0 : i32
      %dma_start3A_1053 = tpu.memref_slice %arg2[%dma_start3A_1051, %dma_start3A_1052] : memref<10000x128xf32, #tpu.memory_space<hbm>> -> memref<10000x128xf32, #tpu.memory_space<hbm>>
      tpu.enqueue_indirect_dma source(%dma_start3A_1053 : memref<10000x128xf32, #tpu.memory_space<hbm>>) target(%arg19 : memref<80x128xf32, #tpu.memory_space<vmem>>) offsets(%dma_start3A_1050 : memref<80xi32, #tpu.memory_space<vmem>>) semaphore(%arg27 : memref<!tpu.dma_semaphore, #tpu.memory_space<semaphore_mem>>)
      %dma_wait3A_1054 = arith.constant 0 : i32
      %dma_wait3A_1055 = arith.constant 0 : i32
      %dma_wait3A_1056 = tpu.memref_slice %arg9[%dma_wait3A_1054, %dma_wait3A_1055] : memref<1x80xi32, #tpu.memory_space<vmem>> -> memref<1x80xi32, #tpu.memory_space<vmem>>
      %dma_wait3A_1057 = tpu.memref_squeeze %dma_wait3A_1056 : memref<1x80xi32, #tpu.memory_space<vmem>> -> memref<80xi32, #tpu.memory_space<vmem>>
      %dma_wait3A_1058 = arith.constant 0 : i32
      %dma_wait3A_1059 = arith.constant 0 : i32
      %dma_wait3A_1060 = tpu.memref_slice %arg2[%dma_wait3A_1058, %dma_wait3A_1059] : memref<10000x128xf32, #tpu.memory_space<hbm>> -> memref<10000x128xf32, #tpu.memory_space<hbm>>
      tpu.wait_indirect_dma semaphore(%arg26 : memref<!tpu.dma_semaphore, #tpu.memory_space<semaphore_mem>>) src(%dma_wait3A_1060 : memref<10000x128xf32, #tpu.memory_space<hbm>>) dst(%arg18 : memref<80x128xf32, #tpu.memory_space<vmem>>)
      %dma_start3A_1061 = arith.constant 0 : i32
      %dma_start3A_1062 = arith.constant 0 : i32
      %dma_start3A_1063 = tpu.memref_slice %arg13[%dma_start3A_1061, %dma_start3A_1062] : memref<1x80xi32, #tpu.memory_space<vmem>> -> memref<1x80xi32, #tpu.memory_space<vmem>>
      %dma_start3A_1064 = tpu.memref_squeeze %dma_start3A_1063 : memref<1x80xi32, #tpu.memory_space<vmem>> -> memref<80xi32, #tpu.memory_space<vmem>>
      %dma_start3A_1065 = arith.constant 0 : i32
      %dma_start3A_1066 = arith.constant 0 : i32
      %dma_start3A_1067 = tpu.memref_slice %arg20[%dma_start3A_1065, %dma_start3A_1066] : memref<10240x128xf32, #tpu.memory_space<vmem_shared>> -> memref<10240x128xf32, #tpu.memory_space<vmem_shared>>
      tpu.enqueue_indirect_dma source(%arg18 : memref<80x128xf32, #tpu.memory_space<vmem>>) target(%dma_start3A_1067 : memref<10240x128xf32, #tpu.memory_space<vmem_shared>>) offsets(%dma_start3A_1064 : memref<80xi32, #tpu.memory_space<vmem>>) semaphore(%arg29 : memref<!tpu.dma_semaphore, #tpu.memory_space<semaphore_mem>>) {add = true}
      %dma_wait3A_1068 = arith.constant 0 : i32
      %dma_wait3A_1069 = arith.constant 0 : i32
      %dma_wait3A_1070 = tpu.memref_slice %arg16[%dma_wait3A_1068, %dma_wait3A_1069] : memref<1x80xi32, #tpu.memory_space<vmem>> -> memref<1x80xi32, #tpu.memory_space<vmem>>
      %dma_wait3A_1071 = tpu.memref_squeeze %dma_wait3A_1070 : memref<1x80xi32, #tpu.memory_space<vmem>> -> memref<80xi32, #tpu.memory_space<vmem>>
      %dma_wait3A_1072 = arith.constant 0 : i32
      %dma_wait3A_1073 = arith.constant 0 : i32
      %dma_wait3A_1074 = tpu.memref_slice %arg20[%dma_wait3A_1072, %dma_wait3A_1073] : memref<10240x128xf32, #tpu.memory_space<vmem_shared>> -> memref<10240x128xf32, #tpu.memory_space<vmem_shared>>
      tpu.wait_indirect_dma semaphore(%arg28 : memref<!tpu.dma_semaphore, #tpu.memory_space<semaphore_mem>>) src(%arg17 : memref<80x128xf32, #tpu.memory_space<vmem>>) dst(%dma_wait3A_1074 : memref<10240x128xf32, #tpu.memory_space<vmem_shared>>)
      %add3A_1075 = arith.constant 3 : i32
      %add3A_1076 = arith.addi %add3A_1024, %add3A_1075 : i32
      %mul3A_1077 = arith.constant 80 : i32
      %mul3A_1078 = arith.muli %add3A_1076, %mul3A_1077 : i32
      %add3A_1079 = arith.addi %mul3A_2, %mul3A_1078 : i32
      %dma_start3A_1080 = arith.constant 0 : i32
      %dma_start3A_1081 = arith.constant 0 : i32
      %dma_start3A_1082 = tpu.memref_slice %arg12[%dma_start3A_1080, %dma_start3A_1081] : memref<1x80xi32, #tpu.memory_space<vmem>> -> memref<1x80xi32, #tpu.memory_space<vmem>>
      %dma_start3A_1083 = tpu.memref_squeeze %dma_start3A_1082 : memref<1x80xi32, #tpu.memory_space<vmem>> -> memref<80xi32, #tpu.memory_space<vmem>>
      %dma_start3A_1084 = tpu.memref_slice %arg4[%add3A_1079] : memref<320000xi32, #tpu.memory_space<hbm>> -> memref<80xi32, #tpu.memory_space<hbm>>
      %dma_start3A_1085 = arith.constant 0 : i32
      %dma_start3A_1086 = tpu.memref_slice %arg12[%dma_start3A_1080, %dma_start3A_1085] : memref<1x80xi32, #tpu.memory_space<vmem>> -> memref<1x80xi32, #tpu.memory_space<vmem>>
      %dma_start3A_1087 = tpu.memref_squeeze %dma_start3A_1086 : memref<1x80xi32, #tpu.memory_space<vmem>> -> memref<80xi32, #tpu.memory_space<vmem>>
      %dma_start3A_1088 = tpu.memref_slice %arg4[%add3A_1079] : memref<320000xi32, #tpu.memory_space<hbm>> -> memref<80xi32, #tpu.memory_space<hbm>>
      tpu.enqueue_dma source(%dma_start3A_1088 : memref<80xi32, #tpu.memory_space<hbm>>) target(%dma_start3A_1087 : memref<80xi32, #tpu.memory_space<vmem>>) target_semaphore(%arg24 : memref<!tpu.dma_semaphore, #tpu.memory_space<semaphore_mem>>)
      %dma_start3A_1089 = arith.constant 0 : i32
      %dma_start3A_1090 = arith.constant 0 : i32
      %dma_start3A_1091 = tpu.memref_slice %arg16[%dma_start3A_1089, %dma_start3A_1090] : memref<1x80xi32, #tpu.memory_space<vmem>> -> memref<1x80xi32, #tpu.memory_space<vmem>>
      %dma_start3A_1092 = tpu.memref_squeeze %dma_start3A_1091 : memref<1x80xi32, #tpu.memory_space<vmem>> -> memref<80xi32, #tpu.memory_space<vmem>>
      %dma_start3A_1093 = tpu.memref_slice %arg3[%add3A_1079] : memref<320000xi32, #tpu.memory_space<hbm>> -> memref<80xi32, #tpu.memory_space<hbm>>
      %dma_start3A_1094 = arith.constant 0 : i32
      %dma_start3A_1095 = tpu.memref_slice %arg16[%dma_start3A_1089, %dma_start3A_1094] : memref<1x80xi32, #tpu.memory_space<vmem>> -> memref<1x80xi32, #tpu.memory_space<vmem>>
      %dma_start3A_1096 = tpu.memref_squeeze %dma_start3A_1095 : memref<1x80xi32, #tpu.memory_space<vmem>> -> memref<80xi32, #tpu.memory_space<vmem>>
      %dma_start3A_1097 = tpu.memref_slice %arg3[%add3A_1079] : memref<320000xi32, #tpu.memory_space<hbm>> -> memref<80xi32, #tpu.memory_space<hbm>>
      tpu.enqueue_dma source(%dma_start3A_1097 : memref<80xi32, #tpu.memory_space<hbm>>) target(%dma_start3A_1096 : memref<80xi32, #tpu.memory_space<vmem>>) target_semaphore(%arg24 : memref<!tpu.dma_semaphore, #tpu.memory_space<semaphore_mem>>)
      %add3A_1098 = arith.constant 4 : i32
      %add3A_1099 = arith.addi %add3A_797, %add3A_1098 : i32
      %dma_wait3A_1100 = arith.constant 0 : i32
      %dma_wait3A_1101 = arith.constant 0 : i32
      %dma_wait3A_1102 = tpu.memref_slice %arg11[%dma_wait3A_1100, %dma_wait3A_1101] : memref<1x80xi32, #tpu.memory_space<vmem>> -> memref<1x80xi32, #tpu.memory_space<vmem>>
      %dma_wait3A_1103 = tpu.memref_squeeze %dma_wait3A_1102 : memref<1x80xi32, #tpu.memory_space<vmem>> -> memref<80xi32, #tpu.memory_space<vmem>>
      %dma_wait3A_1104 = arith.constant 0 : i32
      %dma_wait3A_1105 = tpu.memref_slice %arg4[%dma_wait3A_1104] : memref<320000xi32, #tpu.memory_space<hbm>> -> memref<80xi32, #tpu.memory_space<hbm>>
      %dma_wait3A_1106 = arith.constant 0 : i32
      %dma_wait3A_1107 = tpu.memref_slice %arg11[%dma_wait3A_1100, %dma_wait3A_1106] : memref<1x80xi32, #tpu.memory_space<vmem>> -> memref<1x80xi32, #tpu.memory_space<vmem>>
      %dma_wait3A_1108 = tpu.memref_squeeze %dma_wait3A_1107 : memref<1x80xi32, #tpu.memory_space<vmem>> -> memref<80xi32, #tpu.memory_space<vmem>>
      %dma_wait3A_1109 = arith.constant 0 : i32
      %dma_wait3A_1110 = tpu.memref_slice %arg4[%dma_wait3A_1109] : memref<320000xi32, #tpu.memory_space<hbm>> -> memref<80xi32, #tpu.memory_space<hbm>>
      tpu.wait_dma2 semaphore(%arg23 : memref<!tpu.dma_semaphore, #tpu.memory_space<semaphore_mem>>) src(%dma_wait3A_1110 : memref<80xi32, #tpu.memory_space<hbm>>) dst(%dma_wait3A_1108 : memref<80xi32, #tpu.memory_space<vmem>>)
      %dma_wait3A_1111 = arith.constant 0 : i32
      %dma_wait3A_1112 = arith.constant 0 : i32
      %dma_wait3A_1113 = tpu.memref_slice %arg15[%dma_wait3A_1111, %dma_wait3A_1112] : memref<1x80xi32, #tpu.memory_space<vmem>> -> memref<1x80xi32, #tpu.memory_space<vmem>>
      %dma_wait3A_1114 = tpu.memref_squeeze %dma_wait3A_1113 : memref<1x80xi32, #tpu.memory_space<vmem>> -> memref<80xi32, #tpu.memory_space<vmem>>
      %dma_wait3A_1115 = arith.constant 0 : i32
      %dma_wait3A_1116 = tpu.memref_slice %arg3[%dma_wait3A_1115] : memref<320000xi32, #tpu.memory_space<hbm>> -> memref<80xi32, #tpu.memory_space<hbm>>
      %dma_wait3A_1117 = arith.constant 0 : i32
      %dma_wait3A_1118 = tpu.memref_slice %arg15[%dma_wait3A_1111, %dma_wait3A_1117] : memref<1x80xi32, #tpu.memory_space<vmem>> -> memref<1x80xi32, #tpu.memory_space<vmem>>
      %dma_wait3A_1119 = tpu.memref_squeeze %dma_wait3A_1118 : memref<1x80xi32, #tpu.memory_space<vmem>> -> memref<80xi32, #tpu.memory_space<vmem>>
      %dma_wait3A_1120 = arith.constant 0 : i32
      %dma_wait3A_1121 = tpu.memref_slice %arg3[%dma_wait3A_1120] : memref<320000xi32, #tpu.memory_space<hbm>> -> memref<80xi32, #tpu.memory_space<hbm>>
      tpu.wait_dma2 semaphore(%arg23 : memref<!tpu.dma_semaphore, #tpu.memory_space<semaphore_mem>>) src(%dma_wait3A_1121 : memref<80xi32, #tpu.memory_space<hbm>>) dst(%dma_wait3A_1119 : memref<80xi32, #tpu.memory_space<vmem>>)
      %dma_start3A_1122 = arith.constant 0 : i32
      %dma_start3A_1123 = arith.constant 0 : i32
      %dma_start3A_1124 = tpu.memref_slice %arg11[%dma_start3A_1122, %dma_start3A_1123] : memref<1x80xi32, #tpu.memory_space<vmem>> -> memref<1x80xi32, #tpu.memory_space<vmem>>
      %dma_start3A_1125 = tpu.memref_squeeze %dma_start3A_1124 : memref<1x80xi32, #tpu.memory_space<vmem>> -> memref<80xi32, #tpu.memory_space<vmem>>
      %dma_start3A_1126 = arith.constant 0 : i32
      %dma_start3A_1127 = arith.constant 0 : i32
      %dma_start3A_1128 = tpu.memref_slice %arg2[%dma_start3A_1126, %dma_start3A_1127] : memref<10000x128xf32, #tpu.memory_space<hbm>> -> memref<10000x128xf32, #tpu.memory_space<hbm>>
      tpu.enqueue_indirect_dma source(%dma_start3A_1128 : memref<10000x128xf32, #tpu.memory_space<hbm>>) target(%arg17 : memref<80x128xf32, #tpu.memory_space<vmem>>) offsets(%dma_start3A_1125 : memref<80xi32, #tpu.memory_space<vmem>>) semaphore(%arg25 : memref<!tpu.dma_semaphore, #tpu.memory_space<semaphore_mem>>)
      %dma_wait3A_1129 = arith.constant 0 : i32
      %dma_wait3A_1130 = arith.constant 0 : i32
      %dma_wait3A_1131 = tpu.memref_slice %arg10[%dma_wait3A_1129, %dma_wait3A_1130] : memref<1x80xi32, #tpu.memory_space<vmem>> -> memref<1x80xi32, #tpu.memory_space<vmem>>
      %dma_wait3A_1132 = tpu.memref_squeeze %dma_wait3A_1131 : memref<1x80xi32, #tpu.memory_space<vmem>> -> memref<80xi32, #tpu.memory_space<vmem>>
      %dma_wait3A_1133 = arith.constant 0 : i32
      %dma_wait3A_1134 = arith.constant 0 : i32
      %dma_wait3A_1135 = tpu.memref_slice %arg2[%dma_wait3A_1133, %dma_wait3A_1134] : memref<10000x128xf32, #tpu.memory_space<hbm>> -> memref<10000x128xf32, #tpu.memory_space<hbm>>
      tpu.wait_indirect_dma semaphore(%arg27 : memref<!tpu.dma_semaphore, #tpu.memory_space<semaphore_mem>>) src(%dma_wait3A_1135 : memref<10000x128xf32, #tpu.memory_space<hbm>>) dst(%arg19 : memref<80x128xf32, #tpu.memory_space<vmem>>)
      %dma_start3A_1136 = arith.constant 0 : i32
      %dma_start3A_1137 = arith.constant 0 : i32
      %dma_start3A_1138 = tpu.memref_slice %arg14[%dma_start3A_1136, %dma_start3A_1137] : memref<1x80xi32, #tpu.memory_space<vmem>> -> memref<1x80xi32, #tpu.memory_space<vmem>>
      %dma_start3A_1139 = tpu.memref_squeeze %dma_start3A_1138 : memref<1x80xi32, #tpu.memory_space<vmem>> -> memref<80xi32, #tpu.memory_space<vmem>>
      %dma_start3A_1140 = arith.constant 0 : i32
      %dma_start3A_1141 = arith.constant 0 : i32
      %dma_start3A_1142 = tpu.memref_slice %arg20[%dma_start3A_1140, %dma_start3A_1141] : memref<10240x128xf32, #tpu.memory_space<vmem_shared>> -> memref<10240x128xf32, #tpu.memory_space<vmem_shared>>
      tpu.enqueue_indirect_dma source(%arg19 : memref<80x128xf32, #tpu.memory_space<vmem>>) target(%dma_start3A_1142 : memref<10240x128xf32, #tpu.memory_space<vmem_shared>>) offsets(%dma_start3A_1139 : memref<80xi32, #tpu.memory_space<vmem>>) semaphore(%arg30 : memref<!tpu.dma_semaphore, #tpu.memory_space<semaphore_mem>>) {add = true}
      %dma_wait3A_1143 = arith.constant 0 : i32
      %dma_wait3A_1144 = arith.constant 0 : i32
      %dma_wait3A_1145 = tpu.memref_slice %arg13[%dma_wait3A_1143, %dma_wait3A_1144] : memref<1x80xi32, #tpu.memory_space<vmem>> -> memref<1x80xi32, #tpu.memory_space<vmem>>
      %dma_wait3A_1146 = tpu.memref_squeeze %dma_wait3A_1145 : memref<1x80xi32, #tpu.memory_space<vmem>> -> memref<80xi32, #tpu.memory_space<vmem>>
      %dma_wait3A_1147 = arith.constant 0 : i32
      %dma_wait3A_1148 = arith.constant 0 : i32
      %dma_wait3A_1149 = tpu.memref_slice %arg20[%dma_wait3A_1147, %dma_wait3A_1148] : memref<10240x128xf32, #tpu.memory_space<vmem_shared>> -> memref<10240x128xf32, #tpu.memory_space<vmem_shared>>
      tpu.wait_indirect_dma semaphore(%arg29 : memref<!tpu.dma_semaphore, #tpu.memory_space<semaphore_mem>>) src(%arg18 : memref<80x128xf32, #tpu.memory_space<vmem>>) dst(%dma_wait3A_1149 : memref<10240x128xf32, #tpu.memory_space<vmem_shared>>)
      %add3A_1150 = arith.constant 3 : i32
      %add3A_1151 = arith.addi %add3A_1099, %add3A_1150 : i32
      %mul3A_1152 = arith.constant 80 : i32
      %mul3A_1153 = arith.muli %add3A_1151, %mul3A_1152 : i32
      %add3A_1154 = arith.addi %mul3A_2, %mul3A_1153 : i32
      %dma_start3A_1155 = arith.constant 0 : i32
      %dma_start3A_1156 = arith.constant 0 : i32
      %dma_start3A_1157 = tpu.memref_slice %arg9[%dma_start3A_1155, %dma_start3A_1156] : memref<1x80xi32, #tpu.memory_space<vmem>> -> memref<1x80xi32, #tpu.memory_space<vmem>>
      %dma_start3A_1158 = tpu.memref_squeeze %dma_start3A_1157 : memref<1x80xi32, #tpu.memory_space<vmem>> -> memref<80xi32, #tpu.memory_space<vmem>>
      %dma_start3A_1159 = tpu.memref_slice %arg4[%add3A_1154] : memref<320000xi32, #tpu.memory_space<hbm>> -> memref<80xi32, #tpu.memory_space<hbm>>
      %dma_start3A_1160 = arith.constant 0 : i32
      %dma_start3A_1161 = tpu.memref_slice %arg9[%dma_start3A_1155, %dma_start3A_1160] : memref<1x80xi32, #tpu.memory_space<vmem>> -> memref<1x80xi32, #tpu.memory_space<vmem>>
      %dma_start3A_1162 = tpu.memref_squeeze %dma_start3A_1161 : memref<1x80xi32, #tpu.memory_space<vmem>> -> memref<80xi32, #tpu.memory_space<vmem>>
      %dma_start3A_1163 = tpu.memref_slice %arg4[%add3A_1154] : memref<320000xi32, #tpu.memory_space<hbm>> -> memref<80xi32, #tpu.memory_space<hbm>>
      tpu.enqueue_dma source(%dma_start3A_1163 : memref<80xi32, #tpu.memory_space<hbm>>) target(%dma_start3A_1162 : memref<80xi32, #tpu.memory_space<vmem>>) target_semaphore(%arg21 : memref<!tpu.dma_semaphore, #tpu.memory_space<semaphore_mem>>)
      %dma_start3A_1164 = arith.constant 0 : i32
      %dma_start3A_1165 = arith.constant 0 : i32
      %dma_start3A_1166 = tpu.memref_slice %arg13[%dma_start3A_1164, %dma_start3A_1165] : memref<1x80xi32, #tpu.memory_space<vmem>> -> memref<1x80xi32, #tpu.memory_space<vmem>>
      %dma_start3A_1167 = tpu.memref_squeeze %dma_start3A_1166 : memref<1x80xi32, #tpu.memory_space<vmem>> -> memref<80xi32, #tpu.memory_space<vmem>>
      %dma_start3A_1168 = tpu.memref_slice %arg3[%add3A_1154] : memref<320000xi32, #tpu.memory_space<hbm>> -> memref<80xi32, #tpu.memory_space<hbm>>
      %dma_start3A_1169 = arith.constant 0 : i32
      %dma_start3A_1170 = tpu.memref_slice %arg13[%dma_start3A_1164, %dma_start3A_1169] : memref<1x80xi32, #tpu.memory_space<vmem>> -> memref<1x80xi32, #tpu.memory_space<vmem>>
      %dma_start3A_1171 = tpu.memref_squeeze %dma_start3A_1170 : memref<1x80xi32, #tpu.memory_space<vmem>> -> memref<80xi32, #tpu.memory_space<vmem>>
      %dma_start3A_1172 = tpu.memref_slice %arg3[%add3A_1154] : memref<320000xi32, #tpu.memory_space<hbm>> -> memref<80xi32, #tpu.memory_space<hbm>>
      tpu.enqueue_dma source(%dma_start3A_1172 : memref<80xi32, #tpu.memory_space<hbm>>) target(%dma_start3A_1171 : memref<80xi32, #tpu.memory_space<vmem>>) target_semaphore(%arg21 : memref<!tpu.dma_semaphore, #tpu.memory_space<semaphore_mem>>)
      %add3A_1173 = arith.constant 5 : i32
      %add3A_1174 = arith.addi %add3A_797, %add3A_1173 : i32
      %dma_wait3A_1175 = arith.constant 0 : i32
      %dma_wait3A_1176 = arith.constant 0 : i32
      %dma_wait3A_1177 = tpu.memref_slice %arg12[%dma_wait3A_1175, %dma_wait3A_1176] : memref<1x80xi32, #tpu.memory_space<vmem>> -> memref<1x80xi32, #tpu.memory_space<vmem>>
      %dma_wait3A_1178 = tpu.memref_squeeze %dma_wait3A_1177 : memref<1x80xi32, #tpu.memory_space<vmem>> -> memref<80xi32, #tpu.memory_space<vmem>>
      %dma_wait3A_1179 = arith.constant 0 : i32
      %dma_wait3A_1180 = tpu.memref_slice %arg4[%dma_wait3A_1179] : memref<320000xi32, #tpu.memory_space<hbm>> -> memref<80xi32, #tpu.memory_space<hbm>>
      %dma_wait3A_1181 = arith.constant 0 : i32
      %dma_wait3A_1182 = tpu.memref_slice %arg12[%dma_wait3A_1175, %dma_wait3A_1181] : memref<1x80xi32, #tpu.memory_space<vmem>> -> memref<1x80xi32, #tpu.memory_space<vmem>>
      %dma_wait3A_1183 = tpu.memref_squeeze %dma_wait3A_1182 : memref<1x80xi32, #tpu.memory_space<vmem>> -> memref<80xi32, #tpu.memory_space<vmem>>
      %dma_wait3A_1184 = arith.constant 0 : i32
      %dma_wait3A_1185 = tpu.memref_slice %arg4[%dma_wait3A_1184] : memref<320000xi32, #tpu.memory_space<hbm>> -> memref<80xi32, #tpu.memory_space<hbm>>
      tpu.wait_dma2 semaphore(%arg24 : memref<!tpu.dma_semaphore, #tpu.memory_space<semaphore_mem>>) src(%dma_wait3A_1185 : memref<80xi32, #tpu.memory_space<hbm>>) dst(%dma_wait3A_1183 : memref<80xi32, #tpu.memory_space<vmem>>)
      %dma_wait3A_1186 = arith.constant 0 : i32
      %dma_wait3A_1187 = arith.constant 0 : i32
      %dma_wait3A_1188 = tpu.memref_slice %arg16[%dma_wait3A_1186, %dma_wait3A_1187] : memref<1x80xi32, #tpu.memory_space<vmem>> -> memref<1x80xi32, #tpu.memory_space<vmem>>
      %dma_wait3A_1189 = tpu.memref_squeeze %dma_wait3A_1188 : memref<1x80xi32, #tpu.memory_space<vmem>> -> memref<80xi32, #tpu.memory_space<vmem>>
      %dma_wait3A_1190 = arith.constant 0 : i32
      %dma_wait3A_1191 = tpu.memref_slice %arg3[%dma_wait3A_1190] : memref<320000xi32, #tpu.memory_space<hbm>> -> memref<80xi32, #tpu.memory_space<hbm>>
      %dma_wait3A_1192 = arith.constant 0 : i32
      %dma_wait3A_1193 = tpu.memref_slice %arg16[%dma_wait3A_1186, %dma_wait3A_1192] : memref<1x80xi32, #tpu.memory_space<vmem>> -> memref<1x80xi32, #tpu.memory_space<vmem>>
      %dma_wait3A_1194 = tpu.memref_squeeze %dma_wait3A_1193 : memref<1x80xi32, #tpu.memory_space<vmem>> -> memref<80xi32, #tpu.memory_space<vmem>>
      %dma_wait3A_1195 = arith.constant 0 : i32
      %dma_wait3A_1196 = tpu.memref_slice %arg3[%dma_wait3A_1195] : memref<320000xi32, #tpu.memory_space<hbm>> -> memref<80xi32, #tpu.memory_space<hbm>>
      tpu.wait_dma2 semaphore(%arg24 : memref<!tpu.dma_semaphore, #tpu.memory_space<semaphore_mem>>) src(%dma_wait3A_1196 : memref<80xi32, #tpu.memory_space<hbm>>) dst(%dma_wait3A_1194 : memref<80xi32, #tpu.memory_space<vmem>>)
      %dma_start3A_1197 = arith.constant 0 : i32
      %dma_start3A_1198 = arith.constant 0 : i32
      %dma_start3A_1199 = tpu.memref_slice %arg12[%dma_start3A_1197, %dma_start3A_1198] : memref<1x80xi32, #tpu.memory_space<vmem>> -> memref<1x80xi32, #tpu.memory_space<vmem>>
      %dma_start3A_1200 = tpu.memref_squeeze %dma_start3A_1199 : memref<1x80xi32, #tpu.memory_space<vmem>> -> memref<80xi32, #tpu.memory_space<vmem>>
      %dma_start3A_1201 = arith.constant 0 : i32
      %dma_start3A_1202 = arith.constant 0 : i32
      %dma_start3A_1203 = tpu.memref_slice %arg2[%dma_start3A_1201, %dma_start3A_1202] : memref<10000x128xf32, #tpu.memory_space<hbm>> -> memref<10000x128xf32, #tpu.memory_space<hbm>>
      tpu.enqueue_indirect_dma source(%dma_start3A_1203 : memref<10000x128xf32, #tpu.memory_space<hbm>>) target(%arg18 : memref<80x128xf32, #tpu.memory_space<vmem>>) offsets(%dma_start3A_1200 : memref<80xi32, #tpu.memory_space<vmem>>) semaphore(%arg26 : memref<!tpu.dma_semaphore, #tpu.memory_space<semaphore_mem>>)
      %dma_wait3A_1204 = arith.constant 0 : i32
      %dma_wait3A_1205 = arith.constant 0 : i32
      %dma_wait3A_1206 = tpu.memref_slice %arg11[%dma_wait3A_1204, %dma_wait3A_1205] : memref<1x80xi32, #tpu.memory_space<vmem>> -> memref<1x80xi32, #tpu.memory_space<vmem>>
      %dma_wait3A_1207 = tpu.memref_squeeze %dma_wait3A_1206 : memref<1x80xi32, #tpu.memory_space<vmem>> -> memref<80xi32, #tpu.memory_space<vmem>>
      %dma_wait3A_1208 = arith.constant 0 : i32
      %dma_wait3A_1209 = arith.constant 0 : i32
      %dma_wait3A_1210 = tpu.memref_slice %arg2[%dma_wait3A_1208, %dma_wait3A_1209] : memref<10000x128xf32, #tpu.memory_space<hbm>> -> memref<10000x128xf32, #tpu.memory_space<hbm>>
      tpu.wait_indirect_dma semaphore(%arg25 : memref<!tpu.dma_semaphore, #tpu.memory_space<semaphore_mem>>) src(%dma_wait3A_1210 : memref<10000x128xf32, #tpu.memory_space<hbm>>) dst(%arg17 : memref<80x128xf32, #tpu.memory_space<vmem>>)
      %dma_start3A_1211 = arith.constant 0 : i32
      %dma_start3A_1212 = arith.constant 0 : i32
      %dma_start3A_1213 = tpu.memref_slice %arg15[%dma_start3A_1211, %dma_start3A_1212] : memref<1x80xi32, #tpu.memory_space<vmem>> -> memref<1x80xi32, #tpu.memory_space<vmem>>
      %dma_start3A_1214 = tpu.memref_squeeze %dma_start3A_1213 : memref<1x80xi32, #tpu.memory_space<vmem>> -> memref<80xi32, #tpu.memory_space<vmem>>
      %dma_start3A_1215 = arith.constant 0 : i32
      %dma_start3A_1216 = arith.constant 0 : i32
      %dma_start3A_1217 = tpu.memref_slice %arg20[%dma_start3A_1215, %dma_start3A_1216] : memref<10240x128xf32, #tpu.memory_space<vmem_shared>> -> memref<10240x128xf32, #tpu.memory_space<vmem_shared>>
      tpu.enqueue_indirect_dma source(%arg17 : memref<80x128xf32, #tpu.memory_space<vmem>>) target(%dma_start3A_1217 : memref<10240x128xf32, #tpu.memory_space<vmem_shared>>) offsets(%dma_start3A_1214 : memref<80xi32, #tpu.memory_space<vmem>>) semaphore(%arg28 : memref<!tpu.dma_semaphore, #tpu.memory_space<semaphore_mem>>) {add = true}
      %dma_wait3A_1218 = arith.constant 0 : i32
      %dma_wait3A_1219 = arith.constant 0 : i32
      %dma_wait3A_1220 = tpu.memref_slice %arg14[%dma_wait3A_1218, %dma_wait3A_1219] : memref<1x80xi32, #tpu.memory_space<vmem>> -> memref<1x80xi32, #tpu.memory_space<vmem>>
      %dma_wait3A_1221 = tpu.memref_squeeze %dma_wait3A_1220 : memref<1x80xi32, #tpu.memory_space<vmem>> -> memref<80xi32, #tpu.memory_space<vmem>>
      %dma_wait3A_1222 = arith.constant 0 : i32
      %dma_wait3A_1223 = arith.constant 0 : i32
      %dma_wait3A_1224 = tpu.memref_slice %arg20[%dma_wait3A_1222, %dma_wait3A_1223] : memref<10240x128xf32, #tpu.memory_space<vmem_shared>> -> memref<10240x128xf32, #tpu.memory_space<vmem_shared>>
      tpu.wait_indirect_dma semaphore(%arg30 : memref<!tpu.dma_semaphore, #tpu.memory_space<semaphore_mem>>) src(%arg19 : memref<80x128xf32, #tpu.memory_space<vmem>>) dst(%dma_wait3A_1224 : memref<10240x128xf32, #tpu.memory_space<vmem_shared>>)
      %add3A_1225 = arith.constant 3 : i32
      %add3A_1226 = arith.addi %add3A_1174, %add3A_1225 : i32
      %mul3A_1227 = arith.constant 80 : i32
      %mul3A_1228 = arith.muli %add3A_1226, %mul3A_1227 : i32
      %add3A_1229 = arith.addi %mul3A_2, %mul3A_1228 : i32
      %dma_start3A_1230 = arith.constant 0 : i32
      %dma_start3A_1231 = arith.constant 0 : i32
      %dma_start3A_1232 = tpu.memref_slice %arg10[%dma_start3A_1230, %dma_start3A_1231] : memref<1x80xi32, #tpu.memory_space<vmem>> -> memref<1x80xi32, #tpu.memory_space<vmem>>
      %dma_start3A_1233 = tpu.memref_squeeze %dma_start3A_1232 : memref<1x80xi32, #tpu.memory_space<vmem>> -> memref<80xi32, #tpu.memory_space<vmem>>
      %dma_start3A_1234 = tpu.memref_slice %arg4[%add3A_1229] : memref<320000xi32, #tpu.memory_space<hbm>> -> memref<80xi32, #tpu.memory_space<hbm>>
      %dma_start3A_1235 = arith.constant 0 : i32
      %dma_start3A_1236 = tpu.memref_slice %arg10[%dma_start3A_1230, %dma_start3A_1235] : memref<1x80xi32, #tpu.memory_space<vmem>> -> memref<1x80xi32, #tpu.memory_space<vmem>>
      %dma_start3A_1237 = tpu.memref_squeeze %dma_start3A_1236 : memref<1x80xi32, #tpu.memory_space<vmem>> -> memref<80xi32, #tpu.memory_space<vmem>>
      %dma_start3A_1238 = tpu.memref_slice %arg4[%add3A_1229] : memref<320000xi32, #tpu.memory_space<hbm>> -> memref<80xi32, #tpu.memory_space<hbm>>
      tpu.enqueue_dma source(%dma_start3A_1238 : memref<80xi32, #tpu.memory_space<hbm>>) target(%dma_start3A_1237 : memref<80xi32, #tpu.memory_space<vmem>>) target_semaphore(%arg22 : memref<!tpu.dma_semaphore, #tpu.memory_space<semaphore_mem>>)
      %dma_start3A_1239 = arith.constant 0 : i32
      %dma_start3A_1240 = arith.constant 0 : i32
      %dma_start3A_1241 = tpu.memref_slice %arg14[%dma_start3A_1239, %dma_start3A_1240] : memref<1x80xi32, #tpu.memory_space<vmem>> -> memref<1x80xi32, #tpu.memory_space<vmem>>
      %dma_start3A_1242 = tpu.memref_squeeze %dma_start3A_1241 : memref<1x80xi32, #tpu.memory_space<vmem>> -> memref<80xi32, #tpu.memory_space<vmem>>
      %dma_start3A_1243 = tpu.memref_slice %arg3[%add3A_1229] : memref<320000xi32, #tpu.memory_space<hbm>> -> memref<80xi32, #tpu.memory_space<hbm>>
      %dma_start3A_1244 = arith.constant 0 : i32
      %dma_start3A_1245 = tpu.memref_slice %arg14[%dma_start3A_1239, %dma_start3A_1244] : memref<1x80xi32, #tpu.memory_space<vmem>> -> memref<1x80xi32, #tpu.memory_space<vmem>>
      %dma_start3A_1246 = tpu.memref_squeeze %dma_start3A_1245 : memref<1x80xi32, #tpu.memory_space<vmem>> -> memref<80xi32, #tpu.memory_space<vmem>>
      %dma_start3A_1247 = tpu.memref_slice %arg3[%add3A_1229] : memref<320000xi32, #tpu.memory_space<hbm>> -> memref<80xi32, #tpu.memory_space<hbm>>
      tpu.enqueue_dma source(%dma_start3A_1247 : memref<80xi32, #tpu.memory_space<hbm>>) target(%dma_start3A_1246 : memref<80xi32, #tpu.memory_space<vmem>>) target_semaphore(%arg22 : memref<!tpu.dma_semaphore, #tpu.memory_space<semaphore_mem>>)
      %add3A_1248 = arith.constant 6 : i32
      %add3A_1249 = arith.addi %add3A_797, %add3A_1248 : i32
      %dma_wait3A_1250 = arith.constant 0 : i32
      %dma_wait3A_1251 = arith.constant 0 : i32
      %dma_wait3A_1252 = tpu.memref_slice %arg9[%dma_wait3A_1250, %dma_wait3A_1251] : memref<1x80xi32, #tpu.memory_space<vmem>> -> memref<1x80xi32, #tpu.memory_space<vmem>>
      %dma_wait3A_1253 = tpu.memref_squeeze %dma_wait3A_1252 : memref<1x80xi32, #tpu.memory_space<vmem>> -> memref<80xi32, #tpu.memory_space<vmem>>
      %dma_wait3A_1254 = arith.constant 0 : i32
      %dma_wait3A_1255 = tpu.memref_slice %arg4[%dma_wait3A_1254] : memref<320000xi32, #tpu.memory_space<hbm>> -> memref<80xi32, #tpu.memory_space<hbm>>
      %dma_wait3A_1256 = arith.constant 0 : i32
      %dma_wait3A_1257 = tpu.memref_slice %arg9[%dma_wait3A_1250, %dma_wait3A_1256] : memref<1x80xi32, #tpu.memory_space<vmem>> -> memref<1x80xi32, #tpu.memory_space<vmem>>
      %dma_wait3A_1258 = tpu.memref_squeeze %dma_wait3A_1257 : memref<1x80xi32, #tpu.memory_space<vmem>> -> memref<80xi32, #tpu.memory_space<vmem>>
      %dma_wait3A_1259 = arith.constant 0 : i32
      %dma_wait3A_1260 = tpu.memref_slice %arg4[%dma_wait3A_1259] : memref<320000xi32, #tpu.memory_space<hbm>> -> memref<80xi32, #tpu.memory_space<hbm>>
      tpu.wait_dma2 semaphore(%arg21 : memref<!tpu.dma_semaphore, #tpu.memory_space<semaphore_mem>>) src(%dma_wait3A_1260 : memref<80xi32, #tpu.memory_space<hbm>>) dst(%dma_wait3A_1258 : memref<80xi32, #tpu.memory_space<vmem>>)
      %dma_wait3A_1261 = arith.constant 0 : i32
      %dma_wait3A_1262 = arith.constant 0 : i32
      %dma_wait3A_1263 = tpu.memref_slice %arg13[%dma_wait3A_1261, %dma_wait3A_1262] : memref<1x80xi32, #tpu.memory_space<vmem>> -> memref<1x80xi32, #tpu.memory_space<vmem>>
      %dma_wait3A_1264 = tpu.memref_squeeze %dma_wait3A_1263 : memref<1x80xi32, #tpu.memory_space<vmem>> -> memref<80xi32, #tpu.memory_space<vmem>>
      %dma_wait3A_1265 = arith.constant 0 : i32
      %dma_wait3A_1266 = tpu.memref_slice %arg3[%dma_wait3A_1265] : memref<320000xi32, #tpu.memory_space<hbm>> -> memref<80xi32, #tpu.memory_space<hbm>>
      %dma_wait3A_1267 = arith.constant 0 : i32
      %dma_wait3A_1268 = tpu.memref_slice %arg13[%dma_wait3A_1261, %dma_wait3A_1267] : memref<1x80xi32, #tpu.memory_space<vmem>> -> memref<1x80xi32, #tpu.memory_space<vmem>>
      %dma_wait3A_1269 = tpu.memref_squeeze %dma_wait3A_1268 : memref<1x80xi32, #tpu.memory_space<vmem>> -> memref<80xi32, #tpu.memory_space<vmem>>
      %dma_wait3A_1270 = arith.constant 0 : i32
      %dma_wait3A_1271 = tpu.memref_slice %arg3[%dma_wait3A_1270] : memref<320000xi32, #tpu.memory_space<hbm>> -> memref<80xi32, #tpu.memory_space<hbm>>
      tpu.wait_dma2 semaphore(%arg21 : memref<!tpu.dma_semaphore, #tpu.memory_space<semaphore_mem>>) src(%dma_wait3A_1271 : memref<80xi32, #tpu.memory_space<hbm>>) dst(%dma_wait3A_1269 : memref<80xi32, #tpu.memory_space<vmem>>)
      %dma_start3A_1272 = arith.constant 0 : i32
      %dma_start3A_1273 = arith.constant 0 : i32
      %dma_start3A_1274 = tpu.memref_slice %arg9[%dma_start3A_1272, %dma_start3A_1273] : memref<1x80xi32, #tpu.memory_space<vmem>> -> memref<1x80xi32, #tpu.memory_space<vmem>>
      %dma_start3A_1275 = tpu.memref_squeeze %dma_start3A_1274 : memref<1x80xi32, #tpu.memory_space<vmem>> -> memref<80xi32, #tpu.memory_space<vmem>>
      %dma_start3A_1276 = arith.constant 0 : i32
      %dma_start3A_1277 = arith.constant 0 : i32
      %dma_start3A_1278 = tpu.memref_slice %arg2[%dma_start3A_1276, %dma_start3A_1277] : memref<10000x128xf32, #tpu.memory_space<hbm>> -> memref<10000x128xf32, #tpu.memory_space<hbm>>
      tpu.enqueue_indirect_dma source(%dma_start3A_1278 : memref<10000x128xf32, #tpu.memory_space<hbm>>) target(%arg19 : memref<80x128xf32, #tpu.memory_space<vmem>>) offsets(%dma_start3A_1275 : memref<80xi32, #tpu.memory_space<vmem>>) semaphore(%arg27 : memref<!tpu.dma_semaphore, #tpu.memory_space<semaphore_mem>>)
      %dma_wait3A_1279 = arith.constant 0 : i32
      %dma_wait3A_1280 = arith.constant 0 : i32
      %dma_wait3A_1281 = tpu.memref_slice %arg12[%dma_wait3A_1279, %dma_wait3A_1280] : memref<1x80xi32, #tpu.memory_space<vmem>> -> memref<1x80xi32, #tpu.memory_space<vmem>>
      %dma_wait3A_1282 = tpu.memref_squeeze %dma_wait3A_1281 : memref<1x80xi32, #tpu.memory_space<vmem>> -> memref<80xi32, #tpu.memory_space<vmem>>
      %dma_wait3A_1283 = arith.constant 0 : i32
      %dma_wait3A_1284 = arith.constant 0 : i32
      %dma_wait3A_1285 = tpu.memref_slice %arg2[%dma_wait3A_1283, %dma_wait3A_1284] : memref<10000x128xf32, #tpu.memory_space<hbm>> -> memref<10000x128xf32, #tpu.memory_space<hbm>>
      tpu.wait_indirect_dma semaphore(%arg26 : memref<!tpu.dma_semaphore, #tpu.memory_space<semaphore_mem>>) src(%dma_wait3A_1285 : memref<10000x128xf32, #tpu.memory_space<hbm>>) dst(%arg18 : memref<80x128xf32, #tpu.memory_space<vmem>>)
      %dma_start3A_1286 = arith.constant 0 : i32
      %dma_start3A_1287 = arith.constant 0 : i32
      %dma_start3A_1288 = tpu.memref_slice %arg16[%dma_start3A_1286, %dma_start3A_1287] : memref<1x80xi32, #tpu.memory_space<vmem>> -> memref<1x80xi32, #tpu.memory_space<vmem>>
      %dma_start3A_1289 = tpu.memref_squeeze %dma_start3A_1288 : memref<1x80xi32, #tpu.memory_space<vmem>> -> memref<80xi32, #tpu.memory_space<vmem>>
      %dma_start3A_1290 = arith.constant 0 : i32
      %dma_start3A_1291 = arith.constant 0 : i32
      %dma_start3A_1292 = tpu.memref_slice %arg20[%dma_start3A_1290, %dma_start3A_1291] : memref<10240x128xf32, #tpu.memory_space<vmem_shared>> -> memref<10240x128xf32, #tpu.memory_space<vmem_shared>>
      tpu.enqueue_indirect_dma source(%arg18 : memref<80x128xf32, #tpu.memory_space<vmem>>) target(%dma_start3A_1292 : memref<10240x128xf32, #tpu.memory_space<vmem_shared>>) offsets(%dma_start3A_1289 : memref<80xi32, #tpu.memory_space<vmem>>) semaphore(%arg29 : memref<!tpu.dma_semaphore, #tpu.memory_space<semaphore_mem>>) {add = true}
      %dma_wait3A_1293 = arith.constant 0 : i32
      %dma_wait3A_1294 = arith.constant 0 : i32
      %dma_wait3A_1295 = tpu.memref_slice %arg15[%dma_wait3A_1293, %dma_wait3A_1294] : memref<1x80xi32, #tpu.memory_space<vmem>> -> memref<1x80xi32, #tpu.memory_space<vmem>>
      %dma_wait3A_1296 = tpu.memref_squeeze %dma_wait3A_1295 : memref<1x80xi32, #tpu.memory_space<vmem>> -> memref<80xi32, #tpu.memory_space<vmem>>
      %dma_wait3A_1297 = arith.constant 0 : i32
      %dma_wait3A_1298 = arith.constant 0 : i32
      %dma_wait3A_1299 = tpu.memref_slice %arg20[%dma_wait3A_1297, %dma_wait3A_1298] : memref<10240x128xf32, #tpu.memory_space<vmem_shared>> -> memref<10240x128xf32, #tpu.memory_space<vmem_shared>>
      tpu.wait_indirect_dma semaphore(%arg28 : memref<!tpu.dma_semaphore, #tpu.memory_space<semaphore_mem>>) src(%arg17 : memref<80x128xf32, #tpu.memory_space<vmem>>) dst(%dma_wait3A_1299 : memref<10240x128xf32, #tpu.memory_space<vmem_shared>>)
      %add3A_1300 = arith.constant 3 : i32
      %add3A_1301 = arith.addi %add3A_1249, %add3A_1300 : i32
      %mul3A_1302 = arith.constant 80 : i32
      %mul3A_1303 = arith.muli %add3A_1301, %mul3A_1302 : i32
      %add3A_1304 = arith.addi %mul3A_2, %mul3A_1303 : i32
      %dma_start3A_1305 = arith.constant 0 : i32
      %dma_start3A_1306 = arith.constant 0 : i32
      %dma_start3A_1307 = tpu.memref_slice %arg11[%dma_start3A_1305, %dma_start3A_1306] : memref<1x80xi32, #tpu.memory_space<vmem>> -> memref<1x80xi32, #tpu.memory_space<vmem>>
      %dma_start3A_1308 = tpu.memref_squeeze %dma_start3A_1307 : memref<1x80xi32, #tpu.memory_space<vmem>> -> memref<80xi32, #tpu.memory_space<vmem>>
      %dma_start3A_1309 = tpu.memref_slice %arg4[%add3A_1304] : memref<320000xi32, #tpu.memory_space<hbm>> -> memref<80xi32, #tpu.memory_space<hbm>>
      %dma_start3A_1310 = arith.constant 0 : i32
      %dma_start3A_1311 = tpu.memref_slice %arg11[%dma_start3A_1305, %dma_start3A_1310] : memref<1x80xi32, #tpu.memory_space<vmem>> -> memref<1x80xi32, #tpu.memory_space<vmem>>
      %dma_start3A_1312 = tpu.memref_squeeze %dma_start3A_1311 : memref<1x80xi32, #tpu.memory_space<vmem>> -> memref<80xi32, #tpu.memory_space<vmem>>
      %dma_start3A_1313 = tpu.memref_slice %arg4[%add3A_1304] : memref<320000xi32, #tpu.memory_space<hbm>> -> memref<80xi32, #tpu.memory_space<hbm>>
      tpu.enqueue_dma source(%dma_start3A_1313 : memref<80xi32, #tpu.memory_space<hbm>>) target(%dma_start3A_1312 : memref<80xi32, #tpu.memory_space<vmem>>) target_semaphore(%arg23 : memref<!tpu.dma_semaphore, #tpu.memory_space<semaphore_mem>>)
      %dma_start3A_1314 = arith.constant 0 : i32
      %dma_start3A_1315 = arith.constant 0 : i32
      %dma_start3A_1316 = tpu.memref_slice %arg15[%dma_start3A_1314, %dma_start3A_1315] : memref<1x80xi32, #tpu.memory_space<vmem>> -> memref<1x80xi32, #tpu.memory_space<vmem>>
      %dma_start3A_1317 = tpu.memref_squeeze %dma_start3A_1316 : memref<1x80xi32, #tpu.memory_space<vmem>> -> memref<80xi32, #tpu.memory_space<vmem>>
      %dma_start3A_1318 = tpu.memref_slice %arg3[%add3A_1304] : memref<320000xi32, #tpu.memory_space<hbm>> -> memref<80xi32, #tpu.memory_space<hbm>>
      %dma_start3A_1319 = arith.constant 0 : i32
      %dma_start3A_1320 = tpu.memref_slice %arg15[%dma_start3A_1314, %dma_start3A_1319] : memref<1x80xi32, #tpu.memory_space<vmem>> -> memref<1x80xi32, #tpu.memory_space<vmem>>
      %dma_start3A_1321 = tpu.memref_squeeze %dma_start3A_1320 : memref<1x80xi32, #tpu.memory_space<vmem>> -> memref<80xi32, #tpu.memory_space<vmem>>
      %dma_start3A_1322 = tpu.memref_slice %arg3[%add3A_1304] : memref<320000xi32, #tpu.memory_space<hbm>> -> memref<80xi32, #tpu.memory_space<hbm>>
      tpu.enqueue_dma source(%dma_start3A_1322 : memref<80xi32, #tpu.memory_space<hbm>>) target(%dma_start3A_1321 : memref<80xi32, #tpu.memory_space<vmem>>) target_semaphore(%arg23 : memref<!tpu.dma_semaphore, #tpu.memory_space<semaphore_mem>>)
      %add3A_1323 = arith.constant 7 : i32
      %add3A_1324 = arith.addi %add3A_797, %add3A_1323 : i32
      %dma_wait3A_1325 = arith.constant 0 : i32
      %dma_wait3A_1326 = arith.constant 0 : i32
      %dma_wait3A_1327 = tpu.memref_slice %arg10[%dma_wait3A_1325, %dma_wait3A_1326] : memref<1x80xi32, #tpu.memory_space<vmem>> -> memref<1x80xi32, #tpu.memory_space<vmem>>
      %dma_wait3A_1328 = tpu.memref_squeeze %dma_wait3A_1327 : memref<1x80xi32, #tpu.memory_space<vmem>> -> memref<80xi32, #tpu.memory_space<vmem>>
      %dma_wait3A_1329 = arith.constant 0 : i32
      %dma_wait3A_1330 = tpu.memref_slice %arg4[%dma_wait3A_1329] : memref<320000xi32, #tpu.memory_space<hbm>> -> memref<80xi32, #tpu.memory_space<hbm>>
      %dma_wait3A_1331 = arith.constant 0 : i32
      %dma_wait3A_1332 = tpu.memref_slice %arg10[%dma_wait3A_1325, %dma_wait3A_1331] : memref<1x80xi32, #tpu.memory_space<vmem>> -> memref<1x80xi32, #tpu.memory_space<vmem>>
      %dma_wait3A_1333 = tpu.memref_squeeze %dma_wait3A_1332 : memref<1x80xi32, #tpu.memory_space<vmem>> -> memref<80xi32, #tpu.memory_space<vmem>>
      %dma_wait3A_1334 = arith.constant 0 : i32
      %dma_wait3A_1335 = tpu.memref_slice %arg4[%dma_wait3A_1334] : memref<320000xi32, #tpu.memory_space<hbm>> -> memref<80xi32, #tpu.memory_space<hbm>>
      tpu.wait_dma2 semaphore(%arg22 : memref<!tpu.dma_semaphore, #tpu.memory_space<semaphore_mem>>) src(%dma_wait3A_1335 : memref<80xi32, #tpu.memory_space<hbm>>) dst(%dma_wait3A_1333 : memref<80xi32, #tpu.memory_space<vmem>>)
      %dma_wait3A_1336 = arith.constant 0 : i32
      %dma_wait3A_1337 = arith.constant 0 : i32
      %dma_wait3A_1338 = tpu.memref_slice %arg14[%dma_wait3A_1336, %dma_wait3A_1337] : memref<1x80xi32, #tpu.memory_space<vmem>> -> memref<1x80xi32, #tpu.memory_space<vmem>>
      %dma_wait3A_1339 = tpu.memref_squeeze %dma_wait3A_1338 : memref<1x80xi32, #tpu.memory_space<vmem>> -> memref<80xi32, #tpu.memory_space<vmem>>
      %dma_wait3A_1340 = arith.constant 0 : i32
      %dma_wait3A_1341 = tpu.memref_slice %arg3[%dma_wait3A_1340] : memref<320000xi32, #tpu.memory_space<hbm>> -> memref<80xi32, #tpu.memory_space<hbm>>
      %dma_wait3A_1342 = arith.constant 0 : i32
      %dma_wait3A_1343 = tpu.memref_slice %arg14[%dma_wait3A_1336, %dma_wait3A_1342] : memref<1x80xi32, #tpu.memory_space<vmem>> -> memref<1x80xi32, #tpu.memory_space<vmem>>
      %dma_wait3A_1344 = tpu.memref_squeeze %dma_wait3A_1343 : memref<1x80xi32, #tpu.memory_space<vmem>> -> memref<80xi32, #tpu.memory_space<vmem>>
      %dma_wait3A_1345 = arith.constant 0 : i32
      %dma_wait3A_1346 = tpu.memref_slice %arg3[%dma_wait3A_1345] : memref<320000xi32, #tpu.memory_space<hbm>> -> memref<80xi32, #tpu.memory_space<hbm>>
      tpu.wait_dma2 semaphore(%arg22 : memref<!tpu.dma_semaphore, #tpu.memory_space<semaphore_mem>>) src(%dma_wait3A_1346 : memref<80xi32, #tpu.memory_space<hbm>>) dst(%dma_wait3A_1344 : memref<80xi32, #tpu.memory_space<vmem>>)
      %dma_start3A_1347 = arith.constant 0 : i32
      %dma_start3A_1348 = arith.constant 0 : i32
      %dma_start3A_1349 = tpu.memref_slice %arg10[%dma_start3A_1347, %dma_start3A_1348] : memref<1x80xi32, #tpu.memory_space<vmem>> -> memref<1x80xi32, #tpu.memory_space<vmem>>
      %dma_start3A_1350 = tpu.memref_squeeze %dma_start3A_1349 : memref<1x80xi32, #tpu.memory_space<vmem>> -> memref<80xi32, #tpu.memory_space<vmem>>
      %dma_start3A_1351 = arith.constant 0 : i32
      %dma_start3A_1352 = arith.constant 0 : i32
      %dma_start3A_1353 = tpu.memref_slice %arg2[%dma_start3A_1351, %dma_start3A_1352] : memref<10000x128xf32, #tpu.memory_space<hbm>> -> memref<10000x128xf32, #tpu.memory_space<hbm>>
      tpu.enqueue_indirect_dma source(%dma_start3A_1353 : memref<10000x128xf32, #tpu.memory_space<hbm>>) target(%arg17 : memref<80x128xf32, #tpu.memory_space<vmem>>) offsets(%dma_start3A_1350 : memref<80xi32, #tpu.memory_space<vmem>>) semaphore(%arg25 : memref<!tpu.dma_semaphore, #tpu.memory_space<semaphore_mem>>)
      %dma_wait3A_1354 = arith.constant 0 : i32
      %dma_wait3A_1355 = arith.constant 0 : i32
      %dma_wait3A_1356 = tpu.memref_slice %arg9[%dma_wait3A_1354, %dma_wait3A_1355] : memref<1x80xi32, #tpu.memory_space<vmem>> -> memref<1x80xi32, #tpu.memory_space<vmem>>
      %dma_wait3A_1357 = tpu.memref_squeeze %dma_wait3A_1356 : memref<1x80xi32, #tpu.memory_space<vmem>> -> memref<80xi32, #tpu.memory_space<vmem>>
      %dma_wait3A_1358 = arith.constant 0 : i32
      %dma_wait3A_1359 = arith.constant 0 : i32
      %dma_wait3A_1360 = tpu.memref_slice %arg2[%dma_wait3A_1358, %dma_wait3A_1359] : memref<10000x128xf32, #tpu.memory_space<hbm>> -> memref<10000x128xf32, #tpu.memory_space<hbm>>
      tpu.wait_indirect_dma semaphore(%arg27 : memref<!tpu.dma_semaphore, #tpu.memory_space<semaphore_mem>>) src(%dma_wait3A_1360 : memref<10000x128xf32, #tpu.memory_space<hbm>>) dst(%arg19 : memref<80x128xf32, #tpu.memory_space<vmem>>)
      %dma_start3A_1361 = arith.constant 0 : i32
      %dma_start3A_1362 = arith.constant 0 : i32
      %dma_start3A_1363 = tpu.memref_slice %arg13[%dma_start3A_1361, %dma_start3A_1362] : memref<1x80xi32, #tpu.memory_space<vmem>> -> memref<1x80xi32, #tpu.memory_space<vmem>>
      %dma_start3A_1364 = tpu.memref_squeeze %dma_start3A_1363 : memref<1x80xi32, #tpu.memory_space<vmem>> -> memref<80xi32, #tpu.memory_space<vmem>>
      %dma_start3A_1365 = arith.constant 0 : i32
      %dma_start3A_1366 = arith.constant 0 : i32
      %dma_start3A_1367 = tpu.memref_slice %arg20[%dma_start3A_1365, %dma_start3A_1366] : memref<10240x128xf32, #tpu.memory_space<vmem_shared>> -> memref<10240x128xf32, #tpu.memory_space<vmem_shared>>
      tpu.enqueue_indirect_dma source(%arg19 : memref<80x128xf32, #tpu.memory_space<vmem>>) target(%dma_start3A_1367 : memref<10240x128xf32, #tpu.memory_space<vmem_shared>>) offsets(%dma_start3A_1364 : memref<80xi32, #tpu.memory_space<vmem>>) semaphore(%arg30 : memref<!tpu.dma_semaphore, #tpu.memory_space<semaphore_mem>>) {add = true}
      %dma_wait3A_1368 = arith.constant 0 : i32
      %dma_wait3A_1369 = arith.constant 0 : i32
      %dma_wait3A_1370 = tpu.memref_slice %arg16[%dma_wait3A_1368, %dma_wait3A_1369] : memref<1x80xi32, #tpu.memory_space<vmem>> -> memref<1x80xi32, #tpu.memory_space<vmem>>
      %dma_wait3A_1371 = tpu.memref_squeeze %dma_wait3A_1370 : memref<1x80xi32, #tpu.memory_space<vmem>> -> memref<80xi32, #tpu.memory_space<vmem>>
      %dma_wait3A_1372 = arith.constant 0 : i32
      %dma_wait3A_1373 = arith.constant 0 : i32
      %dma_wait3A_1374 = tpu.memref_slice %arg20[%dma_wait3A_1372, %dma_wait3A_1373] : memref<10240x128xf32, #tpu.memory_space<vmem_shared>> -> memref<10240x128xf32, #tpu.memory_space<vmem_shared>>
      tpu.wait_indirect_dma semaphore(%arg29 : memref<!tpu.dma_semaphore, #tpu.memory_space<semaphore_mem>>) src(%arg18 : memref<80x128xf32, #tpu.memory_space<vmem>>) dst(%dma_wait3A_1374 : memref<10240x128xf32, #tpu.memory_space<vmem_shared>>)
      %add3A_1375 = arith.constant 3 : i32
      %add3A_1376 = arith.addi %add3A_1324, %add3A_1375 : i32
      %mul3A_1377 = arith.constant 80 : i32
      %mul3A_1378 = arith.muli %add3A_1376, %mul3A_1377 : i32
      %add3A_1379 = arith.addi %mul3A_2, %mul3A_1378 : i32
      %dma_start3A_1380 = arith.constant 0 : i32
      %dma_start3A_1381 = arith.constant 0 : i32
      %dma_start3A_1382 = tpu.memref_slice %arg12[%dma_start3A_1380, %dma_start3A_1381] : memref<1x80xi32, #tpu.memory_space<vmem>> -> memref<1x80xi32, #tpu.memory_space<vmem>>
      %dma_start3A_1383 = tpu.memref_squeeze %dma_start3A_1382 : memref<1x80xi32, #tpu.memory_space<vmem>> -> memref<80xi32, #tpu.memory_space<vmem>>
      %dma_start3A_1384 = tpu.memref_slice %arg4[%add3A_1379] : memref<320000xi32, #tpu.memory_space<hbm>> -> memref<80xi32, #tpu.memory_space<hbm>>
      %dma_start3A_1385 = arith.constant 0 : i32
      %dma_start3A_1386 = tpu.memref_slice %arg12[%dma_start3A_1380, %dma_start3A_1385] : memref<1x80xi32, #tpu.memory_space<vmem>> -> memref<1x80xi32, #tpu.memory_space<vmem>>
      %dma_start3A_1387 = tpu.memref_squeeze %dma_start3A_1386 : memref<1x80xi32, #tpu.memory_space<vmem>> -> memref<80xi32, #tpu.memory_space<vmem>>
      %dma_start3A_1388 = tpu.memref_slice %arg4[%add3A_1379] : memref<320000xi32, #tpu.memory_space<hbm>> -> memref<80xi32, #tpu.memory_space<hbm>>
      tpu.enqueue_dma source(%dma_start3A_1388 : memref<80xi32, #tpu.memory_space<hbm>>) target(%dma_start3A_1387 : memref<80xi32, #tpu.memory_space<vmem>>) target_semaphore(%arg24 : memref<!tpu.dma_semaphore, #tpu.memory_space<semaphore_mem>>)
      %dma_start3A_1389 = arith.constant 0 : i32
      %dma_start3A_1390 = arith.constant 0 : i32
      %dma_start3A_1391 = tpu.memref_slice %arg16[%dma_start3A_1389, %dma_start3A_1390] : memref<1x80xi32, #tpu.memory_space<vmem>> -> memref<1x80xi32, #tpu.memory_space<vmem>>
      %dma_start3A_1392 = tpu.memref_squeeze %dma_start3A_1391 : memref<1x80xi32, #tpu.memory_space<vmem>> -> memref<80xi32, #tpu.memory_space<vmem>>
      %dma_start3A_1393 = tpu.memref_slice %arg3[%add3A_1379] : memref<320000xi32, #tpu.memory_space<hbm>> -> memref<80xi32, #tpu.memory_space<hbm>>
      %dma_start3A_1394 = arith.constant 0 : i32
      %dma_start3A_1395 = tpu.memref_slice %arg16[%dma_start3A_1389, %dma_start3A_1394] : memref<1x80xi32, #tpu.memory_space<vmem>> -> memref<1x80xi32, #tpu.memory_space<vmem>>
      %dma_start3A_1396 = tpu.memref_squeeze %dma_start3A_1395 : memref<1x80xi32, #tpu.memory_space<vmem>> -> memref<80xi32, #tpu.memory_space<vmem>>
      %dma_start3A_1397 = tpu.memref_slice %arg3[%add3A_1379] : memref<320000xi32, #tpu.memory_space<hbm>> -> memref<80xi32, #tpu.memory_space<hbm>>
      tpu.enqueue_dma source(%dma_start3A_1397 : memref<80xi32, #tpu.memory_space<hbm>>) target(%dma_start3A_1396 : memref<80xi32, #tpu.memory_space<vmem>>) target_semaphore(%arg24 : memref<!tpu.dma_semaphore, #tpu.memory_space<semaphore_mem>>)
      %add3A_1398 = arith.constant 8 : i32
      %add3A_1399 = arith.addi %add3A_797, %add3A_1398 : i32
      %dma_wait3A_1400 = arith.constant 0 : i32
      %dma_wait3A_1401 = arith.constant 0 : i32
      %dma_wait3A_1402 = tpu.memref_slice %arg11[%dma_wait3A_1400, %dma_wait3A_1401] : memref<1x80xi32, #tpu.memory_space<vmem>> -> memref<1x80xi32, #tpu.memory_space<vmem>>
      %dma_wait3A_1403 = tpu.memref_squeeze %dma_wait3A_1402 : memref<1x80xi32, #tpu.memory_space<vmem>> -> memref<80xi32, #tpu.memory_space<vmem>>
      %dma_wait3A_1404 = arith.constant 0 : i32
      %dma_wait3A_1405 = tpu.memref_slice %arg4[%dma_wait3A_1404] : memref<320000xi32, #tpu.memory_space<hbm>> -> memref<80xi32, #tpu.memory_space<hbm>>
      %dma_wait3A_1406 = arith.constant 0 : i32
      %dma_wait3A_1407 = tpu.memref_slice %arg11[%dma_wait3A_1400, %dma_wait3A_1406] : memref<1x80xi32, #tpu.memory_space<vmem>> -> memref<1x80xi32, #tpu.memory_space<vmem>>
      %dma_wait3A_1408 = tpu.memref_squeeze %dma_wait3A_1407 : memref<1x80xi32, #tpu.memory_space<vmem>> -> memref<80xi32, #tpu.memory_space<vmem>>
      %dma_wait3A_1409 = arith.constant 0 : i32
      %dma_wait3A_1410 = tpu.memref_slice %arg4[%dma_wait3A_1409] : memref<320000xi32, #tpu.memory_space<hbm>> -> memref<80xi32, #tpu.memory_space<hbm>>
      tpu.wait_dma2 semaphore(%arg23 : memref<!tpu.dma_semaphore, #tpu.memory_space<semaphore_mem>>) src(%dma_wait3A_1410 : memref<80xi32, #tpu.memory_space<hbm>>) dst(%dma_wait3A_1408 : memref<80xi32, #tpu.memory_space<vmem>>)
      %dma_wait3A_1411 = arith.constant 0 : i32
      %dma_wait3A_1412 = arith.constant 0 : i32
      %dma_wait3A_1413 = tpu.memref_slice %arg15[%dma_wait3A_1411, %dma_wait3A_1412] : memref<1x80xi32, #tpu.memory_space<vmem>> -> memref<1x80xi32, #tpu.memory_space<vmem>>
      %dma_wait3A_1414 = tpu.memref_squeeze %dma_wait3A_1413 : memref<1x80xi32, #tpu.memory_space<vmem>> -> memref<80xi32, #tpu.memory_space<vmem>>
      %dma_wait3A_1415 = arith.constant 0 : i32
      %dma_wait3A_1416 = tpu.memref_slice %arg3[%dma_wait3A_1415] : memref<320000xi32, #tpu.memory_space<hbm>> -> memref<80xi32, #tpu.memory_space<hbm>>
      %dma_wait3A_1417 = arith.constant 0 : i32
      %dma_wait3A_1418 = tpu.memref_slice %arg15[%dma_wait3A_1411, %dma_wait3A_1417] : memref<1x80xi32, #tpu.memory_space<vmem>> -> memref<1x80xi32, #tpu.memory_space<vmem>>
      %dma_wait3A_1419 = tpu.memref_squeeze %dma_wait3A_1418 : memref<1x80xi32, #tpu.memory_space<vmem>> -> memref<80xi32, #tpu.memory_space<vmem>>
      %dma_wait3A_1420 = arith.constant 0 : i32
      %dma_wait3A_1421 = tpu.memref_slice %arg3[%dma_wait3A_1420] : memref<320000xi32, #tpu.memory_space<hbm>> -> memref<80xi32, #tpu.memory_space<hbm>>
      tpu.wait_dma2 semaphore(%arg23 : memref<!tpu.dma_semaphore, #tpu.memory_space<semaphore_mem>>) src(%dma_wait3A_1421 : memref<80xi32, #tpu.memory_space<hbm>>) dst(%dma_wait3A_1419 : memref<80xi32, #tpu.memory_space<vmem>>)
      %dma_start3A_1422 = arith.constant 0 : i32
      %dma_start3A_1423 = arith.constant 0 : i32
      %dma_start3A_1424 = tpu.memref_slice %arg11[%dma_start3A_1422, %dma_start3A_1423] : memref<1x80xi32, #tpu.memory_space<vmem>> -> memref<1x80xi32, #tpu.memory_space<vmem>>
      %dma_start3A_1425 = tpu.memref_squeeze %dma_start3A_1424 : memref<1x80xi32, #tpu.memory_space<vmem>> -> memref<80xi32, #tpu.memory_space<vmem>>
      %dma_start3A_1426 = arith.constant 0 : i32
      %dma_start3A_1427 = arith.constant 0 : i32
      %dma_start3A_1428 = tpu.memref_slice %arg2[%dma_start3A_1426, %dma_start3A_1427] : memref<10000x128xf32, #tpu.memory_space<hbm>> -> memref<10000x128xf32, #tpu.memory_space<hbm>>
      tpu.enqueue_indirect_dma source(%dma_start3A_1428 : memref<10000x128xf32, #tpu.memory_space<hbm>>) target(%arg18 : memref<80x128xf32, #tpu.memory_space<vmem>>) offsets(%dma_start3A_1425 : memref<80xi32, #tpu.memory_space<vmem>>) semaphore(%arg26 : memref<!tpu.dma_semaphore, #tpu.memory_space<semaphore_mem>>)
      %dma_wait3A_1429 = arith.constant 0 : i32
      %dma_wait3A_1430 = arith.constant 0 : i32
      %dma_wait3A_1431 = tpu.memref_slice %arg10[%dma_wait3A_1429, %dma_wait3A_1430] : memref<1x80xi32, #tpu.memory_space<vmem>> -> memref<1x80xi32, #tpu.memory_space<vmem>>
      %dma_wait3A_1432 = tpu.memref_squeeze %dma_wait3A_1431 : memref<1x80xi32, #tpu.memory_space<vmem>> -> memref<80xi32, #tpu.memory_space<vmem>>
      %dma_wait3A_1433 = arith.constant 0 : i32
      %dma_wait3A_1434 = arith.constant 0 : i32
      %dma_wait3A_1435 = tpu.memref_slice %arg2[%dma_wait3A_1433, %dma_wait3A_1434] : memref<10000x128xf32, #tpu.memory_space<hbm>> -> memref<10000x128xf32, #tpu.memory_space<hbm>>
      tpu.wait_indirect_dma semaphore(%arg25 : memref<!tpu.dma_semaphore, #tpu.memory_space<semaphore_mem>>) src(%dma_wait3A_1435 : memref<10000x128xf32, #tpu.memory_space<hbm>>) dst(%arg17 : memref<80x128xf32, #tpu.memory_space<vmem>>)
      %dma_start3A_1436 = arith.constant 0 : i32
      %dma_start3A_1437 = arith.constant 0 : i32
      %dma_start3A_1438 = tpu.memref_slice %arg14[%dma_start3A_1436, %dma_start3A_1437] : memref<1x80xi32, #tpu.memory_space<vmem>> -> memref<1x80xi32, #tpu.memory_space<vmem>>
      %dma_start3A_1439 = tpu.memref_squeeze %dma_start3A_1438 : memref<1x80xi32, #tpu.memory_space<vmem>> -> memref<80xi32, #tpu.memory_space<vmem>>
      %dma_start3A_1440 = arith.constant 0 : i32
      %dma_start3A_1441 = arith.constant 0 : i32
      %dma_start3A_1442 = tpu.memref_slice %arg20[%dma_start3A_1440, %dma_start3A_1441] : memref<10240x128xf32, #tpu.memory_space<vmem_shared>> -> memref<10240x128xf32, #tpu.memory_space<vmem_shared>>
      tpu.enqueue_indirect_dma source(%arg17 : memref<80x128xf32, #tpu.memory_space<vmem>>) target(%dma_start3A_1442 : memref<10240x128xf32, #tpu.memory_space<vmem_shared>>) offsets(%dma_start3A_1439 : memref<80xi32, #tpu.memory_space<vmem>>) semaphore(%arg28 : memref<!tpu.dma_semaphore, #tpu.memory_space<semaphore_mem>>) {add = true}
      %dma_wait3A_1443 = arith.constant 0 : i32
      %dma_wait3A_1444 = arith.constant 0 : i32
      %dma_wait3A_1445 = tpu.memref_slice %arg13[%dma_wait3A_1443, %dma_wait3A_1444] : memref<1x80xi32, #tpu.memory_space<vmem>> -> memref<1x80xi32, #tpu.memory_space<vmem>>
      %dma_wait3A_1446 = tpu.memref_squeeze %dma_wait3A_1445 : memref<1x80xi32, #tpu.memory_space<vmem>> -> memref<80xi32, #tpu.memory_space<vmem>>
      %dma_wait3A_1447 = arith.constant 0 : i32
      %dma_wait3A_1448 = arith.constant 0 : i32
      %dma_wait3A_1449 = tpu.memref_slice %arg20[%dma_wait3A_1447, %dma_wait3A_1448] : memref<10240x128xf32, #tpu.memory_space<vmem_shared>> -> memref<10240x128xf32, #tpu.memory_space<vmem_shared>>
      tpu.wait_indirect_dma semaphore(%arg30 : memref<!tpu.dma_semaphore, #tpu.memory_space<semaphore_mem>>) src(%arg19 : memref<80x128xf32, #tpu.memory_space<vmem>>) dst(%dma_wait3A_1449 : memref<10240x128xf32, #tpu.memory_space<vmem_shared>>)
      %add3A_1450 = arith.constant 3 : i32
      %add3A_1451 = arith.addi %add3A_1399, %add3A_1450 : i32
      %mul3A_1452 = arith.constant 80 : i32
      %mul3A_1453 = arith.muli %add3A_1451, %mul3A_1452 : i32
      %add3A_1454 = arith.addi %mul3A_2, %mul3A_1453 : i32
      %dma_start3A_1455 = arith.constant 0 : i32
      %dma_start3A_1456 = arith.constant 0 : i32
      %dma_start3A_1457 = tpu.memref_slice %arg9[%dma_start3A_1455, %dma_start3A_1456] : memref<1x80xi32, #tpu.memory_space<vmem>> -> memref<1x80xi32, #tpu.memory_space<vmem>>
      %dma_start3A_1458 = tpu.memref_squeeze %dma_start3A_1457 : memref<1x80xi32, #tpu.memory_space<vmem>> -> memref<80xi32, #tpu.memory_space<vmem>>
      %dma_start3A_1459 = tpu.memref_slice %arg4[%add3A_1454] : memref<320000xi32, #tpu.memory_space<hbm>> -> memref<80xi32, #tpu.memory_space<hbm>>
      %dma_start3A_1460 = arith.constant 0 : i32
      %dma_start3A_1461 = tpu.memref_slice %arg9[%dma_start3A_1455, %dma_start3A_1460] : memref<1x80xi32, #tpu.memory_space<vmem>> -> memref<1x80xi32, #tpu.memory_space<vmem>>
      %dma_start3A_1462 = tpu.memref_squeeze %dma_start3A_1461 : memref<1x80xi32, #tpu.memory_space<vmem>> -> memref<80xi32, #tpu.memory_space<vmem>>
      %dma_start3A_1463 = tpu.memref_slice %arg4[%add3A_1454] : memref<320000xi32, #tpu.memory_space<hbm>> -> memref<80xi32, #tpu.memory_space<hbm>>
      tpu.enqueue_dma source(%dma_start3A_1463 : memref<80xi32, #tpu.memory_space<hbm>>) target(%dma_start3A_1462 : memref<80xi32, #tpu.memory_space<vmem>>) target_semaphore(%arg21 : memref<!tpu.dma_semaphore, #tpu.memory_space<semaphore_mem>>)
      %dma_start3A_1464 = arith.constant 0 : i32
      %dma_start3A_1465 = arith.constant 0 : i32
      %dma_start3A_1466 = tpu.memref_slice %arg13[%dma_start3A_1464, %dma_start3A_1465] : memref<1x80xi32, #tpu.memory_space<vmem>> -> memref<1x80xi32, #tpu.memory_space<vmem>>
      %dma_start3A_1467 = tpu.memref_squeeze %dma_start3A_1466 : memref<1x80xi32, #tpu.memory_space<vmem>> -> memref<80xi32, #tpu.memory_space<vmem>>
      %dma_start3A_1468 = tpu.memref_slice %arg3[%add3A_1454] : memref<320000xi32, #tpu.memory_space<hbm>> -> memref<80xi32, #tpu.memory_space<hbm>>
      %dma_start3A_1469 = arith.constant 0 : i32
      %dma_start3A_1470 = tpu.memref_slice %arg13[%dma_start3A_1464, %dma_start3A_1469] : memref<1x80xi32, #tpu.memory_space<vmem>> -> memref<1x80xi32, #tpu.memory_space<vmem>>
      %dma_start3A_1471 = tpu.memref_squeeze %dma_start3A_1470 : memref<1x80xi32, #tpu.memory_space<vmem>> -> memref<80xi32, #tpu.memory_space<vmem>>
      %dma_start3A_1472 = tpu.memref_slice %arg3[%add3A_1454] : memref<320000xi32, #tpu.memory_space<hbm>> -> memref<80xi32, #tpu.memory_space<hbm>>
      tpu.enqueue_dma source(%dma_start3A_1472 : memref<80xi32, #tpu.memory_space<hbm>>) target(%dma_start3A_1471 : memref<80xi32, #tpu.memory_space<vmem>>) target_semaphore(%arg21 : memref<!tpu.dma_semaphore, #tpu.memory_space<semaphore_mem>>)
      %add3A_1473 = arith.constant 9 : i32
      %add3A_1474 = arith.addi %add3A_797, %add3A_1473 : i32
      %dma_wait3A_1475 = arith.constant 0 : i32
      %dma_wait3A_1476 = arith.constant 0 : i32
      %dma_wait3A_1477 = tpu.memref_slice %arg12[%dma_wait3A_1475, %dma_wait3A_1476] : memref<1x80xi32, #tpu.memory_space<vmem>> -> memref<1x80xi32, #tpu.memory_space<vmem>>
      %dma_wait3A_1478 = tpu.memref_squeeze %dma_wait3A_1477 : memref<1x80xi32, #tpu.memory_space<vmem>> -> memref<80xi32, #tpu.memory_space<vmem>>
      %dma_wait3A_1479 = arith.constant 0 : i32
      %dma_wait3A_1480 = tpu.memref_slice %arg4[%dma_wait3A_1479] : memref<320000xi32, #tpu.memory_space<hbm>> -> memref<80xi32, #tpu.memory_space<hbm>>
      %dma_wait3A_1481 = arith.constant 0 : i32
      %dma_wait3A_1482 = tpu.memref_slice %arg12[%dma_wait3A_1475, %dma_wait3A_1481] : memref<1x80xi32, #tpu.memory_space<vmem>> -> memref<1x80xi32, #tpu.memory_space<vmem>>
      %dma_wait3A_1483 = tpu.memref_squeeze %dma_wait3A_1482 : memref<1x80xi32, #tpu.memory_space<vmem>> -> memref<80xi32, #tpu.memory_space<vmem>>
      %dma_wait3A_1484 = arith.constant 0 : i32
      %dma_wait3A_1485 = tpu.memref_slice %arg4[%dma_wait3A_1484] : memref<320000xi32, #tpu.memory_space<hbm>> -> memref<80xi32, #tpu.memory_space<hbm>>
      tpu.wait_dma2 semaphore(%arg24 : memref<!tpu.dma_semaphore, #tpu.memory_space<semaphore_mem>>) src(%dma_wait3A_1485 : memref<80xi32, #tpu.memory_space<hbm>>) dst(%dma_wait3A_1483 : memref<80xi32, #tpu.memory_space<vmem>>)
      %dma_wait3A_1486 = arith.constant 0 : i32
      %dma_wait3A_1487 = arith.constant 0 : i32
      %dma_wait3A_1488 = tpu.memref_slice %arg16[%dma_wait3A_1486, %dma_wait3A_1487] : memref<1x80xi32, #tpu.memory_space<vmem>> -> memref<1x80xi32, #tpu.memory_space<vmem>>
      %dma_wait3A_1489 = tpu.memref_squeeze %dma_wait3A_1488 : memref<1x80xi32, #tpu.memory_space<vmem>> -> memref<80xi32, #tpu.memory_space<vmem>>
      %dma_wait3A_1490 = arith.constant 0 : i32
      %dma_wait3A_1491 = tpu.memref_slice %arg3[%dma_wait3A_1490] : memref<320000xi32, #tpu.memory_space<hbm>> -> memref<80xi32, #tpu.memory_space<hbm>>
      %dma_wait3A_1492 = arith.constant 0 : i32
      %dma_wait3A_1493 = tpu.memref_slice %arg16[%dma_wait3A_1486, %dma_wait3A_1492] : memref<1x80xi32, #tpu.memory_space<vmem>> -> memref<1x80xi32, #tpu.memory_space<vmem>>
      %dma_wait3A_1494 = tpu.memref_squeeze %dma_wait3A_1493 : memref<1x80xi32, #tpu.memory_space<vmem>> -> memref<80xi32, #tpu.memory_space<vmem>>
      %dma_wait3A_1495 = arith.constant 0 : i32
      %dma_wait3A_1496 = tpu.memref_slice %arg3[%dma_wait3A_1495] : memref<320000xi32, #tpu.memory_space<hbm>> -> memref<80xi32, #tpu.memory_space<hbm>>
      tpu.wait_dma2 semaphore(%arg24 : memref<!tpu.dma_semaphore, #tpu.memory_space<semaphore_mem>>) src(%dma_wait3A_1496 : memref<80xi32, #tpu.memory_space<hbm>>) dst(%dma_wait3A_1494 : memref<80xi32, #tpu.memory_space<vmem>>)
      %dma_start3A_1497 = arith.constant 0 : i32
      %dma_start3A_1498 = arith.constant 0 : i32
      %dma_start3A_1499 = tpu.memref_slice %arg12[%dma_start3A_1497, %dma_start3A_1498] : memref<1x80xi32, #tpu.memory_space<vmem>> -> memref<1x80xi32, #tpu.memory_space<vmem>>
      %dma_start3A_1500 = tpu.memref_squeeze %dma_start3A_1499 : memref<1x80xi32, #tpu.memory_space<vmem>> -> memref<80xi32, #tpu.memory_space<vmem>>
      %dma_start3A_1501 = arith.constant 0 : i32
      %dma_start3A_1502 = arith.constant 0 : i32
      %dma_start3A_1503 = tpu.memref_slice %arg2[%dma_start3A_1501, %dma_start3A_1502] : memref<10000x128xf32, #tpu.memory_space<hbm>> -> memref<10000x128xf32, #tpu.memory_space<hbm>>
      tpu.enqueue_indirect_dma source(%dma_start3A_1503 : memref<10000x128xf32, #tpu.memory_space<hbm>>) target(%arg19 : memref<80x128xf32, #tpu.memory_space<vmem>>) offsets(%dma_start3A_1500 : memref<80xi32, #tpu.memory_space<vmem>>) semaphore(%arg27 : memref<!tpu.dma_semaphore, #tpu.memory_space<semaphore_mem>>)
      %dma_wait3A_1504 = arith.constant 0 : i32
      %dma_wait3A_1505 = arith.constant 0 : i32
      %dma_wait3A_1506 = tpu.memref_slice %arg11[%dma_wait3A_1504, %dma_wait3A_1505] : memref<1x80xi32, #tpu.memory_space<vmem>> -> memref<1x80xi32, #tpu.memory_space<vmem>>
      %dma_wait3A_1507 = tpu.memref_squeeze %dma_wait3A_1506 : memref<1x80xi32, #tpu.memory_space<vmem>> -> memref<80xi32, #tpu.memory_space<vmem>>
      %dma_wait3A_1508 = arith.constant 0 : i32
      %dma_wait3A_1509 = arith.constant 0 : i32
      %dma_wait3A_1510 = tpu.memref_slice %arg2[%dma_wait3A_1508, %dma_wait3A_1509] : memref<10000x128xf32, #tpu.memory_space<hbm>> -> memref<10000x128xf32, #tpu.memory_space<hbm>>
      tpu.wait_indirect_dma semaphore(%arg26 : memref<!tpu.dma_semaphore, #tpu.memory_space<semaphore_mem>>) src(%dma_wait3A_1510 : memref<10000x128xf32, #tpu.memory_space<hbm>>) dst(%arg18 : memref<80x128xf32, #tpu.memory_space<vmem>>)
      %dma_start3A_1511 = arith.constant 0 : i32
      %dma_start3A_1512 = arith.constant 0 : i32
      %dma_start3A_1513 = tpu.memref_slice %arg15[%dma_start3A_1511, %dma_start3A_1512] : memref<1x80xi32, #tpu.memory_space<vmem>> -> memref<1x80xi32, #tpu.memory_space<vmem>>
      %dma_start3A_1514 = tpu.memref_squeeze %dma_start3A_1513 : memref<1x80xi32, #tpu.memory_space<vmem>> -> memref<80xi32, #tpu.memory_space<vmem>>
      %dma_start3A_1515 = arith.constant 0 : i32
      %dma_start3A_1516 = arith.constant 0 : i32
      %dma_start3A_1517 = tpu.memref_slice %arg20[%dma_start3A_1515, %dma_start3A_1516] : memref<10240x128xf32, #tpu.memory_space<vmem_shared>> -> memref<10240x128xf32, #tpu.memory_space<vmem_shared>>
      tpu.enqueue_indirect_dma source(%arg18 : memref<80x128xf32, #tpu.memory_space<vmem>>) target(%dma_start3A_1517 : memref<10240x128xf32, #tpu.memory_space<vmem_shared>>) offsets(%dma_start3A_1514 : memref<80xi32, #tpu.memory_space<vmem>>) semaphore(%arg29 : memref<!tpu.dma_semaphore, #tpu.memory_space<semaphore_mem>>) {add = true}
      %dma_wait3A_1518 = arith.constant 0 : i32
      %dma_wait3A_1519 = arith.constant 0 : i32
      %dma_wait3A_1520 = tpu.memref_slice %arg14[%dma_wait3A_1518, %dma_wait3A_1519] : memref<1x80xi32, #tpu.memory_space<vmem>> -> memref<1x80xi32, #tpu.memory_space<vmem>>
      %dma_wait3A_1521 = tpu.memref_squeeze %dma_wait3A_1520 : memref<1x80xi32, #tpu.memory_space<vmem>> -> memref<80xi32, #tpu.memory_space<vmem>>
      %dma_wait3A_1522 = arith.constant 0 : i32
      %dma_wait3A_1523 = arith.constant 0 : i32
      %dma_wait3A_1524 = tpu.memref_slice %arg20[%dma_wait3A_1522, %dma_wait3A_1523] : memref<10240x128xf32, #tpu.memory_space<vmem_shared>> -> memref<10240x128xf32, #tpu.memory_space<vmem_shared>>
      tpu.wait_indirect_dma semaphore(%arg28 : memref<!tpu.dma_semaphore, #tpu.memory_space<semaphore_mem>>) src(%arg17 : memref<80x128xf32, #tpu.memory_space<vmem>>) dst(%dma_wait3A_1524 : memref<10240x128xf32, #tpu.memory_space<vmem_shared>>)
      %add3A_1525 = arith.constant 3 : i32
      %add3A_1526 = arith.addi %add3A_1474, %add3A_1525 : i32
      %mul3A_1527 = arith.constant 80 : i32
      %mul3A_1528 = arith.muli %add3A_1526, %mul3A_1527 : i32
      %add3A_1529 = arith.addi %mul3A_2, %mul3A_1528 : i32
      %dma_start3A_1530 = arith.constant 0 : i32
      %dma_start3A_1531 = arith.constant 0 : i32
      %dma_start3A_1532 = tpu.memref_slice %arg10[%dma_start3A_1530, %dma_start3A_1531] : memref<1x80xi32, #tpu.memory_space<vmem>> -> memref<1x80xi32, #tpu.memory_space<vmem>>
      %dma_start3A_1533 = tpu.memref_squeeze %dma_start3A_1532 : memref<1x80xi32, #tpu.memory_space<vmem>> -> memref<80xi32, #tpu.memory_space<vmem>>
      %dma_start3A_1534 = tpu.memref_slice %arg4[%add3A_1529] : memref<320000xi32, #tpu.memory_space<hbm>> -> memref<80xi32, #tpu.memory_space<hbm>>
      %dma_start3A_1535 = arith.constant 0 : i32
      %dma_start3A_1536 = tpu.memref_slice %arg10[%dma_start3A_1530, %dma_start3A_1535] : memref<1x80xi32, #tpu.memory_space<vmem>> -> memref<1x80xi32, #tpu.memory_space<vmem>>
      %dma_start3A_1537 = tpu.memref_squeeze %dma_start3A_1536 : memref<1x80xi32, #tpu.memory_space<vmem>> -> memref<80xi32, #tpu.memory_space<vmem>>
      %dma_start3A_1538 = tpu.memref_slice %arg4[%add3A_1529] : memref<320000xi32, #tpu.memory_space<hbm>> -> memref<80xi32, #tpu.memory_space<hbm>>
      tpu.enqueue_dma source(%dma_start3A_1538 : memref<80xi32, #tpu.memory_space<hbm>>) target(%dma_start3A_1537 : memref<80xi32, #tpu.memory_space<vmem>>) target_semaphore(%arg22 : memref<!tpu.dma_semaphore, #tpu.memory_space<semaphore_mem>>)
      %dma_start3A_1539 = arith.constant 0 : i32
      %dma_start3A_1540 = arith.constant 0 : i32
      %dma_start3A_1541 = tpu.memref_slice %arg14[%dma_start3A_1539, %dma_start3A_1540] : memref<1x80xi32, #tpu.memory_space<vmem>> -> memref<1x80xi32, #tpu.memory_space<vmem>>
      %dma_start3A_1542 = tpu.memref_squeeze %dma_start3A_1541 : memref<1x80xi32, #tpu.memory_space<vmem>> -> memref<80xi32, #tpu.memory_space<vmem>>
      %dma_start3A_1543 = tpu.memref_slice %arg3[%add3A_1529] : memref<320000xi32, #tpu.memory_space<hbm>> -> memref<80xi32, #tpu.memory_space<hbm>>
      %dma_start3A_1544 = arith.constant 0 : i32
      %dma_start3A_1545 = tpu.memref_slice %arg14[%dma_start3A_1539, %dma_start3A_1544] : memref<1x80xi32, #tpu.memory_space<vmem>> -> memref<1x80xi32, #tpu.memory_space<vmem>>
      %dma_start3A_1546 = tpu.memref_squeeze %dma_start3A_1545 : memref<1x80xi32, #tpu.memory_space<vmem>> -> memref<80xi32, #tpu.memory_space<vmem>>
      %dma_start3A_1547 = tpu.memref_slice %arg3[%add3A_1529] : memref<320000xi32, #tpu.memory_space<hbm>> -> memref<80xi32, #tpu.memory_space<hbm>>
      tpu.enqueue_dma source(%dma_start3A_1547 : memref<80xi32, #tpu.memory_space<hbm>>) target(%dma_start3A_1546 : memref<80xi32, #tpu.memory_space<vmem>>) target_semaphore(%arg22 : memref<!tpu.dma_semaphore, #tpu.memory_space<semaphore_mem>>)
      %add3A_1548 = arith.constant 10 : i32
      %add3A_1549 = arith.addi %add3A_797, %add3A_1548 : i32
      %dma_wait3A_1550 = arith.constant 0 : i32
      %dma_wait3A_1551 = arith.constant 0 : i32
      %dma_wait3A_1552 = tpu.memref_slice %arg9[%dma_wait3A_1550, %dma_wait3A_1551] : memref<1x80xi32, #tpu.memory_space<vmem>> -> memref<1x80xi32, #tpu.memory_space<vmem>>
      %dma_wait3A_1553 = tpu.memref_squeeze %dma_wait3A_1552 : memref<1x80xi32, #tpu.memory_space<vmem>> -> memref<80xi32, #tpu.memory_space<vmem>>
      %dma_wait3A_1554 = arith.constant 0 : i32
      %dma_wait3A_1555 = tpu.memref_slice %arg4[%dma_wait3A_1554] : memref<320000xi32, #tpu.memory_space<hbm>> -> memref<80xi32, #tpu.memory_space<hbm>>
      %dma_wait3A_1556 = arith.constant 0 : i32
      %dma_wait3A_1557 = tpu.memref_slice %arg9[%dma_wait3A_1550, %dma_wait3A_1556] : memref<1x80xi32, #tpu.memory_space<vmem>> -> memref<1x80xi32, #tpu.memory_space<vmem>>
      %dma_wait3A_1558 = tpu.memref_squeeze %dma_wait3A_1557 : memref<1x80xi32, #tpu.memory_space<vmem>> -> memref<80xi32, #tpu.memory_space<vmem>>
      %dma_wait3A_1559 = arith.constant 0 : i32
      %dma_wait3A_1560 = tpu.memref_slice %arg4[%dma_wait3A_1559] : memref<320000xi32, #tpu.memory_space<hbm>> -> memref<80xi32, #tpu.memory_space<hbm>>
      tpu.wait_dma2 semaphore(%arg21 : memref<!tpu.dma_semaphore, #tpu.memory_space<semaphore_mem>>) src(%dma_wait3A_1560 : memref<80xi32, #tpu.memory_space<hbm>>) dst(%dma_wait3A_1558 : memref<80xi32, #tpu.memory_space<vmem>>)
      %dma_wait3A_1561 = arith.constant 0 : i32
      %dma_wait3A_1562 = arith.constant 0 : i32
      %dma_wait3A_1563 = tpu.memref_slice %arg13[%dma_wait3A_1561, %dma_wait3A_1562] : memref<1x80xi32, #tpu.memory_space<vmem>> -> memref<1x80xi32, #tpu.memory_space<vmem>>
      %dma_wait3A_1564 = tpu.memref_squeeze %dma_wait3A_1563 : memref<1x80xi32, #tpu.memory_space<vmem>> -> memref<80xi32, #tpu.memory_space<vmem>>
      %dma_wait3A_1565 = arith.constant 0 : i32
      %dma_wait3A_1566 = tpu.memref_slice %arg3[%dma_wait3A_1565] : memref<320000xi32, #tpu.memory_space<hbm>> -> memref<80xi32, #tpu.memory_space<hbm>>
      %dma_wait3A_1567 = arith.constant 0 : i32
      %dma_wait3A_1568 = tpu.memref_slice %arg13[%dma_wait3A_1561, %dma_wait3A_1567] : memref<1x80xi32, #tpu.memory_space<vmem>> -> memref<1x80xi32, #tpu.memory_space<vmem>>
      %dma_wait3A_1569 = tpu.memref_squeeze %dma_wait3A_1568 : memref<1x80xi32, #tpu.memory_space<vmem>> -> memref<80xi32, #tpu.memory_space<vmem>>
      %dma_wait3A_1570 = arith.constant 0 : i32
      %dma_wait3A_1571 = tpu.memref_slice %arg3[%dma_wait3A_1570] : memref<320000xi32, #tpu.memory_space<hbm>> -> memref<80xi32, #tpu.memory_space<hbm>>
      tpu.wait_dma2 semaphore(%arg21 : memref<!tpu.dma_semaphore, #tpu.memory_space<semaphore_mem>>) src(%dma_wait3A_1571 : memref<80xi32, #tpu.memory_space<hbm>>) dst(%dma_wait3A_1569 : memref<80xi32, #tpu.memory_space<vmem>>)
      %dma_start3A_1572 = arith.constant 0 : i32
      %dma_start3A_1573 = arith.constant 0 : i32
      %dma_start3A_1574 = tpu.memref_slice %arg9[%dma_start3A_1572, %dma_start3A_1573] : memref<1x80xi32, #tpu.memory_space<vmem>> -> memref<1x80xi32, #tpu.memory_space<vmem>>
      %dma_start3A_1575 = tpu.memref_squeeze %dma_start3A_1574 : memref<1x80xi32, #tpu.memory_space<vmem>> -> memref<80xi32, #tpu.memory_space<vmem>>
      %dma_start3A_1576 = arith.constant 0 : i32
      %dma_start3A_1577 = arith.constant 0 : i32
      %dma_start3A_1578 = tpu.memref_slice %arg2[%dma_start3A_1576, %dma_start3A_1577] : memref<10000x128xf32, #tpu.memory_space<hbm>> -> memref<10000x128xf32, #tpu.memory_space<hbm>>
      tpu.enqueue_indirect_dma source(%dma_start3A_1578 : memref<10000x128xf32, #tpu.memory_space<hbm>>) target(%arg17 : memref<80x128xf32, #tpu.memory_space<vmem>>) offsets(%dma_start3A_1575 : memref<80xi32, #tpu.memory_space<vmem>>) semaphore(%arg25 : memref<!tpu.dma_semaphore, #tpu.memory_space<semaphore_mem>>)
      %dma_wait3A_1579 = arith.constant 0 : i32
      %dma_wait3A_1580 = arith.constant 0 : i32
      %dma_wait3A_1581 = tpu.memref_slice %arg12[%dma_wait3A_1579, %dma_wait3A_1580] : memref<1x80xi32, #tpu.memory_space<vmem>> -> memref<1x80xi32, #tpu.memory_space<vmem>>
      %dma_wait3A_1582 = tpu.memref_squeeze %dma_wait3A_1581 : memref<1x80xi32, #tpu.memory_space<vmem>> -> memref<80xi32, #tpu.memory_space<vmem>>
      %dma_wait3A_1583 = arith.constant 0 : i32
      %dma_wait3A_1584 = arith.constant 0 : i32
      %dma_wait3A_1585 = tpu.memref_slice %arg2[%dma_wait3A_1583, %dma_wait3A_1584] : memref<10000x128xf32, #tpu.memory_space<hbm>> -> memref<10000x128xf32, #tpu.memory_space<hbm>>
      tpu.wait_indirect_dma semaphore(%arg27 : memref<!tpu.dma_semaphore, #tpu.memory_space<semaphore_mem>>) src(%dma_wait3A_1585 : memref<10000x128xf32, #tpu.memory_space<hbm>>) dst(%arg19 : memref<80x128xf32, #tpu.memory_space<vmem>>)
      %dma_start3A_1586 = arith.constant 0 : i32
      %dma_start3A_1587 = arith.constant 0 : i32
      %dma_start3A_1588 = tpu.memref_slice %arg16[%dma_start3A_1586, %dma_start3A_1587] : memref<1x80xi32, #tpu.memory_space<vmem>> -> memref<1x80xi32, #tpu.memory_space<vmem>>
      %dma_start3A_1589 = tpu.memref_squeeze %dma_start3A_1588 : memref<1x80xi32, #tpu.memory_space<vmem>> -> memref<80xi32, #tpu.memory_space<vmem>>
      %dma_start3A_1590 = arith.constant 0 : i32
      %dma_start3A_1591 = arith.constant 0 : i32
      %dma_start3A_1592 = tpu.memref_slice %arg20[%dma_start3A_1590, %dma_start3A_1591] : memref<10240x128xf32, #tpu.memory_space<vmem_shared>> -> memref<10240x128xf32, #tpu.memory_space<vmem_shared>>
      tpu.enqueue_indirect_dma source(%arg19 : memref<80x128xf32, #tpu.memory_space<vmem>>) target(%dma_start3A_1592 : memref<10240x128xf32, #tpu.memory_space<vmem_shared>>) offsets(%dma_start3A_1589 : memref<80xi32, #tpu.memory_space<vmem>>) semaphore(%arg30 : memref<!tpu.dma_semaphore, #tpu.memory_space<semaphore_mem>>) {add = true}
      %dma_wait3A_1593 = arith.constant 0 : i32
      %dma_wait3A_1594 = arith.constant 0 : i32
      %dma_wait3A_1595 = tpu.memref_slice %arg15[%dma_wait3A_1593, %dma_wait3A_1594] : memref<1x80xi32, #tpu.memory_space<vmem>> -> memref<1x80xi32, #tpu.memory_space<vmem>>
      %dma_wait3A_1596 = tpu.memref_squeeze %dma_wait3A_1595 : memref<1x80xi32, #tpu.memory_space<vmem>> -> memref<80xi32, #tpu.memory_space<vmem>>
      %dma_wait3A_1597 = arith.constant 0 : i32
      %dma_wait3A_1598 = arith.constant 0 : i32
      %dma_wait3A_1599 = tpu.memref_slice %arg20[%dma_wait3A_1597, %dma_wait3A_1598] : memref<10240x128xf32, #tpu.memory_space<vmem_shared>> -> memref<10240x128xf32, #tpu.memory_space<vmem_shared>>
      tpu.wait_indirect_dma semaphore(%arg29 : memref<!tpu.dma_semaphore, #tpu.memory_space<semaphore_mem>>) src(%arg18 : memref<80x128xf32, #tpu.memory_space<vmem>>) dst(%dma_wait3A_1599 : memref<10240x128xf32, #tpu.memory_space<vmem_shared>>)
      %add3A_1600 = arith.constant 3 : i32
      %add3A_1601 = arith.addi %add3A_1549, %add3A_1600 : i32
      %mul3A_1602 = arith.constant 80 : i32
      %mul3A_1603 = arith.muli %add3A_1601, %mul3A_1602 : i32
      %add3A_1604 = arith.addi %mul3A_2, %mul3A_1603 : i32
      %dma_start3A_1605 = arith.constant 0 : i32
      %dma_start3A_1606 = arith.constant 0 : i32
      %dma_start3A_1607 = tpu.memref_slice %arg11[%dma_start3A_1605, %dma_start3A_1606] : memref<1x80xi32, #tpu.memory_space<vmem>> -> memref<1x80xi32, #tpu.memory_space<vmem>>
      %dma_start3A_1608 = tpu.memref_squeeze %dma_start3A_1607 : memref<1x80xi32, #tpu.memory_space<vmem>> -> memref<80xi32, #tpu.memory_space<vmem>>
      %dma_start3A_1609 = tpu.memref_slice %arg4[%add3A_1604] : memref<320000xi32, #tpu.memory_space<hbm>> -> memref<80xi32, #tpu.memory_space<hbm>>
      %dma_start3A_1610 = arith.constant 0 : i32
      %dma_start3A_1611 = tpu.memref_slice %arg11[%dma_start3A_1605, %dma_start3A_1610] : memref<1x80xi32, #tpu.memory_space<vmem>> -> memref<1x80xi32, #tpu.memory_space<vmem>>
      %dma_start3A_1612 = tpu.memref_squeeze %dma_start3A_1611 : memref<1x80xi32, #tpu.memory_space<vmem>> -> memref<80xi32, #tpu.memory_space<vmem>>
      %dma_start3A_1613 = tpu.memref_slice %arg4[%add3A_1604] : memref<320000xi32, #tpu.memory_space<hbm>> -> memref<80xi32, #tpu.memory_space<hbm>>
      tpu.enqueue_dma source(%dma_start3A_1613 : memref<80xi32, #tpu.memory_space<hbm>>) target(%dma_start3A_1612 : memref<80xi32, #tpu.memory_space<vmem>>) target_semaphore(%arg23 : memref<!tpu.dma_semaphore, #tpu.memory_space<semaphore_mem>>)
      %dma_start3A_1614 = arith.constant 0 : i32
      %dma_start3A_1615 = arith.constant 0 : i32
      %dma_start3A_1616 = tpu.memref_slice %arg15[%dma_start3A_1614, %dma_start3A_1615] : memref<1x80xi32, #tpu.memory_space<vmem>> -> memref<1x80xi32, #tpu.memory_space<vmem>>
      %dma_start3A_1617 = tpu.memref_squeeze %dma_start3A_1616 : memref<1x80xi32, #tpu.memory_space<vmem>> -> memref<80xi32, #tpu.memory_space<vmem>>
      %dma_start3A_1618 = tpu.memref_slice %arg3[%add3A_1604] : memref<320000xi32, #tpu.memory_space<hbm>> -> memref<80xi32, #tpu.memory_space<hbm>>
      %dma_start3A_1619 = arith.constant 0 : i32
      %dma_start3A_1620 = tpu.memref_slice %arg15[%dma_start3A_1614, %dma_start3A_1619] : memref<1x80xi32, #tpu.memory_space<vmem>> -> memref<1x80xi32, #tpu.memory_space<vmem>>
      %dma_start3A_1621 = tpu.memref_squeeze %dma_start3A_1620 : memref<1x80xi32, #tpu.memory_space<vmem>> -> memref<80xi32, #tpu.memory_space<vmem>>
      %dma_start3A_1622 = tpu.memref_slice %arg3[%add3A_1604] : memref<320000xi32, #tpu.memory_space<hbm>> -> memref<80xi32, #tpu.memory_space<hbm>>
      tpu.enqueue_dma source(%dma_start3A_1622 : memref<80xi32, #tpu.memory_space<hbm>>) target(%dma_start3A_1621 : memref<80xi32, #tpu.memory_space<vmem>>) target_semaphore(%arg23 : memref<!tpu.dma_semaphore, #tpu.memory_space<semaphore_mem>>)
      %add3A_1623 = arith.constant 11 : i32
      %add3A_1624 = arith.addi %add3A_797, %add3A_1623 : i32
      %dma_wait3A_1625 = arith.constant 0 : i32
      %dma_wait3A_1626 = arith.constant 0 : i32
      %dma_wait3A_1627 = tpu.memref_slice %arg10[%dma_wait3A_1625, %dma_wait3A_1626] : memref<1x80xi32, #tpu.memory_space<vmem>> -> memref<1x80xi32, #tpu.memory_space<vmem>>
      %dma_wait3A_1628 = tpu.memref_squeeze %dma_wait3A_1627 : memref<1x80xi32, #tpu.memory_space<vmem>> -> memref<80xi32, #tpu.memory_space<vmem>>
      %dma_wait3A_1629 = arith.constant 0 : i32
      %dma_wait3A_1630 = tpu.memref_slice %arg4[%dma_wait3A_1629] : memref<320000xi32, #tpu.memory_space<hbm>> -> memref<80xi32, #tpu.memory_space<hbm>>
      %dma_wait3A_1631 = arith.constant 0 : i32
      %dma_wait3A_1632 = tpu.memref_slice %arg10[%dma_wait3A_1625, %dma_wait3A_1631] : memref<1x80xi32, #tpu.memory_space<vmem>> -> memref<1x80xi32, #tpu.memory_space<vmem>>
      %dma_wait3A_1633 = tpu.memref_squeeze %dma_wait3A_1632 : memref<1x80xi32, #tpu.memory_space<vmem>> -> memref<80xi32, #tpu.memory_space<vmem>>
      %dma_wait3A_1634 = arith.constant 0 : i32
      %dma_wait3A_1635 = tpu.memref_slice %arg4[%dma_wait3A_1634] : memref<320000xi32, #tpu.memory_space<hbm>> -> memref<80xi32, #tpu.memory_space<hbm>>
      tpu.wait_dma2 semaphore(%arg22 : memref<!tpu.dma_semaphore, #tpu.memory_space<semaphore_mem>>) src(%dma_wait3A_1635 : memref<80xi32, #tpu.memory_space<hbm>>) dst(%dma_wait3A_1633 : memref<80xi32, #tpu.memory_space<vmem>>)
      %dma_wait3A_1636 = arith.constant 0 : i32
      %dma_wait3A_1637 = arith.constant 0 : i32
      %dma_wait3A_1638 = tpu.memref_slice %arg14[%dma_wait3A_1636, %dma_wait3A_1637] : memref<1x80xi32, #tpu.memory_space<vmem>> -> memref<1x80xi32, #tpu.memory_space<vmem>>
      %dma_wait3A_1639 = tpu.memref_squeeze %dma_wait3A_1638 : memref<1x80xi32, #tpu.memory_space<vmem>> -> memref<80xi32, #tpu.memory_space<vmem>>
      %dma_wait3A_1640 = arith.constant 0 : i32
      %dma_wait3A_1641 = tpu.memref_slice %arg3[%dma_wait3A_1640] : memref<320000xi32, #tpu.memory_space<hbm>> -> memref<80xi32, #tpu.memory_space<hbm>>
      %dma_wait3A_1642 = arith.constant 0 : i32
      %dma_wait3A_1643 = tpu.memref_slice %arg14[%dma_wait3A_1636, %dma_wait3A_1642] : memref<1x80xi32, #tpu.memory_space<vmem>> -> memref<1x80xi32, #tpu.memory_space<vmem>>
      %dma_wait3A_1644 = tpu.memref_squeeze %dma_wait3A_1643 : memref<1x80xi32, #tpu.memory_space<vmem>> -> memref<80xi32, #tpu.memory_space<vmem>>
      %dma_wait3A_1645 = arith.constant 0 : i32
      %dma_wait3A_1646 = tpu.memref_slice %arg3[%dma_wait3A_1645] : memref<320000xi32, #tpu.memory_space<hbm>> -> memref<80xi32, #tpu.memory_space<hbm>>
      tpu.wait_dma2 semaphore(%arg22 : memref<!tpu.dma_semaphore, #tpu.memory_space<semaphore_mem>>) src(%dma_wait3A_1646 : memref<80xi32, #tpu.memory_space<hbm>>) dst(%dma_wait3A_1644 : memref<80xi32, #tpu.memory_space<vmem>>)
      %dma_start3A_1647 = arith.constant 0 : i32
      %dma_start3A_1648 = arith.constant 0 : i32
      %dma_start3A_1649 = tpu.memref_slice %arg10[%dma_start3A_1647, %dma_start3A_1648] : memref<1x80xi32, #tpu.memory_space<vmem>> -> memref<1x80xi32, #tpu.memory_space<vmem>>
      %dma_start3A_1650 = tpu.memref_squeeze %dma_start3A_1649 : memref<1x80xi32, #tpu.memory_space<vmem>> -> memref<80xi32, #tpu.memory_space<vmem>>
      %dma_start3A_1651 = arith.constant 0 : i32
      %dma_start3A_1652 = arith.constant 0 : i32
      %dma_start3A_1653 = tpu.memref_slice %arg2[%dma_start3A_1651, %dma_start3A_1652] : memref<10000x128xf32, #tpu.memory_space<hbm>> -> memref<10000x128xf32, #tpu.memory_space<hbm>>
      tpu.enqueue_indirect_dma source(%dma_start3A_1653 : memref<10000x128xf32, #tpu.memory_space<hbm>>) target(%arg18 : memref<80x128xf32, #tpu.memory_space<vmem>>) offsets(%dma_start3A_1650 : memref<80xi32, #tpu.memory_space<vmem>>) semaphore(%arg26 : memref<!tpu.dma_semaphore, #tpu.memory_space<semaphore_mem>>)
      %dma_wait3A_1654 = arith.constant 0 : i32
      %dma_wait3A_1655 = arith.constant 0 : i32
      %dma_wait3A_1656 = tpu.memref_slice %arg9[%dma_wait3A_1654, %dma_wait3A_1655] : memref<1x80xi32, #tpu.memory_space<vmem>> -> memref<1x80xi32, #tpu.memory_space<vmem>>
      %dma_wait3A_1657 = tpu.memref_squeeze %dma_wait3A_1656 : memref<1x80xi32, #tpu.memory_space<vmem>> -> memref<80xi32, #tpu.memory_space<vmem>>
      %dma_wait3A_1658 = arith.constant 0 : i32
      %dma_wait3A_1659 = arith.constant 0 : i32
      %dma_wait3A_1660 = tpu.memref_slice %arg2[%dma_wait3A_1658, %dma_wait3A_1659] : memref<10000x128xf32, #tpu.memory_space<hbm>> -> memref<10000x128xf32, #tpu.memory_space<hbm>>
      tpu.wait_indirect_dma semaphore(%arg25 : memref<!tpu.dma_semaphore, #tpu.memory_space<semaphore_mem>>) src(%dma_wait3A_1660 : memref<10000x128xf32, #tpu.memory_space<hbm>>) dst(%arg17 : memref<80x128xf32, #tpu.memory_space<vmem>>)
      %dma_start3A_1661 = arith.constant 0 : i32
      %dma_start3A_1662 = arith.constant 0 : i32
      %dma_start3A_1663 = tpu.memref_slice %arg13[%dma_start3A_1661, %dma_start3A_1662] : memref<1x80xi32, #tpu.memory_space<vmem>> -> memref<1x80xi32, #tpu.memory_space<vmem>>
      %dma_start3A_1664 = tpu.memref_squeeze %dma_start3A_1663 : memref<1x80xi32, #tpu.memory_space<vmem>> -> memref<80xi32, #tpu.memory_space<vmem>>
      %dma_start3A_1665 = arith.constant 0 : i32
      %dma_start3A_1666 = arith.constant 0 : i32
      %dma_start3A_1667 = tpu.memref_slice %arg20[%dma_start3A_1665, %dma_start3A_1666] : memref<10240x128xf32, #tpu.memory_space<vmem_shared>> -> memref<10240x128xf32, #tpu.memory_space<vmem_shared>>
      tpu.enqueue_indirect_dma source(%arg17 : memref<80x128xf32, #tpu.memory_space<vmem>>) target(%dma_start3A_1667 : memref<10240x128xf32, #tpu.memory_space<vmem_shared>>) offsets(%dma_start3A_1664 : memref<80xi32, #tpu.memory_space<vmem>>) semaphore(%arg28 : memref<!tpu.dma_semaphore, #tpu.memory_space<semaphore_mem>>) {add = true}
      %dma_wait3A_1668 = arith.constant 0 : i32
      %dma_wait3A_1669 = arith.constant 0 : i32
      %dma_wait3A_1670 = tpu.memref_slice %arg16[%dma_wait3A_1668, %dma_wait3A_1669] : memref<1x80xi32, #tpu.memory_space<vmem>> -> memref<1x80xi32, #tpu.memory_space<vmem>>
      %dma_wait3A_1671 = tpu.memref_squeeze %dma_wait3A_1670 : memref<1x80xi32, #tpu.memory_space<vmem>> -> memref<80xi32, #tpu.memory_space<vmem>>
      %dma_wait3A_1672 = arith.constant 0 : i32
      %dma_wait3A_1673 = arith.constant 0 : i32
      %dma_wait3A_1674 = tpu.memref_slice %arg20[%dma_wait3A_1672, %dma_wait3A_1673] : memref<10240x128xf32, #tpu.memory_space<vmem_shared>> -> memref<10240x128xf32, #tpu.memory_space<vmem_shared>>
      tpu.wait_indirect_dma semaphore(%arg30 : memref<!tpu.dma_semaphore, #tpu.memory_space<semaphore_mem>>) src(%arg19 : memref<80x128xf32, #tpu.memory_space<vmem>>) dst(%dma_wait3A_1674 : memref<10240x128xf32, #tpu.memory_space<vmem_shared>>)
      %add3A_1675 = arith.constant 3 : i32
      %add3A_1676 = arith.addi %add3A_1624, %add3A_1675 : i32
      %mul3A_1677 = arith.constant 80 : i32
      %mul3A_1678 = arith.muli %add3A_1676, %mul3A_1677 : i32
      %add3A_1679 = arith.addi %mul3A_2, %mul3A_1678 : i32
      %dma_start3A_1680 = arith.constant 0 : i32
      %dma_start3A_1681 = arith.constant 0 : i32
      %dma_start3A_1682 = tpu.memref_slice %arg12[%dma_start3A_1680, %dma_start3A_1681] : memref<1x80xi32, #tpu.memory_space<vmem>> -> memref<1x80xi32, #tpu.memory_space<vmem>>
      %dma_start3A_1683 = tpu.memref_squeeze %dma_start3A_1682 : memref<1x80xi32, #tpu.memory_space<vmem>> -> memref<80xi32, #tpu.memory_space<vmem>>
      %dma_start3A_1684 = tpu.memref_slice %arg4[%add3A_1679] : memref<320000xi32, #tpu.memory_space<hbm>> -> memref<80xi32, #tpu.memory_space<hbm>>
      %dma_start3A_1685 = arith.constant 0 : i32
      %dma_start3A_1686 = tpu.memref_slice %arg12[%dma_start3A_1680, %dma_start3A_1685] : memref<1x80xi32, #tpu.memory_space<vmem>> -> memref<1x80xi32, #tpu.memory_space<vmem>>
      %dma_start3A_1687 = tpu.memref_squeeze %dma_start3A_1686 : memref<1x80xi32, #tpu.memory_space<vmem>> -> memref<80xi32, #tpu.memory_space<vmem>>
      %dma_start3A_1688 = tpu.memref_slice %arg4[%add3A_1679] : memref<320000xi32, #tpu.memory_space<hbm>> -> memref<80xi32, #tpu.memory_space<hbm>>
      tpu.enqueue_dma source(%dma_start3A_1688 : memref<80xi32, #tpu.memory_space<hbm>>) target(%dma_start3A_1687 : memref<80xi32, #tpu.memory_space<vmem>>) target_semaphore(%arg24 : memref<!tpu.dma_semaphore, #tpu.memory_space<semaphore_mem>>)
      %dma_start3A_1689 = arith.constant 0 : i32
      %dma_start3A_1690 = arith.constant 0 : i32
      %dma_start3A_1691 = tpu.memref_slice %arg16[%dma_start3A_1689, %dma_start3A_1690] : memref<1x80xi32, #tpu.memory_space<vmem>> -> memref<1x80xi32, #tpu.memory_space<vmem>>
      %dma_start3A_1692 = tpu.memref_squeeze %dma_start3A_1691 : memref<1x80xi32, #tpu.memory_space<vmem>> -> memref<80xi32, #tpu.memory_space<vmem>>
      %dma_start3A_1693 = tpu.memref_slice %arg3[%add3A_1679] : memref<320000xi32, #tpu.memory_space<hbm>> -> memref<80xi32, #tpu.memory_space<hbm>>
      %dma_start3A_1694 = arith.constant 0 : i32
      %dma_start3A_1695 = tpu.memref_slice %arg16[%dma_start3A_1689, %dma_start3A_1694] : memref<1x80xi32, #tpu.memory_space<vmem>> -> memref<1x80xi32, #tpu.memory_space<vmem>>
      %dma_start3A_1696 = tpu.memref_squeeze %dma_start3A_1695 : memref<1x80xi32, #tpu.memory_space<vmem>> -> memref<80xi32, #tpu.memory_space<vmem>>
      %dma_start3A_1697 = tpu.memref_slice %arg3[%add3A_1679] : memref<320000xi32, #tpu.memory_space<hbm>> -> memref<80xi32, #tpu.memory_space<hbm>>
      tpu.enqueue_dma source(%dma_start3A_1697 : memref<80xi32, #tpu.memory_space<hbm>>) target(%dma_start3A_1696 : memref<80xi32, #tpu.memory_space<vmem>>) target_semaphore(%arg24 : memref<!tpu.dma_semaphore, #tpu.memory_space<semaphore_mem>>)
    }
    %scan3A_168 = arith.constant 10 : i32
    %dma_wait3A_169 = arith.constant 0 : i32
    %dma_wait3A_170 = arith.constant 0 : i32
    %dma_wait3A_171 = tpu.memref_slice %arg11[%dma_wait3A_169, %dma_wait3A_170] : memref<1x80xi32, #tpu.memory_space<vmem>> -> memref<1x80xi32, #tpu.memory_space<vmem>>
    %dma_wait3A_172 = tpu.memref_squeeze %dma_wait3A_171 : memref<1x80xi32, #tpu.memory_space<vmem>> -> memref<80xi32, #tpu.memory_space<vmem>>
    %dma_wait3A_173 = arith.constant 0 : i32
    %dma_wait3A_174 = tpu.memref_slice %arg4[%dma_wait3A_173] : memref<320000xi32, #tpu.memory_space<hbm>> -> memref<80xi32, #tpu.memory_space<hbm>>
    %dma_wait3A_175 = arith.constant 0 : i32
    %dma_wait3A_176 = tpu.memref_slice %arg11[%dma_wait3A_169, %dma_wait3A_175] : memref<1x80xi32, #tpu.memory_space<vmem>> -> memref<1x80xi32, #tpu.memory_space<vmem>>
    %dma_wait3A_177 = tpu.memref_squeeze %dma_wait3A_176 : memref<1x80xi32, #tpu.memory_space<vmem>> -> memref<80xi32, #tpu.memory_space<vmem>>
    %dma_wait3A_178 = arith.constant 0 : i32
    %dma_wait3A_179 = tpu.memref_slice %arg4[%dma_wait3A_178] : memref<320000xi32, #tpu.memory_space<hbm>> -> memref<80xi32, #tpu.memory_space<hbm>>
    tpu.wait_dma2 semaphore(%arg23 : memref<!tpu.dma_semaphore, #tpu.memory_space<semaphore_mem>>) src(%dma_wait3A_179 : memref<80xi32, #tpu.memory_space<hbm>>) dst(%dma_wait3A_177 : memref<80xi32, #tpu.memory_space<vmem>>)
    %dma_wait3A_180 = arith.constant 0 : i32
    %dma_wait3A_181 = arith.constant 0 : i32
    %dma_wait3A_182 = tpu.memref_slice %arg15[%dma_wait3A_180, %dma_wait3A_181] : memref<1x80xi32, #tpu.memory_space<vmem>> -> memref<1x80xi32, #tpu.memory_space<vmem>>
    %dma_wait3A_183 = tpu.memref_squeeze %dma_wait3A_182 : memref<1x80xi32, #tpu.memory_space<vmem>> -> memref<80xi32, #tpu.memory_space<vmem>>
    %dma_wait3A_184 = arith.constant 0 : i32
    %dma_wait3A_185 = tpu.memref_slice %arg3[%dma_wait3A_184] : memref<320000xi32, #tpu.memory_space<hbm>> -> memref<80xi32, #tpu.memory_space<hbm>>
    %dma_wait3A_186 = arith.constant 0 : i32
    %dma_wait3A_187 = tpu.memref_slice %arg15[%dma_wait3A_180, %dma_wait3A_186] : memref<1x80xi32, #tpu.memory_space<vmem>> -> memref<1x80xi32, #tpu.memory_space<vmem>>
    %dma_wait3A_188 = tpu.memref_squeeze %dma_wait3A_187 : memref<1x80xi32, #tpu.memory_space<vmem>> -> memref<80xi32, #tpu.memory_space<vmem>>
    %dma_wait3A_189 = arith.constant 0 : i32
    %dma_wait3A_190 = tpu.memref_slice %arg3[%dma_wait3A_189] : memref<320000xi32, #tpu.memory_space<hbm>> -> memref<80xi32, #tpu.memory_space<hbm>>
    tpu.wait_dma2 semaphore(%arg23 : memref<!tpu.dma_semaphore, #tpu.memory_space<semaphore_mem>>) src(%dma_wait3A_190 : memref<80xi32, #tpu.memory_space<hbm>>) dst(%dma_wait3A_188 : memref<80xi32, #tpu.memory_space<vmem>>)
    %dma_start3A_191 = arith.constant 0 : i32
    %dma_start3A_192 = arith.constant 0 : i32
    %dma_start3A_193 = tpu.memref_slice %arg11[%dma_start3A_191, %dma_start3A_192] : memref<1x80xi32, #tpu.memory_space<vmem>> -> memref<1x80xi32, #tpu.memory_space<vmem>>
    %dma_start3A_194 = tpu.memref_squeeze %dma_start3A_193 : memref<1x80xi32, #tpu.memory_space<vmem>> -> memref<80xi32, #tpu.memory_space<vmem>>
    %dma_start3A_195 = arith.constant 0 : i32
    %dma_start3A_196 = arith.constant 0 : i32
    %dma_start3A_197 = tpu.memref_slice %arg2[%dma_start3A_195, %dma_start3A_196] : memref<10000x128xf32, #tpu.memory_space<hbm>> -> memref<10000x128xf32, #tpu.memory_space<hbm>>
    tpu.enqueue_indirect_dma source(%dma_start3A_197 : memref<10000x128xf32, #tpu.memory_space<hbm>>) target(%arg19 : memref<80x128xf32, #tpu.memory_space<vmem>>) offsets(%dma_start3A_194 : memref<80xi32, #tpu.memory_space<vmem>>) semaphore(%arg27 : memref<!tpu.dma_semaphore, #tpu.memory_space<semaphore_mem>>)
    %dma_wait3A_198 = arith.constant 0 : i32
    %dma_wait3A_199 = arith.constant 0 : i32
    %dma_wait3A_200 = tpu.memref_slice %arg10[%dma_wait3A_198, %dma_wait3A_199] : memref<1x80xi32, #tpu.memory_space<vmem>> -> memref<1x80xi32, #tpu.memory_space<vmem>>
    %dma_wait3A_201 = tpu.memref_squeeze %dma_wait3A_200 : memref<1x80xi32, #tpu.memory_space<vmem>> -> memref<80xi32, #tpu.memory_space<vmem>>
    %dma_wait3A_202 = arith.constant 0 : i32
    %dma_wait3A_203 = arith.constant 0 : i32
    %dma_wait3A_204 = tpu.memref_slice %arg2[%dma_wait3A_202, %dma_wait3A_203] : memref<10000x128xf32, #tpu.memory_space<hbm>> -> memref<10000x128xf32, #tpu.memory_space<hbm>>
    tpu.wait_indirect_dma semaphore(%arg26 : memref<!tpu.dma_semaphore, #tpu.memory_space<semaphore_mem>>) src(%dma_wait3A_204 : memref<10000x128xf32, #tpu.memory_space<hbm>>) dst(%arg18 : memref<80x128xf32, #tpu.memory_space<vmem>>)
    %dma_start3A_205 = arith.constant 0 : i32
    %dma_start3A_206 = arith.constant 0 : i32
    %dma_start3A_207 = tpu.memref_slice %arg14[%dma_start3A_205, %dma_start3A_206] : memref<1x80xi32, #tpu.memory_space<vmem>> -> memref<1x80xi32, #tpu.memory_space<vmem>>
    %dma_start3A_208 = tpu.memref_squeeze %dma_start3A_207 : memref<1x80xi32, #tpu.memory_space<vmem>> -> memref<80xi32, #tpu.memory_space<vmem>>
    %dma_start3A_209 = arith.constant 0 : i32
    %dma_start3A_210 = arith.constant 0 : i32
    %dma_start3A_211 = tpu.memref_slice %arg20[%dma_start3A_209, %dma_start3A_210] : memref<10240x128xf32, #tpu.memory_space<vmem_shared>> -> memref<10240x128xf32, #tpu.memory_space<vmem_shared>>
    tpu.enqueue_indirect_dma source(%arg18 : memref<80x128xf32, #tpu.memory_space<vmem>>) target(%dma_start3A_211 : memref<10240x128xf32, #tpu.memory_space<vmem_shared>>) offsets(%dma_start3A_208 : memref<80xi32, #tpu.memory_space<vmem>>) semaphore(%arg29 : memref<!tpu.dma_semaphore, #tpu.memory_space<semaphore_mem>>) {add = true}
    %dma_wait3A_212 = arith.constant 0 : i32
    %dma_wait3A_213 = arith.constant 0 : i32
    %dma_wait3A_214 = tpu.memref_slice %arg13[%dma_wait3A_212, %dma_wait3A_213] : memref<1x80xi32, #tpu.memory_space<vmem>> -> memref<1x80xi32, #tpu.memory_space<vmem>>
    %dma_wait3A_215 = tpu.memref_squeeze %dma_wait3A_214 : memref<1x80xi32, #tpu.memory_space<vmem>> -> memref<80xi32, #tpu.memory_space<vmem>>
    %dma_wait3A_216 = arith.constant 0 : i32
    %dma_wait3A_217 = arith.constant 0 : i32
    %dma_wait3A_218 = tpu.memref_slice %arg20[%dma_wait3A_216, %dma_wait3A_217] : memref<10240x128xf32, #tpu.memory_space<vmem_shared>> -> memref<10240x128xf32, #tpu.memory_space<vmem_shared>>
    tpu.wait_indirect_dma semaphore(%arg28 : memref<!tpu.dma_semaphore, #tpu.memory_space<semaphore_mem>>) src(%arg17 : memref<80x128xf32, #tpu.memory_space<vmem>>) dst(%dma_wait3A_218 : memref<10240x128xf32, #tpu.memory_space<vmem_shared>>)
    %add3A_219 = arith.constant 9920 : i32
    %add3A_220 = arith.addi %mul3A_2, %add3A_219 : i32
    %dma_start3A_221 = arith.constant 0 : i32
    %dma_start3A_222 = arith.constant 0 : i32
    %dma_start3A_223 = tpu.memref_slice %arg9[%dma_start3A_221, %dma_start3A_222] : memref<1x80xi32, #tpu.memory_space<vmem>> -> memref<1x80xi32, #tpu.memory_space<vmem>>
    %dma_start3A_224 = tpu.memref_squeeze %dma_start3A_223 : memref<1x80xi32, #tpu.memory_space<vmem>> -> memref<80xi32, #tpu.memory_space<vmem>>
    %dma_start3A_225 = tpu.memref_slice %arg4[%add3A_220] : memref<320000xi32, #tpu.memory_space<hbm>> -> memref<80xi32, #tpu.memory_space<hbm>>
    %dma_start3A_226 = arith.constant 0 : i32
    %dma_start3A_227 = tpu.memref_slice %arg9[%dma_start3A_221, %dma_start3A_226] : memref<1x80xi32, #tpu.memory_space<vmem>> -> memref<1x80xi32, #tpu.memory_space<vmem>>
    %dma_start3A_228 = tpu.memref_squeeze %dma_start3A_227 : memref<1x80xi32, #tpu.memory_space<vmem>> -> memref<80xi32, #tpu.memory_space<vmem>>
    %dma_start3A_229 = tpu.memref_slice %arg4[%add3A_220] : memref<320000xi32, #tpu.memory_space<hbm>> -> memref<80xi32, #tpu.memory_space<hbm>>
    tpu.enqueue_dma source(%dma_start3A_229 : memref<80xi32, #tpu.memory_space<hbm>>) target(%dma_start3A_228 : memref<80xi32, #tpu.memory_space<vmem>>) target_semaphore(%arg21 : memref<!tpu.dma_semaphore, #tpu.memory_space<semaphore_mem>>)
    %dma_start3A_230 = arith.constant 0 : i32
    %dma_start3A_231 = arith.constant 0 : i32
    %dma_start3A_232 = tpu.memref_slice %arg13[%dma_start3A_230, %dma_start3A_231] : memref<1x80xi32, #tpu.memory_space<vmem>> -> memref<1x80xi32, #tpu.memory_space<vmem>>
    %dma_start3A_233 = tpu.memref_squeeze %dma_start3A_232 : memref<1x80xi32, #tpu.memory_space<vmem>> -> memref<80xi32, #tpu.memory_space<vmem>>
    %dma_start3A_234 = tpu.memref_slice %arg3[%add3A_220] : memref<320000xi32, #tpu.memory_space<hbm>> -> memref<80xi32, #tpu.memory_space<hbm>>
    %dma_start3A_235 = arith.constant 0 : i32
    %dma_start3A_236 = tpu.memref_slice %arg13[%dma_start3A_230, %dma_start3A_235] : memref<1x80xi32, #tpu.memory_space<vmem>> -> memref<1x80xi32, #tpu.memory_space<vmem>>
    %dma_start3A_237 = tpu.memref_squeeze %dma_start3A_236 : memref<1x80xi32, #tpu.memory_space<vmem>> -> memref<80xi32, #tpu.memory_space<vmem>>
    %dma_start3A_238 = tpu.memref_slice %arg3[%add3A_220] : memref<320000xi32, #tpu.memory_space<hbm>> -> memref<80xi32, #tpu.memory_space<hbm>>
    tpu.enqueue_dma source(%dma_start3A_238 : memref<80xi32, #tpu.memory_space<hbm>>) target(%dma_start3A_237 : memref<80xi32, #tpu.memory_space<vmem>>) target_semaphore(%arg21 : memref<!tpu.dma_semaphore, #tpu.memory_space<semaphore_mem>>)
    %dma_wait3A_239 = arith.constant 0 : i32
    %dma_wait3A_240 = arith.constant 0 : i32
    %dma_wait3A_241 = tpu.memref_slice %arg12[%dma_wait3A_239, %dma_wait3A_240] : memref<1x80xi32, #tpu.memory_space<vmem>> -> memref<1x80xi32, #tpu.memory_space<vmem>>
    %dma_wait3A_242 = tpu.memref_squeeze %dma_wait3A_241 : memref<1x80xi32, #tpu.memory_space<vmem>> -> memref<80xi32, #tpu.memory_space<vmem>>
    %dma_wait3A_243 = arith.constant 0 : i32
    %dma_wait3A_244 = tpu.memref_slice %arg4[%dma_wait3A_243] : memref<320000xi32, #tpu.memory_space<hbm>> -> memref<80xi32, #tpu.memory_space<hbm>>
    %dma_wait3A_245 = arith.constant 0 : i32
    %dma_wait3A_246 = tpu.memref_slice %arg12[%dma_wait3A_239, %dma_wait3A_245] : memref<1x80xi32, #tpu.memory_space<vmem>> -> memref<1x80xi32, #tpu.memory_space<vmem>>
    %dma_wait3A_247 = tpu.memref_squeeze %dma_wait3A_246 : memref<1x80xi32, #tpu.memory_space<vmem>> -> memref<80xi32, #tpu.memory_space<vmem>>
    %dma_wait3A_248 = arith.constant 0 : i32
    %dma_wait3A_249 = tpu.memref_slice %arg4[%dma_wait3A_248] : memref<320000xi32, #tpu.memory_space<hbm>> -> memref<80xi32, #tpu.memory_space<hbm>>
    tpu.wait_dma2 semaphore(%arg24 : memref<!tpu.dma_semaphore, #tpu.memory_space<semaphore_mem>>) src(%dma_wait3A_249 : memref<80xi32, #tpu.memory_space<hbm>>) dst(%dma_wait3A_247 : memref<80xi32, #tpu.memory_space<vmem>>)
    %dma_wait3A_250 = arith.constant 0 : i32
    %dma_wait3A_251 = arith.constant 0 : i32
    %dma_wait3A_252 = tpu.memref_slice %arg16[%dma_wait3A_250, %dma_wait3A_251] : memref<1x80xi32, #tpu.memory_space<vmem>> -> memref<1x80xi32, #tpu.memory_space<vmem>>
    %dma_wait3A_253 = tpu.memref_squeeze %dma_wait3A_252 : memref<1x80xi32, #tpu.memory_space<vmem>> -> memref<80xi32, #tpu.memory_space<vmem>>
    %dma_wait3A_254 = arith.constant 0 : i32
    %dma_wait3A_255 = tpu.memref_slice %arg3[%dma_wait3A_254] : memref<320000xi32, #tpu.memory_space<hbm>> -> memref<80xi32, #tpu.memory_space<hbm>>
    %dma_wait3A_256 = arith.constant 0 : i32
    %dma_wait3A_257 = tpu.memref_slice %arg16[%dma_wait3A_250, %dma_wait3A_256] : memref<1x80xi32, #tpu.memory_space<vmem>> -> memref<1x80xi32, #tpu.memory_space<vmem>>
    %dma_wait3A_258 = tpu.memref_squeeze %dma_wait3A_257 : memref<1x80xi32, #tpu.memory_space<vmem>> -> memref<80xi32, #tpu.memory_space<vmem>>
    %dma_wait3A_259 = arith.constant 0 : i32
    %dma_wait3A_260 = tpu.memref_slice %arg3[%dma_wait3A_259] : memref<320000xi32, #tpu.memory_space<hbm>> -> memref<80xi32, #tpu.memory_space<hbm>>
    tpu.wait_dma2 semaphore(%arg24 : memref<!tpu.dma_semaphore, #tpu.memory_space<semaphore_mem>>) src(%dma_wait3A_260 : memref<80xi32, #tpu.memory_space<hbm>>) dst(%dma_wait3A_258 : memref<80xi32, #tpu.memory_space<vmem>>)
    %dma_start3A_261 = arith.constant 0 : i32
    %dma_start3A_262 = arith.constant 0 : i32
    %dma_start3A_263 = tpu.memref_slice %arg12[%dma_start3A_261, %dma_start3A_262] : memref<1x80xi32, #tpu.memory_space<vmem>> -> memref<1x80xi32, #tpu.memory_space<vmem>>
    %dma_start3A_264 = tpu.memref_squeeze %dma_start3A_263 : memref<1x80xi32, #tpu.memory_space<vmem>> -> memref<80xi32, #tpu.memory_space<vmem>>
    %dma_start3A_265 = arith.constant 0 : i32
    %dma_start3A_266 = arith.constant 0 : i32
    %dma_start3A_267 = tpu.memref_slice %arg2[%dma_start3A_265, %dma_start3A_266] : memref<10000x128xf32, #tpu.memory_space<hbm>> -> memref<10000x128xf32, #tpu.memory_space<hbm>>
    tpu.enqueue_indirect_dma source(%dma_start3A_267 : memref<10000x128xf32, #tpu.memory_space<hbm>>) target(%arg17 : memref<80x128xf32, #tpu.memory_space<vmem>>) offsets(%dma_start3A_264 : memref<80xi32, #tpu.memory_space<vmem>>) semaphore(%arg25 : memref<!tpu.dma_semaphore, #tpu.memory_space<semaphore_mem>>)
    %dma_wait3A_268 = arith.constant 0 : i32
    %dma_wait3A_269 = arith.constant 0 : i32
    %dma_wait3A_270 = tpu.memref_slice %arg11[%dma_wait3A_268, %dma_wait3A_269] : memref<1x80xi32, #tpu.memory_space<vmem>> -> memref<1x80xi32, #tpu.memory_space<vmem>>
    %dma_wait3A_271 = tpu.memref_squeeze %dma_wait3A_270 : memref<1x80xi32, #tpu.memory_space<vmem>> -> memref<80xi32, #tpu.memory_space<vmem>>
    %dma_wait3A_272 = arith.constant 0 : i32
    %dma_wait3A_273 = arith.constant 0 : i32
    %dma_wait3A_274 = tpu.memref_slice %arg2[%dma_wait3A_272, %dma_wait3A_273] : memref<10000x128xf32, #tpu.memory_space<hbm>> -> memref<10000x128xf32, #tpu.memory_space<hbm>>
    tpu.wait_indirect_dma semaphore(%arg27 : memref<!tpu.dma_semaphore, #tpu.memory_space<semaphore_mem>>) src(%dma_wait3A_274 : memref<10000x128xf32, #tpu.memory_space<hbm>>) dst(%arg19 : memref<80x128xf32, #tpu.memory_space<vmem>>)
    %dma_start3A_275 = arith.constant 0 : i32
    %dma_start3A_276 = arith.constant 0 : i32
    %dma_start3A_277 = tpu.memref_slice %arg15[%dma_start3A_275, %dma_start3A_276] : memref<1x80xi32, #tpu.memory_space<vmem>> -> memref<1x80xi32, #tpu.memory_space<vmem>>
    %dma_start3A_278 = tpu.memref_squeeze %dma_start3A_277 : memref<1x80xi32, #tpu.memory_space<vmem>> -> memref<80xi32, #tpu.memory_space<vmem>>
    %dma_start3A_279 = arith.constant 0 : i32
    %dma_start3A_280 = arith.constant 0 : i32
    %dma_start3A_281 = tpu.memref_slice %arg20[%dma_start3A_279, %dma_start3A_280] : memref<10240x128xf32, #tpu.memory_space<vmem_shared>> -> memref<10240x128xf32, #tpu.memory_space<vmem_shared>>
    tpu.enqueue_indirect_dma source(%arg19 : memref<80x128xf32, #tpu.memory_space<vmem>>) target(%dma_start3A_281 : memref<10240x128xf32, #tpu.memory_space<vmem_shared>>) offsets(%dma_start3A_278 : memref<80xi32, #tpu.memory_space<vmem>>) semaphore(%arg30 : memref<!tpu.dma_semaphore, #tpu.memory_space<semaphore_mem>>) {add = true}
    %dma_wait3A_282 = arith.constant 0 : i32
    %dma_wait3A_283 = arith.constant 0 : i32
    %dma_wait3A_284 = tpu.memref_slice %arg14[%dma_wait3A_282, %dma_wait3A_283] : memref<1x80xi32, #tpu.memory_space<vmem>> -> memref<1x80xi32, #tpu.memory_space<vmem>>
    %dma_wait3A_285 = tpu.memref_squeeze %dma_wait3A_284 : memref<1x80xi32, #tpu.memory_space<vmem>> -> memref<80xi32, #tpu.memory_space<vmem>>
    %dma_wait3A_286 = arith.constant 0 : i32
    %dma_wait3A_287 = arith.constant 0 : i32
    %dma_wait3A_288 = tpu.memref_slice %arg20[%dma_wait3A_286, %dma_wait3A_287] : memref<10240x128xf32, #tpu.memory_space<vmem_shared>> -> memref<10240x128xf32, #tpu.memory_space<vmem_shared>>
    tpu.wait_indirect_dma semaphore(%arg29 : memref<!tpu.dma_semaphore, #tpu.memory_space<semaphore_mem>>) src(%arg18 : memref<80x128xf32, #tpu.memory_space<vmem>>) dst(%dma_wait3A_288 : memref<10240x128xf32, #tpu.memory_space<vmem_shared>>)
    %dma_wait3A_289 = arith.constant 0 : i32
    %dma_wait3A_290 = arith.constant 0 : i32
    %dma_wait3A_291 = tpu.memref_slice %arg9[%dma_wait3A_289, %dma_wait3A_290] : memref<1x80xi32, #tpu.memory_space<vmem>> -> memref<1x80xi32, #tpu.memory_space<vmem>>
    %dma_wait3A_292 = tpu.memref_squeeze %dma_wait3A_291 : memref<1x80xi32, #tpu.memory_space<vmem>> -> memref<80xi32, #tpu.memory_space<vmem>>
    %dma_wait3A_293 = arith.constant 0 : i32
    %dma_wait3A_294 = tpu.memref_slice %arg4[%dma_wait3A_293] : memref<320000xi32, #tpu.memory_space<hbm>> -> memref<80xi32, #tpu.memory_space<hbm>>
    %dma_wait3A_295 = arith.constant 0 : i32
    %dma_wait3A_296 = tpu.memref_slice %arg9[%dma_wait3A_289, %dma_wait3A_295] : memref<1x80xi32, #tpu.memory_space<vmem>> -> memref<1x80xi32, #tpu.memory_space<vmem>>
    %dma_wait3A_297 = tpu.memref_squeeze %dma_wait3A_296 : memref<1x80xi32, #tpu.memory_space<vmem>> -> memref<80xi32, #tpu.memory_space<vmem>>
    %dma_wait3A_298 = arith.constant 0 : i32
    %dma_wait3A_299 = tpu.memref_slice %arg4[%dma_wait3A_298] : memref<320000xi32, #tpu.memory_space<hbm>> -> memref<80xi32, #tpu.memory_space<hbm>>
    tpu.wait_dma2 semaphore(%arg21 : memref<!tpu.dma_semaphore, #tpu.memory_space<semaphore_mem>>) src(%dma_wait3A_299 : memref<80xi32, #tpu.memory_space<hbm>>) dst(%dma_wait3A_297 : memref<80xi32, #tpu.memory_space<vmem>>)
    %dma_wait3A_300 = arith.constant 0 : i32
    %dma_wait3A_301 = arith.constant 0 : i32
    %dma_wait3A_302 = tpu.memref_slice %arg13[%dma_wait3A_300, %dma_wait3A_301] : memref<1x80xi32, #tpu.memory_space<vmem>> -> memref<1x80xi32, #tpu.memory_space<vmem>>
    %dma_wait3A_303 = tpu.memref_squeeze %dma_wait3A_302 : memref<1x80xi32, #tpu.memory_space<vmem>> -> memref<80xi32, #tpu.memory_space<vmem>>
    %dma_wait3A_304 = arith.constant 0 : i32
    %dma_wait3A_305 = tpu.memref_slice %arg3[%dma_wait3A_304] : memref<320000xi32, #tpu.memory_space<hbm>> -> memref<80xi32, #tpu.memory_space<hbm>>
    %dma_wait3A_306 = arith.constant 0 : i32
    %dma_wait3A_307 = tpu.memref_slice %arg13[%dma_wait3A_300, %dma_wait3A_306] : memref<1x80xi32, #tpu.memory_space<vmem>> -> memref<1x80xi32, #tpu.memory_space<vmem>>
    %dma_wait3A_308 = tpu.memref_squeeze %dma_wait3A_307 : memref<1x80xi32, #tpu.memory_space<vmem>> -> memref<80xi32, #tpu.memory_space<vmem>>
    %dma_wait3A_309 = arith.constant 0 : i32
    %dma_wait3A_310 = tpu.memref_slice %arg3[%dma_wait3A_309] : memref<320000xi32, #tpu.memory_space<hbm>> -> memref<80xi32, #tpu.memory_space<hbm>>
    tpu.wait_dma2 semaphore(%arg21 : memref<!tpu.dma_semaphore, #tpu.memory_space<semaphore_mem>>) src(%dma_wait3A_310 : memref<80xi32, #tpu.memory_space<hbm>>) dst(%dma_wait3A_308 : memref<80xi32, #tpu.memory_space<vmem>>)
    %dma_start3A_311 = arith.constant 0 : i32
    %dma_start3A_312 = arith.constant 0 : i32
    %dma_start3A_313 = tpu.memref_slice %arg9[%dma_start3A_311, %dma_start3A_312] : memref<1x80xi32, #tpu.memory_space<vmem>> -> memref<1x80xi32, #tpu.memory_space<vmem>>
    %dma_start3A_314 = tpu.memref_squeeze %dma_start3A_313 : memref<1x80xi32, #tpu.memory_space<vmem>> -> memref<80xi32, #tpu.memory_space<vmem>>
    %dma_start3A_315 = arith.constant 0 : i32
    %dma_start3A_316 = arith.constant 0 : i32
    %dma_start3A_317 = tpu.memref_slice %arg2[%dma_start3A_315, %dma_start3A_316] : memref<10000x128xf32, #tpu.memory_space<hbm>> -> memref<10000x128xf32, #tpu.memory_space<hbm>>
    tpu.enqueue_indirect_dma source(%dma_start3A_317 : memref<10000x128xf32, #tpu.memory_space<hbm>>) target(%arg18 : memref<80x128xf32, #tpu.memory_space<vmem>>) offsets(%dma_start3A_314 : memref<80xi32, #tpu.memory_space<vmem>>) semaphore(%arg26 : memref<!tpu.dma_semaphore, #tpu.memory_space<semaphore_mem>>)
    %dma_wait3A_318 = arith.constant 0 : i32
    %dma_wait3A_319 = arith.constant 0 : i32
    %dma_wait3A_320 = tpu.memref_slice %arg12[%dma_wait3A_318, %dma_wait3A_319] : memref<1x80xi32, #tpu.memory_space<vmem>> -> memref<1x80xi32, #tpu.memory_space<vmem>>
    %dma_wait3A_321 = tpu.memref_squeeze %dma_wait3A_320 : memref<1x80xi32, #tpu.memory_space<vmem>> -> memref<80xi32, #tpu.memory_space<vmem>>
    %dma_wait3A_322 = arith.constant 0 : i32
    %dma_wait3A_323 = arith.constant 0 : i32
    %dma_wait3A_324 = tpu.memref_slice %arg2[%dma_wait3A_322, %dma_wait3A_323] : memref<10000x128xf32, #tpu.memory_space<hbm>> -> memref<10000x128xf32, #tpu.memory_space<hbm>>
    tpu.wait_indirect_dma semaphore(%arg25 : memref<!tpu.dma_semaphore, #tpu.memory_space<semaphore_mem>>) src(%dma_wait3A_324 : memref<10000x128xf32, #tpu.memory_space<hbm>>) dst(%arg17 : memref<80x128xf32, #tpu.memory_space<vmem>>)
    %dma_start3A_325 = arith.constant 0 : i32
    %dma_start3A_326 = arith.constant 0 : i32
    %dma_start3A_327 = tpu.memref_slice %arg16[%dma_start3A_325, %dma_start3A_326] : memref<1x80xi32, #tpu.memory_space<vmem>> -> memref<1x80xi32, #tpu.memory_space<vmem>>
    %dma_start3A_328 = tpu.memref_squeeze %dma_start3A_327 : memref<1x80xi32, #tpu.memory_space<vmem>> -> memref<80xi32, #tpu.memory_space<vmem>>
    %dma_start3A_329 = arith.constant 0 : i32
    %dma_start3A_330 = arith.constant 0 : i32
    %dma_start3A_331 = tpu.memref_slice %arg20[%dma_start3A_329, %dma_start3A_330] : memref<10240x128xf32, #tpu.memory_space<vmem_shared>> -> memref<10240x128xf32, #tpu.memory_space<vmem_shared>>
    tpu.enqueue_indirect_dma source(%arg17 : memref<80x128xf32, #tpu.memory_space<vmem>>) target(%dma_start3A_331 : memref<10240x128xf32, #tpu.memory_space<vmem_shared>>) offsets(%dma_start3A_328 : memref<80xi32, #tpu.memory_space<vmem>>) semaphore(%arg28 : memref<!tpu.dma_semaphore, #tpu.memory_space<semaphore_mem>>) {add = true}
    %dma_wait3A_332 = arith.constant 0 : i32
    %dma_wait3A_333 = arith.constant 0 : i32
    %dma_wait3A_334 = tpu.memref_slice %arg15[%dma_wait3A_332, %dma_wait3A_333] : memref<1x80xi32, #tpu.memory_space<vmem>> -> memref<1x80xi32, #tpu.memory_space<vmem>>
    %dma_wait3A_335 = tpu.memref_squeeze %dma_wait3A_334 : memref<1x80xi32, #tpu.memory_space<vmem>> -> memref<80xi32, #tpu.memory_space<vmem>>
    %dma_wait3A_336 = arith.constant 0 : i32
    %dma_wait3A_337 = arith.constant 0 : i32
    %dma_wait3A_338 = tpu.memref_slice %arg20[%dma_wait3A_336, %dma_wait3A_337] : memref<10240x128xf32, #tpu.memory_space<vmem_shared>> -> memref<10240x128xf32, #tpu.memory_space<vmem_shared>>
    tpu.wait_indirect_dma semaphore(%arg30 : memref<!tpu.dma_semaphore, #tpu.memory_space<semaphore_mem>>) src(%arg19 : memref<80x128xf32, #tpu.memory_space<vmem>>) dst(%dma_wait3A_338 : memref<10240x128xf32, #tpu.memory_space<vmem_shared>>)
    %dma_wait3A_339 = arith.constant 0 : i32
    %dma_wait3A_340 = arith.constant 0 : i32
    %dma_wait3A_341 = tpu.memref_slice %arg9[%dma_wait3A_339, %dma_wait3A_340] : memref<1x80xi32, #tpu.memory_space<vmem>> -> memref<1x80xi32, #tpu.memory_space<vmem>>
    %dma_wait3A_342 = tpu.memref_squeeze %dma_wait3A_341 : memref<1x80xi32, #tpu.memory_space<vmem>> -> memref<80xi32, #tpu.memory_space<vmem>>
    %dma_wait3A_343 = arith.constant 0 : i32
    %dma_wait3A_344 = arith.constant 0 : i32
    %dma_wait3A_345 = tpu.memref_slice %arg2[%dma_wait3A_343, %dma_wait3A_344] : memref<10000x128xf32, #tpu.memory_space<hbm>> -> memref<10000x128xf32, #tpu.memory_space<hbm>>
    tpu.wait_indirect_dma semaphore(%arg26 : memref<!tpu.dma_semaphore, #tpu.memory_space<semaphore_mem>>) src(%dma_wait3A_345 : memref<10000x128xf32, #tpu.memory_space<hbm>>) dst(%arg18 : memref<80x128xf32, #tpu.memory_space<vmem>>)
    %dma_start3A_346 = arith.constant 0 : i32
    %dma_start3A_347 = arith.constant 0 : i32
    %dma_start3A_348 = tpu.memref_slice %arg13[%dma_start3A_346, %dma_start3A_347] : memref<1x80xi32, #tpu.memory_space<vmem>> -> memref<1x80xi32, #tpu.memory_space<vmem>>
    %dma_start3A_349 = tpu.memref_squeeze %dma_start3A_348 : memref<1x80xi32, #tpu.memory_space<vmem>> -> memref<80xi32, #tpu.memory_space<vmem>>
    %dma_start3A_350 = arith.constant 0 : i32
    %dma_start3A_351 = arith.constant 0 : i32
    %dma_start3A_352 = tpu.memref_slice %arg20[%dma_start3A_350, %dma_start3A_351] : memref<10240x128xf32, #tpu.memory_space<vmem_shared>> -> memref<10240x128xf32, #tpu.memory_space<vmem_shared>>
    tpu.enqueue_indirect_dma source(%arg18 : memref<80x128xf32, #tpu.memory_space<vmem>>) target(%dma_start3A_352 : memref<10240x128xf32, #tpu.memory_space<vmem_shared>>) offsets(%dma_start3A_349 : memref<80xi32, #tpu.memory_space<vmem>>) semaphore(%arg29 : memref<!tpu.dma_semaphore, #tpu.memory_space<semaphore_mem>>) {add = true}
    %dma_wait3A_353 = arith.constant 0 : i32
    %dma_wait3A_354 = arith.constant 0 : i32
    %dma_wait3A_355 = tpu.memref_slice %arg16[%dma_wait3A_353, %dma_wait3A_354] : memref<1x80xi32, #tpu.memory_space<vmem>> -> memref<1x80xi32, #tpu.memory_space<vmem>>
    %dma_wait3A_356 = tpu.memref_squeeze %dma_wait3A_355 : memref<1x80xi32, #tpu.memory_space<vmem>> -> memref<80xi32, #tpu.memory_space<vmem>>
    %dma_wait3A_357 = arith.constant 0 : i32
    %dma_wait3A_358 = arith.constant 0 : i32
    %dma_wait3A_359 = tpu.memref_slice %arg20[%dma_wait3A_357, %dma_wait3A_358] : memref<10240x128xf32, #tpu.memory_space<vmem_shared>> -> memref<10240x128xf32, #tpu.memory_space<vmem_shared>>
    tpu.wait_indirect_dma semaphore(%arg28 : memref<!tpu.dma_semaphore, #tpu.memory_space<semaphore_mem>>) src(%arg17 : memref<80x128xf32, #tpu.memory_space<vmem>>) dst(%dma_wait3A_359 : memref<10240x128xf32, #tpu.memory_space<vmem_shared>>)
    %dma_wait3A_360 = arith.constant 0 : i32
    %dma_wait3A_361 = arith.constant 0 : i32
    %dma_wait3A_362 = tpu.memref_slice %arg13[%dma_wait3A_360, %dma_wait3A_361] : memref<1x80xi32, #tpu.memory_space<vmem>> -> memref<1x80xi32, #tpu.memory_space<vmem>>
    %dma_wait3A_363 = tpu.memref_squeeze %dma_wait3A_362 : memref<1x80xi32, #tpu.memory_space<vmem>> -> memref<80xi32, #tpu.memory_space<vmem>>
    %dma_wait3A_364 = arith.constant 0 : i32
    %dma_wait3A_365 = arith.constant 0 : i32
    %dma_wait3A_366 = tpu.memref_slice %arg20[%dma_wait3A_364, %dma_wait3A_365] : memref<10240x128xf32, #tpu.memory_space<vmem_shared>> -> memref<10240x128xf32, #tpu.memory_space<vmem_shared>>
    tpu.wait_indirect_dma semaphore(%arg29 : memref<!tpu.dma_semaphore, #tpu.memory_space<semaphore_mem>>) src(%arg18 : memref<80x128xf32, #tpu.memory_space<vmem>>) dst(%dma_wait3A_366 : memref<10240x128xf32, #tpu.memory_space<vmem_shared>>)
    %barrier3A_367 = arith.constant 0 : index
    tpu.barrier barrier_id(%barrier3A_367)
    %add3A_368 = arith.constant 0 : i32
    %add3A_369 = arith.addi %mul3A_4, %add3A_368 : i32
    "tpu.region"() ({
      %run_scoped3A = tpu.sem_alloc : memref<!tpu.dma_semaphore, #tpu.memory_space<semaphore_mem>>
      %dma_start3A_789 = arith.constant 0 : i32
      %dma_start3A_790 = tpu.memref_slice %arg20[%add3A_369, %dma_start3A_789] : memref<10240x128xf32, #tpu.memory_space<vmem_shared>> -> memref<80x128xf32, #tpu.memory_space<vmem_shared>>
      %dma_start3A_791 = arith.constant 0 : i32
      %dma_start3A_792 = tpu.memref_slice %arg20[%add3A_369, %dma_start3A_791] : memref<10240x128xf32, #tpu.memory_space<vmem_shared>> -> memref<80x128xf32, #tpu.memory_space<vmem_shared>>
      tpu.enqueue_dma source(%dma_start3A_792 : memref<80x128xf32, #tpu.memory_space<vmem_shared>>) target(%arg17 : memref<80x128xf32, #tpu.memory_space<vmem>>) target_semaphore(%run_scoped3A : memref<!tpu.dma_semaphore, #tpu.memory_space<semaphore_mem>>)
      %dma_wait3A_793 = arith.constant 0 : i32
      %dma_wait3A_794 = tpu.memref_slice %arg20[%add3A_369, %dma_wait3A_793] : memref<10240x128xf32, #tpu.memory_space<vmem_shared>> -> memref<80x128xf32, #tpu.memory_space<vmem_shared>>
      %dma_wait3A_795 = arith.constant 0 : i32
      %dma_wait3A_796 = tpu.memref_slice %arg20[%add3A_369, %dma_wait3A_795] : memref<10240x128xf32, #tpu.memory_space<vmem_shared>> -> memref<80x128xf32, #tpu.memory_space<vmem_shared>>
      tpu.wait_dma2 semaphore(%run_scoped3A : memref<!tpu.dma_semaphore, #tpu.memory_space<semaphore_mem>>) src(%dma_wait3A_796 : memref<80x128xf32, #tpu.memory_space<vmem_shared>>) dst(%arg17 : memref<80x128xf32, #tpu.memory_space<vmem>>)
      tpu.yield
    }) : () -> ()
    %dma_start3A_370 = arith.constant 0 : i32
    %dma_start3A_371 = tpu.memref_slice %arg7[%arg0, %add3A_369, %dma_start3A_370] : memref<2x10240x128xf32, #tpu.memory_space<hbm>> -> memref<1x80x128xf32, #tpu.memory_space<hbm>>
    %dma_start3A_372 = tpu.memref_squeeze %dma_start3A_371 : memref<1x80x128xf32, #tpu.memory_space<hbm>> -> memref<80x128xf32, #tpu.memory_space<hbm>>
    %dma_start3A_373 = arith.constant 0 : i32
    %dma_start3A_374 = tpu.memref_slice %arg7[%arg0, %add3A_369, %dma_start3A_373] : memref<2x10240x128xf32, #tpu.memory_space<hbm>> -> memref<1x80x128xf32, #tpu.memory_space<hbm>>
    %dma_start3A_375 = tpu.memref_squeeze %dma_start3A_374 : memref<1x80x128xf32, #tpu.memory_space<hbm>> -> memref<80x128xf32, #tpu.memory_space<hbm>>
    tpu.enqueue_dma source(%arg17 : memref<80x128xf32, #tpu.memory_space<vmem>>) target(%dma_start3A_375 : memref<80x128xf32, #tpu.memory_space<hbm>>) target_semaphore(%arg28 : memref<!tpu.dma_semaphore, #tpu.memory_space<semaphore_mem>>)
    %add3A_376 = arith.constant 80 : i32
    %add3A_377 = arith.addi %mul3A_4, %add3A_376 : i32
    "tpu.region"() ({
      %run_scoped3A = tpu.sem_alloc : memref<!tpu.dma_semaphore, #tpu.memory_space<semaphore_mem>>
      %dma_start3A_789 = arith.constant 0 : i32
      %dma_start3A_790 = tpu.memref_slice %arg20[%add3A_377, %dma_start3A_789] : memref<10240x128xf32, #tpu.memory_space<vmem_shared>> -> memref<80x128xf32, #tpu.memory_space<vmem_shared>>
      %dma_start3A_791 = arith.constant 0 : i32
      %dma_start3A_792 = tpu.memref_slice %arg20[%add3A_377, %dma_start3A_791] : memref<10240x128xf32, #tpu.memory_space<vmem_shared>> -> memref<80x128xf32, #tpu.memory_space<vmem_shared>>
      tpu.enqueue_dma source(%dma_start3A_792 : memref<80x128xf32, #tpu.memory_space<vmem_shared>>) target(%arg18 : memref<80x128xf32, #tpu.memory_space<vmem>>) target_semaphore(%run_scoped3A : memref<!tpu.dma_semaphore, #tpu.memory_space<semaphore_mem>>)
      %dma_wait3A_793 = arith.constant 0 : i32
      %dma_wait3A_794 = tpu.memref_slice %arg20[%add3A_377, %dma_wait3A_793] : memref<10240x128xf32, #tpu.memory_space<vmem_shared>> -> memref<80x128xf32, #tpu.memory_space<vmem_shared>>
      %dma_wait3A_795 = arith.constant 0 : i32
      %dma_wait3A_796 = tpu.memref_slice %arg20[%add3A_377, %dma_wait3A_795] : memref<10240x128xf32, #tpu.memory_space<vmem_shared>> -> memref<80x128xf32, #tpu.memory_space<vmem_shared>>
      tpu.wait_dma2 semaphore(%run_scoped3A : memref<!tpu.dma_semaphore, #tpu.memory_space<semaphore_mem>>) src(%dma_wait3A_796 : memref<80x128xf32, #tpu.memory_space<vmem_shared>>) dst(%arg18 : memref<80x128xf32, #tpu.memory_space<vmem>>)
      tpu.yield
    }) : () -> ()
    %dma_start3A_378 = arith.constant 0 : i32
    %dma_start3A_379 = tpu.memref_slice %arg7[%arg0, %add3A_377, %dma_start3A_378] : memref<2x10240x128xf32, #tpu.memory_space<hbm>> -> memref<1x80x128xf32, #tpu.memory_space<hbm>>
    %dma_start3A_380 = tpu.memref_squeeze %dma_start3A_379 : memref<1x80x128xf32, #tpu.memory_space<hbm>> -> memref<80x128xf32, #tpu.memory_space<hbm>>
    %dma_start3A_381 = arith.constant 0 : i32
    %dma_start3A_382 = tpu.memref_slice %arg7[%arg0, %add3A_377, %dma_start3A_381] : memref<2x10240x128xf32, #tpu.memory_space<hbm>> -> memref<1x80x128xf32, #tpu.memory_space<hbm>>
    %dma_start3A_383 = tpu.memref_squeeze %dma_start3A_382 : memref<1x80x128xf32, #tpu.memory_space<hbm>> -> memref<80x128xf32, #tpu.memory_space<hbm>>
    tpu.enqueue_dma source(%arg18 : memref<80x128xf32, #tpu.memory_space<vmem>>) target(%dma_start3A_383 : memref<80x128xf32, #tpu.memory_space<hbm>>) target_semaphore(%arg29 : memref<!tpu.dma_semaphore, #tpu.memory_space<semaphore_mem>>)
    %add3A_384 = arith.constant 160 : i32
    %add3A_385 = arith.addi %mul3A_4, %add3A_384 : i32
    "tpu.region"() ({
      %run_scoped3A = tpu.sem_alloc : memref<!tpu.dma_semaphore, #tpu.memory_space<semaphore_mem>>
      %dma_start3A_789 = arith.constant 0 : i32
      %dma_start3A_790 = tpu.memref_slice %arg20[%add3A_385, %dma_start3A_789] : memref<10240x128xf32, #tpu.memory_space<vmem_shared>> -> memref<80x128xf32, #tpu.memory_space<vmem_shared>>
      %dma_start3A_791 = arith.constant 0 : i32
      %dma_start3A_792 = tpu.memref_slice %arg20[%add3A_385, %dma_start3A_791] : memref<10240x128xf32, #tpu.memory_space<vmem_shared>> -> memref<80x128xf32, #tpu.memory_space<vmem_shared>>
      tpu.enqueue_dma source(%dma_start3A_792 : memref<80x128xf32, #tpu.memory_space<vmem_shared>>) target(%arg19 : memref<80x128xf32, #tpu.memory_space<vmem>>) target_semaphore(%run_scoped3A : memref<!tpu.dma_semaphore, #tpu.memory_space<semaphore_mem>>)
      %dma_wait3A_793 = arith.constant 0 : i32
      %dma_wait3A_794 = tpu.memref_slice %arg20[%add3A_385, %dma_wait3A_793] : memref<10240x128xf32, #tpu.memory_space<vmem_shared>> -> memref<80x128xf32, #tpu.memory_space<vmem_shared>>
      %dma_wait3A_795 = arith.constant 0 : i32
      %dma_wait3A_796 = tpu.memref_slice %arg20[%add3A_385, %dma_wait3A_795] : memref<10240x128xf32, #tpu.memory_space<vmem_shared>> -> memref<80x128xf32, #tpu.memory_space<vmem_shared>>
      tpu.wait_dma2 semaphore(%run_scoped3A : memref<!tpu.dma_semaphore, #tpu.memory_space<semaphore_mem>>) src(%dma_wait3A_796 : memref<80x128xf32, #tpu.memory_space<vmem_shared>>) dst(%arg19 : memref<80x128xf32, #tpu.memory_space<vmem>>)
      tpu.yield
    }) : () -> ()
    %dma_start3A_386 = arith.constant 0 : i32
    %dma_start3A_387 = tpu.memref_slice %arg7[%arg0, %add3A_385, %dma_start3A_386] : memref<2x10240x128xf32, #tpu.memory_space<hbm>> -> memref<1x80x128xf32, #tpu.memory_space<hbm>>
    %dma_start3A_388 = tpu.memref_squeeze %dma_start3A_387 : memref<1x80x128xf32, #tpu.memory_space<hbm>> -> memref<80x128xf32, #tpu.memory_space<hbm>>
    %dma_start3A_389 = arith.constant 0 : i32
    %dma_start3A_390 = tpu.memref_slice %arg7[%arg0, %add3A_385, %dma_start3A_389] : memref<2x10240x128xf32, #tpu.memory_space<hbm>> -> memref<1x80x128xf32, #tpu.memory_space<hbm>>
    %dma_start3A_391 = tpu.memref_squeeze %dma_start3A_390 : memref<1x80x128xf32, #tpu.memory_space<hbm>> -> memref<80x128xf32, #tpu.memory_space<hbm>>
    tpu.enqueue_dma source(%arg19 : memref<80x128xf32, #tpu.memory_space<vmem>>) target(%dma_start3A_391 : memref<80x128xf32, #tpu.memory_space<hbm>>) target_semaphore(%arg30 : memref<!tpu.dma_semaphore, #tpu.memory_space<semaphore_mem>>)
    %add3A_392 = arith.constant 240 : i32
    %add3A_393 = arith.addi %mul3A_4, %add3A_392 : i32
    %dma_wait3A_394 = arith.constant 0 : i32
    %dma_wait3A_395 = tpu.memref_slice %arg7[%arg0, %mul3A_4, %dma_wait3A_394] : memref<2x10240x128xf32, #tpu.memory_space<hbm>> -> memref<1x80x128xf32, #tpu.memory_space<hbm>>
    %dma_wait3A_396 = tpu.memref_squeeze %dma_wait3A_395 : memref<1x80x128xf32, #tpu.memory_space<hbm>> -> memref<80x128xf32, #tpu.memory_space<hbm>>
    %dma_wait3A_397 = arith.constant 0 : i32
    %dma_wait3A_398 = tpu.memref_slice %arg7[%arg0, %mul3A_4, %dma_wait3A_397] : memref<2x10240x128xf32, #tpu.memory_space<hbm>> -> memref<1x80x128xf32, #tpu.memory_space<hbm>>
    %dma_wait3A_399 = tpu.memref_squeeze %dma_wait3A_398 : memref<1x80x128xf32, #tpu.memory_space<hbm>> -> memref<80x128xf32, #tpu.memory_space<hbm>>
    tpu.wait_dma2 semaphore(%arg28 : memref<!tpu.dma_semaphore, #tpu.memory_space<semaphore_mem>>) src(%arg17 : memref<80x128xf32, #tpu.memory_space<vmem>>) dst(%dma_wait3A_399 : memref<80x128xf32, #tpu.memory_space<hbm>>)
    "tpu.region"() ({
      %run_scoped3A = tpu.sem_alloc : memref<!tpu.dma_semaphore, #tpu.memory_space<semaphore_mem>>
      %dma_start3A_789 = arith.constant 0 : i32
      %dma_start3A_790 = tpu.memref_slice %arg20[%add3A_393, %dma_start3A_789] : memref<10240x128xf32, #tpu.memory_space<vmem_shared>> -> memref<80x128xf32, #tpu.memory_space<vmem_shared>>
      %dma_start3A_791 = arith.constant 0 : i32
      %dma_start3A_792 = tpu.memref_slice %arg20[%add3A_393, %dma_start3A_791] : memref<10240x128xf32, #tpu.memory_space<vmem_shared>> -> memref<80x128xf32, #tpu.memory_space<vmem_shared>>
      tpu.enqueue_dma source(%dma_start3A_792 : memref<80x128xf32, #tpu.memory_space<vmem_shared>>) target(%arg17 : memref<80x128xf32, #tpu.memory_space<vmem>>) target_semaphore(%run_scoped3A : memref<!tpu.dma_semaphore, #tpu.memory_space<semaphore_mem>>)
      %dma_wait3A_793 = arith.constant 0 : i32
      %dma_wait3A_794 = tpu.memref_slice %arg20[%add3A_393, %dma_wait3A_793] : memref<10240x128xf32, #tpu.memory_space<vmem_shared>> -> memref<80x128xf32, #tpu.memory_space<vmem_shared>>
      %dma_wait3A_795 = arith.constant 0 : i32
      %dma_wait3A_796 = tpu.memref_slice %arg20[%add3A_393, %dma_wait3A_795] : memref<10240x128xf32, #tpu.memory_space<vmem_shared>> -> memref<80x128xf32, #tpu.memory_space<vmem_shared>>
      tpu.wait_dma2 semaphore(%run_scoped3A : memref<!tpu.dma_semaphore, #tpu.memory_space<semaphore_mem>>) src(%dma_wait3A_796 : memref<80x128xf32, #tpu.memory_space<vmem_shared>>) dst(%arg17 : memref<80x128xf32, #tpu.memory_space<vmem>>)
      tpu.yield
    }) : () -> ()
    %dma_start3A_400 = arith.constant 0 : i32
    %dma_start3A_401 = tpu.memref_slice %arg7[%arg0, %add3A_393, %dma_start3A_400] : memref<2x10240x128xf32, #tpu.memory_space<hbm>> -> memref<1x80x128xf32, #tpu.memory_space<hbm>>
    %dma_start3A_402 = tpu.memref_squeeze %dma_start3A_401 : memref<1x80x128xf32, #tpu.memory_space<hbm>> -> memref<80x128xf32, #tpu.memory_space<hbm>>
    %dma_start3A_403 = arith.constant 0 : i32
    %dma_start3A_404 = tpu.memref_slice %arg7[%arg0, %add3A_393, %dma_start3A_403] : memref<2x10240x128xf32, #tpu.memory_space<hbm>> -> memref<1x80x128xf32, #tpu.memory_space<hbm>>
    %dma_start3A_405 = tpu.memref_squeeze %dma_start3A_404 : memref<1x80x128xf32, #tpu.memory_space<hbm>> -> memref<80x128xf32, #tpu.memory_space<hbm>>
    tpu.enqueue_dma source(%arg17 : memref<80x128xf32, #tpu.memory_space<vmem>>) target(%dma_start3A_405 : memref<80x128xf32, #tpu.memory_space<hbm>>) target_semaphore(%arg28 : memref<!tpu.dma_semaphore, #tpu.memory_space<semaphore_mem>>)
    %add3A_406 = arith.constant 320 : i32
    %add3A_407 = arith.addi %mul3A_4, %add3A_406 : i32
    %dma_wait3A_408 = arith.constant 0 : i32
    %dma_wait3A_409 = tpu.memref_slice %arg7[%arg0, %mul3A_4, %dma_wait3A_408] : memref<2x10240x128xf32, #tpu.memory_space<hbm>> -> memref<1x80x128xf32, #tpu.memory_space<hbm>>
    %dma_wait3A_410 = tpu.memref_squeeze %dma_wait3A_409 : memref<1x80x128xf32, #tpu.memory_space<hbm>> -> memref<80x128xf32, #tpu.memory_space<hbm>>
    %dma_wait3A_411 = arith.constant 0 : i32
    %dma_wait3A_412 = tpu.memref_slice %arg7[%arg0, %mul3A_4, %dma_wait3A_411] : memref<2x10240x128xf32, #tpu.memory_space<hbm>> -> memref<1x80x128xf32, #tpu.memory_space<hbm>>
    %dma_wait3A_413 = tpu.memref_squeeze %dma_wait3A_412 : memref<1x80x128xf32, #tpu.memory_space<hbm>> -> memref<80x128xf32, #tpu.memory_space<hbm>>
    tpu.wait_dma2 semaphore(%arg29 : memref<!tpu.dma_semaphore, #tpu.memory_space<semaphore_mem>>) src(%arg18 : memref<80x128xf32, #tpu.memory_space<vmem>>) dst(%dma_wait3A_413 : memref<80x128xf32, #tpu.memory_space<hbm>>)
    "tpu.region"() ({
      %run_scoped3A = tpu.sem_alloc : memref<!tpu.dma_semaphore, #tpu.memory_space<semaphore_mem>>
      %dma_start3A_789 = arith.constant 0 : i32
      %dma_start3A_790 = tpu.memref_slice %arg20[%add3A_407, %dma_start3A_789] : memref<10240x128xf32, #tpu.memory_space<vmem_shared>> -> memref<80x128xf32, #tpu.memory_space<vmem_shared>>
      %dma_start3A_791 = arith.constant 0 : i32
      %dma_start3A_792 = tpu.memref_slice %arg20[%add3A_407, %dma_start3A_791] : memref<10240x128xf32, #tpu.memory_space<vmem_shared>> -> memref<80x128xf32, #tpu.memory_space<vmem_shared>>
      tpu.enqueue_dma source(%dma_start3A_792 : memref<80x128xf32, #tpu.memory_space<vmem_shared>>) target(%arg18 : memref<80x128xf32, #tpu.memory_space<vmem>>) target_semaphore(%run_scoped3A : memref<!tpu.dma_semaphore, #tpu.memory_space<semaphore_mem>>)
      %dma_wait3A_793 = arith.constant 0 : i32
      %dma_wait3A_794 = tpu.memref_slice %arg20[%add3A_407, %dma_wait3A_793] : memref<10240x128xf32, #tpu.memory_space<vmem_shared>> -> memref<80x128xf32, #tpu.memory_space<vmem_shared>>
      %dma_wait3A_795 = arith.constant 0 : i32
      %dma_wait3A_796 = tpu.memref_slice %arg20[%add3A_407, %dma_wait3A_795] : memref<10240x128xf32, #tpu.memory_space<vmem_shared>> -> memref<80x128xf32, #tpu.memory_space<vmem_shared>>
      tpu.wait_dma2 semaphore(%run_scoped3A : memref<!tpu.dma_semaphore, #tpu.memory_space<semaphore_mem>>) src(%dma_wait3A_796 : memref<80x128xf32, #tpu.memory_space<vmem_shared>>) dst(%arg18 : memref<80x128xf32, #tpu.memory_space<vmem>>)
      tpu.yield
    }) : () -> ()
    %dma_start3A_414 = arith.constant 0 : i32
    %dma_start3A_415 = tpu.memref_slice %arg7[%arg0, %add3A_407, %dma_start3A_414] : memref<2x10240x128xf32, #tpu.memory_space<hbm>> -> memref<1x80x128xf32, #tpu.memory_space<hbm>>
    %dma_start3A_416 = tpu.memref_squeeze %dma_start3A_415 : memref<1x80x128xf32, #tpu.memory_space<hbm>> -> memref<80x128xf32, #tpu.memory_space<hbm>>
    %dma_start3A_417 = arith.constant 0 : i32
    %dma_start3A_418 = tpu.memref_slice %arg7[%arg0, %add3A_407, %dma_start3A_417] : memref<2x10240x128xf32, #tpu.memory_space<hbm>> -> memref<1x80x128xf32, #tpu.memory_space<hbm>>
    %dma_start3A_419 = tpu.memref_squeeze %dma_start3A_418 : memref<1x80x128xf32, #tpu.memory_space<hbm>> -> memref<80x128xf32, #tpu.memory_space<hbm>>
    tpu.enqueue_dma source(%arg18 : memref<80x128xf32, #tpu.memory_space<vmem>>) target(%dma_start3A_419 : memref<80x128xf32, #tpu.memory_space<hbm>>) target_semaphore(%arg29 : memref<!tpu.dma_semaphore, #tpu.memory_space<semaphore_mem>>)
    %add3A_420 = arith.constant 400 : i32
    %add3A_421 = arith.addi %mul3A_4, %add3A_420 : i32
    %dma_wait3A_422 = arith.constant 0 : i32
    %dma_wait3A_423 = tpu.memref_slice %arg7[%arg0, %mul3A_4, %dma_wait3A_422] : memref<2x10240x128xf32, #tpu.memory_space<hbm>> -> memref<1x80x128xf32, #tpu.memory_space<hbm>>
    %dma_wait3A_424 = tpu.memref_squeeze %dma_wait3A_423 : memref<1x80x128xf32, #tpu.memory_space<hbm>> -> memref<80x128xf32, #tpu.memory_space<hbm>>
    %dma_wait3A_425 = arith.constant 0 : i32
    %dma_wait3A_426 = tpu.memref_slice %arg7[%arg0, %mul3A_4, %dma_wait3A_425] : memref<2x10240x128xf32, #tpu.memory_space<hbm>> -> memref<1x80x128xf32, #tpu.memory_space<hbm>>
    %dma_wait3A_427 = tpu.memref_squeeze %dma_wait3A_426 : memref<1x80x128xf32, #tpu.memory_space<hbm>> -> memref<80x128xf32, #tpu.memory_space<hbm>>
    tpu.wait_dma2 semaphore(%arg30 : memref<!tpu.dma_semaphore, #tpu.memory_space<semaphore_mem>>) src(%arg19 : memref<80x128xf32, #tpu.memory_space<vmem>>) dst(%dma_wait3A_427 : memref<80x128xf32, #tpu.memory_space<hbm>>)
    "tpu.region"() ({
      %run_scoped3A = tpu.sem_alloc : memref<!tpu.dma_semaphore, #tpu.memory_space<semaphore_mem>>
      %dma_start3A_789 = arith.constant 0 : i32
      %dma_start3A_790 = tpu.memref_slice %arg20[%add3A_421, %dma_start3A_789] : memref<10240x128xf32, #tpu.memory_space<vmem_shared>> -> memref<80x128xf32, #tpu.memory_space<vmem_shared>>
      %dma_start3A_791 = arith.constant 0 : i32
      %dma_start3A_792 = tpu.memref_slice %arg20[%add3A_421, %dma_start3A_791] : memref<10240x128xf32, #tpu.memory_space<vmem_shared>> -> memref<80x128xf32, #tpu.memory_space<vmem_shared>>
      tpu.enqueue_dma source(%dma_start3A_792 : memref<80x128xf32, #tpu.memory_space<vmem_shared>>) target(%arg19 : memref<80x128xf32, #tpu.memory_space<vmem>>) target_semaphore(%run_scoped3A : memref<!tpu.dma_semaphore, #tpu.memory_space<semaphore_mem>>)
      %dma_wait3A_793 = arith.constant 0 : i32
      %dma_wait3A_794 = tpu.memref_slice %arg20[%add3A_421, %dma_wait3A_793] : memref<10240x128xf32, #tpu.memory_space<vmem_shared>> -> memref<80x128xf32, #tpu.memory_space<vmem_shared>>
      %dma_wait3A_795 = arith.constant 0 : i32
      %dma_wait3A_796 = tpu.memref_slice %arg20[%add3A_421, %dma_wait3A_795] : memref<10240x128xf32, #tpu.memory_space<vmem_shared>> -> memref<80x128xf32, #tpu.memory_space<vmem_shared>>
      tpu.wait_dma2 semaphore(%run_scoped3A : memref<!tpu.dma_semaphore, #tpu.memory_space<semaphore_mem>>) src(%dma_wait3A_796 : memref<80x128xf32, #tpu.memory_space<vmem_shared>>) dst(%arg19 : memref<80x128xf32, #tpu.memory_space<vmem>>)
      tpu.yield
    }) : () -> ()
    %dma_start3A_428 = arith.constant 0 : i32
    %dma_start3A_429 = tpu.memref_slice %arg7[%arg0, %add3A_421, %dma_start3A_428] : memref<2x10240x128xf32, #tpu.memory_space<hbm>> -> memref<1x80x128xf32, #tpu.memory_space<hbm>>
    %dma_start3A_430 = tpu.memref_squeeze %dma_start3A_429 : memref<1x80x128xf32, #tpu.memory_space<hbm>> -> memref<80x128xf32, #tpu.memory_space<hbm>>
    %dma_start3A_431 = arith.constant 0 : i32
    %dma_start3A_432 = tpu.memref_slice %arg7[%arg0, %add3A_421, %dma_start3A_431] : memref<2x10240x128xf32, #tpu.memory_space<hbm>> -> memref<1x80x128xf32, #tpu.memory_space<hbm>>
    %dma_start3A_433 = tpu.memref_squeeze %dma_start3A_432 : memref<1x80x128xf32, #tpu.memory_space<hbm>> -> memref<80x128xf32, #tpu.memory_space<hbm>>
    tpu.enqueue_dma source(%arg19 : memref<80x128xf32, #tpu.memory_space<vmem>>) target(%dma_start3A_433 : memref<80x128xf32, #tpu.memory_space<hbm>>) target_semaphore(%arg30 : memref<!tpu.dma_semaphore, #tpu.memory_space<semaphore_mem>>)
    %add3A_434 = arith.constant 480 : i32
    %add3A_435 = arith.addi %mul3A_4, %add3A_434 : i32
    %dma_wait3A_436 = arith.constant 0 : i32
    %dma_wait3A_437 = tpu.memref_slice %arg7[%arg0, %mul3A_4, %dma_wait3A_436] : memref<2x10240x128xf32, #tpu.memory_space<hbm>> -> memref<1x80x128xf32, #tpu.memory_space<hbm>>
    %dma_wait3A_438 = tpu.memref_squeeze %dma_wait3A_437 : memref<1x80x128xf32, #tpu.memory_space<hbm>> -> memref<80x128xf32, #tpu.memory_space<hbm>>
    %dma_wait3A_439 = arith.constant 0 : i32
    %dma_wait3A_440 = tpu.memref_slice %arg7[%arg0, %mul3A_4, %dma_wait3A_439] : memref<2x10240x128xf32, #tpu.memory_space<hbm>> -> memref<1x80x128xf32, #tpu.memory_space<hbm>>
    %dma_wait3A_441 = tpu.memref_squeeze %dma_wait3A_440 : memref<1x80x128xf32, #tpu.memory_space<hbm>> -> memref<80x128xf32, #tpu.memory_space<hbm>>
    tpu.wait_dma2 semaphore(%arg28 : memref<!tpu.dma_semaphore, #tpu.memory_space<semaphore_mem>>) src(%arg17 : memref<80x128xf32, #tpu.memory_space<vmem>>) dst(%dma_wait3A_441 : memref<80x128xf32, #tpu.memory_space<hbm>>)
    "tpu.region"() ({
      %run_scoped3A = tpu.sem_alloc : memref<!tpu.dma_semaphore, #tpu.memory_space<semaphore_mem>>
      %dma_start3A_789 = arith.constant 0 : i32
      %dma_start3A_790 = tpu.memref_slice %arg20[%add3A_435, %dma_start3A_789] : memref<10240x128xf32, #tpu.memory_space<vmem_shared>> -> memref<80x128xf32, #tpu.memory_space<vmem_shared>>
      %dma_start3A_791 = arith.constant 0 : i32
      %dma_start3A_792 = tpu.memref_slice %arg20[%add3A_435, %dma_start3A_791] : memref<10240x128xf32, #tpu.memory_space<vmem_shared>> -> memref<80x128xf32, #tpu.memory_space<vmem_shared>>
      tpu.enqueue_dma source(%dma_start3A_792 : memref<80x128xf32, #tpu.memory_space<vmem_shared>>) target(%arg17 : memref<80x128xf32, #tpu.memory_space<vmem>>) target_semaphore(%run_scoped3A : memref<!tpu.dma_semaphore, #tpu.memory_space<semaphore_mem>>)
      %dma_wait3A_793 = arith.constant 0 : i32
      %dma_wait3A_794 = tpu.memref_slice %arg20[%add3A_435, %dma_wait3A_793] : memref<10240x128xf32, #tpu.memory_space<vmem_shared>> -> memref<80x128xf32, #tpu.memory_space<vmem_shared>>
      %dma_wait3A_795 = arith.constant 0 : i32
      %dma_wait3A_796 = tpu.memref_slice %arg20[%add3A_435, %dma_wait3A_795] : memref<10240x128xf32, #tpu.memory_space<vmem_shared>> -> memref<80x128xf32, #tpu.memory_space<vmem_shared>>
      tpu.wait_dma2 semaphore(%run_scoped3A : memref<!tpu.dma_semaphore, #tpu.memory_space<semaphore_mem>>) src(%dma_wait3A_796 : memref<80x128xf32, #tpu.memory_space<vmem_shared>>) dst(%arg17 : memref<80x128xf32, #tpu.memory_space<vmem>>)
      tpu.yield
    }) : () -> ()
    %dma_start3A_442 = arith.constant 0 : i32
    %dma_start3A_443 = tpu.memref_slice %arg7[%arg0, %add3A_435, %dma_start3A_442] : memref<2x10240x128xf32, #tpu.memory_space<hbm>> -> memref<1x80x128xf32, #tpu.memory_space<hbm>>
    %dma_start3A_444 = tpu.memref_squeeze %dma_start3A_443 : memref<1x80x128xf32, #tpu.memory_space<hbm>> -> memref<80x128xf32, #tpu.memory_space<hbm>>
    %dma_start3A_445 = arith.constant 0 : i32
    %dma_start3A_446 = tpu.memref_slice %arg7[%arg0, %add3A_435, %dma_start3A_445] : memref<2x10240x128xf32, #tpu.memory_space<hbm>> -> memref<1x80x128xf32, #tpu.memory_space<hbm>>
    %dma_start3A_447 = tpu.memref_squeeze %dma_start3A_446 : memref<1x80x128xf32, #tpu.memory_space<hbm>> -> memref<80x128xf32, #tpu.memory_space<hbm>>
    tpu.enqueue_dma source(%arg17 : memref<80x128xf32, #tpu.memory_space<vmem>>) target(%dma_start3A_447 : memref<80x128xf32, #tpu.memory_space<hbm>>) target_semaphore(%arg28 : memref<!tpu.dma_semaphore, #tpu.memory_space<semaphore_mem>>)
    %add3A_448 = arith.constant 560 : i32
    %add3A_449 = arith.addi %mul3A_4, %add3A_448 : i32
    %dma_wait3A_450 = arith.constant 0 : i32
    %dma_wait3A_451 = tpu.memref_slice %arg7[%arg0, %mul3A_4, %dma_wait3A_450] : memref<2x10240x128xf32, #tpu.memory_space<hbm>> -> memref<1x80x128xf32, #tpu.memory_space<hbm>>
    %dma_wait3A_452 = tpu.memref_squeeze %dma_wait3A_451 : memref<1x80x128xf32, #tpu.memory_space<hbm>> -> memref<80x128xf32, #tpu.memory_space<hbm>>
    %dma_wait3A_453 = arith.constant 0 : i32
    %dma_wait3A_454 = tpu.memref_slice %arg7[%arg0, %mul3A_4, %dma_wait3A_453] : memref<2x10240x128xf32, #tpu.memory_space<hbm>> -> memref<1x80x128xf32, #tpu.memory_space<hbm>>
    %dma_wait3A_455 = tpu.memref_squeeze %dma_wait3A_454 : memref<1x80x128xf32, #tpu.memory_space<hbm>> -> memref<80x128xf32, #tpu.memory_space<hbm>>
    tpu.wait_dma2 semaphore(%arg29 : memref<!tpu.dma_semaphore, #tpu.memory_space<semaphore_mem>>) src(%arg18 : memref<80x128xf32, #tpu.memory_space<vmem>>) dst(%dma_wait3A_455 : memref<80x128xf32, #tpu.memory_space<hbm>>)
    "tpu.region"() ({
      %run_scoped3A = tpu.sem_alloc : memref<!tpu.dma_semaphore, #tpu.memory_space<semaphore_mem>>
      %dma_start3A_789 = arith.constant 0 : i32
      %dma_start3A_790 = tpu.memref_slice %arg20[%add3A_449, %dma_start3A_789] : memref<10240x128xf32, #tpu.memory_space<vmem_shared>> -> memref<80x128xf32, #tpu.memory_space<vmem_shared>>
      %dma_start3A_791 = arith.constant 0 : i32
      %dma_start3A_792 = tpu.memref_slice %arg20[%add3A_449, %dma_start3A_791] : memref<10240x128xf32, #tpu.memory_space<vmem_shared>> -> memref<80x128xf32, #tpu.memory_space<vmem_shared>>
      tpu.enqueue_dma source(%dma_start3A_792 : memref<80x128xf32, #tpu.memory_space<vmem_shared>>) target(%arg18 : memref<80x128xf32, #tpu.memory_space<vmem>>) target_semaphore(%run_scoped3A : memref<!tpu.dma_semaphore, #tpu.memory_space<semaphore_mem>>)
      %dma_wait3A_793 = arith.constant 0 : i32
      %dma_wait3A_794 = tpu.memref_slice %arg20[%add3A_449, %dma_wait3A_793] : memref<10240x128xf32, #tpu.memory_space<vmem_shared>> -> memref<80x128xf32, #tpu.memory_space<vmem_shared>>
      %dma_wait3A_795 = arith.constant 0 : i32
      %dma_wait3A_796 = tpu.memref_slice %arg20[%add3A_449, %dma_wait3A_795] : memref<10240x128xf32, #tpu.memory_space<vmem_shared>> -> memref<80x128xf32, #tpu.memory_space<vmem_shared>>
      tpu.wait_dma2 semaphore(%run_scoped3A : memref<!tpu.dma_semaphore, #tpu.memory_space<semaphore_mem>>) src(%dma_wait3A_796 : memref<80x128xf32, #tpu.memory_space<vmem_shared>>) dst(%arg18 : memref<80x128xf32, #tpu.memory_space<vmem>>)
      tpu.yield
    }) : () -> ()
    %dma_start3A_456 = arith.constant 0 : i32
    %dma_start3A_457 = tpu.memref_slice %arg7[%arg0, %add3A_449, %dma_start3A_456] : memref<2x10240x128xf32, #tpu.memory_space<hbm>> -> memref<1x80x128xf32, #tpu.memory_space<hbm>>
    %dma_start3A_458 = tpu.memref_squeeze %dma_start3A_457 : memref<1x80x128xf32, #tpu.memory_space<hbm>> -> memref<80x128xf32, #tpu.memory_space<hbm>>
    %dma_start3A_459 = arith.constant 0 : i32
    %dma_start3A_460 = tpu.memref_slice %arg7[%arg0, %add3A_449, %dma_start3A_459] : memref<2x10240x128xf32, #tpu.memory_space<hbm>> -> memref<1x80x128xf32, #tpu.memory_space<hbm>>
    %dma_start3A_461 = tpu.memref_squeeze %dma_start3A_460 : memref<1x80x128xf32, #tpu.memory_space<hbm>> -> memref<80x128xf32, #tpu.memory_space<hbm>>
    tpu.enqueue_dma source(%arg18 : memref<80x128xf32, #tpu.memory_space<vmem>>) target(%dma_start3A_461 : memref<80x128xf32, #tpu.memory_space<hbm>>) target_semaphore(%arg29 : memref<!tpu.dma_semaphore, #tpu.memory_space<semaphore_mem>>)
    %dma_wait3A_462 = arith.constant 0 : i32
    %dma_wait3A_463 = tpu.memref_slice %arg7[%arg0, %mul3A_4, %dma_wait3A_462] : memref<2x10240x128xf32, #tpu.memory_space<hbm>> -> memref<1x80x128xf32, #tpu.memory_space<hbm>>
    %dma_wait3A_464 = tpu.memref_squeeze %dma_wait3A_463 : memref<1x80x128xf32, #tpu.memory_space<hbm>> -> memref<80x128xf32, #tpu.memory_space<hbm>>
    %dma_wait3A_465 = arith.constant 0 : i32
    %dma_wait3A_466 = tpu.memref_slice %arg7[%arg0, %mul3A_4, %dma_wait3A_465] : memref<2x10240x128xf32, #tpu.memory_space<hbm>> -> memref<1x80x128xf32, #tpu.memory_space<hbm>>
    %dma_wait3A_467 = tpu.memref_squeeze %dma_wait3A_466 : memref<1x80x128xf32, #tpu.memory_space<hbm>> -> memref<80x128xf32, #tpu.memory_space<hbm>>
    tpu.wait_dma2 semaphore(%arg28 : memref<!tpu.dma_semaphore, #tpu.memory_space<semaphore_mem>>) src(%arg17 : memref<80x128xf32, #tpu.memory_space<vmem>>) dst(%dma_wait3A_467 : memref<80x128xf32, #tpu.memory_space<hbm>>)
    %dma_wait3A_468 = arith.constant 0 : i32
    %dma_wait3A_469 = tpu.memref_slice %arg7[%arg0, %mul3A_4, %dma_wait3A_468] : memref<2x10240x128xf32, #tpu.memory_space<hbm>> -> memref<1x80x128xf32, #tpu.memory_space<hbm>>
    %dma_wait3A_470 = tpu.memref_squeeze %dma_wait3A_469 : memref<1x80x128xf32, #tpu.memory_space<hbm>> -> memref<80x128xf32, #tpu.memory_space<hbm>>
    %dma_wait3A_471 = arith.constant 0 : i32
    %dma_wait3A_472 = tpu.memref_slice %arg7[%arg0, %mul3A_4, %dma_wait3A_471] : memref<2x10240x128xf32, #tpu.memory_space<hbm>> -> memref<1x80x128xf32, #tpu.memory_space<hbm>>
    %dma_wait3A_473 = tpu.memref_squeeze %dma_wait3A_472 : memref<1x80x128xf32, #tpu.memory_space<hbm>> -> memref<80x128xf32, #tpu.memory_space<hbm>>
    tpu.wait_dma2 semaphore(%arg29 : memref<!tpu.dma_semaphore, #tpu.memory_space<semaphore_mem>>) src(%arg18 : memref<80x128xf32, #tpu.memory_space<vmem>>) dst(%dma_wait3A_473 : memref<80x128xf32, #tpu.memory_space<hbm>>)
    %dma_wait3A_474 = arith.constant 0 : i32
    %dma_wait3A_475 = tpu.memref_slice %arg7[%arg0, %mul3A_4, %dma_wait3A_474] : memref<2x10240x128xf32, #tpu.memory_space<hbm>> -> memref<1x80x128xf32, #tpu.memory_space<hbm>>
    %dma_wait3A_476 = tpu.memref_squeeze %dma_wait3A_475 : memref<1x80x128xf32, #tpu.memory_space<hbm>> -> memref<80x128xf32, #tpu.memory_space<hbm>>
    %dma_wait3A_477 = arith.constant 0 : i32
    %dma_wait3A_478 = tpu.memref_slice %arg7[%arg0, %mul3A_4, %dma_wait3A_477] : memref<2x10240x128xf32, #tpu.memory_space<hbm>> -> memref<1x80x128xf32, #tpu.memory_space<hbm>>
    %dma_wait3A_479 = tpu.memref_squeeze %dma_wait3A_478 : memref<1x80x128xf32, #tpu.memory_space<hbm>> -> memref<80x128xf32, #tpu.memory_space<hbm>>
    tpu.wait_dma2 semaphore(%arg30 : memref<!tpu.dma_semaphore, #tpu.memory_space<semaphore_mem>>) src(%arg19 : memref<80x128xf32, #tpu.memory_space<vmem>>) dst(%dma_wait3A_479 : memref<80x128xf32, #tpu.memory_space<hbm>>)
    "tpu.region"() ({
      %run_scoped3A = tpu.sem_alloc : memref<!tpu.dma_semaphore, #tpu.memory_space<semaphore_mem>>
      tpu.enqueue_dma source(%arg5 : memref<80x128xf32, #tpu.memory_space<hbm>>) target(%arg17 : memref<80x128xf32, #tpu.memory_space<vmem>>) target_semaphore(%run_scoped3A : memref<!tpu.dma_semaphore, #tpu.memory_space<semaphore_mem>>)
      tpu.wait_dma2 semaphore(%run_scoped3A : memref<!tpu.dma_semaphore, #tpu.memory_space<semaphore_mem>>) src(%arg5 : memref<80x128xf32, #tpu.memory_space<hbm>>) dst(%arg17 : memref<80x128xf32, #tpu.memory_space<vmem>>)
      tpu.yield
    }) : () -> ()
    %scan3A_480 = arith.constant 0 : i32
    %scan3A_481 = arith.constant 8 : i32
    %scan3A_482 = arith.addi %scan3A_480, %scan3A_481 : i32
    %scan3A_483 = arith.constant 1 : i32
    scf.for %scan3A_789 = %scan3A_480 to %scan3A_482 step %scan3A_483  : i32 {
      %mul3A_790 = arith.constant 1 : i32
      %mul3A_791 = arith.muli %scan3A_789, %mul3A_790 : i32
      %add3A_792 = arith.constant 0 : i32
      %add3A_793 = arith.addi %add3A_792, %mul3A_791 : i32
      %mul3A_794 = arith.constant 80 : i32
      %mul3A_795 = arith.muli %add3A_793, %mul3A_794 : i32
      %add3A_796 = arith.addi %mul3A_4, %mul3A_795 : i32
      %dma_start3A_797 = arith.constant 0 : i32
      %dma_start3A_798 = tpu.memref_slice %arg20[%add3A_796, %dma_start3A_797] : memref<10240x128xf32, #tpu.memory_space<vmem_shared>> -> memref<80x128xf32, #tpu.memory_space<vmem_shared>>
      %dma_start3A_799 = arith.constant 0 : i32
      %dma_start3A_800 = tpu.memref_slice %arg20[%add3A_796, %dma_start3A_799] : memref<10240x128xf32, #tpu.memory_space<vmem_shared>> -> memref<80x128xf32, #tpu.memory_space<vmem_shared>>
      tpu.enqueue_dma source(%arg17 : memref<80x128xf32, #tpu.memory_space<vmem>>) target(%dma_start3A_800 : memref<80x128xf32, #tpu.memory_space<vmem_shared>>) target_semaphore(%arg25 : memref<!tpu.dma_semaphore, #tpu.memory_space<semaphore_mem>>)
    }
    %scan3A_484 = arith.constant 8 : i32
    %scan3A_485 = arith.constant 0 : i32
    %scan3A_486 = arith.constant 8 : i32
    %scan3A_487 = arith.addi %scan3A_485, %scan3A_486 : i32
    %scan3A_488 = arith.constant 1 : i32
    scf.for %scan3A_789 = %scan3A_485 to %scan3A_487 step %scan3A_488  : i32 {
      %mul3A_790 = arith.constant 1 : i32
      %mul3A_791 = arith.muli %scan3A_789, %mul3A_790 : i32
      %add3A_792 = arith.constant 0 : i32
      %add3A_793 = arith.addi %add3A_792, %mul3A_791 : i32
      %dma_wait3A_794 = arith.constant 0 : i32
      %dma_wait3A_795 = tpu.memref_slice %arg20[%mul3A_4, %dma_wait3A_794] : memref<10240x128xf32, #tpu.memory_space<vmem_shared>> -> memref<80x128xf32, #tpu.memory_space<vmem_shared>>
      %dma_wait3A_796 = arith.constant 0 : i32
      %dma_wait3A_797 = tpu.memref_slice %arg20[%mul3A_4, %dma_wait3A_796] : memref<10240x128xf32, #tpu.memory_space<vmem_shared>> -> memref<80x128xf32, #tpu.memory_space<vmem_shared>>
      tpu.wait_dma2 semaphore(%arg25 : memref<!tpu.dma_semaphore, #tpu.memory_space<semaphore_mem>>) src(%arg17 : memref<80x128xf32, #tpu.memory_space<vmem>>) dst(%dma_wait3A_797 : memref<80x128xf32, #tpu.memory_space<vmem_shared>>)
    }
    %scan3A_489 = arith.constant 8 : i32
    "tpu.region"() ({
      %run_scoped3A = tpu.sem_alloc : memref<!tpu.dma_semaphore, #tpu.memory_space<semaphore_mem>>
      tpu.enqueue_dma source(%arg6 : memref<80x128xf32, #tpu.memory_space<hbm>>) target(%arg17 : memref<80x128xf32, #tpu.memory_space<vmem>>) target_semaphore(%run_scoped3A : memref<!tpu.dma_semaphore, #tpu.memory_space<semaphore_mem>>)
      tpu.wait_dma2 semaphore(%run_scoped3A : memref<!tpu.dma_semaphore, #tpu.memory_space<semaphore_mem>>) src(%arg6 : memref<80x128xf32, #tpu.memory_space<hbm>>) dst(%arg17 : memref<80x128xf32, #tpu.memory_space<vmem>>)
      tpu.yield
    }) : () -> ()
    %barrier3A_490 = arith.constant 0 : index
    tpu.barrier barrier_id(%barrier3A_490)
    %add3A_491 = arith.constant 0 : i32
    %add3A_492 = arith.addi %mul3A_2, %add3A_491 : i32
    %dma_start3A_493 = arith.constant 0 : i32
    %dma_start3A_494 = arith.constant 0 : i32
    %dma_start3A_495 = tpu.memref_slice %arg13[%dma_start3A_493, %dma_start3A_494] : memref<1x80xi32, #tpu.memory_space<vmem>> -> memref<1x80xi32, #tpu.memory_space<vmem>>
    %dma_start3A_496 = tpu.memref_squeeze %dma_start3A_495 : memref<1x80xi32, #tpu.memory_space<vmem>> -> memref<80xi32, #tpu.memory_space<vmem>>
    %dma_start3A_497 = tpu.memref_slice %arg3[%add3A_492] : memref<320000xi32, #tpu.memory_space<hbm>> -> memref<80xi32, #tpu.memory_space<hbm>>
    %dma_start3A_498 = arith.constant 0 : i32
    %dma_start3A_499 = tpu.memref_slice %arg13[%dma_start3A_493, %dma_start3A_498] : memref<1x80xi32, #tpu.memory_space<vmem>> -> memref<1x80xi32, #tpu.memory_space<vmem>>
    %dma_start3A_500 = tpu.memref_squeeze %dma_start3A_499 : memref<1x80xi32, #tpu.memory_space<vmem>> -> memref<80xi32, #tpu.memory_space<vmem>>
    %dma_start3A_501 = tpu.memref_slice %arg3[%add3A_492] : memref<320000xi32, #tpu.memory_space<hbm>> -> memref<80xi32, #tpu.memory_space<hbm>>
    tpu.enqueue_dma source(%dma_start3A_501 : memref<80xi32, #tpu.memory_space<hbm>>) target(%dma_start3A_500 : memref<80xi32, #tpu.memory_space<vmem>>) target_semaphore(%arg21 : memref<!tpu.dma_semaphore, #tpu.memory_space<semaphore_mem>>)
    %add3A_502 = arith.constant 80 : i32
    %add3A_503 = arith.addi %mul3A_2, %add3A_502 : i32
    %dma_start3A_504 = arith.constant 0 : i32
    %dma_start3A_505 = arith.constant 0 : i32
    %dma_start3A_506 = tpu.memref_slice %arg14[%dma_start3A_504, %dma_start3A_505] : memref<1x80xi32, #tpu.memory_space<vmem>> -> memref<1x80xi32, #tpu.memory_space<vmem>>
    %dma_start3A_507 = tpu.memref_squeeze %dma_start3A_506 : memref<1x80xi32, #tpu.memory_space<vmem>> -> memref<80xi32, #tpu.memory_space<vmem>>
    %dma_start3A_508 = tpu.memref_slice %arg3[%add3A_503] : memref<320000xi32, #tpu.memory_space<hbm>> -> memref<80xi32, #tpu.memory_space<hbm>>
    %dma_start3A_509 = arith.constant 0 : i32
    %dma_start3A_510 = tpu.memref_slice %arg14[%dma_start3A_504, %dma_start3A_509] : memref<1x80xi32, #tpu.memory_space<vmem>> -> memref<1x80xi32, #tpu.memory_space<vmem>>
    %dma_start3A_511 = tpu.memref_squeeze %dma_start3A_510 : memref<1x80xi32, #tpu.memory_space<vmem>> -> memref<80xi32, #tpu.memory_space<vmem>>
    %dma_start3A_512 = tpu.memref_slice %arg3[%add3A_503] : memref<320000xi32, #tpu.memory_space<hbm>> -> memref<80xi32, #tpu.memory_space<hbm>>
    tpu.enqueue_dma source(%dma_start3A_512 : memref<80xi32, #tpu.memory_space<hbm>>) target(%dma_start3A_511 : memref<80xi32, #tpu.memory_space<vmem>>) target_semaphore(%arg22 : memref<!tpu.dma_semaphore, #tpu.memory_space<semaphore_mem>>)
    %add3A_513 = arith.constant 160 : i32
    %add3A_514 = arith.addi %mul3A_2, %add3A_513 : i32
    %dma_start3A_515 = arith.constant 0 : i32
    %dma_start3A_516 = arith.constant 0 : i32
    %dma_start3A_517 = tpu.memref_slice %arg15[%dma_start3A_515, %dma_start3A_516] : memref<1x80xi32, #tpu.memory_space<vmem>> -> memref<1x80xi32, #tpu.memory_space<vmem>>
    %dma_start3A_518 = tpu.memref_squeeze %dma_start3A_517 : memref<1x80xi32, #tpu.memory_space<vmem>> -> memref<80xi32, #tpu.memory_space<vmem>>
    %dma_start3A_519 = tpu.memref_slice %arg3[%add3A_514] : memref<320000xi32, #tpu.memory_space<hbm>> -> memref<80xi32, #tpu.memory_space<hbm>>
    %dma_start3A_520 = arith.constant 0 : i32
    %dma_start3A_521 = tpu.memref_slice %arg15[%dma_start3A_515, %dma_start3A_520] : memref<1x80xi32, #tpu.memory_space<vmem>> -> memref<1x80xi32, #tpu.memory_space<vmem>>
    %dma_start3A_522 = tpu.memref_squeeze %dma_start3A_521 : memref<1x80xi32, #tpu.memory_space<vmem>> -> memref<80xi32, #tpu.memory_space<vmem>>
    %dma_start3A_523 = tpu.memref_slice %arg3[%add3A_514] : memref<320000xi32, #tpu.memory_space<hbm>> -> memref<80xi32, #tpu.memory_space<hbm>>
    tpu.enqueue_dma source(%dma_start3A_523 : memref<80xi32, #tpu.memory_space<hbm>>) target(%dma_start3A_522 : memref<80xi32, #tpu.memory_space<vmem>>) target_semaphore(%arg23 : memref<!tpu.dma_semaphore, #tpu.memory_space<semaphore_mem>>)
    %dma_wait3A_524 = arith.constant 0 : i32
    %dma_wait3A_525 = arith.constant 0 : i32
    %dma_wait3A_526 = tpu.memref_slice %arg13[%dma_wait3A_524, %dma_wait3A_525] : memref<1x80xi32, #tpu.memory_space<vmem>> -> memref<1x80xi32, #tpu.memory_space<vmem>>
    %dma_wait3A_527 = tpu.memref_squeeze %dma_wait3A_526 : memref<1x80xi32, #tpu.memory_space<vmem>> -> memref<80xi32, #tpu.memory_space<vmem>>
    %dma_wait3A_528 = arith.constant 0 : i32
    %dma_wait3A_529 = tpu.memref_slice %arg3[%dma_wait3A_528] : memref<320000xi32, #tpu.memory_space<hbm>> -> memref<80xi32, #tpu.memory_space<hbm>>
    %dma_wait3A_530 = arith.constant 0 : i32
    %dma_wait3A_531 = tpu.memref_slice %arg13[%dma_wait3A_524, %dma_wait3A_530] : memref<1x80xi32, #tpu.memory_space<vmem>> -> memref<1x80xi32, #tpu.memory_space<vmem>>
    %dma_wait3A_532 = tpu.memref_squeeze %dma_wait3A_531 : memref<1x80xi32, #tpu.memory_space<vmem>> -> memref<80xi32, #tpu.memory_space<vmem>>
    %dma_wait3A_533 = arith.constant 0 : i32
    %dma_wait3A_534 = tpu.memref_slice %arg3[%dma_wait3A_533] : memref<320000xi32, #tpu.memory_space<hbm>> -> memref<80xi32, #tpu.memory_space<hbm>>
    tpu.wait_dma2 semaphore(%arg21 : memref<!tpu.dma_semaphore, #tpu.memory_space<semaphore_mem>>) src(%dma_wait3A_534 : memref<80xi32, #tpu.memory_space<hbm>>) dst(%dma_wait3A_532 : memref<80xi32, #tpu.memory_space<vmem>>)
    %dma_start3A_535 = arith.constant 0 : i32
    %dma_start3A_536 = arith.constant 0 : i32
    %dma_start3A_537 = tpu.memref_slice %arg13[%dma_start3A_535, %dma_start3A_536] : memref<1x80xi32, #tpu.memory_space<vmem>> -> memref<1x80xi32, #tpu.memory_space<vmem>>
    %dma_start3A_538 = tpu.memref_squeeze %dma_start3A_537 : memref<1x80xi32, #tpu.memory_space<vmem>> -> memref<80xi32, #tpu.memory_space<vmem>>
    %dma_start3A_539 = arith.constant 0 : i32
    %dma_start3A_540 = arith.constant 0 : i32
    %dma_start3A_541 = tpu.memref_slice %arg20[%dma_start3A_539, %dma_start3A_540] : memref<10240x128xf32, #tpu.memory_space<vmem_shared>> -> memref<10240x128xf32, #tpu.memory_space<vmem_shared>>
    tpu.enqueue_indirect_dma source(%arg17 : memref<80x128xf32, #tpu.memory_space<vmem>>) target(%dma_start3A_541 : memref<10240x128xf32, #tpu.memory_space<vmem_shared>>) offsets(%dma_start3A_538 : memref<80xi32, #tpu.memory_space<vmem>>) semaphore(%arg28 : memref<!tpu.dma_semaphore, #tpu.memory_space<semaphore_mem>>) {add = true}
    %add3A_542 = arith.constant 240 : i32
    %add3A_543 = arith.addi %mul3A_2, %add3A_542 : i32
    %dma_start3A_544 = arith.constant 0 : i32
    %dma_start3A_545 = arith.constant 0 : i32
    %dma_start3A_546 = tpu.memref_slice %arg16[%dma_start3A_544, %dma_start3A_545] : memref<1x80xi32, #tpu.memory_space<vmem>> -> memref<1x80xi32, #tpu.memory_space<vmem>>
    %dma_start3A_547 = tpu.memref_squeeze %dma_start3A_546 : memref<1x80xi32, #tpu.memory_space<vmem>> -> memref<80xi32, #tpu.memory_space<vmem>>
    %dma_start3A_548 = tpu.memref_slice %arg3[%add3A_543] : memref<320000xi32, #tpu.memory_space<hbm>> -> memref<80xi32, #tpu.memory_space<hbm>>
    %dma_start3A_549 = arith.constant 0 : i32
    %dma_start3A_550 = tpu.memref_slice %arg16[%dma_start3A_544, %dma_start3A_549] : memref<1x80xi32, #tpu.memory_space<vmem>> -> memref<1x80xi32, #tpu.memory_space<vmem>>
    %dma_start3A_551 = tpu.memref_squeeze %dma_start3A_550 : memref<1x80xi32, #tpu.memory_space<vmem>> -> memref<80xi32, #tpu.memory_space<vmem>>
    %dma_start3A_552 = tpu.memref_slice %arg3[%add3A_543] : memref<320000xi32, #tpu.memory_space<hbm>> -> memref<80xi32, #tpu.memory_space<hbm>>
    tpu.enqueue_dma source(%dma_start3A_552 : memref<80xi32, #tpu.memory_space<hbm>>) target(%dma_start3A_551 : memref<80xi32, #tpu.memory_space<vmem>>) target_semaphore(%arg24 : memref<!tpu.dma_semaphore, #tpu.memory_space<semaphore_mem>>)
    %scan3A_553 = arith.constant 0 : i32
    %scan3A_554 = arith.constant 10 : i32
    %scan3A_555 = arith.addi %scan3A_553, %scan3A_554 : i32
    %scan3A_556 = arith.constant 1 : i32
    scf.for %scan3A_789 = %scan3A_553 to %scan3A_555 step %scan3A_556  : i32 {
      %mul3A_790 = arith.constant 1 : i32
      %mul3A_791 = arith.muli %scan3A_789, %mul3A_790 : i32
      %add3A_792 = arith.constant 0 : i32
      %add3A_793 = arith.addi %add3A_792, %mul3A_791 : i32
      %mul3A_794 = arith.constant 12 : i32
      %mul3A_795 = arith.muli %mul3A_794, %add3A_793 : i32
      %add3A_796 = arith.constant 1 : i32
      %add3A_797 = arith.addi %add3A_796, %mul3A_795 : i32
      %add3A_798 = arith.constant 0 : i32
      %add3A_799 = arith.addi %add3A_797, %add3A_798 : i32
      %dma_wait3A_800 = arith.constant 0 : i32
      %dma_wait3A_801 = arith.constant 0 : i32
      %dma_wait3A_802 = tpu.memref_slice %arg14[%dma_wait3A_800, %dma_wait3A_801] : memref<1x80xi32, #tpu.memory_space<vmem>> -> memref<1x80xi32, #tpu.memory_space<vmem>>
      %dma_wait3A_803 = tpu.memref_squeeze %dma_wait3A_802 : memref<1x80xi32, #tpu.memory_space<vmem>> -> memref<80xi32, #tpu.memory_space<vmem>>
      %dma_wait3A_804 = arith.constant 0 : i32
      %dma_wait3A_805 = tpu.memref_slice %arg3[%dma_wait3A_804] : memref<320000xi32, #tpu.memory_space<hbm>> -> memref<80xi32, #tpu.memory_space<hbm>>
      %dma_wait3A_806 = arith.constant 0 : i32
      %dma_wait3A_807 = tpu.memref_slice %arg14[%dma_wait3A_800, %dma_wait3A_806] : memref<1x80xi32, #tpu.memory_space<vmem>> -> memref<1x80xi32, #tpu.memory_space<vmem>>
      %dma_wait3A_808 = tpu.memref_squeeze %dma_wait3A_807 : memref<1x80xi32, #tpu.memory_space<vmem>> -> memref<80xi32, #tpu.memory_space<vmem>>
      %dma_wait3A_809 = arith.constant 0 : i32
      %dma_wait3A_810 = tpu.memref_slice %arg3[%dma_wait3A_809] : memref<320000xi32, #tpu.memory_space<hbm>> -> memref<80xi32, #tpu.memory_space<hbm>>
      tpu.wait_dma2 semaphore(%arg22 : memref<!tpu.dma_semaphore, #tpu.memory_space<semaphore_mem>>) src(%dma_wait3A_810 : memref<80xi32, #tpu.memory_space<hbm>>) dst(%dma_wait3A_808 : memref<80xi32, #tpu.memory_space<vmem>>)
      %dma_start3A_811 = arith.constant 0 : i32
      %dma_start3A_812 = arith.constant 0 : i32
      %dma_start3A_813 = tpu.memref_slice %arg14[%dma_start3A_811, %dma_start3A_812] : memref<1x80xi32, #tpu.memory_space<vmem>> -> memref<1x80xi32, #tpu.memory_space<vmem>>
      %dma_start3A_814 = tpu.memref_squeeze %dma_start3A_813 : memref<1x80xi32, #tpu.memory_space<vmem>> -> memref<80xi32, #tpu.memory_space<vmem>>
      %dma_start3A_815 = arith.constant 0 : i32
      %dma_start3A_816 = arith.constant 0 : i32
      %dma_start3A_817 = tpu.memref_slice %arg20[%dma_start3A_815, %dma_start3A_816] : memref<10240x128xf32, #tpu.memory_space<vmem_shared>> -> memref<10240x128xf32, #tpu.memory_space<vmem_shared>>
      tpu.enqueue_indirect_dma source(%arg17 : memref<80x128xf32, #tpu.memory_space<vmem>>) target(%dma_start3A_817 : memref<10240x128xf32, #tpu.memory_space<vmem_shared>>) offsets(%dma_start3A_814 : memref<80xi32, #tpu.memory_space<vmem>>) semaphore(%arg29 : memref<!tpu.dma_semaphore, #tpu.memory_space<semaphore_mem>>) {add = true}
      %dma_wait3A_818 = arith.constant 0 : i32
      %dma_wait3A_819 = arith.constant 0 : i32
      %dma_wait3A_820 = tpu.memref_slice %arg13[%dma_wait3A_818, %dma_wait3A_819] : memref<1x80xi32, #tpu.memory_space<vmem>> -> memref<1x80xi32, #tpu.memory_space<vmem>>
      %dma_wait3A_821 = tpu.memref_squeeze %dma_wait3A_820 : memref<1x80xi32, #tpu.memory_space<vmem>> -> memref<80xi32, #tpu.memory_space<vmem>>
      %dma_wait3A_822 = arith.constant 0 : i32
      %dma_wait3A_823 = arith.constant 0 : i32
      %dma_wait3A_824 = tpu.memref_slice %arg20[%dma_wait3A_822, %dma_wait3A_823] : memref<10240x128xf32, #tpu.memory_space<vmem_shared>> -> memref<10240x128xf32, #tpu.memory_space<vmem_shared>>
      tpu.wait_indirect_dma semaphore(%arg28 : memref<!tpu.dma_semaphore, #tpu.memory_space<semaphore_mem>>) src(%arg17 : memref<80x128xf32, #tpu.memory_space<vmem>>) dst(%dma_wait3A_824 : memref<10240x128xf32, #tpu.memory_space<vmem_shared>>)
      %add3A_825 = arith.constant 3 : i32
      %add3A_826 = arith.addi %add3A_799, %add3A_825 : i32
      %mul3A_827 = arith.constant 80 : i32
      %mul3A_828 = arith.muli %add3A_826, %mul3A_827 : i32
      %add3A_829 = arith.addi %mul3A_2, %mul3A_828 : i32
      %dma_start3A_830 = arith.constant 0 : i32
      %dma_start3A_831 = arith.constant 0 : i32
      %dma_start3A_832 = tpu.memref_slice %arg13[%dma_start3A_830, %dma_start3A_831] : memref<1x80xi32, #tpu.memory_space<vmem>> -> memref<1x80xi32, #tpu.memory_space<vmem>>
      %dma_start3A_833 = tpu.memref_squeeze %dma_start3A_832 : memref<1x80xi32, #tpu.memory_space<vmem>> -> memref<80xi32, #tpu.memory_space<vmem>>
      %dma_start3A_834 = tpu.memref_slice %arg3[%add3A_829] : memref<320000xi32, #tpu.memory_space<hbm>> -> memref<80xi32, #tpu.memory_space<hbm>>
      %dma_start3A_835 = arith.constant 0 : i32
      %dma_start3A_836 = tpu.memref_slice %arg13[%dma_start3A_830, %dma_start3A_835] : memref<1x80xi32, #tpu.memory_space<vmem>> -> memref<1x80xi32, #tpu.memory_space<vmem>>
      %dma_start3A_837 = tpu.memref_squeeze %dma_start3A_836 : memref<1x80xi32, #tpu.memory_space<vmem>> -> memref<80xi32, #tpu.memory_space<vmem>>
      %dma_start3A_838 = tpu.memref_slice %arg3[%add3A_829] : memref<320000xi32, #tpu.memory_space<hbm>> -> memref<80xi32, #tpu.memory_space<hbm>>
      tpu.enqueue_dma source(%dma_start3A_838 : memref<80xi32, #tpu.memory_space<hbm>>) target(%dma_start3A_837 : memref<80xi32, #tpu.memory_space<vmem>>) target_semaphore(%arg21 : memref<!tpu.dma_semaphore, #tpu.memory_space<semaphore_mem>>)
      %add3A_839 = arith.constant 1 : i32
      %add3A_840 = arith.addi %add3A_797, %add3A_839 : i32
      %dma_wait3A_841 = arith.constant 0 : i32
      %dma_wait3A_842 = arith.constant 0 : i32
      %dma_wait3A_843 = tpu.memref_slice %arg15[%dma_wait3A_841, %dma_wait3A_842] : memref<1x80xi32, #tpu.memory_space<vmem>> -> memref<1x80xi32, #tpu.memory_space<vmem>>
      %dma_wait3A_844 = tpu.memref_squeeze %dma_wait3A_843 : memref<1x80xi32, #tpu.memory_space<vmem>> -> memref<80xi32, #tpu.memory_space<vmem>>
      %dma_wait3A_845 = arith.constant 0 : i32
      %dma_wait3A_846 = tpu.memref_slice %arg3[%dma_wait3A_845] : memref<320000xi32, #tpu.memory_space<hbm>> -> memref<80xi32, #tpu.memory_space<hbm>>
      %dma_wait3A_847 = arith.constant 0 : i32
      %dma_wait3A_848 = tpu.memref_slice %arg15[%dma_wait3A_841, %dma_wait3A_847] : memref<1x80xi32, #tpu.memory_space<vmem>> -> memref<1x80xi32, #tpu.memory_space<vmem>>
      %dma_wait3A_849 = tpu.memref_squeeze %dma_wait3A_848 : memref<1x80xi32, #tpu.memory_space<vmem>> -> memref<80xi32, #tpu.memory_space<vmem>>
      %dma_wait3A_850 = arith.constant 0 : i32
      %dma_wait3A_851 = tpu.memref_slice %arg3[%dma_wait3A_850] : memref<320000xi32, #tpu.memory_space<hbm>> -> memref<80xi32, #tpu.memory_space<hbm>>
      tpu.wait_dma2 semaphore(%arg23 : memref<!tpu.dma_semaphore, #tpu.memory_space<semaphore_mem>>) src(%dma_wait3A_851 : memref<80xi32, #tpu.memory_space<hbm>>) dst(%dma_wait3A_849 : memref<80xi32, #tpu.memory_space<vmem>>)
      %dma_start3A_852 = arith.constant 0 : i32
      %dma_start3A_853 = arith.constant 0 : i32
      %dma_start3A_854 = tpu.memref_slice %arg15[%dma_start3A_852, %dma_start3A_853] : memref<1x80xi32, #tpu.memory_space<vmem>> -> memref<1x80xi32, #tpu.memory_space<vmem>>
      %dma_start3A_855 = tpu.memref_squeeze %dma_start3A_854 : memref<1x80xi32, #tpu.memory_space<vmem>> -> memref<80xi32, #tpu.memory_space<vmem>>
      %dma_start3A_856 = arith.constant 0 : i32
      %dma_start3A_857 = arith.constant 0 : i32
      %dma_start3A_858 = tpu.memref_slice %arg20[%dma_start3A_856, %dma_start3A_857] : memref<10240x128xf32, #tpu.memory_space<vmem_shared>> -> memref<10240x128xf32, #tpu.memory_space<vmem_shared>>
      tpu.enqueue_indirect_dma source(%arg17 : memref<80x128xf32, #tpu.memory_space<vmem>>) target(%dma_start3A_858 : memref<10240x128xf32, #tpu.memory_space<vmem_shared>>) offsets(%dma_start3A_855 : memref<80xi32, #tpu.memory_space<vmem>>) semaphore(%arg30 : memref<!tpu.dma_semaphore, #tpu.memory_space<semaphore_mem>>) {add = true}
      %dma_wait3A_859 = arith.constant 0 : i32
      %dma_wait3A_860 = arith.constant 0 : i32
      %dma_wait3A_861 = tpu.memref_slice %arg14[%dma_wait3A_859, %dma_wait3A_860] : memref<1x80xi32, #tpu.memory_space<vmem>> -> memref<1x80xi32, #tpu.memory_space<vmem>>
      %dma_wait3A_862 = tpu.memref_squeeze %dma_wait3A_861 : memref<1x80xi32, #tpu.memory_space<vmem>> -> memref<80xi32, #tpu.memory_space<vmem>>
      %dma_wait3A_863 = arith.constant 0 : i32
      %dma_wait3A_864 = arith.constant 0 : i32
      %dma_wait3A_865 = tpu.memref_slice %arg20[%dma_wait3A_863, %dma_wait3A_864] : memref<10240x128xf32, #tpu.memory_space<vmem_shared>> -> memref<10240x128xf32, #tpu.memory_space<vmem_shared>>
      tpu.wait_indirect_dma semaphore(%arg29 : memref<!tpu.dma_semaphore, #tpu.memory_space<semaphore_mem>>) src(%arg17 : memref<80x128xf32, #tpu.memory_space<vmem>>) dst(%dma_wait3A_865 : memref<10240x128xf32, #tpu.memory_space<vmem_shared>>)
      %add3A_866 = arith.constant 3 : i32
      %add3A_867 = arith.addi %add3A_840, %add3A_866 : i32
      %mul3A_868 = arith.constant 80 : i32
      %mul3A_869 = arith.muli %add3A_867, %mul3A_868 : i32
      %add3A_870 = arith.addi %mul3A_2, %mul3A_869 : i32
      %dma_start3A_871 = arith.constant 0 : i32
      %dma_start3A_872 = arith.constant 0 : i32
      %dma_start3A_873 = tpu.memref_slice %arg14[%dma_start3A_871, %dma_start3A_872] : memref<1x80xi32, #tpu.memory_space<vmem>> -> memref<1x80xi32, #tpu.memory_space<vmem>>
      %dma_start3A_874 = tpu.memref_squeeze %dma_start3A_873 : memref<1x80xi32, #tpu.memory_space<vmem>> -> memref<80xi32, #tpu.memory_space<vmem>>
      %dma_start3A_875 = tpu.memref_slice %arg3[%add3A_870] : memref<320000xi32, #tpu.memory_space<hbm>> -> memref<80xi32, #tpu.memory_space<hbm>>
      %dma_start3A_876 = arith.constant 0 : i32
      %dma_start3A_877 = tpu.memref_slice %arg14[%dma_start3A_871, %dma_start3A_876] : memref<1x80xi32, #tpu.memory_space<vmem>> -> memref<1x80xi32, #tpu.memory_space<vmem>>
      %dma_start3A_878 = tpu.memref_squeeze %dma_start3A_877 : memref<1x80xi32, #tpu.memory_space<vmem>> -> memref<80xi32, #tpu.memory_space<vmem>>
      %dma_start3A_879 = tpu.memref_slice %arg3[%add3A_870] : memref<320000xi32, #tpu.memory_space<hbm>> -> memref<80xi32, #tpu.memory_space<hbm>>
      tpu.enqueue_dma source(%dma_start3A_879 : memref<80xi32, #tpu.memory_space<hbm>>) target(%dma_start3A_878 : memref<80xi32, #tpu.memory_space<vmem>>) target_semaphore(%arg22 : memref<!tpu.dma_semaphore, #tpu.memory_space<semaphore_mem>>)
      %add3A_880 = arith.constant 2 : i32
      %add3A_881 = arith.addi %add3A_797, %add3A_880 : i32
      %dma_wait3A_882 = arith.constant 0 : i32
      %dma_wait3A_883 = arith.constant 0 : i32
      %dma_wait3A_884 = tpu.memref_slice %arg16[%dma_wait3A_882, %dma_wait3A_883] : memref<1x80xi32, #tpu.memory_space<vmem>> -> memref<1x80xi32, #tpu.memory_space<vmem>>
      %dma_wait3A_885 = tpu.memref_squeeze %dma_wait3A_884 : memref<1x80xi32, #tpu.memory_space<vmem>> -> memref<80xi32, #tpu.memory_space<vmem>>
      %dma_wait3A_886 = arith.constant 0 : i32
      %dma_wait3A_887 = tpu.memref_slice %arg3[%dma_wait3A_886] : memref<320000xi32, #tpu.memory_space<hbm>> -> memref<80xi32, #tpu.memory_space<hbm>>
      %dma_wait3A_888 = arith.constant 0 : i32
      %dma_wait3A_889 = tpu.memref_slice %arg16[%dma_wait3A_882, %dma_wait3A_888] : memref<1x80xi32, #tpu.memory_space<vmem>> -> memref<1x80xi32, #tpu.memory_space<vmem>>
      %dma_wait3A_890 = tpu.memref_squeeze %dma_wait3A_889 : memref<1x80xi32, #tpu.memory_space<vmem>> -> memref<80xi32, #tpu.memory_space<vmem>>
      %dma_wait3A_891 = arith.constant 0 : i32
      %dma_wait3A_892 = tpu.memref_slice %arg3[%dma_wait3A_891] : memref<320000xi32, #tpu.memory_space<hbm>> -> memref<80xi32, #tpu.memory_space<hbm>>
      tpu.wait_dma2 semaphore(%arg24 : memref<!tpu.dma_semaphore, #tpu.memory_space<semaphore_mem>>) src(%dma_wait3A_892 : memref<80xi32, #tpu.memory_space<hbm>>) dst(%dma_wait3A_890 : memref<80xi32, #tpu.memory_space<vmem>>)
      %dma_start3A_893 = arith.constant 0 : i32
      %dma_start3A_894 = arith.constant 0 : i32
      %dma_start3A_895 = tpu.memref_slice %arg16[%dma_start3A_893, %dma_start3A_894] : memref<1x80xi32, #tpu.memory_space<vmem>> -> memref<1x80xi32, #tpu.memory_space<vmem>>
      %dma_start3A_896 = tpu.memref_squeeze %dma_start3A_895 : memref<1x80xi32, #tpu.memory_space<vmem>> -> memref<80xi32, #tpu.memory_space<vmem>>
      %dma_start3A_897 = arith.constant 0 : i32
      %dma_start3A_898 = arith.constant 0 : i32
      %dma_start3A_899 = tpu.memref_slice %arg20[%dma_start3A_897, %dma_start3A_898] : memref<10240x128xf32, #tpu.memory_space<vmem_shared>> -> memref<10240x128xf32, #tpu.memory_space<vmem_shared>>
      tpu.enqueue_indirect_dma source(%arg17 : memref<80x128xf32, #tpu.memory_space<vmem>>) target(%dma_start3A_899 : memref<10240x128xf32, #tpu.memory_space<vmem_shared>>) offsets(%dma_start3A_896 : memref<80xi32, #tpu.memory_space<vmem>>) semaphore(%arg28 : memref<!tpu.dma_semaphore, #tpu.memory_space<semaphore_mem>>) {add = true}
      %dma_wait3A_900 = arith.constant 0 : i32
      %dma_wait3A_901 = arith.constant 0 : i32
      %dma_wait3A_902 = tpu.memref_slice %arg15[%dma_wait3A_900, %dma_wait3A_901] : memref<1x80xi32, #tpu.memory_space<vmem>> -> memref<1x80xi32, #tpu.memory_space<vmem>>
      %dma_wait3A_903 = tpu.memref_squeeze %dma_wait3A_902 : memref<1x80xi32, #tpu.memory_space<vmem>> -> memref<80xi32, #tpu.memory_space<vmem>>
      %dma_wait3A_904 = arith.constant 0 : i32
      %dma_wait3A_905 = arith.constant 0 : i32
      %dma_wait3A_906 = tpu.memref_slice %arg20[%dma_wait3A_904, %dma_wait3A_905] : memref<10240x128xf32, #tpu.memory_space<vmem_shared>> -> memref<10240x128xf32, #tpu.memory_space<vmem_shared>>
      tpu.wait_indirect_dma semaphore(%arg30 : memref<!tpu.dma_semaphore, #tpu.memory_space<semaphore_mem>>) src(%arg17 : memref<80x128xf32, #tpu.memory_space<vmem>>) dst(%dma_wait3A_906 : memref<10240x128xf32, #tpu.memory_space<vmem_shared>>)
      %add3A_907 = arith.constant 3 : i32
      %add3A_908 = arith.addi %add3A_881, %add3A_907 : i32
      %mul3A_909 = arith.constant 80 : i32
      %mul3A_910 = arith.muli %add3A_908, %mul3A_909 : i32
      %add3A_911 = arith.addi %mul3A_2, %mul3A_910 : i32
      %dma_start3A_912 = arith.constant 0 : i32
      %dma_start3A_913 = arith.constant 0 : i32
      %dma_start3A_914 = tpu.memref_slice %arg15[%dma_start3A_912, %dma_start3A_913] : memref<1x80xi32, #tpu.memory_space<vmem>> -> memref<1x80xi32, #tpu.memory_space<vmem>>
      %dma_start3A_915 = tpu.memref_squeeze %dma_start3A_914 : memref<1x80xi32, #tpu.memory_space<vmem>> -> memref<80xi32, #tpu.memory_space<vmem>>
      %dma_start3A_916 = tpu.memref_slice %arg3[%add3A_911] : memref<320000xi32, #tpu.memory_space<hbm>> -> memref<80xi32, #tpu.memory_space<hbm>>
      %dma_start3A_917 = arith.constant 0 : i32
      %dma_start3A_918 = tpu.memref_slice %arg15[%dma_start3A_912, %dma_start3A_917] : memref<1x80xi32, #tpu.memory_space<vmem>> -> memref<1x80xi32, #tpu.memory_space<vmem>>
      %dma_start3A_919 = tpu.memref_squeeze %dma_start3A_918 : memref<1x80xi32, #tpu.memory_space<vmem>> -> memref<80xi32, #tpu.memory_space<vmem>>
      %dma_start3A_920 = tpu.memref_slice %arg3[%add3A_911] : memref<320000xi32, #tpu.memory_space<hbm>> -> memref<80xi32, #tpu.memory_space<hbm>>
      tpu.enqueue_dma source(%dma_start3A_920 : memref<80xi32, #tpu.memory_space<hbm>>) target(%dma_start3A_919 : memref<80xi32, #tpu.memory_space<vmem>>) target_semaphore(%arg23 : memref<!tpu.dma_semaphore, #tpu.memory_space<semaphore_mem>>)
      %add3A_921 = arith.constant 3 : i32
      %add3A_922 = arith.addi %add3A_797, %add3A_921 : i32
      %dma_wait3A_923 = arith.constant 0 : i32
      %dma_wait3A_924 = arith.constant 0 : i32
      %dma_wait3A_925 = tpu.memref_slice %arg13[%dma_wait3A_923, %dma_wait3A_924] : memref<1x80xi32, #tpu.memory_space<vmem>> -> memref<1x80xi32, #tpu.memory_space<vmem>>
      %dma_wait3A_926 = tpu.memref_squeeze %dma_wait3A_925 : memref<1x80xi32, #tpu.memory_space<vmem>> -> memref<80xi32, #tpu.memory_space<vmem>>
      %dma_wait3A_927 = arith.constant 0 : i32
      %dma_wait3A_928 = tpu.memref_slice %arg3[%dma_wait3A_927] : memref<320000xi32, #tpu.memory_space<hbm>> -> memref<80xi32, #tpu.memory_space<hbm>>
      %dma_wait3A_929 = arith.constant 0 : i32
      %dma_wait3A_930 = tpu.memref_slice %arg13[%dma_wait3A_923, %dma_wait3A_929] : memref<1x80xi32, #tpu.memory_space<vmem>> -> memref<1x80xi32, #tpu.memory_space<vmem>>
      %dma_wait3A_931 = tpu.memref_squeeze %dma_wait3A_930 : memref<1x80xi32, #tpu.memory_space<vmem>> -> memref<80xi32, #tpu.memory_space<vmem>>
      %dma_wait3A_932 = arith.constant 0 : i32
      %dma_wait3A_933 = tpu.memref_slice %arg3[%dma_wait3A_932] : memref<320000xi32, #tpu.memory_space<hbm>> -> memref<80xi32, #tpu.memory_space<hbm>>
      tpu.wait_dma2 semaphore(%arg21 : memref<!tpu.dma_semaphore, #tpu.memory_space<semaphore_mem>>) src(%dma_wait3A_933 : memref<80xi32, #tpu.memory_space<hbm>>) dst(%dma_wait3A_931 : memref<80xi32, #tpu.memory_space<vmem>>)
      %dma_start3A_934 = arith.constant 0 : i32
      %dma_start3A_935 = arith.constant 0 : i32
      %dma_start3A_936 = tpu.memref_slice %arg13[%dma_start3A_934, %dma_start3A_935] : memref<1x80xi32, #tpu.memory_space<vmem>> -> memref<1x80xi32, #tpu.memory_space<vmem>>
      %dma_start3A_937 = tpu.memref_squeeze %dma_start3A_936 : memref<1x80xi32, #tpu.memory_space<vmem>> -> memref<80xi32, #tpu.memory_space<vmem>>
      %dma_start3A_938 = arith.constant 0 : i32
      %dma_start3A_939 = arith.constant 0 : i32
      %dma_start3A_940 = tpu.memref_slice %arg20[%dma_start3A_938, %dma_start3A_939] : memref<10240x128xf32, #tpu.memory_space<vmem_shared>> -> memref<10240x128xf32, #tpu.memory_space<vmem_shared>>
      tpu.enqueue_indirect_dma source(%arg17 : memref<80x128xf32, #tpu.memory_space<vmem>>) target(%dma_start3A_940 : memref<10240x128xf32, #tpu.memory_space<vmem_shared>>) offsets(%dma_start3A_937 : memref<80xi32, #tpu.memory_space<vmem>>) semaphore(%arg29 : memref<!tpu.dma_semaphore, #tpu.memory_space<semaphore_mem>>) {add = true}
      %dma_wait3A_941 = arith.constant 0 : i32
      %dma_wait3A_942 = arith.constant 0 : i32
      %dma_wait3A_943 = tpu.memref_slice %arg16[%dma_wait3A_941, %dma_wait3A_942] : memref<1x80xi32, #tpu.memory_space<vmem>> -> memref<1x80xi32, #tpu.memory_space<vmem>>
      %dma_wait3A_944 = tpu.memref_squeeze %dma_wait3A_943 : memref<1x80xi32, #tpu.memory_space<vmem>> -> memref<80xi32, #tpu.memory_space<vmem>>
      %dma_wait3A_945 = arith.constant 0 : i32
      %dma_wait3A_946 = arith.constant 0 : i32
      %dma_wait3A_947 = tpu.memref_slice %arg20[%dma_wait3A_945, %dma_wait3A_946] : memref<10240x128xf32, #tpu.memory_space<vmem_shared>> -> memref<10240x128xf32, #tpu.memory_space<vmem_shared>>
      tpu.wait_indirect_dma semaphore(%arg28 : memref<!tpu.dma_semaphore, #tpu.memory_space<semaphore_mem>>) src(%arg17 : memref<80x128xf32, #tpu.memory_space<vmem>>) dst(%dma_wait3A_947 : memref<10240x128xf32, #tpu.memory_space<vmem_shared>>)
      %add3A_948 = arith.constant 3 : i32
      %add3A_949 = arith.addi %add3A_922, %add3A_948 : i32
      %mul3A_950 = arith.constant 80 : i32
      %mul3A_951 = arith.muli %add3A_949, %mul3A_950 : i32
      %add3A_952 = arith.addi %mul3A_2, %mul3A_951 : i32
      %dma_start3A_953 = arith.constant 0 : i32
      %dma_start3A_954 = arith.constant 0 : i32
      %dma_start3A_955 = tpu.memref_slice %arg16[%dma_start3A_953, %dma_start3A_954] : memref<1x80xi32, #tpu.memory_space<vmem>> -> memref<1x80xi32, #tpu.memory_space<vmem>>
      %dma_start3A_956 = tpu.memref_squeeze %dma_start3A_955 : memref<1x80xi32, #tpu.memory_space<vmem>> -> memref<80xi32, #tpu.memory_space<vmem>>
      %dma_start3A_957 = tpu.memref_slice %arg3[%add3A_952] : memref<320000xi32, #tpu.memory_space<hbm>> -> memref<80xi32, #tpu.memory_space<hbm>>
      %dma_start3A_958 = arith.constant 0 : i32
      %dma_start3A_959 = tpu.memref_slice %arg16[%dma_start3A_953, %dma_start3A_958] : memref<1x80xi32, #tpu.memory_space<vmem>> -> memref<1x80xi32, #tpu.memory_space<vmem>>
      %dma_start3A_960 = tpu.memref_squeeze %dma_start3A_959 : memref<1x80xi32, #tpu.memory_space<vmem>> -> memref<80xi32, #tpu.memory_space<vmem>>
      %dma_start3A_961 = tpu.memref_slice %arg3[%add3A_952] : memref<320000xi32, #tpu.memory_space<hbm>> -> memref<80xi32, #tpu.memory_space<hbm>>
      tpu.enqueue_dma source(%dma_start3A_961 : memref<80xi32, #tpu.memory_space<hbm>>) target(%dma_start3A_960 : memref<80xi32, #tpu.memory_space<vmem>>) target_semaphore(%arg24 : memref<!tpu.dma_semaphore, #tpu.memory_space<semaphore_mem>>)
      %add3A_962 = arith.constant 4 : i32
      %add3A_963 = arith.addi %add3A_797, %add3A_962 : i32
      %dma_wait3A_964 = arith.constant 0 : i32
      %dma_wait3A_965 = arith.constant 0 : i32
      %dma_wait3A_966 = tpu.memref_slice %arg14[%dma_wait3A_964, %dma_wait3A_965] : memref<1x80xi32, #tpu.memory_space<vmem>> -> memref<1x80xi32, #tpu.memory_space<vmem>>
      %dma_wait3A_967 = tpu.memref_squeeze %dma_wait3A_966 : memref<1x80xi32, #tpu.memory_space<vmem>> -> memref<80xi32, #tpu.memory_space<vmem>>
      %dma_wait3A_968 = arith.constant 0 : i32
      %dma_wait3A_969 = tpu.memref_slice %arg3[%dma_wait3A_968] : memref<320000xi32, #tpu.memory_space<hbm>> -> memref<80xi32, #tpu.memory_space<hbm>>
      %dma_wait3A_970 = arith.constant 0 : i32
      %dma_wait3A_971 = tpu.memref_slice %arg14[%dma_wait3A_964, %dma_wait3A_970] : memref<1x80xi32, #tpu.memory_space<vmem>> -> memref<1x80xi32, #tpu.memory_space<vmem>>
      %dma_wait3A_972 = tpu.memref_squeeze %dma_wait3A_971 : memref<1x80xi32, #tpu.memory_space<vmem>> -> memref<80xi32, #tpu.memory_space<vmem>>
      %dma_wait3A_973 = arith.constant 0 : i32
      %dma_wait3A_974 = tpu.memref_slice %arg3[%dma_wait3A_973] : memref<320000xi32, #tpu.memory_space<hbm>> -> memref<80xi32, #tpu.memory_space<hbm>>
      tpu.wait_dma2 semaphore(%arg22 : memref<!tpu.dma_semaphore, #tpu.memory_space<semaphore_mem>>) src(%dma_wait3A_974 : memref<80xi32, #tpu.memory_space<hbm>>) dst(%dma_wait3A_972 : memref<80xi32, #tpu.memory_space<vmem>>)
      %dma_start3A_975 = arith.constant 0 : i32
      %dma_start3A_976 = arith.constant 0 : i32
      %dma_start3A_977 = tpu.memref_slice %arg14[%dma_start3A_975, %dma_start3A_976] : memref<1x80xi32, #tpu.memory_space<vmem>> -> memref<1x80xi32, #tpu.memory_space<vmem>>
      %dma_start3A_978 = tpu.memref_squeeze %dma_start3A_977 : memref<1x80xi32, #tpu.memory_space<vmem>> -> memref<80xi32, #tpu.memory_space<vmem>>
      %dma_start3A_979 = arith.constant 0 : i32
      %dma_start3A_980 = arith.constant 0 : i32
      %dma_start3A_981 = tpu.memref_slice %arg20[%dma_start3A_979, %dma_start3A_980] : memref<10240x128xf32, #tpu.memory_space<vmem_shared>> -> memref<10240x128xf32, #tpu.memory_space<vmem_shared>>
      tpu.enqueue_indirect_dma source(%arg17 : memref<80x128xf32, #tpu.memory_space<vmem>>) target(%dma_start3A_981 : memref<10240x128xf32, #tpu.memory_space<vmem_shared>>) offsets(%dma_start3A_978 : memref<80xi32, #tpu.memory_space<vmem>>) semaphore(%arg30 : memref<!tpu.dma_semaphore, #tpu.memory_space<semaphore_mem>>) {add = true}
      %dma_wait3A_982 = arith.constant 0 : i32
      %dma_wait3A_983 = arith.constant 0 : i32
      %dma_wait3A_984 = tpu.memref_slice %arg13[%dma_wait3A_982, %dma_wait3A_983] : memref<1x80xi32, #tpu.memory_space<vmem>> -> memref<1x80xi32, #tpu.memory_space<vmem>>
      %dma_wait3A_985 = tpu.memref_squeeze %dma_wait3A_984 : memref<1x80xi32, #tpu.memory_space<vmem>> -> memref<80xi32, #tpu.memory_space<vmem>>
      %dma_wait3A_986 = arith.constant 0 : i32
      %dma_wait3A_987 = arith.constant 0 : i32
      %dma_wait3A_988 = tpu.memref_slice %arg20[%dma_wait3A_986, %dma_wait3A_987] : memref<10240x128xf32, #tpu.memory_space<vmem_shared>> -> memref<10240x128xf32, #tpu.memory_space<vmem_shared>>
      tpu.wait_indirect_dma semaphore(%arg29 : memref<!tpu.dma_semaphore, #tpu.memory_space<semaphore_mem>>) src(%arg17 : memref<80x128xf32, #tpu.memory_space<vmem>>) dst(%dma_wait3A_988 : memref<10240x128xf32, #tpu.memory_space<vmem_shared>>)
      %add3A_989 = arith.constant 3 : i32
      %add3A_990 = arith.addi %add3A_963, %add3A_989 : i32
      %mul3A_991 = arith.constant 80 : i32
      %mul3A_992 = arith.muli %add3A_990, %mul3A_991 : i32
      %add3A_993 = arith.addi %mul3A_2, %mul3A_992 : i32
      %dma_start3A_994 = arith.constant 0 : i32
      %dma_start3A_995 = arith.constant 0 : i32
      %dma_start3A_996 = tpu.memref_slice %arg13[%dma_start3A_994, %dma_start3A_995] : memref<1x80xi32, #tpu.memory_space<vmem>> -> memref<1x80xi32, #tpu.memory_space<vmem>>
      %dma_start3A_997 = tpu.memref_squeeze %dma_start3A_996 : memref<1x80xi32, #tpu.memory_space<vmem>> -> memref<80xi32, #tpu.memory_space<vmem>>
      %dma_start3A_998 = tpu.memref_slice %arg3[%add3A_993] : memref<320000xi32, #tpu.memory_space<hbm>> -> memref<80xi32, #tpu.memory_space<hbm>>
      %dma_start3A_999 = arith.constant 0 : i32
      %dma_start3A_1000 = tpu.memref_slice %arg13[%dma_start3A_994, %dma_start3A_999] : memref<1x80xi32, #tpu.memory_space<vmem>> -> memref<1x80xi32, #tpu.memory_space<vmem>>
      %dma_start3A_1001 = tpu.memref_squeeze %dma_start3A_1000 : memref<1x80xi32, #tpu.memory_space<vmem>> -> memref<80xi32, #tpu.memory_space<vmem>>
      %dma_start3A_1002 = tpu.memref_slice %arg3[%add3A_993] : memref<320000xi32, #tpu.memory_space<hbm>> -> memref<80xi32, #tpu.memory_space<hbm>>
      tpu.enqueue_dma source(%dma_start3A_1002 : memref<80xi32, #tpu.memory_space<hbm>>) target(%dma_start3A_1001 : memref<80xi32, #tpu.memory_space<vmem>>) target_semaphore(%arg21 : memref<!tpu.dma_semaphore, #tpu.memory_space<semaphore_mem>>)
      %add3A_1003 = arith.constant 5 : i32
      %add3A_1004 = arith.addi %add3A_797, %add3A_1003 : i32
      %dma_wait3A_1005 = arith.constant 0 : i32
      %dma_wait3A_1006 = arith.constant 0 : i32
      %dma_wait3A_1007 = tpu.memref_slice %arg15[%dma_wait3A_1005, %dma_wait3A_1006] : memref<1x80xi32, #tpu.memory_space<vmem>> -> memref<1x80xi32, #tpu.memory_space<vmem>>
      %dma_wait3A_1008 = tpu.memref_squeeze %dma_wait3A_1007 : memref<1x80xi32, #tpu.memory_space<vmem>> -> memref<80xi32, #tpu.memory_space<vmem>>
      %dma_wait3A_1009 = arith.constant 0 : i32
      %dma_wait3A_1010 = tpu.memref_slice %arg3[%dma_wait3A_1009] : memref<320000xi32, #tpu.memory_space<hbm>> -> memref<80xi32, #tpu.memory_space<hbm>>
      %dma_wait3A_1011 = arith.constant 0 : i32
      %dma_wait3A_1012 = tpu.memref_slice %arg15[%dma_wait3A_1005, %dma_wait3A_1011] : memref<1x80xi32, #tpu.memory_space<vmem>> -> memref<1x80xi32, #tpu.memory_space<vmem>>
      %dma_wait3A_1013 = tpu.memref_squeeze %dma_wait3A_1012 : memref<1x80xi32, #tpu.memory_space<vmem>> -> memref<80xi32, #tpu.memory_space<vmem>>
      %dma_wait3A_1014 = arith.constant 0 : i32
      %dma_wait3A_1015 = tpu.memref_slice %arg3[%dma_wait3A_1014] : memref<320000xi32, #tpu.memory_space<hbm>> -> memref<80xi32, #tpu.memory_space<hbm>>
      tpu.wait_dma2 semaphore(%arg23 : memref<!tpu.dma_semaphore, #tpu.memory_space<semaphore_mem>>) src(%dma_wait3A_1015 : memref<80xi32, #tpu.memory_space<hbm>>) dst(%dma_wait3A_1013 : memref<80xi32, #tpu.memory_space<vmem>>)
      %dma_start3A_1016 = arith.constant 0 : i32
      %dma_start3A_1017 = arith.constant 0 : i32
      %dma_start3A_1018 = tpu.memref_slice %arg15[%dma_start3A_1016, %dma_start3A_1017] : memref<1x80xi32, #tpu.memory_space<vmem>> -> memref<1x80xi32, #tpu.memory_space<vmem>>
      %dma_start3A_1019 = tpu.memref_squeeze %dma_start3A_1018 : memref<1x80xi32, #tpu.memory_space<vmem>> -> memref<80xi32, #tpu.memory_space<vmem>>
      %dma_start3A_1020 = arith.constant 0 : i32
      %dma_start3A_1021 = arith.constant 0 : i32
      %dma_start3A_1022 = tpu.memref_slice %arg20[%dma_start3A_1020, %dma_start3A_1021] : memref<10240x128xf32, #tpu.memory_space<vmem_shared>> -> memref<10240x128xf32, #tpu.memory_space<vmem_shared>>
      tpu.enqueue_indirect_dma source(%arg17 : memref<80x128xf32, #tpu.memory_space<vmem>>) target(%dma_start3A_1022 : memref<10240x128xf32, #tpu.memory_space<vmem_shared>>) offsets(%dma_start3A_1019 : memref<80xi32, #tpu.memory_space<vmem>>) semaphore(%arg28 : memref<!tpu.dma_semaphore, #tpu.memory_space<semaphore_mem>>) {add = true}
      %dma_wait3A_1023 = arith.constant 0 : i32
      %dma_wait3A_1024 = arith.constant 0 : i32
      %dma_wait3A_1025 = tpu.memref_slice %arg14[%dma_wait3A_1023, %dma_wait3A_1024] : memref<1x80xi32, #tpu.memory_space<vmem>> -> memref<1x80xi32, #tpu.memory_space<vmem>>
      %dma_wait3A_1026 = tpu.memref_squeeze %dma_wait3A_1025 : memref<1x80xi32, #tpu.memory_space<vmem>> -> memref<80xi32, #tpu.memory_space<vmem>>
      %dma_wait3A_1027 = arith.constant 0 : i32
      %dma_wait3A_1028 = arith.constant 0 : i32
      %dma_wait3A_1029 = tpu.memref_slice %arg20[%dma_wait3A_1027, %dma_wait3A_1028] : memref<10240x128xf32, #tpu.memory_space<vmem_shared>> -> memref<10240x128xf32, #tpu.memory_space<vmem_shared>>
      tpu.wait_indirect_dma semaphore(%arg30 : memref<!tpu.dma_semaphore, #tpu.memory_space<semaphore_mem>>) src(%arg17 : memref<80x128xf32, #tpu.memory_space<vmem>>) dst(%dma_wait3A_1029 : memref<10240x128xf32, #tpu.memory_space<vmem_shared>>)
      %add3A_1030 = arith.constant 3 : i32
      %add3A_1031 = arith.addi %add3A_1004, %add3A_1030 : i32
      %mul3A_1032 = arith.constant 80 : i32
      %mul3A_1033 = arith.muli %add3A_1031, %mul3A_1032 : i32
      %add3A_1034 = arith.addi %mul3A_2, %mul3A_1033 : i32
      %dma_start3A_1035 = arith.constant 0 : i32
      %dma_start3A_1036 = arith.constant 0 : i32
      %dma_start3A_1037 = tpu.memref_slice %arg14[%dma_start3A_1035, %dma_start3A_1036] : memref<1x80xi32, #tpu.memory_space<vmem>> -> memref<1x80xi32, #tpu.memory_space<vmem>>
      %dma_start3A_1038 = tpu.memref_squeeze %dma_start3A_1037 : memref<1x80xi32, #tpu.memory_space<vmem>> -> memref<80xi32, #tpu.memory_space<vmem>>
      %dma_start3A_1039 = tpu.memref_slice %arg3[%add3A_1034] : memref<320000xi32, #tpu.memory_space<hbm>> -> memref<80xi32, #tpu.memory_space<hbm>>
      %dma_start3A_1040 = arith.constant 0 : i32
      %dma_start3A_1041 = tpu.memref_slice %arg14[%dma_start3A_1035, %dma_start3A_1040] : memref<1x80xi32, #tpu.memory_space<vmem>> -> memref<1x80xi32, #tpu.memory_space<vmem>>
      %dma_start3A_1042 = tpu.memref_squeeze %dma_start3A_1041 : memref<1x80xi32, #tpu.memory_space<vmem>> -> memref<80xi32, #tpu.memory_space<vmem>>
      %dma_start3A_1043 = tpu.memref_slice %arg3[%add3A_1034] : memref<320000xi32, #tpu.memory_space<hbm>> -> memref<80xi32, #tpu.memory_space<hbm>>
      tpu.enqueue_dma source(%dma_start3A_1043 : memref<80xi32, #tpu.memory_space<hbm>>) target(%dma_start3A_1042 : memref<80xi32, #tpu.memory_space<vmem>>) target_semaphore(%arg22 : memref<!tpu.dma_semaphore, #tpu.memory_space<semaphore_mem>>)
      %add3A_1044 = arith.constant 6 : i32
      %add3A_1045 = arith.addi %add3A_797, %add3A_1044 : i32
      %dma_wait3A_1046 = arith.constant 0 : i32
      %dma_wait3A_1047 = arith.constant 0 : i32
      %dma_wait3A_1048 = tpu.memref_slice %arg16[%dma_wait3A_1046, %dma_wait3A_1047] : memref<1x80xi32, #tpu.memory_space<vmem>> -> memref<1x80xi32, #tpu.memory_space<vmem>>
      %dma_wait3A_1049 = tpu.memref_squeeze %dma_wait3A_1048 : memref<1x80xi32, #tpu.memory_space<vmem>> -> memref<80xi32, #tpu.memory_space<vmem>>
      %dma_wait3A_1050 = arith.constant 0 : i32
      %dma_wait3A_1051 = tpu.memref_slice %arg3[%dma_wait3A_1050] : memref<320000xi32, #tpu.memory_space<hbm>> -> memref<80xi32, #tpu.memory_space<hbm>>
      %dma_wait3A_1052 = arith.constant 0 : i32
      %dma_wait3A_1053 = tpu.memref_slice %arg16[%dma_wait3A_1046, %dma_wait3A_1052] : memref<1x80xi32, #tpu.memory_space<vmem>> -> memref<1x80xi32, #tpu.memory_space<vmem>>
      %dma_wait3A_1054 = tpu.memref_squeeze %dma_wait3A_1053 : memref<1x80xi32, #tpu.memory_space<vmem>> -> memref<80xi32, #tpu.memory_space<vmem>>
      %dma_wait3A_1055 = arith.constant 0 : i32
      %dma_wait3A_1056 = tpu.memref_slice %arg3[%dma_wait3A_1055] : memref<320000xi32, #tpu.memory_space<hbm>> -> memref<80xi32, #tpu.memory_space<hbm>>
      tpu.wait_dma2 semaphore(%arg24 : memref<!tpu.dma_semaphore, #tpu.memory_space<semaphore_mem>>) src(%dma_wait3A_1056 : memref<80xi32, #tpu.memory_space<hbm>>) dst(%dma_wait3A_1054 : memref<80xi32, #tpu.memory_space<vmem>>)
      %dma_start3A_1057 = arith.constant 0 : i32
      %dma_start3A_1058 = arith.constant 0 : i32
      %dma_start3A_1059 = tpu.memref_slice %arg16[%dma_start3A_1057, %dma_start3A_1058] : memref<1x80xi32, #tpu.memory_space<vmem>> -> memref<1x80xi32, #tpu.memory_space<vmem>>
      %dma_start3A_1060 = tpu.memref_squeeze %dma_start3A_1059 : memref<1x80xi32, #tpu.memory_space<vmem>> -> memref<80xi32, #tpu.memory_space<vmem>>
      %dma_start3A_1061 = arith.constant 0 : i32
      %dma_start3A_1062 = arith.constant 0 : i32
      %dma_start3A_1063 = tpu.memref_slice %arg20[%dma_start3A_1061, %dma_start3A_1062] : memref<10240x128xf32, #tpu.memory_space<vmem_shared>> -> memref<10240x128xf32, #tpu.memory_space<vmem_shared>>
      tpu.enqueue_indirect_dma source(%arg17 : memref<80x128xf32, #tpu.memory_space<vmem>>) target(%dma_start3A_1063 : memref<10240x128xf32, #tpu.memory_space<vmem_shared>>) offsets(%dma_start3A_1060 : memref<80xi32, #tpu.memory_space<vmem>>) semaphore(%arg29 : memref<!tpu.dma_semaphore, #tpu.memory_space<semaphore_mem>>) {add = true}
      %dma_wait3A_1064 = arith.constant 0 : i32
      %dma_wait3A_1065 = arith.constant 0 : i32
      %dma_wait3A_1066 = tpu.memref_slice %arg15[%dma_wait3A_1064, %dma_wait3A_1065] : memref<1x80xi32, #tpu.memory_space<vmem>> -> memref<1x80xi32, #tpu.memory_space<vmem>>
      %dma_wait3A_1067 = tpu.memref_squeeze %dma_wait3A_1066 : memref<1x80xi32, #tpu.memory_space<vmem>> -> memref<80xi32, #tpu.memory_space<vmem>>
      %dma_wait3A_1068 = arith.constant 0 : i32
      %dma_wait3A_1069 = arith.constant 0 : i32
      %dma_wait3A_1070 = tpu.memref_slice %arg20[%dma_wait3A_1068, %dma_wait3A_1069] : memref<10240x128xf32, #tpu.memory_space<vmem_shared>> -> memref<10240x128xf32, #tpu.memory_space<vmem_shared>>
      tpu.wait_indirect_dma semaphore(%arg28 : memref<!tpu.dma_semaphore, #tpu.memory_space<semaphore_mem>>) src(%arg17 : memref<80x128xf32, #tpu.memory_space<vmem>>) dst(%dma_wait3A_1070 : memref<10240x128xf32, #tpu.memory_space<vmem_shared>>)
      %add3A_1071 = arith.constant 3 : i32
      %add3A_1072 = arith.addi %add3A_1045, %add3A_1071 : i32
      %mul3A_1073 = arith.constant 80 : i32
      %mul3A_1074 = arith.muli %add3A_1072, %mul3A_1073 : i32
      %add3A_1075 = arith.addi %mul3A_2, %mul3A_1074 : i32
      %dma_start3A_1076 = arith.constant 0 : i32
      %dma_start3A_1077 = arith.constant 0 : i32
      %dma_start3A_1078 = tpu.memref_slice %arg15[%dma_start3A_1076, %dma_start3A_1077] : memref<1x80xi32, #tpu.memory_space<vmem>> -> memref<1x80xi32, #tpu.memory_space<vmem>>
      %dma_start3A_1079 = tpu.memref_squeeze %dma_start3A_1078 : memref<1x80xi32, #tpu.memory_space<vmem>> -> memref<80xi32, #tpu.memory_space<vmem>>
      %dma_start3A_1080 = tpu.memref_slice %arg3[%add3A_1075] : memref<320000xi32, #tpu.memory_space<hbm>> -> memref<80xi32, #tpu.memory_space<hbm>>
      %dma_start3A_1081 = arith.constant 0 : i32
      %dma_start3A_1082 = tpu.memref_slice %arg15[%dma_start3A_1076, %dma_start3A_1081] : memref<1x80xi32, #tpu.memory_space<vmem>> -> memref<1x80xi32, #tpu.memory_space<vmem>>
      %dma_start3A_1083 = tpu.memref_squeeze %dma_start3A_1082 : memref<1x80xi32, #tpu.memory_space<vmem>> -> memref<80xi32, #tpu.memory_space<vmem>>
      %dma_start3A_1084 = tpu.memref_slice %arg3[%add3A_1075] : memref<320000xi32, #tpu.memory_space<hbm>> -> memref<80xi32, #tpu.memory_space<hbm>>
      tpu.enqueue_dma source(%dma_start3A_1084 : memref<80xi32, #tpu.memory_space<hbm>>) target(%dma_start3A_1083 : memref<80xi32, #tpu.memory_space<vmem>>) target_semaphore(%arg23 : memref<!tpu.dma_semaphore, #tpu.memory_space<semaphore_mem>>)
      %add3A_1085 = arith.constant 7 : i32
      %add3A_1086 = arith.addi %add3A_797, %add3A_1085 : i32
      %dma_wait3A_1087 = arith.constant 0 : i32
      %dma_wait3A_1088 = arith.constant 0 : i32
      %dma_wait3A_1089 = tpu.memref_slice %arg13[%dma_wait3A_1087, %dma_wait3A_1088] : memref<1x80xi32, #tpu.memory_space<vmem>> -> memref<1x80xi32, #tpu.memory_space<vmem>>
      %dma_wait3A_1090 = tpu.memref_squeeze %dma_wait3A_1089 : memref<1x80xi32, #tpu.memory_space<vmem>> -> memref<80xi32, #tpu.memory_space<vmem>>
      %dma_wait3A_1091 = arith.constant 0 : i32
      %dma_wait3A_1092 = tpu.memref_slice %arg3[%dma_wait3A_1091] : memref<320000xi32, #tpu.memory_space<hbm>> -> memref<80xi32, #tpu.memory_space<hbm>>
      %dma_wait3A_1093 = arith.constant 0 : i32
      %dma_wait3A_1094 = tpu.memref_slice %arg13[%dma_wait3A_1087, %dma_wait3A_1093] : memref<1x80xi32, #tpu.memory_space<vmem>> -> memref<1x80xi32, #tpu.memory_space<vmem>>
      %dma_wait3A_1095 = tpu.memref_squeeze %dma_wait3A_1094 : memref<1x80xi32, #tpu.memory_space<vmem>> -> memref<80xi32, #tpu.memory_space<vmem>>
      %dma_wait3A_1096 = arith.constant 0 : i32
      %dma_wait3A_1097 = tpu.memref_slice %arg3[%dma_wait3A_1096] : memref<320000xi32, #tpu.memory_space<hbm>> -> memref<80xi32, #tpu.memory_space<hbm>>
      tpu.wait_dma2 semaphore(%arg21 : memref<!tpu.dma_semaphore, #tpu.memory_space<semaphore_mem>>) src(%dma_wait3A_1097 : memref<80xi32, #tpu.memory_space<hbm>>) dst(%dma_wait3A_1095 : memref<80xi32, #tpu.memory_space<vmem>>)
      %dma_start3A_1098 = arith.constant 0 : i32
      %dma_start3A_1099 = arith.constant 0 : i32
      %dma_start3A_1100 = tpu.memref_slice %arg13[%dma_start3A_1098, %dma_start3A_1099] : memref<1x80xi32, #tpu.memory_space<vmem>> -> memref<1x80xi32, #tpu.memory_space<vmem>>
      %dma_start3A_1101 = tpu.memref_squeeze %dma_start3A_1100 : memref<1x80xi32, #tpu.memory_space<vmem>> -> memref<80xi32, #tpu.memory_space<vmem>>
      %dma_start3A_1102 = arith.constant 0 : i32
      %dma_start3A_1103 = arith.constant 0 : i32
      %dma_start3A_1104 = tpu.memref_slice %arg20[%dma_start3A_1102, %dma_start3A_1103] : memref<10240x128xf32, #tpu.memory_space<vmem_shared>> -> memref<10240x128xf32, #tpu.memory_space<vmem_shared>>
      tpu.enqueue_indirect_dma source(%arg17 : memref<80x128xf32, #tpu.memory_space<vmem>>) target(%dma_start3A_1104 : memref<10240x128xf32, #tpu.memory_space<vmem_shared>>) offsets(%dma_start3A_1101 : memref<80xi32, #tpu.memory_space<vmem>>) semaphore(%arg30 : memref<!tpu.dma_semaphore, #tpu.memory_space<semaphore_mem>>) {add = true}
      %dma_wait3A_1105 = arith.constant 0 : i32
      %dma_wait3A_1106 = arith.constant 0 : i32
      %dma_wait3A_1107 = tpu.memref_slice %arg16[%dma_wait3A_1105, %dma_wait3A_1106] : memref<1x80xi32, #tpu.memory_space<vmem>> -> memref<1x80xi32, #tpu.memory_space<vmem>>
      %dma_wait3A_1108 = tpu.memref_squeeze %dma_wait3A_1107 : memref<1x80xi32, #tpu.memory_space<vmem>> -> memref<80xi32, #tpu.memory_space<vmem>>
      %dma_wait3A_1109 = arith.constant 0 : i32
      %dma_wait3A_1110 = arith.constant 0 : i32
      %dma_wait3A_1111 = tpu.memref_slice %arg20[%dma_wait3A_1109, %dma_wait3A_1110] : memref<10240x128xf32, #tpu.memory_space<vmem_shared>> -> memref<10240x128xf32, #tpu.memory_space<vmem_shared>>
      tpu.wait_indirect_dma semaphore(%arg29 : memref<!tpu.dma_semaphore, #tpu.memory_space<semaphore_mem>>) src(%arg17 : memref<80x128xf32, #tpu.memory_space<vmem>>) dst(%dma_wait3A_1111 : memref<10240x128xf32, #tpu.memory_space<vmem_shared>>)
      %add3A_1112 = arith.constant 3 : i32
      %add3A_1113 = arith.addi %add3A_1086, %add3A_1112 : i32
      %mul3A_1114 = arith.constant 80 : i32
      %mul3A_1115 = arith.muli %add3A_1113, %mul3A_1114 : i32
      %add3A_1116 = arith.addi %mul3A_2, %mul3A_1115 : i32
      %dma_start3A_1117 = arith.constant 0 : i32
      %dma_start3A_1118 = arith.constant 0 : i32
      %dma_start3A_1119 = tpu.memref_slice %arg16[%dma_start3A_1117, %dma_start3A_1118] : memref<1x80xi32, #tpu.memory_space<vmem>> -> memref<1x80xi32, #tpu.memory_space<vmem>>
      %dma_start3A_1120 = tpu.memref_squeeze %dma_start3A_1119 : memref<1x80xi32, #tpu.memory_space<vmem>> -> memref<80xi32, #tpu.memory_space<vmem>>
      %dma_start3A_1121 = tpu.memref_slice %arg3[%add3A_1116] : memref<320000xi32, #tpu.memory_space<hbm>> -> memref<80xi32, #tpu.memory_space<hbm>>
      %dma_start3A_1122 = arith.constant 0 : i32
      %dma_start3A_1123 = tpu.memref_slice %arg16[%dma_start3A_1117, %dma_start3A_1122] : memref<1x80xi32, #tpu.memory_space<vmem>> -> memref<1x80xi32, #tpu.memory_space<vmem>>
      %dma_start3A_1124 = tpu.memref_squeeze %dma_start3A_1123 : memref<1x80xi32, #tpu.memory_space<vmem>> -> memref<80xi32, #tpu.memory_space<vmem>>
      %dma_start3A_1125 = tpu.memref_slice %arg3[%add3A_1116] : memref<320000xi32, #tpu.memory_space<hbm>> -> memref<80xi32, #tpu.memory_space<hbm>>
      tpu.enqueue_dma source(%dma_start3A_1125 : memref<80xi32, #tpu.memory_space<hbm>>) target(%dma_start3A_1124 : memref<80xi32, #tpu.memory_space<vmem>>) target_semaphore(%arg24 : memref<!tpu.dma_semaphore, #tpu.memory_space<semaphore_mem>>)
      %add3A_1126 = arith.constant 8 : i32
      %add3A_1127 = arith.addi %add3A_797, %add3A_1126 : i32
      %dma_wait3A_1128 = arith.constant 0 : i32
      %dma_wait3A_1129 = arith.constant 0 : i32
      %dma_wait3A_1130 = tpu.memref_slice %arg14[%dma_wait3A_1128, %dma_wait3A_1129] : memref<1x80xi32, #tpu.memory_space<vmem>> -> memref<1x80xi32, #tpu.memory_space<vmem>>
      %dma_wait3A_1131 = tpu.memref_squeeze %dma_wait3A_1130 : memref<1x80xi32, #tpu.memory_space<vmem>> -> memref<80xi32, #tpu.memory_space<vmem>>
      %dma_wait3A_1132 = arith.constant 0 : i32
      %dma_wait3A_1133 = tpu.memref_slice %arg3[%dma_wait3A_1132] : memref<320000xi32, #tpu.memory_space<hbm>> -> memref<80xi32, #tpu.memory_space<hbm>>
      %dma_wait3A_1134 = arith.constant 0 : i32
      %dma_wait3A_1135 = tpu.memref_slice %arg14[%dma_wait3A_1128, %dma_wait3A_1134] : memref<1x80xi32, #tpu.memory_space<vmem>> -> memref<1x80xi32, #tpu.memory_space<vmem>>
      %dma_wait3A_1136 = tpu.memref_squeeze %dma_wait3A_1135 : memref<1x80xi32, #tpu.memory_space<vmem>> -> memref<80xi32, #tpu.memory_space<vmem>>
      %dma_wait3A_1137 = arith.constant 0 : i32
      %dma_wait3A_1138 = tpu.memref_slice %arg3[%dma_wait3A_1137] : memref<320000xi32, #tpu.memory_space<hbm>> -> memref<80xi32, #tpu.memory_space<hbm>>
      tpu.wait_dma2 semaphore(%arg22 : memref<!tpu.dma_semaphore, #tpu.memory_space<semaphore_mem>>) src(%dma_wait3A_1138 : memref<80xi32, #tpu.memory_space<hbm>>) dst(%dma_wait3A_1136 : memref<80xi32, #tpu.memory_space<vmem>>)
      %dma_start3A_1139 = arith.constant 0 : i32
      %dma_start3A_1140 = arith.constant 0 : i32
      %dma_start3A_1141 = tpu.memref_slice %arg14[%dma_start3A_1139, %dma_start3A_1140] : memref<1x80xi32, #tpu.memory_space<vmem>> -> memref<1x80xi32, #tpu.memory_space<vmem>>
      %dma_start3A_1142 = tpu.memref_squeeze %dma_start3A_1141 : memref<1x80xi32, #tpu.memory_space<vmem>> -> memref<80xi32, #tpu.memory_space<vmem>>
      %dma_start3A_1143 = arith.constant 0 : i32
      %dma_start3A_1144 = arith.constant 0 : i32
      %dma_start3A_1145 = tpu.memref_slice %arg20[%dma_start3A_1143, %dma_start3A_1144] : memref<10240x128xf32, #tpu.memory_space<vmem_shared>> -> memref<10240x128xf32, #tpu.memory_space<vmem_shared>>
      tpu.enqueue_indirect_dma source(%arg17 : memref<80x128xf32, #tpu.memory_space<vmem>>) target(%dma_start3A_1145 : memref<10240x128xf32, #tpu.memory_space<vmem_shared>>) offsets(%dma_start3A_1142 : memref<80xi32, #tpu.memory_space<vmem>>) semaphore(%arg28 : memref<!tpu.dma_semaphore, #tpu.memory_space<semaphore_mem>>) {add = true}
      %dma_wait3A_1146 = arith.constant 0 : i32
      %dma_wait3A_1147 = arith.constant 0 : i32
      %dma_wait3A_1148 = tpu.memref_slice %arg13[%dma_wait3A_1146, %dma_wait3A_1147] : memref<1x80xi32, #tpu.memory_space<vmem>> -> memref<1x80xi32, #tpu.memory_space<vmem>>
      %dma_wait3A_1149 = tpu.memref_squeeze %dma_wait3A_1148 : memref<1x80xi32, #tpu.memory_space<vmem>> -> memref<80xi32, #tpu.memory_space<vmem>>
      %dma_wait3A_1150 = arith.constant 0 : i32
      %dma_wait3A_1151 = arith.constant 0 : i32
      %dma_wait3A_1152 = tpu.memref_slice %arg20[%dma_wait3A_1150, %dma_wait3A_1151] : memref<10240x128xf32, #tpu.memory_space<vmem_shared>> -> memref<10240x128xf32, #tpu.memory_space<vmem_shared>>
      tpu.wait_indirect_dma semaphore(%arg30 : memref<!tpu.dma_semaphore, #tpu.memory_space<semaphore_mem>>) src(%arg17 : memref<80x128xf32, #tpu.memory_space<vmem>>) dst(%dma_wait3A_1152 : memref<10240x128xf32, #tpu.memory_space<vmem_shared>>)
      %add3A_1153 = arith.constant 3 : i32
      %add3A_1154 = arith.addi %add3A_1127, %add3A_1153 : i32
      %mul3A_1155 = arith.constant 80 : i32
      %mul3A_1156 = arith.muli %add3A_1154, %mul3A_1155 : i32
      %add3A_1157 = arith.addi %mul3A_2, %mul3A_1156 : i32
      %dma_start3A_1158 = arith.constant 0 : i32
      %dma_start3A_1159 = arith.constant 0 : i32
      %dma_start3A_1160 = tpu.memref_slice %arg13[%dma_start3A_1158, %dma_start3A_1159] : memref<1x80xi32, #tpu.memory_space<vmem>> -> memref<1x80xi32, #tpu.memory_space<vmem>>
      %dma_start3A_1161 = tpu.memref_squeeze %dma_start3A_1160 : memref<1x80xi32, #tpu.memory_space<vmem>> -> memref<80xi32, #tpu.memory_space<vmem>>
      %dma_start3A_1162 = tpu.memref_slice %arg3[%add3A_1157] : memref<320000xi32, #tpu.memory_space<hbm>> -> memref<80xi32, #tpu.memory_space<hbm>>
      %dma_start3A_1163 = arith.constant 0 : i32
      %dma_start3A_1164 = tpu.memref_slice %arg13[%dma_start3A_1158, %dma_start3A_1163] : memref<1x80xi32, #tpu.memory_space<vmem>> -> memref<1x80xi32, #tpu.memory_space<vmem>>
      %dma_start3A_1165 = tpu.memref_squeeze %dma_start3A_1164 : memref<1x80xi32, #tpu.memory_space<vmem>> -> memref<80xi32, #tpu.memory_space<vmem>>
      %dma_start3A_1166 = tpu.memref_slice %arg3[%add3A_1157] : memref<320000xi32, #tpu.memory_space<hbm>> -> memref<80xi32, #tpu.memory_space<hbm>>
      tpu.enqueue_dma source(%dma_start3A_1166 : memref<80xi32, #tpu.memory_space<hbm>>) target(%dma_start3A_1165 : memref<80xi32, #tpu.memory_space<vmem>>) target_semaphore(%arg21 : memref<!tpu.dma_semaphore, #tpu.memory_space<semaphore_mem>>)
      %add3A_1167 = arith.constant 9 : i32
      %add3A_1168 = arith.addi %add3A_797, %add3A_1167 : i32
      %dma_wait3A_1169 = arith.constant 0 : i32
      %dma_wait3A_1170 = arith.constant 0 : i32
      %dma_wait3A_1171 = tpu.memref_slice %arg15[%dma_wait3A_1169, %dma_wait3A_1170] : memref<1x80xi32, #tpu.memory_space<vmem>> -> memref<1x80xi32, #tpu.memory_space<vmem>>
      %dma_wait3A_1172 = tpu.memref_squeeze %dma_wait3A_1171 : memref<1x80xi32, #tpu.memory_space<vmem>> -> memref<80xi32, #tpu.memory_space<vmem>>
      %dma_wait3A_1173 = arith.constant 0 : i32
      %dma_wait3A_1174 = tpu.memref_slice %arg3[%dma_wait3A_1173] : memref<320000xi32, #tpu.memory_space<hbm>> -> memref<80xi32, #tpu.memory_space<hbm>>
      %dma_wait3A_1175 = arith.constant 0 : i32
      %dma_wait3A_1176 = tpu.memref_slice %arg15[%dma_wait3A_1169, %dma_wait3A_1175] : memref<1x80xi32, #tpu.memory_space<vmem>> -> memref<1x80xi32, #tpu.memory_space<vmem>>
      %dma_wait3A_1177 = tpu.memref_squeeze %dma_wait3A_1176 : memref<1x80xi32, #tpu.memory_space<vmem>> -> memref<80xi32, #tpu.memory_space<vmem>>
      %dma_wait3A_1178 = arith.constant 0 : i32
      %dma_wait3A_1179 = tpu.memref_slice %arg3[%dma_wait3A_1178] : memref<320000xi32, #tpu.memory_space<hbm>> -> memref<80xi32, #tpu.memory_space<hbm>>
      tpu.wait_dma2 semaphore(%arg23 : memref<!tpu.dma_semaphore, #tpu.memory_space<semaphore_mem>>) src(%dma_wait3A_1179 : memref<80xi32, #tpu.memory_space<hbm>>) dst(%dma_wait3A_1177 : memref<80xi32, #tpu.memory_space<vmem>>)
      %dma_start3A_1180 = arith.constant 0 : i32
      %dma_start3A_1181 = arith.constant 0 : i32
      %dma_start3A_1182 = tpu.memref_slice %arg15[%dma_start3A_1180, %dma_start3A_1181] : memref<1x80xi32, #tpu.memory_space<vmem>> -> memref<1x80xi32, #tpu.memory_space<vmem>>
      %dma_start3A_1183 = tpu.memref_squeeze %dma_start3A_1182 : memref<1x80xi32, #tpu.memory_space<vmem>> -> memref<80xi32, #tpu.memory_space<vmem>>
      %dma_start3A_1184 = arith.constant 0 : i32
      %dma_start3A_1185 = arith.constant 0 : i32
      %dma_start3A_1186 = tpu.memref_slice %arg20[%dma_start3A_1184, %dma_start3A_1185] : memref<10240x128xf32, #tpu.memory_space<vmem_shared>> -> memref<10240x128xf32, #tpu.memory_space<vmem_shared>>
      tpu.enqueue_indirect_dma source(%arg17 : memref<80x128xf32, #tpu.memory_space<vmem>>) target(%dma_start3A_1186 : memref<10240x128xf32, #tpu.memory_space<vmem_shared>>) offsets(%dma_start3A_1183 : memref<80xi32, #tpu.memory_space<vmem>>) semaphore(%arg29 : memref<!tpu.dma_semaphore, #tpu.memory_space<semaphore_mem>>) {add = true}
      %dma_wait3A_1187 = arith.constant 0 : i32
      %dma_wait3A_1188 = arith.constant 0 : i32
      %dma_wait3A_1189 = tpu.memref_slice %arg14[%dma_wait3A_1187, %dma_wait3A_1188] : memref<1x80xi32, #tpu.memory_space<vmem>> -> memref<1x80xi32, #tpu.memory_space<vmem>>
      %dma_wait3A_1190 = tpu.memref_squeeze %dma_wait3A_1189 : memref<1x80xi32, #tpu.memory_space<vmem>> -> memref<80xi32, #tpu.memory_space<vmem>>
      %dma_wait3A_1191 = arith.constant 0 : i32
      %dma_wait3A_1192 = arith.constant 0 : i32
      %dma_wait3A_1193 = tpu.memref_slice %arg20[%dma_wait3A_1191, %dma_wait3A_1192] : memref<10240x128xf32, #tpu.memory_space<vmem_shared>> -> memref<10240x128xf32, #tpu.memory_space<vmem_shared>>
      tpu.wait_indirect_dma semaphore(%arg28 : memref<!tpu.dma_semaphore, #tpu.memory_space<semaphore_mem>>) src(%arg17 : memref<80x128xf32, #tpu.memory_space<vmem>>) dst(%dma_wait3A_1193 : memref<10240x128xf32, #tpu.memory_space<vmem_shared>>)
      %add3A_1194 = arith.constant 3 : i32
      %add3A_1195 = arith.addi %add3A_1168, %add3A_1194 : i32
      %mul3A_1196 = arith.constant 80 : i32
      %mul3A_1197 = arith.muli %add3A_1195, %mul3A_1196 : i32
      %add3A_1198 = arith.addi %mul3A_2, %mul3A_1197 : i32
      %dma_start3A_1199 = arith.constant 0 : i32
      %dma_start3A_1200 = arith.constant 0 : i32
      %dma_start3A_1201 = tpu.memref_slice %arg14[%dma_start3A_1199, %dma_start3A_1200] : memref<1x80xi32, #tpu.memory_space<vmem>> -> memref<1x80xi32, #tpu.memory_space<vmem>>
      %dma_start3A_1202 = tpu.memref_squeeze %dma_start3A_1201 : memref<1x80xi32, #tpu.memory_space<vmem>> -> memref<80xi32, #tpu.memory_space<vmem>>
      %dma_start3A_1203 = tpu.memref_slice %arg3[%add3A_1198] : memref<320000xi32, #tpu.memory_space<hbm>> -> memref<80xi32, #tpu.memory_space<hbm>>
      %dma_start3A_1204 = arith.constant 0 : i32
      %dma_start3A_1205 = tpu.memref_slice %arg14[%dma_start3A_1199, %dma_start3A_1204] : memref<1x80xi32, #tpu.memory_space<vmem>> -> memref<1x80xi32, #tpu.memory_space<vmem>>
      %dma_start3A_1206 = tpu.memref_squeeze %dma_start3A_1205 : memref<1x80xi32, #tpu.memory_space<vmem>> -> memref<80xi32, #tpu.memory_space<vmem>>
      %dma_start3A_1207 = tpu.memref_slice %arg3[%add3A_1198] : memref<320000xi32, #tpu.memory_space<hbm>> -> memref<80xi32, #tpu.memory_space<hbm>>
      tpu.enqueue_dma source(%dma_start3A_1207 : memref<80xi32, #tpu.memory_space<hbm>>) target(%dma_start3A_1206 : memref<80xi32, #tpu.memory_space<vmem>>) target_semaphore(%arg22 : memref<!tpu.dma_semaphore, #tpu.memory_space<semaphore_mem>>)
      %add3A_1208 = arith.constant 10 : i32
      %add3A_1209 = arith.addi %add3A_797, %add3A_1208 : i32
      %dma_wait3A_1210 = arith.constant 0 : i32
      %dma_wait3A_1211 = arith.constant 0 : i32
      %dma_wait3A_1212 = tpu.memref_slice %arg16[%dma_wait3A_1210, %dma_wait3A_1211] : memref<1x80xi32, #tpu.memory_space<vmem>> -> memref<1x80xi32, #tpu.memory_space<vmem>>
      %dma_wait3A_1213 = tpu.memref_squeeze %dma_wait3A_1212 : memref<1x80xi32, #tpu.memory_space<vmem>> -> memref<80xi32, #tpu.memory_space<vmem>>
      %dma_wait3A_1214 = arith.constant 0 : i32
      %dma_wait3A_1215 = tpu.memref_slice %arg3[%dma_wait3A_1214] : memref<320000xi32, #tpu.memory_space<hbm>> -> memref<80xi32, #tpu.memory_space<hbm>>
      %dma_wait3A_1216 = arith.constant 0 : i32
      %dma_wait3A_1217 = tpu.memref_slice %arg16[%dma_wait3A_1210, %dma_wait3A_1216] : memref<1x80xi32, #tpu.memory_space<vmem>> -> memref<1x80xi32, #tpu.memory_space<vmem>>
      %dma_wait3A_1218 = tpu.memref_squeeze %dma_wait3A_1217 : memref<1x80xi32, #tpu.memory_space<vmem>> -> memref<80xi32, #tpu.memory_space<vmem>>
      %dma_wait3A_1219 = arith.constant 0 : i32
      %dma_wait3A_1220 = tpu.memref_slice %arg3[%dma_wait3A_1219] : memref<320000xi32, #tpu.memory_space<hbm>> -> memref<80xi32, #tpu.memory_space<hbm>>
      tpu.wait_dma2 semaphore(%arg24 : memref<!tpu.dma_semaphore, #tpu.memory_space<semaphore_mem>>) src(%dma_wait3A_1220 : memref<80xi32, #tpu.memory_space<hbm>>) dst(%dma_wait3A_1218 : memref<80xi32, #tpu.memory_space<vmem>>)
      %dma_start3A_1221 = arith.constant 0 : i32
      %dma_start3A_1222 = arith.constant 0 : i32
      %dma_start3A_1223 = tpu.memref_slice %arg16[%dma_start3A_1221, %dma_start3A_1222] : memref<1x80xi32, #tpu.memory_space<vmem>> -> memref<1x80xi32, #tpu.memory_space<vmem>>
      %dma_start3A_1224 = tpu.memref_squeeze %dma_start3A_1223 : memref<1x80xi32, #tpu.memory_space<vmem>> -> memref<80xi32, #tpu.memory_space<vmem>>
      %dma_start3A_1225 = arith.constant 0 : i32
      %dma_start3A_1226 = arith.constant 0 : i32
      %dma_start3A_1227 = tpu.memref_slice %arg20[%dma_start3A_1225, %dma_start3A_1226] : memref<10240x128xf32, #tpu.memory_space<vmem_shared>> -> memref<10240x128xf32, #tpu.memory_space<vmem_shared>>
      tpu.enqueue_indirect_dma source(%arg17 : memref<80x128xf32, #tpu.memory_space<vmem>>) target(%dma_start3A_1227 : memref<10240x128xf32, #tpu.memory_space<vmem_shared>>) offsets(%dma_start3A_1224 : memref<80xi32, #tpu.memory_space<vmem>>) semaphore(%arg30 : memref<!tpu.dma_semaphore, #tpu.memory_space<semaphore_mem>>) {add = true}
      %dma_wait3A_1228 = arith.constant 0 : i32
      %dma_wait3A_1229 = arith.constant 0 : i32
      %dma_wait3A_1230 = tpu.memref_slice %arg15[%dma_wait3A_1228, %dma_wait3A_1229] : memref<1x80xi32, #tpu.memory_space<vmem>> -> memref<1x80xi32, #tpu.memory_space<vmem>>
      %dma_wait3A_1231 = tpu.memref_squeeze %dma_wait3A_1230 : memref<1x80xi32, #tpu.memory_space<vmem>> -> memref<80xi32, #tpu.memory_space<vmem>>
      %dma_wait3A_1232 = arith.constant 0 : i32
      %dma_wait3A_1233 = arith.constant 0 : i32
      %dma_wait3A_1234 = tpu.memref_slice %arg20[%dma_wait3A_1232, %dma_wait3A_1233] : memref<10240x128xf32, #tpu.memory_space<vmem_shared>> -> memref<10240x128xf32, #tpu.memory_space<vmem_shared>>
      tpu.wait_indirect_dma semaphore(%arg29 : memref<!tpu.dma_semaphore, #tpu.memory_space<semaphore_mem>>) src(%arg17 : memref<80x128xf32, #tpu.memory_space<vmem>>) dst(%dma_wait3A_1234 : memref<10240x128xf32, #tpu.memory_space<vmem_shared>>)
      %add3A_1235 = arith.constant 3 : i32
      %add3A_1236 = arith.addi %add3A_1209, %add3A_1235 : i32
      %mul3A_1237 = arith.constant 80 : i32
      %mul3A_1238 = arith.muli %add3A_1236, %mul3A_1237 : i32
      %add3A_1239 = arith.addi %mul3A_2, %mul3A_1238 : i32
      %dma_start3A_1240 = arith.constant 0 : i32
      %dma_start3A_1241 = arith.constant 0 : i32
      %dma_start3A_1242 = tpu.memref_slice %arg15[%dma_start3A_1240, %dma_start3A_1241] : memref<1x80xi32, #tpu.memory_space<vmem>> -> memref<1x80xi32, #tpu.memory_space<vmem>>
      %dma_start3A_1243 = tpu.memref_squeeze %dma_start3A_1242 : memref<1x80xi32, #tpu.memory_space<vmem>> -> memref<80xi32, #tpu.memory_space<vmem>>
      %dma_start3A_1244 = tpu.memref_slice %arg3[%add3A_1239] : memref<320000xi32, #tpu.memory_space<hbm>> -> memref<80xi32, #tpu.memory_space<hbm>>
      %dma_start3A_1245 = arith.constant 0 : i32
      %dma_start3A_1246 = tpu.memref_slice %arg15[%dma_start3A_1240, %dma_start3A_1245] : memref<1x80xi32, #tpu.memory_space<vmem>> -> memref<1x80xi32, #tpu.memory_space<vmem>>
      %dma_start3A_1247 = tpu.memref_squeeze %dma_start3A_1246 : memref<1x80xi32, #tpu.memory_space<vmem>> -> memref<80xi32, #tpu.memory_space<vmem>>
      %dma_start3A_1248 = tpu.memref_slice %arg3[%add3A_1239] : memref<320000xi32, #tpu.memory_space<hbm>> -> memref<80xi32, #tpu.memory_space<hbm>>
      tpu.enqueue_dma source(%dma_start3A_1248 : memref<80xi32, #tpu.memory_space<hbm>>) target(%dma_start3A_1247 : memref<80xi32, #tpu.memory_space<vmem>>) target_semaphore(%arg23 : memref<!tpu.dma_semaphore, #tpu.memory_space<semaphore_mem>>)
      %add3A_1249 = arith.constant 11 : i32
      %add3A_1250 = arith.addi %add3A_797, %add3A_1249 : i32
      %dma_wait3A_1251 = arith.constant 0 : i32
      %dma_wait3A_1252 = arith.constant 0 : i32
      %dma_wait3A_1253 = tpu.memref_slice %arg13[%dma_wait3A_1251, %dma_wait3A_1252] : memref<1x80xi32, #tpu.memory_space<vmem>> -> memref<1x80xi32, #tpu.memory_space<vmem>>
      %dma_wait3A_1254 = tpu.memref_squeeze %dma_wait3A_1253 : memref<1x80xi32, #tpu.memory_space<vmem>> -> memref<80xi32, #tpu.memory_space<vmem>>
      %dma_wait3A_1255 = arith.constant 0 : i32
      %dma_wait3A_1256 = tpu.memref_slice %arg3[%dma_wait3A_1255] : memref<320000xi32, #tpu.memory_space<hbm>> -> memref<80xi32, #tpu.memory_space<hbm>>
      %dma_wait3A_1257 = arith.constant 0 : i32
      %dma_wait3A_1258 = tpu.memref_slice %arg13[%dma_wait3A_1251, %dma_wait3A_1257] : memref<1x80xi32, #tpu.memory_space<vmem>> -> memref<1x80xi32, #tpu.memory_space<vmem>>
      %dma_wait3A_1259 = tpu.memref_squeeze %dma_wait3A_1258 : memref<1x80xi32, #tpu.memory_space<vmem>> -> memref<80xi32, #tpu.memory_space<vmem>>
      %dma_wait3A_1260 = arith.constant 0 : i32
      %dma_wait3A_1261 = tpu.memref_slice %arg3[%dma_wait3A_1260] : memref<320000xi32, #tpu.memory_space<hbm>> -> memref<80xi32, #tpu.memory_space<hbm>>
      tpu.wait_dma2 semaphore(%arg21 : memref<!tpu.dma_semaphore, #tpu.memory_space<semaphore_mem>>) src(%dma_wait3A_1261 : memref<80xi32, #tpu.memory_space<hbm>>) dst(%dma_wait3A_1259 : memref<80xi32, #tpu.memory_space<vmem>>)
      %dma_start3A_1262 = arith.constant 0 : i32
      %dma_start3A_1263 = arith.constant 0 : i32
      %dma_start3A_1264 = tpu.memref_slice %arg13[%dma_start3A_1262, %dma_start3A_1263] : memref<1x80xi32, #tpu.memory_space<vmem>> -> memref<1x80xi32, #tpu.memory_space<vmem>>
      %dma_start3A_1265 = tpu.memref_squeeze %dma_start3A_1264 : memref<1x80xi32, #tpu.memory_space<vmem>> -> memref<80xi32, #tpu.memory_space<vmem>>
      %dma_start3A_1266 = arith.constant 0 : i32
      %dma_start3A_1267 = arith.constant 0 : i32
      %dma_start3A_1268 = tpu.memref_slice %arg20[%dma_start3A_1266, %dma_start3A_1267] : memref<10240x128xf32, #tpu.memory_space<vmem_shared>> -> memref<10240x128xf32, #tpu.memory_space<vmem_shared>>
      tpu.enqueue_indirect_dma source(%arg17 : memref<80x128xf32, #tpu.memory_space<vmem>>) target(%dma_start3A_1268 : memref<10240x128xf32, #tpu.memory_space<vmem_shared>>) offsets(%dma_start3A_1265 : memref<80xi32, #tpu.memory_space<vmem>>) semaphore(%arg28 : memref<!tpu.dma_semaphore, #tpu.memory_space<semaphore_mem>>) {add = true}
      %dma_wait3A_1269 = arith.constant 0 : i32
      %dma_wait3A_1270 = arith.constant 0 : i32
      %dma_wait3A_1271 = tpu.memref_slice %arg16[%dma_wait3A_1269, %dma_wait3A_1270] : memref<1x80xi32, #tpu.memory_space<vmem>> -> memref<1x80xi32, #tpu.memory_space<vmem>>
      %dma_wait3A_1272 = tpu.memref_squeeze %dma_wait3A_1271 : memref<1x80xi32, #tpu.memory_space<vmem>> -> memref<80xi32, #tpu.memory_space<vmem>>
      %dma_wait3A_1273 = arith.constant 0 : i32
      %dma_wait3A_1274 = arith.constant 0 : i32
      %dma_wait3A_1275 = tpu.memref_slice %arg20[%dma_wait3A_1273, %dma_wait3A_1274] : memref<10240x128xf32, #tpu.memory_space<vmem_shared>> -> memref<10240x128xf32, #tpu.memory_space<vmem_shared>>
      tpu.wait_indirect_dma semaphore(%arg30 : memref<!tpu.dma_semaphore, #tpu.memory_space<semaphore_mem>>) src(%arg17 : memref<80x128xf32, #tpu.memory_space<vmem>>) dst(%dma_wait3A_1275 : memref<10240x128xf32, #tpu.memory_space<vmem_shared>>)
      %add3A_1276 = arith.constant 3 : i32
      %add3A_1277 = arith.addi %add3A_1250, %add3A_1276 : i32
      %mul3A_1278 = arith.constant 80 : i32
      %mul3A_1279 = arith.muli %add3A_1277, %mul3A_1278 : i32
      %add3A_1280 = arith.addi %mul3A_2, %mul3A_1279 : i32
      %dma_start3A_1281 = arith.constant 0 : i32
      %dma_start3A_1282 = arith.constant 0 : i32
      %dma_start3A_1283 = tpu.memref_slice %arg16[%dma_start3A_1281, %dma_start3A_1282] : memref<1x80xi32, #tpu.memory_space<vmem>> -> memref<1x80xi32, #tpu.memory_space<vmem>>
      %dma_start3A_1284 = tpu.memref_squeeze %dma_start3A_1283 : memref<1x80xi32, #tpu.memory_space<vmem>> -> memref<80xi32, #tpu.memory_space<vmem>>
      %dma_start3A_1285 = tpu.memref_slice %arg3[%add3A_1280] : memref<320000xi32, #tpu.memory_space<hbm>> -> memref<80xi32, #tpu.memory_space<hbm>>
      %dma_start3A_1286 = arith.constant 0 : i32
      %dma_start3A_1287 = tpu.memref_slice %arg16[%dma_start3A_1281, %dma_start3A_1286] : memref<1x80xi32, #tpu.memory_space<vmem>> -> memref<1x80xi32, #tpu.memory_space<vmem>>
      %dma_start3A_1288 = tpu.memref_squeeze %dma_start3A_1287 : memref<1x80xi32, #tpu.memory_space<vmem>> -> memref<80xi32, #tpu.memory_space<vmem>>
      %dma_start3A_1289 = tpu.memref_slice %arg3[%add3A_1280] : memref<320000xi32, #tpu.memory_space<hbm>> -> memref<80xi32, #tpu.memory_space<hbm>>
      tpu.enqueue_dma source(%dma_start3A_1289 : memref<80xi32, #tpu.memory_space<hbm>>) target(%dma_start3A_1288 : memref<80xi32, #tpu.memory_space<vmem>>) target_semaphore(%arg24 : memref<!tpu.dma_semaphore, #tpu.memory_space<semaphore_mem>>)
    }
    %scan3A_557 = arith.constant 10 : i32
    %dma_wait3A_558 = arith.constant 0 : i32
    %dma_wait3A_559 = arith.constant 0 : i32
    %dma_wait3A_560 = tpu.memref_slice %arg14[%dma_wait3A_558, %dma_wait3A_559] : memref<1x80xi32, #tpu.memory_space<vmem>> -> memref<1x80xi32, #tpu.memory_space<vmem>>
    %dma_wait3A_561 = tpu.memref_squeeze %dma_wait3A_560 : memref<1x80xi32, #tpu.memory_space<vmem>> -> memref<80xi32, #tpu.memory_space<vmem>>
    %dma_wait3A_562 = arith.constant 0 : i32
    %dma_wait3A_563 = tpu.memref_slice %arg3[%dma_wait3A_562] : memref<320000xi32, #tpu.memory_space<hbm>> -> memref<80xi32, #tpu.memory_space<hbm>>
    %dma_wait3A_564 = arith.constant 0 : i32
    %dma_wait3A_565 = tpu.memref_slice %arg14[%dma_wait3A_558, %dma_wait3A_564] : memref<1x80xi32, #tpu.memory_space<vmem>> -> memref<1x80xi32, #tpu.memory_space<vmem>>
    %dma_wait3A_566 = tpu.memref_squeeze %dma_wait3A_565 : memref<1x80xi32, #tpu.memory_space<vmem>> -> memref<80xi32, #tpu.memory_space<vmem>>
    %dma_wait3A_567 = arith.constant 0 : i32
    %dma_wait3A_568 = tpu.memref_slice %arg3[%dma_wait3A_567] : memref<320000xi32, #tpu.memory_space<hbm>> -> memref<80xi32, #tpu.memory_space<hbm>>
    tpu.wait_dma2 semaphore(%arg22 : memref<!tpu.dma_semaphore, #tpu.memory_space<semaphore_mem>>) src(%dma_wait3A_568 : memref<80xi32, #tpu.memory_space<hbm>>) dst(%dma_wait3A_566 : memref<80xi32, #tpu.memory_space<vmem>>)
    %dma_start3A_569 = arith.constant 0 : i32
    %dma_start3A_570 = arith.constant 0 : i32
    %dma_start3A_571 = tpu.memref_slice %arg14[%dma_start3A_569, %dma_start3A_570] : memref<1x80xi32, #tpu.memory_space<vmem>> -> memref<1x80xi32, #tpu.memory_space<vmem>>
    %dma_start3A_572 = tpu.memref_squeeze %dma_start3A_571 : memref<1x80xi32, #tpu.memory_space<vmem>> -> memref<80xi32, #tpu.memory_space<vmem>>
    %dma_start3A_573 = arith.constant 0 : i32
    %dma_start3A_574 = arith.constant 0 : i32
    %dma_start3A_575 = tpu.memref_slice %arg20[%dma_start3A_573, %dma_start3A_574] : memref<10240x128xf32, #tpu.memory_space<vmem_shared>> -> memref<10240x128xf32, #tpu.memory_space<vmem_shared>>
    tpu.enqueue_indirect_dma source(%arg17 : memref<80x128xf32, #tpu.memory_space<vmem>>) target(%dma_start3A_575 : memref<10240x128xf32, #tpu.memory_space<vmem_shared>>) offsets(%dma_start3A_572 : memref<80xi32, #tpu.memory_space<vmem>>) semaphore(%arg29 : memref<!tpu.dma_semaphore, #tpu.memory_space<semaphore_mem>>) {add = true}
    %dma_wait3A_576 = arith.constant 0 : i32
    %dma_wait3A_577 = arith.constant 0 : i32
    %dma_wait3A_578 = tpu.memref_slice %arg13[%dma_wait3A_576, %dma_wait3A_577] : memref<1x80xi32, #tpu.memory_space<vmem>> -> memref<1x80xi32, #tpu.memory_space<vmem>>
    %dma_wait3A_579 = tpu.memref_squeeze %dma_wait3A_578 : memref<1x80xi32, #tpu.memory_space<vmem>> -> memref<80xi32, #tpu.memory_space<vmem>>
    %dma_wait3A_580 = arith.constant 0 : i32
    %dma_wait3A_581 = arith.constant 0 : i32
    %dma_wait3A_582 = tpu.memref_slice %arg20[%dma_wait3A_580, %dma_wait3A_581] : memref<10240x128xf32, #tpu.memory_space<vmem_shared>> -> memref<10240x128xf32, #tpu.memory_space<vmem_shared>>
    tpu.wait_indirect_dma semaphore(%arg28 : memref<!tpu.dma_semaphore, #tpu.memory_space<semaphore_mem>>) src(%arg17 : memref<80x128xf32, #tpu.memory_space<vmem>>) dst(%dma_wait3A_582 : memref<10240x128xf32, #tpu.memory_space<vmem_shared>>)
    %add3A_583 = arith.constant 9920 : i32
    %add3A_584 = arith.addi %mul3A_2, %add3A_583 : i32
    %dma_start3A_585 = arith.constant 0 : i32
    %dma_start3A_586 = arith.constant 0 : i32
    %dma_start3A_587 = tpu.memref_slice %arg13[%dma_start3A_585, %dma_start3A_586] : memref<1x80xi32, #tpu.memory_space<vmem>> -> memref<1x80xi32, #tpu.memory_space<vmem>>
    %dma_start3A_588 = tpu.memref_squeeze %dma_start3A_587 : memref<1x80xi32, #tpu.memory_space<vmem>> -> memref<80xi32, #tpu.memory_space<vmem>>
    %dma_start3A_589 = tpu.memref_slice %arg3[%add3A_584] : memref<320000xi32, #tpu.memory_space<hbm>> -> memref<80xi32, #tpu.memory_space<hbm>>
    %dma_start3A_590 = arith.constant 0 : i32
    %dma_start3A_591 = tpu.memref_slice %arg13[%dma_start3A_585, %dma_start3A_590] : memref<1x80xi32, #tpu.memory_space<vmem>> -> memref<1x80xi32, #tpu.memory_space<vmem>>
    %dma_start3A_592 = tpu.memref_squeeze %dma_start3A_591 : memref<1x80xi32, #tpu.memory_space<vmem>> -> memref<80xi32, #tpu.memory_space<vmem>>
    %dma_start3A_593 = tpu.memref_slice %arg3[%add3A_584] : memref<320000xi32, #tpu.memory_space<hbm>> -> memref<80xi32, #tpu.memory_space<hbm>>
    tpu.enqueue_dma source(%dma_start3A_593 : memref<80xi32, #tpu.memory_space<hbm>>) target(%dma_start3A_592 : memref<80xi32, #tpu.memory_space<vmem>>) target_semaphore(%arg21 : memref<!tpu.dma_semaphore, #tpu.memory_space<semaphore_mem>>)
    %dma_wait3A_594 = arith.constant 0 : i32
    %dma_wait3A_595 = arith.constant 0 : i32
    %dma_wait3A_596 = tpu.memref_slice %arg15[%dma_wait3A_594, %dma_wait3A_595] : memref<1x80xi32, #tpu.memory_space<vmem>> -> memref<1x80xi32, #tpu.memory_space<vmem>>
    %dma_wait3A_597 = tpu.memref_squeeze %dma_wait3A_596 : memref<1x80xi32, #tpu.memory_space<vmem>> -> memref<80xi32, #tpu.memory_space<vmem>>
    %dma_wait3A_598 = arith.constant 0 : i32
    %dma_wait3A_599 = tpu.memref_slice %arg3[%dma_wait3A_598] : memref<320000xi32, #tpu.memory_space<hbm>> -> memref<80xi32, #tpu.memory_space<hbm>>
    %dma_wait3A_600 = arith.constant 0 : i32
    %dma_wait3A_601 = tpu.memref_slice %arg15[%dma_wait3A_594, %dma_wait3A_600] : memref<1x80xi32, #tpu.memory_space<vmem>> -> memref<1x80xi32, #tpu.memory_space<vmem>>
    %dma_wait3A_602 = tpu.memref_squeeze %dma_wait3A_601 : memref<1x80xi32, #tpu.memory_space<vmem>> -> memref<80xi32, #tpu.memory_space<vmem>>
    %dma_wait3A_603 = arith.constant 0 : i32
    %dma_wait3A_604 = tpu.memref_slice %arg3[%dma_wait3A_603] : memref<320000xi32, #tpu.memory_space<hbm>> -> memref<80xi32, #tpu.memory_space<hbm>>
    tpu.wait_dma2 semaphore(%arg23 : memref<!tpu.dma_semaphore, #tpu.memory_space<semaphore_mem>>) src(%dma_wait3A_604 : memref<80xi32, #tpu.memory_space<hbm>>) dst(%dma_wait3A_602 : memref<80xi32, #tpu.memory_space<vmem>>)
    %dma_start3A_605 = arith.constant 0 : i32
    %dma_start3A_606 = arith.constant 0 : i32
    %dma_start3A_607 = tpu.memref_slice %arg15[%dma_start3A_605, %dma_start3A_606] : memref<1x80xi32, #tpu.memory_space<vmem>> -> memref<1x80xi32, #tpu.memory_space<vmem>>
    %dma_start3A_608 = tpu.memref_squeeze %dma_start3A_607 : memref<1x80xi32, #tpu.memory_space<vmem>> -> memref<80xi32, #tpu.memory_space<vmem>>
    %dma_start3A_609 = arith.constant 0 : i32
    %dma_start3A_610 = arith.constant 0 : i32
    %dma_start3A_611 = tpu.memref_slice %arg20[%dma_start3A_609, %dma_start3A_610] : memref<10240x128xf32, #tpu.memory_space<vmem_shared>> -> memref<10240x128xf32, #tpu.memory_space<vmem_shared>>
    tpu.enqueue_indirect_dma source(%arg17 : memref<80x128xf32, #tpu.memory_space<vmem>>) target(%dma_start3A_611 : memref<10240x128xf32, #tpu.memory_space<vmem_shared>>) offsets(%dma_start3A_608 : memref<80xi32, #tpu.memory_space<vmem>>) semaphore(%arg30 : memref<!tpu.dma_semaphore, #tpu.memory_space<semaphore_mem>>) {add = true}
    %dma_wait3A_612 = arith.constant 0 : i32
    %dma_wait3A_613 = arith.constant 0 : i32
    %dma_wait3A_614 = tpu.memref_slice %arg14[%dma_wait3A_612, %dma_wait3A_613] : memref<1x80xi32, #tpu.memory_space<vmem>> -> memref<1x80xi32, #tpu.memory_space<vmem>>
    %dma_wait3A_615 = tpu.memref_squeeze %dma_wait3A_614 : memref<1x80xi32, #tpu.memory_space<vmem>> -> memref<80xi32, #tpu.memory_space<vmem>>
    %dma_wait3A_616 = arith.constant 0 : i32
    %dma_wait3A_617 = arith.constant 0 : i32
    %dma_wait3A_618 = tpu.memref_slice %arg20[%dma_wait3A_616, %dma_wait3A_617] : memref<10240x128xf32, #tpu.memory_space<vmem_shared>> -> memref<10240x128xf32, #tpu.memory_space<vmem_shared>>
    tpu.wait_indirect_dma semaphore(%arg29 : memref<!tpu.dma_semaphore, #tpu.memory_space<semaphore_mem>>) src(%arg17 : memref<80x128xf32, #tpu.memory_space<vmem>>) dst(%dma_wait3A_618 : memref<10240x128xf32, #tpu.memory_space<vmem_shared>>)
    %dma_wait3A_619 = arith.constant 0 : i32
    %dma_wait3A_620 = arith.constant 0 : i32
    %dma_wait3A_621 = tpu.memref_slice %arg16[%dma_wait3A_619, %dma_wait3A_620] : memref<1x80xi32, #tpu.memory_space<vmem>> -> memref<1x80xi32, #tpu.memory_space<vmem>>
    %dma_wait3A_622 = tpu.memref_squeeze %dma_wait3A_621 : memref<1x80xi32, #tpu.memory_space<vmem>> -> memref<80xi32, #tpu.memory_space<vmem>>
    %dma_wait3A_623 = arith.constant 0 : i32
    %dma_wait3A_624 = tpu.memref_slice %arg3[%dma_wait3A_623] : memref<320000xi32, #tpu.memory_space<hbm>> -> memref<80xi32, #tpu.memory_space<hbm>>
    %dma_wait3A_625 = arith.constant 0 : i32
    %dma_wait3A_626 = tpu.memref_slice %arg16[%dma_wait3A_619, %dma_wait3A_625] : memref<1x80xi32, #tpu.memory_space<vmem>> -> memref<1x80xi32, #tpu.memory_space<vmem>>
    %dma_wait3A_627 = tpu.memref_squeeze %dma_wait3A_626 : memref<1x80xi32, #tpu.memory_space<vmem>> -> memref<80xi32, #tpu.memory_space<vmem>>
    %dma_wait3A_628 = arith.constant 0 : i32
    %dma_wait3A_629 = tpu.memref_slice %arg3[%dma_wait3A_628] : memref<320000xi32, #tpu.memory_space<hbm>> -> memref<80xi32, #tpu.memory_space<hbm>>
    tpu.wait_dma2 semaphore(%arg24 : memref<!tpu.dma_semaphore, #tpu.memory_space<semaphore_mem>>) src(%dma_wait3A_629 : memref<80xi32, #tpu.memory_space<hbm>>) dst(%dma_wait3A_627 : memref<80xi32, #tpu.memory_space<vmem>>)
    %dma_start3A_630 = arith.constant 0 : i32
    %dma_start3A_631 = arith.constant 0 : i32
    %dma_start3A_632 = tpu.memref_slice %arg16[%dma_start3A_630, %dma_start3A_631] : memref<1x80xi32, #tpu.memory_space<vmem>> -> memref<1x80xi32, #tpu.memory_space<vmem>>
    %dma_start3A_633 = tpu.memref_squeeze %dma_start3A_632 : memref<1x80xi32, #tpu.memory_space<vmem>> -> memref<80xi32, #tpu.memory_space<vmem>>
    %dma_start3A_634 = arith.constant 0 : i32
    %dma_start3A_635 = arith.constant 0 : i32
    %dma_start3A_636 = tpu.memref_slice %arg20[%dma_start3A_634, %dma_start3A_635] : memref<10240x128xf32, #tpu.memory_space<vmem_shared>> -> memref<10240x128xf32, #tpu.memory_space<vmem_shared>>
    tpu.enqueue_indirect_dma source(%arg17 : memref<80x128xf32, #tpu.memory_space<vmem>>) target(%dma_start3A_636 : memref<10240x128xf32, #tpu.memory_space<vmem_shared>>) offsets(%dma_start3A_633 : memref<80xi32, #tpu.memory_space<vmem>>) semaphore(%arg28 : memref<!tpu.dma_semaphore, #tpu.memory_space<semaphore_mem>>) {add = true}
    %dma_wait3A_637 = arith.constant 0 : i32
    %dma_wait3A_638 = arith.constant 0 : i32
    %dma_wait3A_639 = tpu.memref_slice %arg15[%dma_wait3A_637, %dma_wait3A_638] : memref<1x80xi32, #tpu.memory_space<vmem>> -> memref<1x80xi32, #tpu.memory_space<vmem>>
    %dma_wait3A_640 = tpu.memref_squeeze %dma_wait3A_639 : memref<1x80xi32, #tpu.memory_space<vmem>> -> memref<80xi32, #tpu.memory_space<vmem>>
    %dma_wait3A_641 = arith.constant 0 : i32
    %dma_wait3A_642 = arith.constant 0 : i32
    %dma_wait3A_643 = tpu.memref_slice %arg20[%dma_wait3A_641, %dma_wait3A_642] : memref<10240x128xf32, #tpu.memory_space<vmem_shared>> -> memref<10240x128xf32, #tpu.memory_space<vmem_shared>>
    tpu.wait_indirect_dma semaphore(%arg30 : memref<!tpu.dma_semaphore, #tpu.memory_space<semaphore_mem>>) src(%arg17 : memref<80x128xf32, #tpu.memory_space<vmem>>) dst(%dma_wait3A_643 : memref<10240x128xf32, #tpu.memory_space<vmem_shared>>)
    %dma_wait3A_644 = arith.constant 0 : i32
    %dma_wait3A_645 = arith.constant 0 : i32
    %dma_wait3A_646 = tpu.memref_slice %arg13[%dma_wait3A_644, %dma_wait3A_645] : memref<1x80xi32, #tpu.memory_space<vmem>> -> memref<1x80xi32, #tpu.memory_space<vmem>>
    %dma_wait3A_647 = tpu.memref_squeeze %dma_wait3A_646 : memref<1x80xi32, #tpu.memory_space<vmem>> -> memref<80xi32, #tpu.memory_space<vmem>>
    %dma_wait3A_648 = arith.constant 0 : i32
    %dma_wait3A_649 = tpu.memref_slice %arg3[%dma_wait3A_648] : memref<320000xi32, #tpu.memory_space<hbm>> -> memref<80xi32, #tpu.memory_space<hbm>>
    %dma_wait3A_650 = arith.constant 0 : i32
    %dma_wait3A_651 = tpu.memref_slice %arg13[%dma_wait3A_644, %dma_wait3A_650] : memref<1x80xi32, #tpu.memory_space<vmem>> -> memref<1x80xi32, #tpu.memory_space<vmem>>
    %dma_wait3A_652 = tpu.memref_squeeze %dma_wait3A_651 : memref<1x80xi32, #tpu.memory_space<vmem>> -> memref<80xi32, #tpu.memory_space<vmem>>
    %dma_wait3A_653 = arith.constant 0 : i32
    %dma_wait3A_654 = tpu.memref_slice %arg3[%dma_wait3A_653] : memref<320000xi32, #tpu.memory_space<hbm>> -> memref<80xi32, #tpu.memory_space<hbm>>
    tpu.wait_dma2 semaphore(%arg21 : memref<!tpu.dma_semaphore, #tpu.memory_space<semaphore_mem>>) src(%dma_wait3A_654 : memref<80xi32, #tpu.memory_space<hbm>>) dst(%dma_wait3A_652 : memref<80xi32, #tpu.memory_space<vmem>>)
    %dma_start3A_655 = arith.constant 0 : i32
    %dma_start3A_656 = arith.constant 0 : i32
    %dma_start3A_657 = tpu.memref_slice %arg13[%dma_start3A_655, %dma_start3A_656] : memref<1x80xi32, #tpu.memory_space<vmem>> -> memref<1x80xi32, #tpu.memory_space<vmem>>
    %dma_start3A_658 = tpu.memref_squeeze %dma_start3A_657 : memref<1x80xi32, #tpu.memory_space<vmem>> -> memref<80xi32, #tpu.memory_space<vmem>>
    %dma_start3A_659 = arith.constant 0 : i32
    %dma_start3A_660 = arith.constant 0 : i32
    %dma_start3A_661 = tpu.memref_slice %arg20[%dma_start3A_659, %dma_start3A_660] : memref<10240x128xf32, #tpu.memory_space<vmem_shared>> -> memref<10240x128xf32, #tpu.memory_space<vmem_shared>>
    tpu.enqueue_indirect_dma source(%arg17 : memref<80x128xf32, #tpu.memory_space<vmem>>) target(%dma_start3A_661 : memref<10240x128xf32, #tpu.memory_space<vmem_shared>>) offsets(%dma_start3A_658 : memref<80xi32, #tpu.memory_space<vmem>>) semaphore(%arg29 : memref<!tpu.dma_semaphore, #tpu.memory_space<semaphore_mem>>) {add = true}
    %dma_wait3A_662 = arith.constant 0 : i32
    %dma_wait3A_663 = arith.constant 0 : i32
    %dma_wait3A_664 = tpu.memref_slice %arg16[%dma_wait3A_662, %dma_wait3A_663] : memref<1x80xi32, #tpu.memory_space<vmem>> -> memref<1x80xi32, #tpu.memory_space<vmem>>
    %dma_wait3A_665 = tpu.memref_squeeze %dma_wait3A_664 : memref<1x80xi32, #tpu.memory_space<vmem>> -> memref<80xi32, #tpu.memory_space<vmem>>
    %dma_wait3A_666 = arith.constant 0 : i32
    %dma_wait3A_667 = arith.constant 0 : i32
    %dma_wait3A_668 = tpu.memref_slice %arg20[%dma_wait3A_666, %dma_wait3A_667] : memref<10240x128xf32, #tpu.memory_space<vmem_shared>> -> memref<10240x128xf32, #tpu.memory_space<vmem_shared>>
    tpu.wait_indirect_dma semaphore(%arg28 : memref<!tpu.dma_semaphore, #tpu.memory_space<semaphore_mem>>) src(%arg17 : memref<80x128xf32, #tpu.memory_space<vmem>>) dst(%dma_wait3A_668 : memref<10240x128xf32, #tpu.memory_space<vmem_shared>>)
    %dma_wait3A_669 = arith.constant 0 : i32
    %dma_wait3A_670 = arith.constant 0 : i32
    %dma_wait3A_671 = tpu.memref_slice %arg13[%dma_wait3A_669, %dma_wait3A_670] : memref<1x80xi32, #tpu.memory_space<vmem>> -> memref<1x80xi32, #tpu.memory_space<vmem>>
    %dma_wait3A_672 = tpu.memref_squeeze %dma_wait3A_671 : memref<1x80xi32, #tpu.memory_space<vmem>> -> memref<80xi32, #tpu.memory_space<vmem>>
    %dma_wait3A_673 = arith.constant 0 : i32
    %dma_wait3A_674 = arith.constant 0 : i32
    %dma_wait3A_675 = tpu.memref_slice %arg20[%dma_wait3A_673, %dma_wait3A_674] : memref<10240x128xf32, #tpu.memory_space<vmem_shared>> -> memref<10240x128xf32, #tpu.memory_space<vmem_shared>>
    tpu.wait_indirect_dma semaphore(%arg29 : memref<!tpu.dma_semaphore, #tpu.memory_space<semaphore_mem>>) src(%arg17 : memref<80x128xf32, #tpu.memory_space<vmem>>) dst(%dma_wait3A_675 : memref<10240x128xf32, #tpu.memory_space<vmem_shared>>)
    %barrier3A_676 = arith.constant 0 : index
    tpu.barrier barrier_id(%barrier3A_676)
    %add3A_677 = arith.constant 0 : i32
    %add3A_678 = arith.addi %mul3A_4, %add3A_677 : i32
    "tpu.region"() ({
      %run_scoped3A = tpu.sem_alloc : memref<!tpu.dma_semaphore, #tpu.memory_space<semaphore_mem>>
      %dma_start3A_789 = arith.constant 0 : i32
      %dma_start3A_790 = tpu.memref_slice %arg20[%add3A_678, %dma_start3A_789] : memref<10240x128xf32, #tpu.memory_space<vmem_shared>> -> memref<80x128xf32, #tpu.memory_space<vmem_shared>>
      %dma_start3A_791 = arith.constant 0 : i32
      %dma_start3A_792 = tpu.memref_slice %arg20[%add3A_678, %dma_start3A_791] : memref<10240x128xf32, #tpu.memory_space<vmem_shared>> -> memref<80x128xf32, #tpu.memory_space<vmem_shared>>
      tpu.enqueue_dma source(%dma_start3A_792 : memref<80x128xf32, #tpu.memory_space<vmem_shared>>) target(%arg18 : memref<80x128xf32, #tpu.memory_space<vmem>>) target_semaphore(%run_scoped3A : memref<!tpu.dma_semaphore, #tpu.memory_space<semaphore_mem>>)
      %dma_wait3A_793 = arith.constant 0 : i32
      %dma_wait3A_794 = tpu.memref_slice %arg20[%add3A_678, %dma_wait3A_793] : memref<10240x128xf32, #tpu.memory_space<vmem_shared>> -> memref<80x128xf32, #tpu.memory_space<vmem_shared>>
      %dma_wait3A_795 = arith.constant 0 : i32
      %dma_wait3A_796 = tpu.memref_slice %arg20[%add3A_678, %dma_wait3A_795] : memref<10240x128xf32, #tpu.memory_space<vmem_shared>> -> memref<80x128xf32, #tpu.memory_space<vmem_shared>>
      tpu.wait_dma2 semaphore(%run_scoped3A : memref<!tpu.dma_semaphore, #tpu.memory_space<semaphore_mem>>) src(%dma_wait3A_796 : memref<80x128xf32, #tpu.memory_space<vmem_shared>>) dst(%arg18 : memref<80x128xf32, #tpu.memory_space<vmem>>)
      tpu.yield
    }) : () -> ()
    %dma_start3A_679 = arith.constant 0 : i32
    %dma_start3A_680 = tpu.memref_slice %arg8[%arg0, %add3A_678, %dma_start3A_679] : memref<2x10240x128xf32, #tpu.memory_space<hbm>> -> memref<1x80x128xf32, #tpu.memory_space<hbm>>
    %dma_start3A_681 = tpu.memref_squeeze %dma_start3A_680 : memref<1x80x128xf32, #tpu.memory_space<hbm>> -> memref<80x128xf32, #tpu.memory_space<hbm>>
    %dma_start3A_682 = arith.constant 0 : i32
    %dma_start3A_683 = tpu.memref_slice %arg8[%arg0, %add3A_678, %dma_start3A_682] : memref<2x10240x128xf32, #tpu.memory_space<hbm>> -> memref<1x80x128xf32, #tpu.memory_space<hbm>>
    %dma_start3A_684 = tpu.memref_squeeze %dma_start3A_683 : memref<1x80x128xf32, #tpu.memory_space<hbm>> -> memref<80x128xf32, #tpu.memory_space<hbm>>
    tpu.enqueue_dma source(%arg18 : memref<80x128xf32, #tpu.memory_space<vmem>>) target(%dma_start3A_684 : memref<80x128xf32, #tpu.memory_space<hbm>>) target_semaphore(%arg29 : memref<!tpu.dma_semaphore, #tpu.memory_space<semaphore_mem>>)
    %add3A_685 = arith.constant 80 : i32
    %add3A_686 = arith.addi %mul3A_4, %add3A_685 : i32
    "tpu.region"() ({
      %run_scoped3A = tpu.sem_alloc : memref<!tpu.dma_semaphore, #tpu.memory_space<semaphore_mem>>
      %dma_start3A_789 = arith.constant 0 : i32
      %dma_start3A_790 = tpu.memref_slice %arg20[%add3A_686, %dma_start3A_789] : memref<10240x128xf32, #tpu.memory_space<vmem_shared>> -> memref<80x128xf32, #tpu.memory_space<vmem_shared>>
      %dma_start3A_791 = arith.constant 0 : i32
      %dma_start3A_792 = tpu.memref_slice %arg20[%add3A_686, %dma_start3A_791] : memref<10240x128xf32, #tpu.memory_space<vmem_shared>> -> memref<80x128xf32, #tpu.memory_space<vmem_shared>>
      tpu.enqueue_dma source(%dma_start3A_792 : memref<80x128xf32, #tpu.memory_space<vmem_shared>>) target(%arg19 : memref<80x128xf32, #tpu.memory_space<vmem>>) target_semaphore(%run_scoped3A : memref<!tpu.dma_semaphore, #tpu.memory_space<semaphore_mem>>)
      %dma_wait3A_793 = arith.constant 0 : i32
      %dma_wait3A_794 = tpu.memref_slice %arg20[%add3A_686, %dma_wait3A_793] : memref<10240x128xf32, #tpu.memory_space<vmem_shared>> -> memref<80x128xf32, #tpu.memory_space<vmem_shared>>
      %dma_wait3A_795 = arith.constant 0 : i32
      %dma_wait3A_796 = tpu.memref_slice %arg20[%add3A_686, %dma_wait3A_795] : memref<10240x128xf32, #tpu.memory_space<vmem_shared>> -> memref<80x128xf32, #tpu.memory_space<vmem_shared>>
      tpu.wait_dma2 semaphore(%run_scoped3A : memref<!tpu.dma_semaphore, #tpu.memory_space<semaphore_mem>>) src(%dma_wait3A_796 : memref<80x128xf32, #tpu.memory_space<vmem_shared>>) dst(%arg19 : memref<80x128xf32, #tpu.memory_space<vmem>>)
      tpu.yield
    }) : () -> ()
    %dma_start3A_687 = arith.constant 0 : i32
    %dma_start3A_688 = tpu.memref_slice %arg8[%arg0, %add3A_686, %dma_start3A_687] : memref<2x10240x128xf32, #tpu.memory_space<hbm>> -> memref<1x80x128xf32, #tpu.memory_space<hbm>>
    %dma_start3A_689 = tpu.memref_squeeze %dma_start3A_688 : memref<1x80x128xf32, #tpu.memory_space<hbm>> -> memref<80x128xf32, #tpu.memory_space<hbm>>
    %dma_start3A_690 = arith.constant 0 : i32
    %dma_start3A_691 = tpu.memref_slice %arg8[%arg0, %add3A_686, %dma_start3A_690] : memref<2x10240x128xf32, #tpu.memory_space<hbm>> -> memref<1x80x128xf32, #tpu.memory_space<hbm>>
    %dma_start3A_692 = tpu.memref_squeeze %dma_start3A_691 : memref<1x80x128xf32, #tpu.memory_space<hbm>> -> memref<80x128xf32, #tpu.memory_space<hbm>>
    tpu.enqueue_dma source(%arg19 : memref<80x128xf32, #tpu.memory_space<vmem>>) target(%dma_start3A_692 : memref<80x128xf32, #tpu.memory_space<hbm>>) target_semaphore(%arg30 : memref<!tpu.dma_semaphore, #tpu.memory_space<semaphore_mem>>)
    %add3A_693 = arith.constant 160 : i32
    %add3A_694 = arith.addi %mul3A_4, %add3A_693 : i32
    %dma_wait3A_695 = arith.constant 0 : i32
    %dma_wait3A_696 = tpu.memref_slice %arg8[%arg0, %mul3A_4, %dma_wait3A_695] : memref<2x10240x128xf32, #tpu.memory_space<hbm>> -> memref<1x80x128xf32, #tpu.memory_space<hbm>>
    %dma_wait3A_697 = tpu.memref_squeeze %dma_wait3A_696 : memref<1x80x128xf32, #tpu.memory_space<hbm>> -> memref<80x128xf32, #tpu.memory_space<hbm>>
    %dma_wait3A_698 = arith.constant 0 : i32
    %dma_wait3A_699 = tpu.memref_slice %arg8[%arg0, %mul3A_4, %dma_wait3A_698] : memref<2x10240x128xf32, #tpu.memory_space<hbm>> -> memref<1x80x128xf32, #tpu.memory_space<hbm>>
    %dma_wait3A_700 = tpu.memref_squeeze %dma_wait3A_699 : memref<1x80x128xf32, #tpu.memory_space<hbm>> -> memref<80x128xf32, #tpu.memory_space<hbm>>
    tpu.wait_dma2 semaphore(%arg29 : memref<!tpu.dma_semaphore, #tpu.memory_space<semaphore_mem>>) src(%arg18 : memref<80x128xf32, #tpu.memory_space<vmem>>) dst(%dma_wait3A_700 : memref<80x128xf32, #tpu.memory_space<hbm>>)
    "tpu.region"() ({
      %run_scoped3A = tpu.sem_alloc : memref<!tpu.dma_semaphore, #tpu.memory_space<semaphore_mem>>
      %dma_start3A_789 = arith.constant 0 : i32
      %dma_start3A_790 = tpu.memref_slice %arg20[%add3A_694, %dma_start3A_789] : memref<10240x128xf32, #tpu.memory_space<vmem_shared>> -> memref<80x128xf32, #tpu.memory_space<vmem_shared>>
      %dma_start3A_791 = arith.constant 0 : i32
      %dma_start3A_792 = tpu.memref_slice %arg20[%add3A_694, %dma_start3A_791] : memref<10240x128xf32, #tpu.memory_space<vmem_shared>> -> memref<80x128xf32, #tpu.memory_space<vmem_shared>>
      tpu.enqueue_dma source(%dma_start3A_792 : memref<80x128xf32, #tpu.memory_space<vmem_shared>>) target(%arg18 : memref<80x128xf32, #tpu.memory_space<vmem>>) target_semaphore(%run_scoped3A : memref<!tpu.dma_semaphore, #tpu.memory_space<semaphore_mem>>)
      %dma_wait3A_793 = arith.constant 0 : i32
      %dma_wait3A_794 = tpu.memref_slice %arg20[%add3A_694, %dma_wait3A_793] : memref<10240x128xf32, #tpu.memory_space<vmem_shared>> -> memref<80x128xf32, #tpu.memory_space<vmem_shared>>
      %dma_wait3A_795 = arith.constant 0 : i32
      %dma_wait3A_796 = tpu.memref_slice %arg20[%add3A_694, %dma_wait3A_795] : memref<10240x128xf32, #tpu.memory_space<vmem_shared>> -> memref<80x128xf32, #tpu.memory_space<vmem_shared>>
      tpu.wait_dma2 semaphore(%run_scoped3A : memref<!tpu.dma_semaphore, #tpu.memory_space<semaphore_mem>>) src(%dma_wait3A_796 : memref<80x128xf32, #tpu.memory_space<vmem_shared>>) dst(%arg18 : memref<80x128xf32, #tpu.memory_space<vmem>>)
      tpu.yield
    }) : () -> ()
    %dma_start3A_701 = arith.constant 0 : i32
    %dma_start3A_702 = tpu.memref_slice %arg8[%arg0, %add3A_694, %dma_start3A_701] : memref<2x10240x128xf32, #tpu.memory_space<hbm>> -> memref<1x80x128xf32, #tpu.memory_space<hbm>>
    %dma_start3A_703 = tpu.memref_squeeze %dma_start3A_702 : memref<1x80x128xf32, #tpu.memory_space<hbm>> -> memref<80x128xf32, #tpu.memory_space<hbm>>
    %dma_start3A_704 = arith.constant 0 : i32
    %dma_start3A_705 = tpu.memref_slice %arg8[%arg0, %add3A_694, %dma_start3A_704] : memref<2x10240x128xf32, #tpu.memory_space<hbm>> -> memref<1x80x128xf32, #tpu.memory_space<hbm>>
    %dma_start3A_706 = tpu.memref_squeeze %dma_start3A_705 : memref<1x80x128xf32, #tpu.memory_space<hbm>> -> memref<80x128xf32, #tpu.memory_space<hbm>>
    tpu.enqueue_dma source(%arg18 : memref<80x128xf32, #tpu.memory_space<vmem>>) target(%dma_start3A_706 : memref<80x128xf32, #tpu.memory_space<hbm>>) target_semaphore(%arg29 : memref<!tpu.dma_semaphore, #tpu.memory_space<semaphore_mem>>)
    %add3A_707 = arith.constant 240 : i32
    %add3A_708 = arith.addi %mul3A_4, %add3A_707 : i32
    %dma_wait3A_709 = arith.constant 0 : i32
    %dma_wait3A_710 = tpu.memref_slice %arg8[%arg0, %mul3A_4, %dma_wait3A_709] : memref<2x10240x128xf32, #tpu.memory_space<hbm>> -> memref<1x80x128xf32, #tpu.memory_space<hbm>>
    %dma_wait3A_711 = tpu.memref_squeeze %dma_wait3A_710 : memref<1x80x128xf32, #tpu.memory_space<hbm>> -> memref<80x128xf32, #tpu.memory_space<hbm>>
    %dma_wait3A_712 = arith.constant 0 : i32
    %dma_wait3A_713 = tpu.memref_slice %arg8[%arg0, %mul3A_4, %dma_wait3A_712] : memref<2x10240x128xf32, #tpu.memory_space<hbm>> -> memref<1x80x128xf32, #tpu.memory_space<hbm>>
    %dma_wait3A_714 = tpu.memref_squeeze %dma_wait3A_713 : memref<1x80x128xf32, #tpu.memory_space<hbm>> -> memref<80x128xf32, #tpu.memory_space<hbm>>
    tpu.wait_dma2 semaphore(%arg30 : memref<!tpu.dma_semaphore, #tpu.memory_space<semaphore_mem>>) src(%arg19 : memref<80x128xf32, #tpu.memory_space<vmem>>) dst(%dma_wait3A_714 : memref<80x128xf32, #tpu.memory_space<hbm>>)
    "tpu.region"() ({
      %run_scoped3A = tpu.sem_alloc : memref<!tpu.dma_semaphore, #tpu.memory_space<semaphore_mem>>
      %dma_start3A_789 = arith.constant 0 : i32
      %dma_start3A_790 = tpu.memref_slice %arg20[%add3A_708, %dma_start3A_789] : memref<10240x128xf32, #tpu.memory_space<vmem_shared>> -> memref<80x128xf32, #tpu.memory_space<vmem_shared>>
      %dma_start3A_791 = arith.constant 0 : i32
      %dma_start3A_792 = tpu.memref_slice %arg20[%add3A_708, %dma_start3A_791] : memref<10240x128xf32, #tpu.memory_space<vmem_shared>> -> memref<80x128xf32, #tpu.memory_space<vmem_shared>>
      tpu.enqueue_dma source(%dma_start3A_792 : memref<80x128xf32, #tpu.memory_space<vmem_shared>>) target(%arg19 : memref<80x128xf32, #tpu.memory_space<vmem>>) target_semaphore(%run_scoped3A : memref<!tpu.dma_semaphore, #tpu.memory_space<semaphore_mem>>)
      %dma_wait3A_793 = arith.constant 0 : i32
      %dma_wait3A_794 = tpu.memref_slice %arg20[%add3A_708, %dma_wait3A_793] : memref<10240x128xf32, #tpu.memory_space<vmem_shared>> -> memref<80x128xf32, #tpu.memory_space<vmem_shared>>
      %dma_wait3A_795 = arith.constant 0 : i32
      %dma_wait3A_796 = tpu.memref_slice %arg20[%add3A_708, %dma_wait3A_795] : memref<10240x128xf32, #tpu.memory_space<vmem_shared>> -> memref<80x128xf32, #tpu.memory_space<vmem_shared>>
      tpu.wait_dma2 semaphore(%run_scoped3A : memref<!tpu.dma_semaphore, #tpu.memory_space<semaphore_mem>>) src(%dma_wait3A_796 : memref<80x128xf32, #tpu.memory_space<vmem_shared>>) dst(%arg19 : memref<80x128xf32, #tpu.memory_space<vmem>>)
      tpu.yield
    }) : () -> ()
    %dma_start3A_715 = arith.constant 0 : i32
    %dma_start3A_716 = tpu.memref_slice %arg8[%arg0, %add3A_708, %dma_start3A_715] : memref<2x10240x128xf32, #tpu.memory_space<hbm>> -> memref<1x80x128xf32, #tpu.memory_space<hbm>>
    %dma_start3A_717 = tpu.memref_squeeze %dma_start3A_716 : memref<1x80x128xf32, #tpu.memory_space<hbm>> -> memref<80x128xf32, #tpu.memory_space<hbm>>
    %dma_start3A_718 = arith.constant 0 : i32
    %dma_start3A_719 = tpu.memref_slice %arg8[%arg0, %add3A_708, %dma_start3A_718] : memref<2x10240x128xf32, #tpu.memory_space<hbm>> -> memref<1x80x128xf32, #tpu.memory_space<hbm>>
    %dma_start3A_720 = tpu.memref_squeeze %dma_start3A_719 : memref<1x80x128xf32, #tpu.memory_space<hbm>> -> memref<80x128xf32, #tpu.memory_space<hbm>>
    tpu.enqueue_dma source(%arg19 : memref<80x128xf32, #tpu.memory_space<vmem>>) target(%dma_start3A_720 : memref<80x128xf32, #tpu.memory_space<hbm>>) target_semaphore(%arg30 : memref<!tpu.dma_semaphore, #tpu.memory_space<semaphore_mem>>)
    %add3A_721 = arith.constant 320 : i32
    %add3A_722 = arith.addi %mul3A_4, %add3A_721 : i32
    %dma_wait3A_723 = arith.constant 0 : i32
    %dma_wait3A_724 = tpu.memref_slice %arg8[%arg0, %mul3A_4, %dma_wait3A_723] : memref<2x10240x128xf32, #tpu.memory_space<hbm>> -> memref<1x80x128xf32, #tpu.memory_space<hbm>>
    %dma_wait3A_725 = tpu.memref_squeeze %dma_wait3A_724 : memref<1x80x128xf32, #tpu.memory_space<hbm>> -> memref<80x128xf32, #tpu.memory_space<hbm>>
    %dma_wait3A_726 = arith.constant 0 : i32
    %dma_wait3A_727 = tpu.memref_slice %arg8[%arg0, %mul3A_4, %dma_wait3A_726] : memref<2x10240x128xf32, #tpu.memory_space<hbm>> -> memref<1x80x128xf32, #tpu.memory_space<hbm>>
    %dma_wait3A_728 = tpu.memref_squeeze %dma_wait3A_727 : memref<1x80x128xf32, #tpu.memory_space<hbm>> -> memref<80x128xf32, #tpu.memory_space<hbm>>
    tpu.wait_dma2 semaphore(%arg29 : memref<!tpu.dma_semaphore, #tpu.memory_space<semaphore_mem>>) src(%arg18 : memref<80x128xf32, #tpu.memory_space<vmem>>) dst(%dma_wait3A_728 : memref<80x128xf32, #tpu.memory_space<hbm>>)
    "tpu.region"() ({
      %run_scoped3A = tpu.sem_alloc : memref<!tpu.dma_semaphore, #tpu.memory_space<semaphore_mem>>
      %dma_start3A_789 = arith.constant 0 : i32
      %dma_start3A_790 = tpu.memref_slice %arg20[%add3A_722, %dma_start3A_789] : memref<10240x128xf32, #tpu.memory_space<vmem_shared>> -> memref<80x128xf32, #tpu.memory_space<vmem_shared>>
      %dma_start3A_791 = arith.constant 0 : i32
      %dma_start3A_792 = tpu.memref_slice %arg20[%add3A_722, %dma_start3A_791] : memref<10240x128xf32, #tpu.memory_space<vmem_shared>> -> memref<80x128xf32, #tpu.memory_space<vmem_shared>>
      tpu.enqueue_dma source(%dma_start3A_792 : memref<80x128xf32, #tpu.memory_space<vmem_shared>>) target(%arg18 : memref<80x128xf32, #tpu.memory_space<vmem>>) target_semaphore(%run_scoped3A : memref<!tpu.dma_semaphore, #tpu.memory_space<semaphore_mem>>)
      %dma_wait3A_793 = arith.constant 0 : i32
      %dma_wait3A_794 = tpu.memref_slice %arg20[%add3A_722, %dma_wait3A_793] : memref<10240x128xf32, #tpu.memory_space<vmem_shared>> -> memref<80x128xf32, #tpu.memory_space<vmem_shared>>
      %dma_wait3A_795 = arith.constant 0 : i32
      %dma_wait3A_796 = tpu.memref_slice %arg20[%add3A_722, %dma_wait3A_795] : memref<10240x128xf32, #tpu.memory_space<vmem_shared>> -> memref<80x128xf32, #tpu.memory_space<vmem_shared>>
      tpu.wait_dma2 semaphore(%run_scoped3A : memref<!tpu.dma_semaphore, #tpu.memory_space<semaphore_mem>>) src(%dma_wait3A_796 : memref<80x128xf32, #tpu.memory_space<vmem_shared>>) dst(%arg18 : memref<80x128xf32, #tpu.memory_space<vmem>>)
      tpu.yield
    }) : () -> ()
    %dma_start3A_729 = arith.constant 0 : i32
    %dma_start3A_730 = tpu.memref_slice %arg8[%arg0, %add3A_722, %dma_start3A_729] : memref<2x10240x128xf32, #tpu.memory_space<hbm>> -> memref<1x80x128xf32, #tpu.memory_space<hbm>>
    %dma_start3A_731 = tpu.memref_squeeze %dma_start3A_730 : memref<1x80x128xf32, #tpu.memory_space<hbm>> -> memref<80x128xf32, #tpu.memory_space<hbm>>
    %dma_start3A_732 = arith.constant 0 : i32
    %dma_start3A_733 = tpu.memref_slice %arg8[%arg0, %add3A_722, %dma_start3A_732] : memref<2x10240x128xf32, #tpu.memory_space<hbm>> -> memref<1x80x128xf32, #tpu.memory_space<hbm>>
    %dma_start3A_734 = tpu.memref_squeeze %dma_start3A_733 : memref<1x80x128xf32, #tpu.memory_space<hbm>> -> memref<80x128xf32, #tpu.memory_space<hbm>>
    tpu.enqueue_dma source(%arg18 : memref<80x128xf32, #tpu.memory_space<vmem>>) target(%dma_start3A_734 : memref<80x128xf32, #tpu.memory_space<hbm>>) target_semaphore(%arg29 : memref<!tpu.dma_semaphore, #tpu.memory_space<semaphore_mem>>)
    %add3A_735 = arith.constant 400 : i32
    %add3A_736 = arith.addi %mul3A_4, %add3A_735 : i32
    %dma_wait3A_737 = arith.constant 0 : i32
    %dma_wait3A_738 = tpu.memref_slice %arg8[%arg0, %mul3A_4, %dma_wait3A_737] : memref<2x10240x128xf32, #tpu.memory_space<hbm>> -> memref<1x80x128xf32, #tpu.memory_space<hbm>>
    %dma_wait3A_739 = tpu.memref_squeeze %dma_wait3A_738 : memref<1x80x128xf32, #tpu.memory_space<hbm>> -> memref<80x128xf32, #tpu.memory_space<hbm>>
    %dma_wait3A_740 = arith.constant 0 : i32
    %dma_wait3A_741 = tpu.memref_slice %arg8[%arg0, %mul3A_4, %dma_wait3A_740] : memref<2x10240x128xf32, #tpu.memory_space<hbm>> -> memref<1x80x128xf32, #tpu.memory_space<hbm>>
    %dma_wait3A_742 = tpu.memref_squeeze %dma_wait3A_741 : memref<1x80x128xf32, #tpu.memory_space<hbm>> -> memref<80x128xf32, #tpu.memory_space<hbm>>
    tpu.wait_dma2 semaphore(%arg30 : memref<!tpu.dma_semaphore, #tpu.memory_space<semaphore_mem>>) src(%arg19 : memref<80x128xf32, #tpu.memory_space<vmem>>) dst(%dma_wait3A_742 : memref<80x128xf32, #tpu.memory_space<hbm>>)
    "tpu.region"() ({
      %run_scoped3A = tpu.sem_alloc : memref<!tpu.dma_semaphore, #tpu.memory_space<semaphore_mem>>
      %dma_start3A_789 = arith.constant 0 : i32
      %dma_start3A_790 = tpu.memref_slice %arg20[%add3A_736, %dma_start3A_789] : memref<10240x128xf32, #tpu.memory_space<vmem_shared>> -> memref<80x128xf32, #tpu.memory_space<vmem_shared>>
      %dma_start3A_791 = arith.constant 0 : i32
      %dma_start3A_792 = tpu.memref_slice %arg20[%add3A_736, %dma_start3A_791] : memref<10240x128xf32, #tpu.memory_space<vmem_shared>> -> memref<80x128xf32, #tpu.memory_space<vmem_shared>>
      tpu.enqueue_dma source(%dma_start3A_792 : memref<80x128xf32, #tpu.memory_space<vmem_shared>>) target(%arg19 : memref<80x128xf32, #tpu.memory_space<vmem>>) target_semaphore(%run_scoped3A : memref<!tpu.dma_semaphore, #tpu.memory_space<semaphore_mem>>)
      %dma_wait3A_793 = arith.constant 0 : i32
      %dma_wait3A_794 = tpu.memref_slice %arg20[%add3A_736, %dma_wait3A_793] : memref<10240x128xf32, #tpu.memory_space<vmem_shared>> -> memref<80x128xf32, #tpu.memory_space<vmem_shared>>
      %dma_wait3A_795 = arith.constant 0 : i32
      %dma_wait3A_796 = tpu.memref_slice %arg20[%add3A_736, %dma_wait3A_795] : memref<10240x128xf32, #tpu.memory_space<vmem_shared>> -> memref<80x128xf32, #tpu.memory_space<vmem_shared>>
      tpu.wait_dma2 semaphore(%run_scoped3A : memref<!tpu.dma_semaphore, #tpu.memory_space<semaphore_mem>>) src(%dma_wait3A_796 : memref<80x128xf32, #tpu.memory_space<vmem_shared>>) dst(%arg19 : memref<80x128xf32, #tpu.memory_space<vmem>>)
      tpu.yield
    }) : () -> ()
    %dma_start3A_743 = arith.constant 0 : i32
    %dma_start3A_744 = tpu.memref_slice %arg8[%arg0, %add3A_736, %dma_start3A_743] : memref<2x10240x128xf32, #tpu.memory_space<hbm>> -> memref<1x80x128xf32, #tpu.memory_space<hbm>>
    %dma_start3A_745 = tpu.memref_squeeze %dma_start3A_744 : memref<1x80x128xf32, #tpu.memory_space<hbm>> -> memref<80x128xf32, #tpu.memory_space<hbm>>
    %dma_start3A_746 = arith.constant 0 : i32
    %dma_start3A_747 = tpu.memref_slice %arg8[%arg0, %add3A_736, %dma_start3A_746] : memref<2x10240x128xf32, #tpu.memory_space<hbm>> -> memref<1x80x128xf32, #tpu.memory_space<hbm>>
    %dma_start3A_748 = tpu.memref_squeeze %dma_start3A_747 : memref<1x80x128xf32, #tpu.memory_space<hbm>> -> memref<80x128xf32, #tpu.memory_space<hbm>>
    tpu.enqueue_dma source(%arg19 : memref<80x128xf32, #tpu.memory_space<vmem>>) target(%dma_start3A_748 : memref<80x128xf32, #tpu.memory_space<hbm>>) target_semaphore(%arg30 : memref<!tpu.dma_semaphore, #tpu.memory_space<semaphore_mem>>)
    %add3A_749 = arith.constant 480 : i32
    %add3A_750 = arith.addi %mul3A_4, %add3A_749 : i32
    %dma_wait3A_751 = arith.constant 0 : i32
    %dma_wait3A_752 = tpu.memref_slice %arg8[%arg0, %mul3A_4, %dma_wait3A_751] : memref<2x10240x128xf32, #tpu.memory_space<hbm>> -> memref<1x80x128xf32, #tpu.memory_space<hbm>>
    %dma_wait3A_753 = tpu.memref_squeeze %dma_wait3A_752 : memref<1x80x128xf32, #tpu.memory_space<hbm>> -> memref<80x128xf32, #tpu.memory_space<hbm>>
    %dma_wait3A_754 = arith.constant 0 : i32
    %dma_wait3A_755 = tpu.memref_slice %arg8[%arg0, %mul3A_4, %dma_wait3A_754] : memref<2x10240x128xf32, #tpu.memory_space<hbm>> -> memref<1x80x128xf32, #tpu.memory_space<hbm>>
    %dma_wait3A_756 = tpu.memref_squeeze %dma_wait3A_755 : memref<1x80x128xf32, #tpu.memory_space<hbm>> -> memref<80x128xf32, #tpu.memory_space<hbm>>
    tpu.wait_dma2 semaphore(%arg29 : memref<!tpu.dma_semaphore, #tpu.memory_space<semaphore_mem>>) src(%arg18 : memref<80x128xf32, #tpu.memory_space<vmem>>) dst(%dma_wait3A_756 : memref<80x128xf32, #tpu.memory_space<hbm>>)
    "tpu.region"() ({
      %run_scoped3A = tpu.sem_alloc : memref<!tpu.dma_semaphore, #tpu.memory_space<semaphore_mem>>
      %dma_start3A_789 = arith.constant 0 : i32
      %dma_start3A_790 = tpu.memref_slice %arg20[%add3A_750, %dma_start3A_789] : memref<10240x128xf32, #tpu.memory_space<vmem_shared>> -> memref<80x128xf32, #tpu.memory_space<vmem_shared>>
      %dma_start3A_791 = arith.constant 0 : i32
      %dma_start3A_792 = tpu.memref_slice %arg20[%add3A_750, %dma_start3A_791] : memref<10240x128xf32, #tpu.memory_space<vmem_shared>> -> memref<80x128xf32, #tpu.memory_space<vmem_shared>>
      tpu.enqueue_dma source(%dma_start3A_792 : memref<80x128xf32, #tpu.memory_space<vmem_shared>>) target(%arg18 : memref<80x128xf32, #tpu.memory_space<vmem>>) target_semaphore(%run_scoped3A : memref<!tpu.dma_semaphore, #tpu.memory_space<semaphore_mem>>)
      %dma_wait3A_793 = arith.constant 0 : i32
      %dma_wait3A_794 = tpu.memref_slice %arg20[%add3A_750, %dma_wait3A_793] : memref<10240x128xf32, #tpu.memory_space<vmem_shared>> -> memref<80x128xf32, #tpu.memory_space<vmem_shared>>
      %dma_wait3A_795 = arith.constant 0 : i32
      %dma_wait3A_796 = tpu.memref_slice %arg20[%add3A_750, %dma_wait3A_795] : memref<10240x128xf32, #tpu.memory_space<vmem_shared>> -> memref<80x128xf32, #tpu.memory_space<vmem_shared>>
      tpu.wait_dma2 semaphore(%run_scoped3A : memref<!tpu.dma_semaphore, #tpu.memory_space<semaphore_mem>>) src(%dma_wait3A_796 : memref<80x128xf32, #tpu.memory_space<vmem_shared>>) dst(%arg18 : memref<80x128xf32, #tpu.memory_space<vmem>>)
      tpu.yield
    }) : () -> ()
    %dma_start3A_757 = arith.constant 0 : i32
    %dma_start3A_758 = tpu.memref_slice %arg8[%arg0, %add3A_750, %dma_start3A_757] : memref<2x10240x128xf32, #tpu.memory_space<hbm>> -> memref<1x80x128xf32, #tpu.memory_space<hbm>>
    %dma_start3A_759 = tpu.memref_squeeze %dma_start3A_758 : memref<1x80x128xf32, #tpu.memory_space<hbm>> -> memref<80x128xf32, #tpu.memory_space<hbm>>
    %dma_start3A_760 = arith.constant 0 : i32
    %dma_start3A_761 = tpu.memref_slice %arg8[%arg0, %add3A_750, %dma_start3A_760] : memref<2x10240x128xf32, #tpu.memory_space<hbm>> -> memref<1x80x128xf32, #tpu.memory_space<hbm>>
    %dma_start3A_762 = tpu.memref_squeeze %dma_start3A_761 : memref<1x80x128xf32, #tpu.memory_space<hbm>> -> memref<80x128xf32, #tpu.memory_space<hbm>>
    tpu.enqueue_dma source(%arg18 : memref<80x128xf32, #tpu.memory_space<vmem>>) target(%dma_start3A_762 : memref<80x128xf32, #tpu.memory_space<hbm>>) target_semaphore(%arg29 : memref<!tpu.dma_semaphore, #tpu.memory_space<semaphore_mem>>)
    %add3A_763 = arith.constant 560 : i32
    %add3A_764 = arith.addi %mul3A_4, %add3A_763 : i32
    %dma_wait3A_765 = arith.constant 0 : i32
    %dma_wait3A_766 = tpu.memref_slice %arg8[%arg0, %mul3A_4, %dma_wait3A_765] : memref<2x10240x128xf32, #tpu.memory_space<hbm>> -> memref<1x80x128xf32, #tpu.memory_space<hbm>>
    %dma_wait3A_767 = tpu.memref_squeeze %dma_wait3A_766 : memref<1x80x128xf32, #tpu.memory_space<hbm>> -> memref<80x128xf32, #tpu.memory_space<hbm>>
    %dma_wait3A_768 = arith.constant 0 : i32
    %dma_wait3A_769 = tpu.memref_slice %arg8[%arg0, %mul3A_4, %dma_wait3A_768] : memref<2x10240x128xf32, #tpu.memory_space<hbm>> -> memref<1x80x128xf32, #tpu.memory_space<hbm>>
    %dma_wait3A_770 = tpu.memref_squeeze %dma_wait3A_769 : memref<1x80x128xf32, #tpu.memory_space<hbm>> -> memref<80x128xf32, #tpu.memory_space<hbm>>
    tpu.wait_dma2 semaphore(%arg30 : memref<!tpu.dma_semaphore, #tpu.memory_space<semaphore_mem>>) src(%arg19 : memref<80x128xf32, #tpu.memory_space<vmem>>) dst(%dma_wait3A_770 : memref<80x128xf32, #tpu.memory_space<hbm>>)
    "tpu.region"() ({
      %run_scoped3A = tpu.sem_alloc : memref<!tpu.dma_semaphore, #tpu.memory_space<semaphore_mem>>
      %dma_start3A_789 = arith.constant 0 : i32
      %dma_start3A_790 = tpu.memref_slice %arg20[%add3A_764, %dma_start3A_789] : memref<10240x128xf32, #tpu.memory_space<vmem_shared>> -> memref<80x128xf32, #tpu.memory_space<vmem_shared>>
      %dma_start3A_791 = arith.constant 0 : i32
      %dma_start3A_792 = tpu.memref_slice %arg20[%add3A_764, %dma_start3A_791] : memref<10240x128xf32, #tpu.memory_space<vmem_shared>> -> memref<80x128xf32, #tpu.memory_space<vmem_shared>>
      tpu.enqueue_dma source(%dma_start3A_792 : memref<80x128xf32, #tpu.memory_space<vmem_shared>>) target(%arg19 : memref<80x128xf32, #tpu.memory_space<vmem>>) target_semaphore(%run_scoped3A : memref<!tpu.dma_semaphore, #tpu.memory_space<semaphore_mem>>)
      %dma_wait3A_793 = arith.constant 0 : i32
      %dma_wait3A_794 = tpu.memref_slice %arg20[%add3A_764, %dma_wait3A_793] : memref<10240x128xf32, #tpu.memory_space<vmem_shared>> -> memref<80x128xf32, #tpu.memory_space<vmem_shared>>
      %dma_wait3A_795 = arith.constant 0 : i32
      %dma_wait3A_796 = tpu.memref_slice %arg20[%add3A_764, %dma_wait3A_795] : memref<10240x128xf32, #tpu.memory_space<vmem_shared>> -> memref<80x128xf32, #tpu.memory_space<vmem_shared>>
      tpu.wait_dma2 semaphore(%run_scoped3A : memref<!tpu.dma_semaphore, #tpu.memory_space<semaphore_mem>>) src(%dma_wait3A_796 : memref<80x128xf32, #tpu.memory_space<vmem_shared>>) dst(%arg19 : memref<80x128xf32, #tpu.memory_space<vmem>>)
      tpu.yield
    }) : () -> ()
    %dma_start3A_771 = arith.constant 0 : i32
    %dma_start3A_772 = tpu.memref_slice %arg8[%arg0, %add3A_764, %dma_start3A_771] : memref<2x10240x128xf32, #tpu.memory_space<hbm>> -> memref<1x80x128xf32, #tpu.memory_space<hbm>>
    %dma_start3A_773 = tpu.memref_squeeze %dma_start3A_772 : memref<1x80x128xf32, #tpu.memory_space<hbm>> -> memref<80x128xf32, #tpu.memory_space<hbm>>
    %dma_start3A_774 = arith.constant 0 : i32
    %dma_start3A_775 = tpu.memref_slice %arg8[%arg0, %add3A_764, %dma_start3A_774] : memref<2x10240x128xf32, #tpu.memory_space<hbm>> -> memref<1x80x128xf32, #tpu.memory_space<hbm>>
    %dma_start3A_776 = tpu.memref_squeeze %dma_start3A_775 : memref<1x80x128xf32, #tpu.memory_space<hbm>> -> memref<80x128xf32, #tpu.memory_space<hbm>>
    tpu.enqueue_dma source(%arg19 : memref<80x128xf32, #tpu.memory_space<vmem>>) target(%dma_start3A_776 : memref<80x128xf32, #tpu.memory_space<hbm>>) target_semaphore(%arg30 : memref<!tpu.dma_semaphore, #tpu.memory_space<semaphore_mem>>)
    %dma_wait3A_777 = arith.constant 0 : i32
    %dma_wait3A_778 = tpu.memref_slice %arg8[%arg0, %mul3A_4, %dma_wait3A_777] : memref<2x10240x128xf32, #tpu.memory_space<hbm>> -> memref<1x80x128xf32, #tpu.memory_space<hbm>>
    %dma_wait3A_779 = tpu.memref_squeeze %dma_wait3A_778 : memref<1x80x128xf32, #tpu.memory_space<hbm>> -> memref<80x128xf32, #tpu.memory_space<hbm>>
    %dma_wait3A_780 = arith.constant 0 : i32
    %dma_wait3A_781 = tpu.memref_slice %arg8[%arg0, %mul3A_4, %dma_wait3A_780] : memref<2x10240x128xf32, #tpu.memory_space<hbm>> -> memref<1x80x128xf32, #tpu.memory_space<hbm>>
    %dma_wait3A_782 = tpu.memref_squeeze %dma_wait3A_781 : memref<1x80x128xf32, #tpu.memory_space<hbm>> -> memref<80x128xf32, #tpu.memory_space<hbm>>
    tpu.wait_dma2 semaphore(%arg29 : memref<!tpu.dma_semaphore, #tpu.memory_space<semaphore_mem>>) src(%arg18 : memref<80x128xf32, #tpu.memory_space<vmem>>) dst(%dma_wait3A_782 : memref<80x128xf32, #tpu.memory_space<hbm>>)
    %dma_wait3A_783 = arith.constant 0 : i32
    %dma_wait3A_784 = tpu.memref_slice %arg8[%arg0, %mul3A_4, %dma_wait3A_783] : memref<2x10240x128xf32, #tpu.memory_space<hbm>> -> memref<1x80x128xf32, #tpu.memory_space<hbm>>
    %dma_wait3A_785 = tpu.memref_squeeze %dma_wait3A_784 : memref<1x80x128xf32, #tpu.memory_space<hbm>> -> memref<80x128xf32, #tpu.memory_space<hbm>>
    %dma_wait3A_786 = arith.constant 0 : i32
    %dma_wait3A_787 = tpu.memref_slice %arg8[%arg0, %mul3A_4, %dma_wait3A_786] : memref<2x10240x128xf32, #tpu.memory_space<hbm>> -> memref<1x80x128xf32, #tpu.memory_space<hbm>>
    %dma_wait3A_788 = tpu.memref_squeeze %dma_wait3A_787 : memref<1x80x128xf32, #tpu.memory_space<hbm>> -> memref<80x128xf32, #tpu.memory_space<hbm>>
    tpu.wait_dma2 semaphore(%arg30 : memref<!tpu.dma_semaphore, #tpu.memory_space<semaphore_mem>>) src(%arg19 : memref<80x128xf32, #tpu.memory_space<vmem>>) dst(%dma_wait3A_788 : memref<80x128xf32, #tpu.memory_space<hbm>>)
    return
  }
}

module attributes {stable_mosaic.version = 14 : i64} {
  func.func @_tc_body(%arg0: i32, %arg1: memref<1000x128xf32, #tpu.memory_space<vmem>>, %arg2: memref<2x1000x128xf32, #tpu.memory_space<vmem>>, %arg3: memref<2x1000x128xf32, #tpu.memory_space<vmem>>, %arg4: memref<128x128xf32, #tpu.memory_space<vmem>>, %arg5: memref<1x128xf32, #tpu.memory_space<vmem>>, %arg6: memref<1x128xf32, #tpu.memory_space<vmem>>, %arg7: memref<1x128xf32, #tpu.memory_space<vmem>>, %arg8: memref<1000x128xf32, #tpu.memory_space<vmem>>) attributes {dimension_semantics = [#tpu.dimension_semantics<arbitrary>], iteration_bounds = array<i64: 10>, scalar_prefetch = 0 : i64, scratch_operands = 0 : i64, tpu.core_type = #tpu.core_type<tc>, window_params = [{transform_indices = @transform_0, window_bounds = array<i64: 1000, 128>}, {transform_indices = @transform_1, window_bounds = array<i64: 2, 1000, 128>}, {transform_indices = @transform_2, window_bounds = array<i64: 2, 1000, 128>}, {pipeline_mode = #tpu.pipeline_mode<synchronous>, transform_indices = @transform_3, window_bounds = array<i64: 128, 128>}, {pipeline_mode = #tpu.pipeline_mode<synchronous>, transform_indices = @transform_4, window_bounds = array<i64: 1, 128>}, {pipeline_mode = #tpu.pipeline_mode<synchronous>, transform_indices = @transform_5, window_bounds = array<i64: 1, 128>}, {pipeline_mode = #tpu.pipeline_mode<synchronous>, transform_indices = @transform_6, window_bounds = array<i64: 1, 128>}, {transform_indices = @transform_7, window_bounds = array<i64: 1000, 128>}]} {
    %get3A = arith.constant 0 : index
    %get3A_0 = arith.constant 0 : index
    %get3A_1 = arith.constant 0 : index
    %get3A_2 = vector.load %arg2[%get3A, %get3A_0, %get3A_1] : memref<2x1000x128xf32, #tpu.memory_space<vmem>>, vector<1x1000x128xf32>
    %get3A_3 = vector.shape_cast %get3A_2 : vector<1x1000x128xf32> to vector<1000x128xf32>
    %get3A_4 = arith.constant 1 : index
    %get3A_5 = arith.constant 0 : index
    %get3A_6 = arith.constant 0 : index
    %get3A_7 = vector.load %arg2[%get3A_4, %get3A_5, %get3A_6] : memref<2x1000x128xf32, #tpu.memory_space<vmem>>, vector<1x1000x128xf32>
    %get3A_8 = vector.shape_cast %get3A_7 : vector<1x1000x128xf32> to vector<1000x128xf32>
    %add3A = arith.addf %get3A_3, %get3A_8 : vector<1000x128xf32>
    %get3A_9 = arith.constant 0 : index
    %get3A_10 = arith.constant 0 : index
    %get3A_11 = arith.constant 0 : index
    %get3A_12 = vector.load %arg3[%get3A_9, %get3A_10, %get3A_11] : memref<2x1000x128xf32, #tpu.memory_space<vmem>>, vector<1x1000x1xf32>
    %get3A_13 = vector.shape_cast %get3A_12 : vector<1x1000x1xf32> to vector<1000x1xf32>
    %get3A_14 = arith.constant 1 : index
    %get3A_15 = arith.constant 0 : index
    %get3A_16 = arith.constant 0 : index
    %get3A_17 = vector.load %arg3[%get3A_14, %get3A_15, %get3A_16] : memref<2x1000x128xf32, #tpu.memory_space<vmem>>, vector<1x1000x1xf32>
    %get3A_18 = vector.shape_cast %get3A_17 : vector<1x1000x1xf32> to vector<1000x1xf32>
    %add3A_19 = arith.addf %get3A_13, %get3A_18 : vector<1000x1xf32>
    %add3A_20 = arith.constant 9.99999993E-9 : f32
    %add3A_21 = vector.broadcast %add3A_20 : f32 to vector<1000x1xf32>
    %add3A_22 = arith.addf %add3A_19, %add3A_21 : vector<1000x1xf32>
    %div3A = vector.broadcast %add3A_22 : vector<1000x1xf32> to vector<1000x128xf32>
    %div3A_23 = arith.divf %add3A, %div3A : vector<1000x128xf32>
    %get3A_24 = arith.constant 0 : index
    %get3A_25 = arith.constant 0 : index
    %get3A_26 = vector.load %arg1[%get3A_24, %get3A_25] : memref<1000x128xf32, #tpu.memory_space<vmem>>, vector<1000x128xf32>
    %get3A_27 = arith.constant 0 : index
    %get3A_28 = arith.constant 0 : index
    %get3A_29 = vector.load %arg4[%get3A_27, %get3A_28] : memref<128x128xf32, #tpu.memory_space<vmem>>, vector<128x128xf32>
    %dot_general3A = arith.constant dense<0.000000e+00> : vector<1000x128xf32>
    %dot_general3A_30 = tpu.matmul %div3A_23, %get3A_29, %dot_general3A {dimension_numbers = #tpu.dot_dimension_numbers<[1], [0], [0], [1], [0, 0, 1, 1], [], []>, transpose_lhs_hint = false} : vector<1000x128xf32>, vector<128x128xf32>, vector<1000x128xf32> -> vector<1000x128xf32>
    %add3A_31 = arith.addf %get3A_26, %dot_general3A_30 : vector<1000x128xf32>
    %get3A_32 = arith.constant 0 : index
    %get3A_33 = arith.constant 0 : index
    %get3A_34 = vector.load %arg5[%get3A_32, %get3A_33] : memref<1x128xf32, #tpu.memory_space<vmem>>, vector<1x128xf32>
    %add3A_35 = vector.broadcast %get3A_34 : vector<1x128xf32> to vector<1000x128xf32>
    %add3A_36 = arith.addf %add3A_31, %add3A_35 : vector<1000x128xf32>
    %max3A = arith.constant 0.000000e+00 : f32
    %max3A_37 = vector.broadcast %max3A : f32 to vector<1000x128xf32>
    %max3A_38 = arith.maximumf %add3A_36, %max3A_37 : vector<1000x128xf32>
    %reduce_sum3A = arith.constant dense<0.000000e+00> : vector<1000xf32>
    %reduce_sum3A_39 = vector.multi_reduction <add>, %max3A_38, %reduce_sum3A [1] : vector<1000x128xf32> to vector<1000xf32>
    %broadcast_in_dim3A = vector.shape_cast %reduce_sum3A_39 : vector<1000xf32> to vector<1000x1xf32>
    %div3A_40 = arith.constant 1.280000e+02 : f32
    %div3A_41 = vector.broadcast %div3A_40 : f32 to vector<1000x1xf32>
    %div3A_42 = arith.divf %broadcast_in_dim3A, %div3A_41 : vector<1000x1xf32>
    %sub3A = vector.broadcast %div3A_42 : vector<1000x1xf32> to vector<1000x128xf32>
    %sub3A_43 = arith.subf %max3A_38, %sub3A : vector<1000x128xf32>
    %integer_pow3A = arith.mulf %sub3A_43, %sub3A_43 : vector<1000x128xf32>
    %reduce_sum3A_44 = arith.constant dense<0.000000e+00> : vector<1000xf32>
    %reduce_sum3A_45 = vector.multi_reduction <add>, %integer_pow3A, %reduce_sum3A_44 [1] : vector<1000x128xf32> to vector<1000xf32>
    %broadcast_in_dim3A_46 = vector.shape_cast %reduce_sum3A_45 : vector<1000xf32> to vector<1000x1xf32>
    %div3A_47 = arith.constant 1.280000e+02 : f32
    %div3A_48 = vector.broadcast %div3A_47 : f32 to vector<1000x1xf32>
    %div3A_49 = arith.divf %broadcast_in_dim3A_46, %div3A_48 : vector<1000x1xf32>
    %sub3A_50 = vector.broadcast %div3A_42 : vector<1000x1xf32> to vector<1000x128xf32>
    %sub3A_51 = arith.subf %max3A_38, %sub3A_50 : vector<1000x128xf32>
    %add3A_52 = arith.constant 9.99999974E-6 : f32
    %add3A_53 = vector.broadcast %add3A_52 : f32 to vector<1000x1xf32>
    %add3A_54 = arith.addf %div3A_49, %add3A_53 : vector<1000x1xf32>
    %rsqrt3A = math.rsqrt %add3A_54 : vector<1000x1xf32>
    %mul3A = vector.broadcast %rsqrt3A : vector<1000x1xf32> to vector<1000x128xf32>
    %mul3A_55 = arith.mulf %sub3A_51, %mul3A : vector<1000x128xf32>
    %get3A_56 = arith.constant 0 : index
    %get3A_57 = arith.constant 0 : index
    %get3A_58 = vector.load %arg6[%get3A_56, %get3A_57] : memref<1x128xf32, #tpu.memory_space<vmem>>, vector<1x128xf32>
    %mul3A_59 = vector.broadcast %get3A_58 : vector<1x128xf32> to vector<1000x128xf32>
    %mul3A_60 = arith.mulf %mul3A_55, %mul3A_59 : vector<1000x128xf32>
    %get3A_61 = arith.constant 0 : index
    %get3A_62 = arith.constant 0 : index
    %get3A_63 = vector.load %arg7[%get3A_61, %get3A_62] : memref<1x128xf32, #tpu.memory_space<vmem>>, vector<1x128xf32>
    %add3A_64 = vector.broadcast %get3A_63 : vector<1x128xf32> to vector<1000x128xf32>
    %add3A_65 = arith.addf %mul3A_60, %add3A_64 : vector<1000x128xf32>
    %swap3A = arith.constant 0 : index
    %swap3A_66 = arith.constant 0 : index
    %swap3A_67 = vector.load %arg8[%swap3A, %swap3A_66] : memref<1000x128xf32, #tpu.memory_space<vmem>>, vector<1000x128xf32>
    tpu.vector_store %arg8[%swap3A, %swap3A_66], %add3A_65 {strides = array<i32>} : memref<1000x128xf32, #tpu.memory_space<vmem>>, vector<1000x128xf32>,
    return
  }
  func.func @transform_0(%arg0: i32) -> (i32, i32) {
    %c0_i32 = arith.constant 0 : i32
    %c0_i32_0 = arith.constant 0 : i32
    return %arg0, %c0_i32 : i32, i32
  }
  func.func @transform_1(%arg0: i32) -> (i32, i32, i32) {
    %c0_i32 = arith.constant 0 : i32
    %c0_i32_0 = arith.constant 0 : i32
    %c0_i32_1 = arith.constant 0 : i32
    return %c0_i32, %arg0, %c0_i32_0 : i32, i32, i32
  }
  func.func @transform_2(%arg0: i32) -> (i32, i32, i32) {
    %c0_i32 = arith.constant 0 : i32
    %c0_i32_0 = arith.constant 0 : i32
    %c0_i32_1 = arith.constant 0 : i32
    return %c0_i32, %arg0, %c0_i32_0 : i32, i32, i32
  }
  func.func @transform_3(%arg0: i32) -> (i32, i32) {
    %c0_i32 = arith.constant 0 : i32
    %c0_i32_0 = arith.constant 0 : i32
    %c0_i32_1 = arith.constant 0 : i32
    return %c0_i32, %c0_i32_0 : i32, i32
  }
  func.func @transform_4(%arg0: i32) -> (i32, i32) {
    %c0_i32 = arith.constant 0 : i32
    %c0_i32_0 = arith.constant 0 : i32
    %c0_i32_1 = arith.constant 0 : i32
    return %c0_i32, %c0_i32_0 : i32, i32
  }
  func.func @transform_5(%arg0: i32) -> (i32, i32) {
    %c0_i32 = arith.constant 0 : i32
    %c0_i32_0 = arith.constant 0 : i32
    %c0_i32_1 = arith.constant 0 : i32
    return %c0_i32, %c0_i32_0 : i32, i32
  }
  func.func @transform_6(%arg0: i32) -> (i32, i32) {
    %c0_i32 = arith.constant 0 : i32
    %c0_i32_0 = arith.constant 0 : i32
    %c0_i32_1 = arith.constant 0 : i32
    return %c0_i32, %c0_i32_0 : i32, i32
  }
  func.func @transform_7(%arg0: i32) -> (i32, i32) {
    %c0_i32 = arith.constant 0 : i32
    %c0_i32_0 = arith.constant 0 : i32
    return %arg0, %c0_i32 : i32, i32
  }
}

module attributes {stable_mosaic.version = 14 : i64} {
  func.func @_tc_self_body(%arg0: i32, %arg1: memref<1000x128xf32, #tpu.memory_space<vmem>>, %arg2: memref<128x128xf32, #tpu.memory_space<vmem>>, %arg3: memref<1x128xf32, #tpu.memory_space<vmem>>, %arg4: memref<1000x128xf32, #tpu.memory_space<vmem>>) attributes {dimension_semantics = [#tpu.dimension_semantics<arbitrary>], iteration_bounds = array<i64: 10>, scalar_prefetch = 0 : i64, scratch_operands = 0 : i64, tpu.core_type = #tpu.core_type<tc>, window_params = [{transform_indices = @transform_0, window_bounds = array<i64: 1000, 128>}, {pipeline_mode = #tpu.pipeline_mode<synchronous>, transform_indices = @transform_1, window_bounds = array<i64: 128, 128>}, {pipeline_mode = #tpu.pipeline_mode<synchronous>, transform_indices = @transform_2, window_bounds = array<i64: 1, 128>}, {transform_indices = @transform_3, window_bounds = array<i64: 1000, 128>}]} {
    %get3A = arith.constant 0 : index
    %get3A_0 = arith.constant 0 : index
    %get3A_1 = vector.load %arg1[%get3A, %get3A_0] : memref<1000x128xf32, #tpu.memory_space<vmem>>, vector<1000x128xf32>
    %get3A_2 = arith.constant 0 : index
    %get3A_3 = arith.constant 0 : index
    %get3A_4 = vector.load %arg2[%get3A_2, %get3A_3] : memref<128x128xf32, #tpu.memory_space<vmem>>, vector<128x128xf32>
    %dot_general3A = arith.constant dense<0.000000e+00> : vector<1000x128xf32>
    %dot_general3A_5 = tpu.matmul %get3A_1, %get3A_4, %dot_general3A {dimension_numbers = #tpu.dot_dimension_numbers<[1], [0], [0], [1], [0, 0, 1, 1], [], []>, transpose_lhs_hint = false} : vector<1000x128xf32>, vector<128x128xf32>, vector<1000x128xf32> -> vector<1000x128xf32>
    %get3A_6 = arith.constant 0 : index
    %get3A_7 = arith.constant 0 : index
    %get3A_8 = vector.load %arg3[%get3A_6, %get3A_7] : memref<1x128xf32, #tpu.memory_space<vmem>>, vector<1x128xf32>
    %add3A = vector.broadcast %get3A_8 : vector<1x128xf32> to vector<1000x128xf32>
    %add3A_9 = arith.addf %dot_general3A_5, %add3A : vector<1000x128xf32>
    %swap3A = arith.constant 0 : index
    %swap3A_10 = arith.constant 0 : index
    %swap3A_11 = vector.load %arg4[%swap3A, %swap3A_10] : memref<1000x128xf32, #tpu.memory_space<vmem>>, vector<1000x128xf32>
    tpu.vector_store %arg4[%swap3A, %swap3A_10], %add3A_9 {strides = array<i32>} : memref<1000x128xf32, #tpu.memory_space<vmem>>, vector<1000x128xf32>,
    return
  }
  func.func @transform_0(%arg0: i32) -> (i32, i32) {
    %c0_i32 = arith.constant 0 : i32
    %c0_i32_0 = arith.constant 0 : i32
    return %arg0, %c0_i32 : i32, i32
  }
  func.func @transform_1(%arg0: i32) -> (i32, i32) {
    %c0_i32 = arith.constant 0 : i32
    %c0_i32_0 = arith.constant 0 : i32
    %c0_i32_1 = arith.constant 0 : i32
    return %c0_i32, %c0_i32_0 : i32, i32
  }
  func.func @transform_2(%arg0: i32) -> (i32, i32) {
    %c0_i32 = arith.constant 0 : i32
    %c0_i32_0 = arith.constant 0 : i32
    %c0_i32_1 = arith.constant 0 : i32
    return %c0_i32, %c0_i32_0 : i32, i32
  }
  func.func @transform_3(%arg0: i32) -> (i32, i32) {
    %c0_i32 = arith.constant 0 : i32
    %c0_i32_0 = arith.constant 0 : i32
    return %arg0, %c0_i32 : i32, i32
  }
}

</mosaic_0001>

<sc_bundles>
// kernel: kernel.5.cloned.1.call-start
scs
__scs_entry_jumppad:
0x0: {  	(pc) =	sbr.rel $0x88, $3  }
0x1: {  	(tag) =	ssettag $0x0;
	lr =	simm.s32 $0x1  }
0x2: {  	[smem:$0x3F99] =	sst lr;
	_ =	strace $0xD0000000  }
0x3: {  	_ = 	snop  }
0x4: {  	_ = 	snop  }
0x5: {  	_ = 	snop  }
0x6: {  	_ = 	snop  }
0x7: {  	_ = 	snop  }
__scs_overlays_trampoline_lowered:
0x8: {  	[smem:$0x3FA8] =	sst s0  }
0x9: {  	[smem:$0x3FA9] =	sst s1  }
0xa: {  	[smem:$0x3FAA] =	sst s2  }
0xb: {  	[smem:$0x3FAB] =	sst s3  }
0xc: {  	[smem:$0x3FAC] =	sst s4  }
0xd: {  	[smem:$0x3FAD] =	sst s5  }
0xe: {  	[smem:$0x3FAE] =	sst s6  }
0xf: {  	[smem:$0x3FAF] =	sst s7  }
0x10: {  	[smem:$0x3FB0] =	sst s8  }
0x11: {  	[smem:$0x3FB1] =	sst s9;
	s0 =	simm.s32 @!p0 $0x0  }
0x12: {  	s1 =	sld [smem:$0x3F97];
	s0 =	simm.s32 @p0 $0x1  }
0x13: {  	[smem:$0x3FB2] =	sst s0;
	s0 =	simm.s32 @!p1 $0x0  }
0x14: {  	s2 =	sld [smem:$0x3F96];
	s0 =	simm.s32 @p1 $0x1  }
0x15: {  	[smem:$0x3FB3] =	sst s0;
	s0 =	simm.s32 @!p2 $0x0  }
0x16: {  	s3 =	sld [smem:$0x3FDB];
	s0 =	simm.s32 @p2 $0x1  }
0x17: {  	s4 =	simm.s32 $0x1BF5;
	[smem:$0x3FB5] =	sst s0  }
0x18: {  	s0 =	sld [smem:$0x3F98];
	_ =	swait.ge [sflag:s4], $0x0  }
0x19: {  	s7 =	sld [smem:$0x3F99]  }
0x1a: {  	s8 =	sadd.s32 $0xFFFFE003, lr  }
0x1b: {  	s9 =	sadd.s32 $0xFFFFFEF7, lr;
	s5 =	simm.s32 $0xFFFFFFFF;
	p2 =	slt.u32 s8, $0xFFFFF086  }
0x1c: {  	p1 =	slt.u32 s9, $0xF7A;
	s5 =	simm.s32 @!p2 $0x0  }
0x1d: {  	s5 =	simm.s32 @p1 $0x1;
	p0 =	seq.s32 s7, s2  }
0x1e: {  	s7 =	smul.u32 @!p0 $0xF7A, s2;
	p2 =	seq.s32 @!p0 s5, $0x0  }
0x1f: {  	s9 =	smul.u32 $0xF7A, s1;
	s8 =	simm.s32 @!p0 $0x1BF5;
	p2 =	por !p2, p0  }
0x20: {  	[sflag:s8] =	ssyncset.s32 @!p0 $0xFFFFF086;
	s6 =	sadd.s32 @!p0 s3, s7;
	s7 =	simm.s32 @!p0 $0x108  }
0x21: {  	s3 =	sadd.s32 s3, s9;
	s6 =	sadd.s32 @!p0 $0x88, s6;
	s7 =	simm.s32 @p2 $0x1082  }
0x22: {  	[simem:s7], [sflag:s8] =	dma.local @!p0 [hbm:s6], $0xF7A  }
0x23: {  	s9 =	sor.u32 $0xD0000000, s2;
	s6 =	simm.s32 $0x108;
	_ =	swait.ge @!p0 [sflag:s8], $0x0  }
0x24: {  	s3 =	sadd.s32 $0x88, s3;
	s6 =	simm.s32 @!p1 $0x1082;
	[sflag:s4] =	ssyncset.s32 $0xFFFFF086  }
0x25: {  	[simem:s6], [sflag:s4] =	dma.local [hbm:s3], $0xF7A  }
0x26: {  	[smem:$0x3F99] =	sst s1;
	(tag) =	ssettag s2;
	_ =	strace s9  }
0x27: {  	s1 =	sld [smem:$0x3FA9]  }
0x28: {  	s2 =	sld [smem:$0x3FAA]  }
0x29: {  	s4 =	sld [smem:$0x3FAC]  }
0x2a: {  	p0 =	seq.s32 s5, $0x0;
	s5 =	sld [smem:$0x3FAD]  }
0x2b: {  	s6 =	sld [smem:$0x3FAE]  }
0x2c: {  	s7 =	sld [smem:$0x3FAF]  }
0x2d: {  	s3 =	simm.s32 $0x108;
	s8 =	sld [smem:$0x3FB0]  }
0x2e: {  	s3 =	simm.s32 @!p0 $0x1082;
	s9 =	sld [smem:$0x3FB1]  }
0x2f: {  	lr =	sadd.s32 s0, s3;
	s0 =	sld [smem:$0x3FA8]  }
0x30: {  	s3 =	sld [smem:$0x3FAB]  }
0x31: {  	[smem:$0x3FB4] =	sst s10  }
0x32: {  	s10 =	sld [smem:$0x3FB2];
	_ =	sdelay $0x3  }
0x33: {  	p0 =	seq.s32 s10, $0x1;
	s10 =	sld [smem:$0x3FB4];
	_ =	sdelay $0x3  }
0x34: {  	[smem:$0x3FB4] =	sst s10  }
0x35: {  	s10 =	sld [smem:$0x3FB3];
	_ =	sdelay $0x3  }
0x36: {  	p1 =	seq.s32 s10, $0x1;
	s10 =	sld [smem:$0x3FB4];
	_ =	sdelay $0x3  }
0x37: {  	[smem:$0x3FB4] =	sst s10  }
0x38: {  	s10 =	sld [smem:$0x3FB5]  }
0x39: {  	_ = 	snop;
	(pc) =	sbr.ind lr, $3  }
0x3a: {  	_ = 	snop  }
0x3b: {  	_ = 	snop  }
0x3c: {  	p2 =	seq.s32 s10, $0x1;
	s10 =	sld [smem:$0x3FB4]  }
0x3d: {  	_ =	shalt  }
0x3e: {  	_ =	shalt  }
0x3f: {  	_ =	shalt  }
0x40: {  	_ =	shalt  }
0x41: {  	_ =	shalt  }
0x42: {  	_ =	shalt  }
0x43: {  	_ =	shalt  }
0x44: {  	_ =	shalt  }
0x45: {  	_ =	shalt  }
0x46: {  	_ =	shalt  }
0x47: {  	_ =	shalt  }
0x48: {  	_ =	shalt  }
0x49: {  	_ =	shalt  }
0x4a: {  	_ =	shalt  }
0x4b: {  	_ =	shalt  }
0x4c: {  	_ =	shalt  }
0x4d: {  	_ =	shalt  }
0x4e: {  	_ =	shalt  }
0x4f: {  	_ =	shalt  }
0x50: {  	_ =	shalt  }
0x51: {  	_ =	shalt  }
0x52: {  	_ =	shalt  }
0x53: {  	_ =	shalt  }
0x54: {  	_ =	shalt  }
0x55: {  	_ =	shalt  }
0x56: {  	_ =	shalt  }
0x57: {  	_ =	shalt  }
0x58: {  	_ =	shalt  }
0x59: {  	_ =	shalt  }
0x5a: {  	_ =	shalt  }
0x5b: {  	_ =	shalt  }
0x5c: {  	_ =	shalt  }
0x5d: {  	_ =	shalt  }
0x5e: {  	_ =	shalt  }
0x5f: {  	_ =	shalt  }
0x60: {  	_ =	shalt  }
0x61: {  	_ =	shalt  }
0x62: {  	_ =	shalt  }
0x63: {  	_ =	shalt  }
0x64: {  	_ =	shalt  }
0x65: {  	_ =	shalt  }
0x66: {  	_ =	shalt  }
0x67: {  	_ =	shalt  }
0x68: {  	_ =	shalt  }
0x69: {  	_ =	shalt  }
0x6a: {  	_ =	shalt  }
0x6b: {  	_ =	shalt  }
0x6c: {  	_ =	shalt  }
0x6d: {  	_ =	shalt  }
0x6e: {  	_ =	shalt  }
0x6f: {  	_ =	shalt  }
0x70: {  	_ =	shalt  }
0x71: {  	_ =	shalt  }
0x72: {  	_ =	shalt  }
0x73: {  	_ =	shalt  }
0x74: {  	_ =	shalt  }
0x75: {  	_ =	shalt  }
0x76: {  	_ =	shalt  }
0x77: {  	_ =	shalt  }
0x78: {  	_ =	shalt  }
0x79: {  	_ =	shalt  }
0x7a: {  	_ =	shalt  }
0x7b: {  	_ =	shalt  }
0x7c: {  	_ =	shalt  }
0x7d: {  	_ =	shalt  }
0x7e: {  	_ =	shalt  }
0x7f: {  	_ =	shalt  }
0x80: {  	_ =	shalt  }
0x81: {  	_ =	shalt  }
0x82: {  	_ =	shalt  }
0x83: {  	_ =	shalt  }
0x84: {  	_ =	shalt  }
0x85: {  	_ =	shalt  }
0x86: {  	_ =	shalt  }
0x87: {  	_ =	shalt  }
.Lfunc_end0:
.L_simem_size_0:
called_computation_lowered:
.L_overlay_start_0:
0x88: {  	s2 =	sld [smem:$0x3FD9]  }
0x89: {  	s3 =	sld [smem:$0x3FFE];
	_ =	sdelay $0x1  }
0x8a: {  	s1 =	srdreg.scid  }
0x8b: {  	s0 =	sand.u32 $0x1, s1  }
0x8c: {  	s17 =	sshll.u32 s0, $0xA;
	s2 =	sadd.s32 s3, s2  }
0x8d: {  	s2 =	sadd.s32 s2, s17  }
0x8e: {  	[smem:$0x3FC0] =	sst s2  }
0x8f: {  	_ = 	snop  }
0x90: {  	s2 =	sld [smem:$0x3FC9]  }
0x91: {  	s18 =	sld [smem:$0x3FD0];
	(tm) =	ssettm $0x1  }
0x92: {  	s4 =	sld [smem:$0x3FFB];
	_ =	sdelay $0x3  }
0x93: {  	_ =	strace s4  }
0x94: {  	s4 =	sld [smem:$0x3FFC];
	_ =	sdelay $0x3  }
0x95: {  	_ =	strace s4  }
0x96: {  	s4 =	sld [smem:$0x3FFD];
	_ =	sdelay $0x3  }
0x97: {  	_ =	strace s4  }
0x98: {  	_ =	strace $0x8FFFFFFF  }
0x99: {  	s19 =	sld [smem:$0x3FDB];
	_ =	sdelay $0x1  }
0x9a: {  	s5 =	simm.s32 $_scs_section_size  }
0x9b: {  	s6 =	simm.s32 $_size__tile_overlayer_lowered;
	s7 =	simm.s32 $_tile_overlayer_lowered  }
0x9c: {  	s22 =	simm.s32 $0x1BFF;
	s21 =	sshll.u32 s7, $0x1;
	s4 =	sadd.s32 s5, s19  }
0x9d: {  	s8 =	simm.s32 $0x0;
	s20 =	sshll.u32 s6, $0x1;
	s6 =	sadd.s32 s21, s4  }
0x9e: {  	[timem:s8], [sflag:s22] =	dma.local [hbm:s6], s20  }
0x9f: {  	_ =	swait.ge [sflag:s22], s20  }
0xa0: {  	s5 =	ssub.s32 $0x0, s20;
	[sflag:s22] =	ssyncset.done $0x0  }
0xa1: {  	[sflag:s22] =	ssyncadd.s32 s5;
	_ =	sdelay $0x1  }
0xa2: {  	s23 =	simm.s32 $0x1B8B  }
0xa3: {  	_ =	swait.ge [sflag:s23], $0x1  }
0xa4: {  	[sflag:s23] =	ssyncset.done $0x0  }
0xa5: {  	s25 =	simm.s32 $0x1B8E;
	s24 =	sld [smem:$0x3FFE];
	[sflag:s23] =	ssyncadd.s32 $0xFFFFFFFF  }
0xa6: {  	s26 =	simm.s32 $execute0_lowered;
	[smem:$0x3FD2] =	sst s25  }
0xa7: {  	s6 =	sshll.u32 s26, $0x1;
	_ =	strace $0x80000046;
	[dreg:$0x1] =	wrdreg $0xFFFFFFFF  }
0xa8: {  	s28 =	simm.s32 $_size_execute0_lowered;
	s4 =	sadd.s32 s4, s6;
	[dreg:$0x0] =	wrdreg $0x0  }
0xa9: {  	s6 =	sshll.u32 s28, $0x1;
	[dreg:$0x2] =	wrdreg s4  }
0xaa: {  	[dreg:$0x3] =	wrdreg s6  }
0xab: {  	[dreg:$0x4] =	wrdreg $0xC0  }
0xac: {  	_ =	task [dreg:s8], $0x5FFFF  }
0xad: {  	[dreg:$0x1] =	wrdreg $0xFFFFFFFF  }
0xae: {  	[dreg:$0x0] =	wrdreg $0x60  }
0xaf: {  	[dreg:$0x2] =	wrdreg s2  }
0xb0: {  	[dreg:$0x3] =	wrdreg s24  }
0xb1: {  	[dreg:$0x4] =	wrdreg s18  }
0xb2: {  	[dreg:$0x5] =	wrdreg $0x7C000  }
0xb3: {  	[dreg:$0x6] =	wrdreg $0x9  }
0xb4: {  	_ =	task.clear_ibuf [dreg:s8], $0x7FFFF;
	_ =	strace $0x90000046  }
0xb5: {  	s29 =	simm.s32 $0x9;
	_ =	strace $0x80000048  }
0xb6: {  	_ =	swait.ge [sflag:s29], $0x1  }
0xb7: {  	[sflag:s29] =	ssyncadd.s32 $0xFFFFFFFF  }
0xb8: {  	_ =	strace $0x90000048  }
0xb9: {  	_ =	sfence  }
0xba: {  	s30 =	sld [smem:$0x0];
	_ =	sdelay $0x2  }
0xbb: {  	s31 =	sshll.u32 s1, $0xD;
	s1 =	sshrl.u32 s1, $0x2  }
0xbc: {  	s3 =	sand.u32 $0x4000, s31;
	s1 =	sadd.s32 s1, s30  }
0xbd: {  	s0 =	sor.u32 s3, s0;
	s1 =	sshll.u32 s1, $0x11  }
0xbe: {  	s0 =	sor.u32 s1, s0  }
0xbf: {  	s0 =	sadd.s32 $0x8F2B, s0  }
0xc0: {  	[sflag:s0] =	ssyncadd.remote.s32 $0x1  }
0xc1: {  	_ =	sfence.sel $0xFFFF  }
0xc2: {  	[dreg:$0x0] =	wrdreg $0xFFFFFFFF;
	(pc) =	sbr.abs _section_cstart, $3  }
0xc3: {  	[dreg:$0x1] =	wrdreg $0xFFFFFFFF  }
0xc4: {  	_ =	task.clear_ibuf [dreg:s8], $0x2FFFF;
	_ =	strace $0x9FFFFFFF  }
0xc5: {  	(tm) =	ssettm $0x7FFFFFFF  }
tec
execute0_lowered:
.L_overlay_start_1:
0x0: {  	(tag) =	ssettag $0x1  }
0x1: {  	s0 =	rddreg [dreg:$0x0]  }
0x2: {  	s16 =	rddreg [dreg:$0x1]  }
0x3: {  	s6 =	rddreg [dreg:$0x2]  }
0x4: {  	s1 =	srdreg.scid;
	s9 =	stileid.u32  }
0x5: {  	s4 =	rddreg [dreg:$0x3];
	s20 =	smul.u32 $0x14000, s9  }
0x6: {  	s5 =	simm.s32 $0x0;
	s2 =	sand.u32 $0x1, s1;
	s8 =	smul.u32 $0x2710, s9  }
0x7: {  	[smem:$0x7FF] =	sst s5;
	s17 =	smul.u32 $0x140000, s2  }
0x8: {  	s1 =	ssub.s32 $0x2, s2;
	s3 =	smul.u32 $0x27100, s2;
	s2 =	sshll.u32 s2, $0x4  }
0x9: {  	_ =	strace $0x80000047;
	s7 =	sshrl.u32 s1, $0x1;
	s14 =	sor.u32 s9, s2  }
0xa: {  	s9 =	sor.u32 $0x2800, s20;
	s28 =	sadd.s32 $0xC800, s20;
	s29 =	sadd.s32 $0xF000, s20  }
0xb: {  	s1 =	ssub.s32 s1, s7;
	s15 =	sadd.s32 s20, s17;
	s2 =	sadd.s32 s8, s3  }
0xc: {  	s18 =	smul.u32 $0x2710, s14;
	s30 =	sadd.s32 s17, s28;
	s31 =	sadd.s32 s17, s29  }
0xd: {  	[smem:$0x7F3] =	sst s1;
	s3 =	sadd.s32 $0x4B0, s2;
	s21 =	sadd.s32 $0x460, s2  }
0xe: {  	s10 =	sadd.s32 $0x410, s2;
	s23 =	sadd.s32 $0x370, s2;
	s24 =	sadd.s32 $0x320, s2  }
0xf: {  	s13 =	sadd.s32 $0x2D0, s2;
	s25 =	sadd.s32 $0x280, s2;
	s26 =	sadd.s32 $0x230, s2  }
0x10: {  	s1 =	sadd.s32 s17, s9;
	s30 =	sshrl.u32 s30, $0x3;
	s31 =	sshrl.u32 s31, $0x3  }
0x11: {  	[smem:$0x7E2] =	sst s18;
	s18 =	sshrl.u32 s15, $0x3;
	s19 =	sshrl.u32 s3, $0x3  }
0x12: {  	s8 =	sshrl.u32 s10, $0x3;
	[smem:$0x7F5] =	sst s19;
	s22 =	sadd.s32 s19, s6  }
0x13: {  	s7 =	sshrl.u32 s21, $0x3;
	s10 =	sadd.s32 s8, s6;
	[dreg:$0x5] =	wrdreg s22  }
0x14: {  	s11 =	sadd.s32 s7, s6;
	[dreg:$0x7] =	wrdreg s10;
	s10 =	sshrl.u32 s23, $0x3  }
0x15: {  	[dreg:$0x6] =	wrdreg s11;
	s11 =	sshrl.u32 s24, $0x3;
	s12 =	sadd.s32 s10, s6  }
0x16: {  	s19 =	sadd.s32 $0x1E0, s2;
	s14 =	sadd.s32 s11, s6;
	[dreg:$0x8] =	wrdreg s12  }
0x17: {  	s22 =	sadd.s32 $0xA000, s20;
	s12 =	sshrl.u32 s13, $0x3;
	[dreg:$0x9] =	wrdreg s14  }
0x18: {  	s14 =	sshrl.u32 s26, $0x3;
	s26 =	sadd.s32 s17, s22;
	s22 =	sadd.s32 s22, s4  }
0x19: {  	s23 =	sshrl.u32 s1, $0x3;
	s13 =	sadd.s32 s12, s6;
	[smem:$0x7F1] =	sst s22  }
0x1a: {  	s21 =	sadd.s32 s14, s6;
	[dreg:$0xa] =	wrdreg s13;
	s13 =	sshrl.u32 s25, $0x3  }
0x1b: {  	s1 =	sadd.s32 $0xC000, s16;
	[dreg:$0xc] =	wrdreg s21;
	s15 =	sadd.s32 s13, s6  }
0x1c: {  	s26 =	sshrl.u32 s26, $0x3;
	[dreg:$0xb] =	wrdreg s15;
	s15 =	sshrl.u32 s19, $0x3  }
0x1d: {  	s21 =	sadd.s32 $0x7800, s20;
	s19 =	sadd.s32 $0x5000, s20;
	s3 =	sadd.s32 s15, s6  }
0x1e: {  	s24 =	sadd.s32 s17, s19;
	s19 =	sadd.s32 s19, s4;
	[dreg:$0xd] =	wrdreg s3  }
0x1f: {  	s25 =	sadd.s32 s17, s21;
	s3 =	sadd.s32 s1, s18;
	[smem:$0x7F0] =	sst s19  }
0x20: {  	s24 =	sshrl.u32 s24, $0x3;
	[dreg:$0x1b] =	wrdreg s3;
	s3 =	sadd.s32 s1, s23  }
0x21: {  	s25 =	sshrl.u32 s25, $0x3;
	[dreg:$0x1c] =	wrdreg s3;
	s3 =	sadd.s32 s1, s24  }
0x22: {  	s20 =	sadd.s32 $0x11800, s20;
	[dreg:$0x1d] =	wrdreg s3;
	s3 =	sadd.s32 s1, s25  }
0x23: {  	s17 =	sadd.s32 s17, s20;
	[dreg:$0x1e] =	wrdreg s3;
	s3 =	sadd.s32 s1, s26  }
0x24: {  	s17 =	sshrl.u32 s17, $0x3;
	[dreg:$0x1f] =	wrdreg s3;
	s3 =	sadd.s32 s1, s30  }
0x25: {  	[smem:$0x7D7] =	sst s3;
	s3 =	sadd.s32 s1, s31;
	s1 =	sadd.s32 s1, s17  }
0x26: {  	[smem:$0x7D9] =	sst s1;
	s1 =	sadd.s32 $0x5C000, s16  }
0x27: {  	[smem:$0x7D8] =	sst s3;
	s18 =	sadd.s32 s1, s18  }
0x28: {  	s23 =	sadd.s32 s1, s23;
	[smem:$0x7DA] =	sst s18  }
0x29: {  	[smem:$0x7DB] =	sst s23;
	s18 =	sadd.s32 s1, s24  }
0x2a: {  	s23 =	sadd.s32 s1, s25;
	[smem:$0x7DC] =	sst s18  }
0x2b: {  	s24 =	sadd.s32 s1, s26;
	[smem:$0x7DD] =	sst s23  }
0x2c: {  	s26 =	sadd.s32 $0x190, s2;
	[smem:$0x7DE] =	sst s24;
	s23 =	sadd.s32 s1, s30  }
0x2d: {  	s18 =	sshrl.u32 s26, $0x3;
	s26 =	sadd.s32 s1, s31;
	[smem:$0x7DF] =	sst s23  }
0x2e: {  	s1 =	sadd.s32 s1, s17;
	[smem:$0x7E0] =	sst s26  }
0x2f: {  	s24 =	sadd.s32 $0x140, s2;
	[smem:$0x7E1] =	sst s1  }
0x30: {  	s30 =	sadd.s32 s21, s4;
	s23 =	sshrl.u32 s24, $0x3;
	s24 =	sld [smem:$0x7E2]  }
0x31: {  	s3 =	sadd.s32 s18, s6;
	[smem:$0x7FB] =	sst s30  }
0x32: {  	s26 =	sadd.s32 $0xBA00, s16;
	[dreg:$0xe] =	wrdreg s3  }
0x33: {  	s17 =	sadd.s32 s23, s6;
	[smem:$0x7E3] =	sst s26  }
0x34: {  	s3 =	sadd.s32 $0x1600, s16;
	s16 =	sadd.s32 $0xB400, s16;
	[dreg:$0xf] =	wrdreg s17  }
0x35: {  	[smem:$0x7E4] =	sst s16  }
0x36: {  	s7 =	sadd.s32 s7, s3;
	[dreg:$0x1a] =	wrdreg s3  }
0x37: {  	s8 =	sadd.s32 s8, s3;
	[dreg:$0x11] =	wrdreg s7  }
0x38: {  	s10 =	sadd.s32 s10, s3;
	[dreg:$0x19] =	wrdreg s8  }
0x39: {  	s19 =	sadd.s32 s13, s3;
	[smem:$0x7F7] =	sst s10  }
0x3a: {  	s25 =	smov.u32 s6;
	s21 =	sadd.s32 s15, s3;
	[dreg:$0x13] =	wrdreg s19  }
0x3b: {  	s22 =	sadd.s32 s18, s3;
	s1 =	sshrl.u32 s24, $0x3;
	[dreg:$0x15] =	wrdreg s21  }
0x3c: {  	s23 =	sadd.s32 s23, s3;
	[dreg:$0x16] =	wrdreg s22;
	s17 =	sadd.s32 $0xA, s1  }
0x3d: {  	[dreg:$0x17] =	wrdreg s23;
	s24 =	sadd.s32 s25, s17  }
0x3e: {  	s26 =	sadd.s32 $0x14, s1;
	s6 =	sadd.s32 s3, s17;
	[smem:$0x7E5] =	sst s24  }
0x3f: {  	s31 =	simm.s32 $0x5;
	s17 =	sadd.s32 s25, s26;
	[smem:$0x7E6] =	sst s6  }
0x40: {  	s16 =	stileid.u32;
	[smem:$0x7E7] =	sst s17;
	s6 =	sadd.s32 s3, s26  }
0x41: {  	s24 =	sadd.s32 $0x1E, s1;
	s17 =	sadd.s32 s25, s1;
	[smem:$0x7E8] =	sst s6  }
0x42: {  	s13 =	simm.s32 $0x2C00;
	s26 =	sadd.s32 s25, s24;
	[smem:$0x7EB] =	sst s17  }
0x43: {  	s15 =	simm.s32 $0x380;
	s6 =	sadd.s32 s3, s24;
	[smem:$0x7E9] =	sst s26  }
0x44: {  	s18 =	simm.s32 $0x7;
	s24 =	sadd.s32 s3, s1;
	[smem:$0x7EA] =	sst s6  }
0x45: {  	s7 =	simm.s32 $0x80;
	s17 =	sadd.s32 s9, s4;
	[smem:$0x7EC] =	sst s24  }
0x46: {  	s1 =	sadd.s32 $0x4D8, s1;
	s9 =	sadd.s32 $0x3C0, s2;
	[smem:$0x7EF] =	sst s17  }
0x47: {  	s23 =	simm.s32 $0x100;
	s26 =	sadd.s32 s25, s1;
	[smem:$0x7F6] =	sst s9  }
0x48: {  	s10 =	simm.s32 $0x1;
	s1 =	sadd.s32 s3, s1;
	[smem:$0x7ED] =	sst s26  }
0x49: {  	s8 =	simm.s32 $0x3;
	s24 =	sadd.s32 s28, s4;
	[smem:$0x7EE] =	sst s1  }
0x4a: {  	s22 =	simm.s32 $0x8;
	s19 =	simm.s32 $0x9;
	[smem:$0x7F2] =	sst s24  }
0x4b: {  	s21 =	simm.s32 $0xA;
	s17 =	sadd.s32 s12, s3;
	s26 =	sld [smem:$0x7F3]  }
0x4c: {  	s28 =	sadd.s32 s20, s4;
	s20 =	sadd.s32 s14, s3;
	[dreg:$0x12] =	wrdreg s17  }
0x4d: {  	s2 =	simm.s32 $0x200;
	s6 =	smul.u32 $0x50000, s16;
	[dreg:$0x14] =	wrdreg s20  }
0x4e: {  	s9 =	simm.s32 $0x280;
	s12 =	simm.s32 $0x2;
	[smem:$0x7FD] =	sst s28  }
0x4f: {  	s24 =	sadd.s32 s29, s4;
	s16 =	sshrl.u32 s6, $0x2;
	s6 =	sld [smem:$0x7F5]  }
0x50: {  	s14 =	simm.s32 $0x180;
	[smem:$0x7FC] =	sst s24;
	s16 =	sadd.s32 s16, s4  }
0x51: {  	s20 =	simm.s32 $0x300;
	s1 =	smax.u32 s26, $0x1;
	[smem:$0x7F8] =	sst s16  }
0x52: {  	s29 =	simm.s32 $0x5400;
	s26 =	sadd.s32 $0x2800, s16;
	[smem:$0x7F4] =	sst s1  }
0x53: {  	s17 =	simm.s32 $0x4;
	s1 =	sadd.s32 s6, s3;
	[smem:$0x7F9] =	sst s26  }
0x54: {  	s16 =	simm.s32 $0xB;
	s6 =	sadd.s32 s11, s3;
	[dreg:$0x10] =	wrdreg s1  }
0x55: {  	s26 =	simm.s32 $0x400;
	s1 =	simm.s32 $0x0;
	[dreg:$0x18] =	wrdreg s6  }
0x56: {  	s11 =	simm.s32 $0x50;
	s3 =	simm.s32 $0x6;
	[smem:$0x7FA] =	sst s1  }
.LBB2_1:
0x57: {  	s1 =	sld [smem:$0x7E3];
	_ =	sdelay $0x2  }
0x58: {  	[tilespmem:s26], [sflag:$0xB] =	stream.linear.gather [hbm4b:s1+s5], $0x2800, $0x38;
	[tilespmem:$0x1BC00] =	vst v63  }
0x59: {  	_ =	swait.ge [sflag:s16], $0x2800  }
0x5a: {  	[sflag:s16] =	ssyncset.done $0x0  }
0x5b: {  	[sflag:s16] =	ssyncadd.s32 $0xFFFFD800;
	s16 =	sld [smem:$0x7F8];
	_ =	sdelay $0x2  }
0x5c: {  	[spmem:s16] =	stream.linear.scatter [tilespmem:s26], [sflag:$0x5], $0x2800, $0x38;
	[tilespmem:$0x1BC00] =	vst v63  }
0x5d: {  	s16 =	sld [smem:$0x7F9];
	_ =	sdelay $0x2  }
0x5e: {  	[spmem:s16] =	stream.linear.scatter [tilespmem:s26], [sflag:$0x5], $0x2800, $0x38;
	[tilespmem:$0x1BC00] =	vst v63  }
0x5f: {  	s16 =	sld [smem:$0x7F0];
	_ =	sdelay $0x2  }
0x60: {  	[spmem:s16] =	stream.linear.scatter [tilespmem:s26], [sflag:$0x5], $0x2800, $0x38;
	[tilespmem:$0x1BC00] =	vst v63  }
0x61: {  	_ = 	snop  }
0x62: {  	[spmem:s30] =	stream.linear.scatter [tilespmem:s26], [sflag:$0x5], $0x2800, $0x38;
	[tilespmem:$0x1BC00] =	vst v63  }
0x63: {  	s30 =	sld [smem:$0x7F1];
	_ =	sdelay $0x1  }
0x64: {  	s16 =	sld [smem:$0x7F2]  }
0x65: {  	[spmem:s30] =	stream.linear.scatter [tilespmem:s26], [sflag:$0x5], $0x2800, $0x38;
	[tilespmem:$0x1BC00] =	vst v63  }
0x66: {  	_ = 	snop  }
0x67: {  	[spmem:s16] =	stream.linear.scatter [tilespmem:s26], [sflag:$0x5], $0x2800, $0x38;
	[tilespmem:$0x1BC00] =	vst v63  }
0x68: {  	_ = 	snop  }
0x69: {  	[spmem:s24] =	stream.linear.scatter [tilespmem:s26], [sflag:$0x5], $0x2800, $0x38;
	[tilespmem:$0x1BC00] =	vst v63  }
0x6a: {  	_ = 	snop  }
0x6b: {  	[spmem:s28] =	stream.linear.scatter [tilespmem:s26], [sflag:$0x5], $0x2800, $0x38;
	[tilespmem:$0x1BC00] =	vst v63  }
0x6c: {  	_ =	swait.ge [sflag:s31], $0x2800  }
0x6d: {  	[sflag:s31] =	ssyncset.done $0x0  }
0x6e: {  	[sflag:s31] =	ssyncadd.s32 $0xFFFFD800  }
0x6f: {  	_ =	swait.ge [sflag:s31], $0x2800  }
0x70: {  	[sflag:s31] =	ssyncset.done $0x0  }
0x71: {  	[sflag:s31] =	ssyncadd.s32 $0xFFFFD800  }
0x72: {  	_ =	swait.ge [sflag:s31], $0x2800  }
0x73: {  	[sflag:s31] =	ssyncset.done $0x0  }
0x74: {  	[sflag:s31] =	ssyncadd.s32 $0xFFFFD800  }
0x75: {  	_ =	swait.ge [sflag:s31], $0x2800  }
0x76: {  	[sflag:s31] =	ssyncset.done $0x0  }
0x77: {  	[sflag:s31] =	ssyncadd.s32 $0xFFFFD800  }
0x78: {  	_ =	swait.ge [sflag:s31], $0x2800  }
0x79: {  	[sflag:s31] =	ssyncset.done $0x0  }
0x7a: {  	[sflag:s31] =	ssyncadd.s32 $0xFFFFD800  }
0x7b: {  	_ =	swait.ge [sflag:s31], $0x2800  }
0x7c: {  	[sflag:s31] =	ssyncset.done $0x0  }
0x7d: {  	[sflag:s31] =	ssyncadd.s32 $0xFFFFD800  }
0x7e: {  	_ =	swait.ge [sflag:s31], $0x2800  }
0x7f: {  	[sflag:s31] =	ssyncset.done $0x0  }
0x80: {  	[sflag:s31] =	ssyncadd.s32 $0xFFFFD800  }
0x81: {  	_ =	swait.ge [sflag:s31], $0x2800  }
0x82: {  	[sflag:s31] =	ssyncset.done $0x0  }
0x83: {  	[sflag:s31] =	ssyncadd.s32 $0xFFFFD800  }
0x84: {  	[bflag:$0x0] =	sbarrier.arrive $0xFFFF  }
0x85: {  	s24 =	sld [smem:$0x7EB];
	_ =	sdelay $0x1  }
0x86: {  	s30 =	sld [smem:$0x7EC]  }
0x87: {  	[tilespmem:s5], [sflag:$0x1] =	stream.linear.gather [hbm4b:s24+s5], $0x50, $0x38;
	[tilespmem:$0x1BC00] =	vst v63  }
0x88: {  	s16 =	sld [smem:$0x7E5]  }
0x89: {  	[tilespmem:s2], [sflag:$0x1] =	stream.linear.gather [hbm4b:s30+s5], $0x50, $0x38;
	[tilespmem:$0x1BC00] =	vst v63  }
0x8a: {  	s24 =	sld [smem:$0x7E6]  }
0x8b: {  	[tilespmem:s7], [sflag:$0x2] =	stream.linear.gather [hbm4b:s16+s5], $0x50, $0x38;
	[tilespmem:$0x1BC00] =	vst v63  }
0x8c: {  	s30 =	sld [smem:$0x7E7]  }
0x8d: {  	[tilespmem:s9], [sflag:$0x2] =	stream.linear.gather [hbm4b:s24+s5], $0x50, $0x38;
	[tilespmem:$0x1BC00] =	vst v63  }
0x8e: {  	s16 =	sld [smem:$0x7E8]  }
0x8f: {  	[tilespmem:s23], [sflag:$0x3] =	stream.linear.gather [hbm4b:s30+s5], $0x50, $0x38;
	[tilespmem:$0x1BC00] =	vst v63  }
0x90: {  	_ = 	snop  }
0x91: {  	[tilespmem:s20], [sflag:$0x3] =	stream.linear.gather [hbm4b:s16+s5], $0x50, $0x38;
	[tilespmem:$0x1BC00] =	vst v63  }
0x92: {  	_ =	swait.ge [sflag:s10], $0x50  }
0x93: {  	[sflag:s10] =	ssyncset.done $0x0  }
0x94: {  	[sflag:s10] =	ssyncadd.s32 $0xFFFFFFB0  }
0x95: {  	_ =	swait.ge [sflag:s10], $0x50  }
0x96: {  	[sflag:s10] =	ssyncset.done $0x0  }
0x97: {  	[sflag:s10] =	ssyncadd.s32 $0xFFFFFFB0  }
0x98: {  	[tilespmem:s26], [sflag:$0x5] =	stream.indirect.gather [hbm4b:s0+s11], $0x80, s5, s11, $0xb8;
	[tilespmem:$0x1BC00] =	vst v63  }
0x99: {  	_ =	swait.ge [sflag:s12], $0x50  }
0x9a: {  	[sflag:s12] =	ssyncset.done $0x0  }
0x9b: {  	[sflag:s12] =	ssyncadd.s32 $0xFFFFFFB0  }
0x9c: {  	_ =	swait.ge [sflag:s12], $0x50  }
0x9d: {  	[sflag:s12] =	ssyncset.done $0x0  }
0x9e: {  	[sflag:s12] =	ssyncadd.s32 $0xFFFFFFB0  }
0x9f: {  	[tilespmem:s13], [sflag:$0x6] =	stream.indirect.gather [hbm4b:s0+s11], $0x80, s7, s11, $0xb8;
	[tilespmem:$0x1BC00] =	vst v63  }
0xa0: {  	_ =	swait.ge [sflag:s31], $0x2800  }
0xa1: {  	[sflag:s31] =	ssyncset.done $0x0  }
0xa2: {  	s24 =	sld [smem:$0x7E9];
	[sflag:s31] =	ssyncadd.s32 $0xFFFFD800  }
0xa3: {  	[spmem:s4] =	stream.indirect.scatter.add.f32 [tilespmem:s26], [sflag:$0x8], $0x80, s2, s11, $0xb8;
	[tilespmem:$0x1BC00] =	vst v63  }
0xa4: {  	s30 =	sld [smem:$0x7EA]  }
0xa5: {  	[tilespmem:s14], [sflag:$0x4] =	stream.linear.gather [hbm4b:s24+s5], $0x50, $0x38;
	[tilespmem:$0x1BC00] =	vst v63  }
0xa6: {  	_ = 	snop  }
0xa7: {  	[tilespmem:s15], [sflag:$0x4] =	stream.linear.gather [hbm4b:s30+s5], $0x50, $0x38;
	[tilespmem:$0x1BC00] =	vst v63  }
0xa8: {  	_ =	swait.ge [sflag:s8], $0x50  }
0xa9: {  	[sflag:s8] =	ssyncset.done $0x0  }
0xaa: {  	[sflag:s8] =	ssyncadd.s32 $0xFFFFFFB0  }
0xab: {  	_ =	swait.ge [sflag:s8], $0x50  }
0xac: {  	[sflag:s8] =	ssyncset.done $0x0  }
0xad: {  	[sflag:s8] =	ssyncadd.s32 $0xFFFFFFB0  }
0xae: {  	[tilespmem:s29], [sflag:$0x7] =	stream.indirect.gather [hbm4b:s0+s11], $0x80, s23, s11, $0xb8;
	[tilespmem:$0x1BC00] =	vst v63  }
0xaf: {  	_ =	swait.ge [sflag:s3], $0x2800  }
0xb0: {  	[sflag:s3] =	ssyncset.done $0x0  }
0xb1: {  	[sflag:s3] =	ssyncadd.s32 $0xFFFFD800  }
0xb2: {  	[spmem:s4] =	stream.indirect.scatter.add.f32 [tilespmem:s13], [sflag:$0x9], $0x80, s9, s11, $0xb8;
	[tilespmem:$0x1BC00] =	vst v63  }
0xb3: {  	_ =	swait.ge [sflag:s22], $0x2800  }
0xb4: {  	s16 =	rddreg [dreg:$0xf];
	[sflag:s22] =	ssyncset.done $0x0  }
0xb5: {  	s30 =	rddreg [dreg:$0x17];
	[sflag:s22] =	ssyncadd.s32 $0xFFFFD800;
	s24 =	sadd.s32 $0x0, s16  }
0xb6: {  	[tilespmem:s5], [sflag:$0x1] =	stream.linear.gather [hbm4b:s24+s5], $0x50, $0x38;
	[tilespmem:$0x1BC00] =	vst v63  }
0xb7: {  	s1 =	sadd.s32 $0x0, s30  }
0xb8: {  	[tilespmem:s2], [sflag:$0x1] =	stream.linear.gather [hbm4b:s1+s5], $0x50, $0x38;
	[tilespmem:$0x1BC00] =	vst v63  }
0xb9: {  	_ =	swait.ge [sflag:s17], $0x50  }
0xba: {  	[sflag:s17] =	ssyncset.done $0x0  }
0xbb: {  	[sflag:s17] =	ssyncadd.s32 $0xFFFFFFB0  }
0xbc: {  	_ =	swait.ge [sflag:s17], $0x50  }
0xbd: {  	[sflag:s17] =	ssyncset.done $0x0  }
0xbe: {  	[sflag:s17] =	ssyncadd.s32 $0xFFFFFFB0  }
0xbf: {  	[tilespmem:s26], [sflag:$0x5] =	stream.indirect.gather [hbm4b:s0+s11], $0x80, s14, s11, $0xb8;
	[tilespmem:$0x1BC00] =	vst v63  }
0xc0: {  	_ =	swait.ge [sflag:s18], $0x2800  }
0xc1: {  	[sflag:s18] =	ssyncset.done $0x0  }
0xc2: {  	[sflag:s18] =	ssyncadd.s32 $0xFFFFD800  }
0xc3: {  	[spmem:s4] =	stream.indirect.scatter.add.f32 [tilespmem:s29], [sflag:$0xA], $0x80, s20, s11, $0xb8;
	[tilespmem:$0x1BC00] =	vst v63  }
0xc4: {  	_ =	swait.ge [sflag:s19], $0x2800  }
0xc5: {  	s16 =	rddreg [dreg:$0xe];
	[sflag:s19] =	ssyncset.done $0x0  }
0xc6: {  	s30 =	rddreg [dreg:$0x16];
	[sflag:s19] =	ssyncadd.s32 $0xFFFFD800;
	s24 =	sadd.s32 $0x0, s16  }
0xc7: {  	[tilespmem:s7], [sflag:$0x2] =	stream.linear.gather [hbm4b:s24+s5], $0x50, $0x38;
	[tilespmem:$0x1BC00] =	vst v63  }
0xc8: {  	s1 =	sadd.s32 $0x0, s30  }
0xc9: {  	[tilespmem:s9], [sflag:$0x2] =	stream.linear.gather [hbm4b:s1+s5], $0x50, $0x38;
	[tilespmem:$0x1BC00] =	vst v63  }
0xca: {  	_ =	swait.ge [sflag:s10], $0x50  }
0xcb: {  	[sflag:s10] =	ssyncset.done $0x0  }
0xcc: {  	[sflag:s10] =	ssyncadd.s32 $0xFFFFFFB0  }
0xcd: {  	_ =	swait.ge [sflag:s10], $0x50  }
0xce: {  	[sflag:s10] =	ssyncset.done $0x0  }
0xcf: {  	[sflag:s10] =	ssyncadd.s32 $0xFFFFFFB0  }
0xd0: {  	[tilespmem:s13], [sflag:$0x6] =	stream.indirect.gather [hbm4b:s0+s11], $0x80, s5, s11, $0xb8;
	[tilespmem:$0x1BC00] =	vst v63  }
0xd1: {  	_ =	swait.ge [sflag:s31], $0x2800  }
0xd2: {  	[sflag:s31] =	ssyncset.done $0x0  }
0xd3: {  	[sflag:s31] =	ssyncadd.s32 $0xFFFFD800  }
0xd4: {  	[spmem:s4] =	stream.indirect.scatter.add.f32 [tilespmem:s26], [sflag:$0x8], $0x80, s15, s11, $0xb8;
	[tilespmem:$0x1BC00] =	vst v63  }
0xd5: {  	_ =	swait.ge [sflag:s21], $0x2800  }
0xd6: {  	s16 =	rddreg [dreg:$0xd];
	[sflag:s21] =	ssyncset.done $0x0  }
0xd7: {  	s30 =	rddreg [dreg:$0x15];
	[sflag:s21] =	ssyncadd.s32 $0xFFFFD800;
	s24 =	sadd.s32 $0x0, s16  }
0xd8: {  	[tilespmem:s23], [sflag:$0x3] =	stream.linear.gather [hbm4b:s24+s5], $0x50, $0x38;
	[tilespmem:$0x1BC00] =	vst v63  }
0xd9: {  	s1 =	sadd.s32 $0x0, s30  }
0xda: {  	[tilespmem:s20], [sflag:$0x3] =	stream.linear.gather [hbm4b:s1+s5], $0x50, $0x38;
	[tilespmem:$0x1BC00] =	vst v63  }
0xdb: {  	_ =	swait.ge [sflag:s12], $0x50  }
0xdc: {  	[sflag:s12] =	ssyncset.done $0x0  }
0xdd: {  	[sflag:s12] =	ssyncadd.s32 $0xFFFFFFB0  }
0xde: {  	_ =	swait.ge [sflag:s12], $0x50  }
0xdf: {  	[sflag:s12] =	ssyncset.done $0x0  }
0xe0: {  	[sflag:s12] =	ssyncadd.s32 $0xFFFFFFB0  }
0xe1: {  	[tilespmem:s29], [sflag:$0x7] =	stream.indirect.gather [hbm4b:s0+s11], $0x80, s7, s11, $0xb8;
	[tilespmem:$0x1BC00] =	vst v63  }
0xe2: {  	_ =	swait.ge [sflag:s3], $0x2800  }
0xe3: {  	[sflag:s3] =	ssyncset.done $0x0  }
0xe4: {  	[sflag:s3] =	ssyncadd.s32 $0xFFFFD800  }
0xe5: {  	[spmem:s4] =	stream.indirect.scatter.add.f32 [tilespmem:s13], [sflag:$0x9], $0x80, s2, s11, $0xb8;
	[tilespmem:$0x1BC00] =	vst v63  }
0xe6: {  	_ =	swait.ge [sflag:s22], $0x2800  }
0xe7: {  	s16 =	rddreg [dreg:$0xc];
	[sflag:s22] =	ssyncset.done $0x0  }
0xe8: {  	s30 =	rddreg [dreg:$0x14];
	[sflag:s22] =	ssyncadd.s32 $0xFFFFD800;
	s24 =	sadd.s32 $0x0, s16  }
0xe9: {  	[tilespmem:s14], [sflag:$0x4] =	stream.linear.gather [hbm4b:s24+s5], $0x50, $0x38;
	[tilespmem:$0x1BC00] =	vst v63  }
0xea: {  	s1 =	sadd.s32 $0x0, s30  }
0xeb: {  	[tilespmem:s15], [sflag:$0x4] =	stream.linear.gather [hbm4b:s1+s5], $0x50, $0x38;
	[tilespmem:$0x1BC00] =	vst v63  }
0xec: {  	_ =	swait.ge [sflag:s8], $0x50  }
0xed: {  	[sflag:s8] =	ssyncset.done $0x0  }
0xee: {  	[sflag:s8] =	ssyncadd.s32 $0xFFFFFFB0  }
0xef: {  	_ =	swait.ge [sflag:s8], $0x50  }
0xf0: {  	[sflag:s8] =	ssyncset.done $0x0  }
0xf1: {  	[sflag:s8] =	ssyncadd.s32 $0xFFFFFFB0  }
0xf2: {  	[tilespmem:s26], [sflag:$0x5] =	stream.indirect.gather [hbm4b:s0+s11], $0x80, s23, s11, $0xb8;
	[tilespmem:$0x1BC00] =	vst v63  }
0xf3: {  	_ =	swait.ge [sflag:s18], $0x2800  }
0xf4: {  	[sflag:s18] =	ssyncset.done $0x0  }
0xf5: {  	[sflag:s18] =	ssyncadd.s32 $0xFFFFD800  }
0xf6: {  	[spmem:s4] =	stream.indirect.scatter.add.f32 [tilespmem:s29], [sflag:$0xA], $0x80, s9, s11, $0xb8;
	[tilespmem:$0x1BC00] =	vst v63  }
0xf7: {  	_ =	swait.ge [sflag:s19], $0x2800  }
0xf8: {  	s16 =	rddreg [dreg:$0xb];
	[sflag:s19] =	ssyncset.done $0x0  }
0xf9: {  	s30 =	rddreg [dreg:$0x13];
	[sflag:s19] =	ssyncadd.s32 $0xFFFFD800;
	s24 =	sadd.s32 $0x0, s16  }
0xfa: {  	[tilespmem:s5], [sflag:$0x1] =	stream.linear.gather [hbm4b:s24+s5], $0x50, $0x38;
	[tilespmem:$0x1BC00] =	vst v63  }
0xfb: {  	s1 =	sadd.s32 $0x0, s30  }
0xfc: {  	[tilespmem:s2], [sflag:$0x1] =	stream.linear.gather [hbm4b:s1+s5], $0x50, $0x38;
	[tilespmem:$0x1BC00] =	vst v63  }
0xfd: {  	_ =	swait.ge [sflag:s17], $0x50  }
0xfe: {  	[sflag:s17] =	ssyncset.done $0x0  }
0xff: {  	[sflag:s17] =	ssyncadd.s32 $0xFFFFFFB0  }
0x100: {  	_ =	swait.ge [sflag:s17], $0x50  }
0x101: {  	[sflag:s17] =	ssyncset.done $0x0  }
0x102: {  	[sflag:s17] =	ssyncadd.s32 $0xFFFFFFB0  }
0x103: {  	[tilespmem:s13], [sflag:$0x6] =	stream.indirect.gather [hbm4b:s0+s11], $0x80, s14, s11, $0xb8;
	[tilespmem:$0x1BC00] =	vst v63  }
0x104: {  	_ =	swait.ge [sflag:s31], $0x2800  }
0x105: {  	[sflag:s31] =	ssyncset.done $0x0  }
0x106: {  	[sflag:s31] =	ssyncadd.s32 $0xFFFFD800  }
0x107: {  	[spmem:s4] =	stream.indirect.scatter.add.f32 [tilespmem:s26], [sflag:$0x8], $0x80, s20, s11, $0xb8;
	[tilespmem:$0x1BC00] =	vst v63  }
0x108: {  	_ =	swait.ge [sflag:s21], $0x2800  }
0x109: {  	s16 =	rddreg [dreg:$0xa];
	[sflag:s21] =	ssyncset.done $0x0  }
0x10a: {  	s30 =	rddreg [dreg:$0x12];
	[sflag:s21] =	ssyncadd.s32 $0xFFFFD800;
	s24 =	sadd.s32 $0x0, s16  }
0x10b: {  	[tilespmem:s7], [sflag:$0x2] =	stream.linear.gather [hbm4b:s24+s5], $0x50, $0x38;
	[tilespmem:$0x1BC00] =	vst v63  }
0x10c: {  	s16 =	sadd.s32 $0x0, s30  }
0x10d: {  	[tilespmem:s9], [sflag:$0x2] =	stream.linear.gather [hbm4b:s16+s5], $0x50, $0x38;
	[tilespmem:$0x1BC00] =	vst v63  }
0x10e: {  	_ =	swait.ge [sflag:s10], $0x50  }
0x10f: {  	[sflag:s10] =	ssyncset.done $0x0  }
0x110: {  	[sflag:s10] =	ssyncadd.s32 $0xFFFFFFB0  }
0x111: {  	_ =	swait.ge [sflag:s10], $0x50  }
0x112: {  	[sflag:s10] =	ssyncset.done $0x0  }
0x113: {  	[sflag:s10] =	ssyncadd.s32 $0xFFFFFFB0  }
0x114: {  	[tilespmem:s29], [sflag:$0x7] =	stream.indirect.gather [hbm4b:s0+s11], $0x80, s5, s11, $0xb8;
	[tilespmem:$0x1BC00] =	vst v63  }
0x115: {  	_ =	swait.ge [sflag:s3], $0x2800  }
0x116: {  	[sflag:s3] =	ssyncset.done $0x0  }
0x117: {  	[sflag:s3] =	ssyncadd.s32 $0xFFFFD800  }
0x118: {  	[spmem:s4] =	stream.indirect.scatter.add.f32 [tilespmem:s13], [sflag:$0x9], $0x80, s15, s11, $0xb8;
	[tilespmem:$0x1BC00] =	vst v63  }
0x119: {  	_ =	swait.ge [sflag:s22], $0x2800  }
0x11a: {  	s30 =	rddreg [dreg:$0x9];
	[sflag:s22] =	ssyncset.done $0x0  }
0x11b: {  	[sflag:s22] =	ssyncadd.s32 $0xFFFFD800;
	s24 =	sadd.s32 $0x0, s30  }
0x11c: {  	[tilespmem:s23], [sflag:$0x3] =	stream.linear.gather [hbm4b:s24+s5], $0x50, $0x38;
	[tilespmem:$0x1BC00] =	vst v63  }
0x11d: {  	s1 =	sadd.s32 $0x0, s6  }
0x11e: {  	[tilespmem:s20], [sflag:$0x3] =	stream.linear.gather [hbm4b:s1+s5], $0x50, $0x38;
	[tilespmem:$0x1BC00] =	vst v63  }
0x11f: {  	_ =	swait.ge [sflag:s12], $0x50  }
0x120: {  	[sflag:s12] =	ssyncset.done $0x0  }
0x121: {  	[sflag:s12] =	ssyncadd.s32 $0xFFFFFFB0  }
0x122: {  	_ =	swait.ge [sflag:s12], $0x50  }
0x123: {  	[sflag:s12] =	ssyncset.done $0x0  }
0x124: {  	[sflag:s12] =	ssyncadd.s32 $0xFFFFFFB0  }
0x125: {  	[tilespmem:s26], [sflag:$0x5] =	stream.indirect.gather [hbm4b:s0+s11], $0x80, s7, s11, $0xb8;
	[tilespmem:$0x1BC00] =	vst v63  }
0x126: {  	_ =	swait.ge [sflag:s18], $0x2800  }
0x127: {  	[sflag:s18] =	ssyncset.done $0x0  }
0x128: {  	[sflag:s18] =	ssyncadd.s32 $0xFFFFD800  }
0x129: {  	[spmem:s4] =	stream.indirect.scatter.add.f32 [tilespmem:s29], [sflag:$0xA], $0x80, s2, s11, $0xb8;
	[tilespmem:$0x1BC00] =	vst v63  }
0x12a: {  	_ =	swait.ge [sflag:s19], $0x2800  }
0x12b: {  	s6 =	rddreg [dreg:$0x8]  }
0x12c: {  	[sflag:s19] =	ssyncset.done $0x0;
	s24 =	sadd.s32 $0x0, s6;
	s6 =	sld [smem:$0x7F7]  }
0x12d: {  	[sflag:s19] =	ssyncadd.s32 $0xFFFFD800  }
0x12e: {  	[tilespmem:s14], [sflag:$0x4] =	stream.linear.gather [hbm4b:s24+s5], $0x50, $0x38;
	[tilespmem:$0x1BC00] =	vst v63  }
0x12f: {  	s16 =	sadd.s32 $0x0, s6  }
0x130: {  	[tilespmem:s15], [sflag:$0x4] =	stream.linear.gather [hbm4b:s16+s5], $0x50, $0x38;
	[tilespmem:$0x1BC00] =	vst v63  }
0x131: {  	_ =	swait.ge [sflag:s8], $0x50  }
0x132: {  	[sflag:s8] =	ssyncset.done $0x0  }
0x133: {  	[sflag:s8] =	ssyncadd.s32 $0xFFFFFFB0  }
0x134: {  	_ =	swait.ge [sflag:s8], $0x50  }
0x135: {  	[sflag:s8] =	ssyncset.done $0x0  }
0x136: {  	[sflag:s8] =	ssyncadd.s32 $0xFFFFFFB0  }
0x137: {  	[tilespmem:s13], [sflag:$0x6] =	stream.indirect.gather [hbm4b:s0+s11], $0x80, s23, s11, $0xb8;
	[tilespmem:$0x1BC00] =	vst v63  }
0x138: {  	_ =	swait.ge [sflag:s31], $0x2800  }
0x139: {  	[sflag:s31] =	ssyncset.done $0x0  }
0x13a: {  	[sflag:s31] =	ssyncadd.s32 $0xFFFFD800  }
0x13b: {  	[spmem:s4] =	stream.indirect.scatter.add.f32 [tilespmem:s26], [sflag:$0x8], $0x80, s9, s11, $0xb8;
	[tilespmem:$0x1BC00] =	vst v63  }
0x13c: {  	_ =	swait.ge [sflag:s21], $0x2800  }
0x13d: {  	s1 =	sld [smem:$0x7F6];
	_ =	sdelay $0x2  }
0x13e: {  	[sflag:s21] =	ssyncset.done $0x0;
	s16 =	rddreg [dreg:$0x1a];
	s24 =	sshrl.u32 s1, $0x3  }
0x13f: {  	[sflag:s21] =	ssyncadd.s32 $0xFFFFD800;
	s30 =	sadd.s32 s25, s24;
	s16 =	sadd.s32 s16, s24  }
0x140: {  	[tilespmem:s5], [sflag:$0x1] =	stream.linear.gather [hbm4b:s30+s5], $0x50, $0x38;
	[tilespmem:$0x1BC00] =	vst v63  }
0x141: {  	[smem:$0x7D6] =	sst s16  }
0x142: {  	[tilespmem:s2], [sflag:$0x1] =	stream.linear.gather [hbm4b:s16+s5], $0x50, $0x38;
	[tilespmem:$0x1BC00] =	vst v63  }
0x143: {  	_ =	swait.ge [sflag:s17], $0x50  }
0x144: {  	[sflag:s17] =	ssyncset.done $0x0  }
0x145: {  	[sflag:s17] =	ssyncadd.s32 $0xFFFFFFB0  }
0x146: {  	_ =	swait.ge [sflag:s17], $0x50  }
0x147: {  	[sflag:s17] =	ssyncset.done $0x0  }
0x148: {  	[sflag:s17] =	ssyncadd.s32 $0xFFFFFFB0  }
0x149: {  	[tilespmem:s29], [sflag:$0x7] =	stream.indirect.gather [hbm4b:s0+s11], $0x80, s14, s11, $0xb8;
	[tilespmem:$0x1BC00] =	vst v63  }
0x14a: {  	_ =	swait.ge [sflag:s3], $0x2800  }
0x14b: {  	[sflag:s3] =	ssyncset.done $0x0  }
0x14c: {  	[sflag:s3] =	ssyncadd.s32 $0xFFFFD800  }
0x14d: {  	[spmem:s4] =	stream.indirect.scatter.add.f32 [tilespmem:s13], [sflag:$0x9], $0x80, s20, s11, $0xb8;
	[tilespmem:$0x1BC00] =	vst v63  }
0x14e: {  	_ =	swait.ge [sflag:s22], $0x2800  }
0x14f: {  	s28 =	smov.u32 s25;
	s16 =	rddreg [dreg:$0x7];
	[sflag:s22] =	ssyncset.done $0x0  }
0x150: {  	s25 =	rddreg [dreg:$0x19];
	[sflag:s22] =	ssyncadd.s32 $0xFFFFD800;
	s24 =	sadd.s32 $0x0, s16  }
0x151: {  	[tilespmem:s7], [sflag:$0x2] =	stream.linear.gather [hbm4b:s24+s5], $0x50, $0x38;
	[tilespmem:$0x1BC00] =	vst v63  }
0x152: {  	s30 =	sadd.s32 $0x0, s25  }
0x153: {  	[tilespmem:s9], [sflag:$0x2] =	stream.linear.gather [hbm4b:s30+s5], $0x50, $0x38;
	[tilespmem:$0x1BC00] =	vst v63  }
0x154: {  	_ =	swait.ge [sflag:s10], $0x50  }
0x155: {  	[sflag:s10] =	ssyncset.done $0x0  }
0x156: {  	[sflag:s10] =	ssyncadd.s32 $0xFFFFFFB0  }
0x157: {  	_ =	swait.ge [sflag:s10], $0x50  }
0x158: {  	[sflag:s10] =	ssyncset.done $0x0  }
0x159: {  	[sflag:s10] =	ssyncadd.s32 $0xFFFFFFB0  }
0x15a: {  	[tilespmem:s26], [sflag:$0x5] =	stream.indirect.gather [hbm4b:s0+s11], $0x80, s5, s11, $0xb8;
	[tilespmem:$0x1BC00] =	vst v63  }
0x15b: {  	_ =	swait.ge [sflag:s18], $0x2800  }
0x15c: {  	[sflag:s18] =	ssyncset.done $0x0  }
0x15d: {  	[sflag:s18] =	ssyncadd.s32 $0xFFFFD800  }
0x15e: {  	[spmem:s4] =	stream.indirect.scatter.add.f32 [tilespmem:s29], [sflag:$0xA], $0x80, s15, s11, $0xb8;
	[tilespmem:$0x1BC00] =	vst v63  }
0x15f: {  	_ =	swait.ge [sflag:s19], $0x2800  }
0x160: {  	s16 =	rddreg [dreg:$0x6];
	[sflag:s19] =	ssyncset.done $0x0  }
0x161: {  	s25 =	rddreg [dreg:$0x11];
	[sflag:s19] =	ssyncadd.s32 $0xFFFFD800;
	s24 =	sadd.s32 $0x0, s16  }
0x162: {  	[tilespmem:s23], [sflag:$0x3] =	stream.linear.gather [hbm4b:s24+s5], $0x50, $0x38;
	[tilespmem:$0x1BC00] =	vst v63  }
0x163: {  	s30 =	sadd.s32 $0x0, s25  }
0x164: {  	[tilespmem:s20], [sflag:$0x3] =	stream.linear.gather [hbm4b:s30+s5], $0x50, $0x38;
	[tilespmem:$0x1BC00] =	vst v63  }
0x165: {  	_ =	swait.ge [sflag:s12], $0x50  }
0x166: {  	[sflag:s12] =	ssyncset.done $0x0  }
0x167: {  	[sflag:s12] =	ssyncadd.s32 $0xFFFFFFB0  }
0x168: {  	_ =	swait.ge [sflag:s12], $0x50  }
0x169: {  	[sflag:s12] =	ssyncset.done $0x0  }
0x16a: {  	[sflag:s12] =	ssyncadd.s32 $0xFFFFFFB0  }
0x16b: {  	[tilespmem:s13], [sflag:$0x6] =	stream.indirect.gather [hbm4b:s0+s11], $0x80, s7, s11, $0xb8;
	[tilespmem:$0x1BC00] =	vst v63  }
0x16c: {  	_ =	swait.ge [sflag:s31], $0x2800  }
0x16d: {  	[sflag:s31] =	ssyncset.done $0x0  }
0x16e: {  	[sflag:s31] =	ssyncadd.s32 $0xFFFFD800  }
0x16f: {  	[spmem:s4] =	stream.indirect.scatter.add.f32 [tilespmem:s26], [sflag:$0x8], $0x80, s2, s11, $0xb8;
	[tilespmem:$0x1BC00] =	vst v63  }
0x170: {  	_ =	swait.ge [sflag:s21], $0x2800  }
0x171: {  	s16 =	smov.u32 s28;
	s25 =	rddreg [dreg:$0x5];
	[sflag:s21] =	ssyncset.done $0x0  }
0x172: {  	s30 =	rddreg [dreg:$0x10];
	[sflag:s21] =	ssyncadd.s32 $0xFFFFD800;
	s24 =	sadd.s32 $0x0, s25  }
0x173: {  	[tilespmem:s14], [sflag:$0x4] =	stream.linear.gather [hbm4b:s24+s5], $0x50, $0x38;
	[tilespmem:$0x1BC00] =	vst v63  }
0x174: {  	s28 =	sadd.s32 $0x0, s30;
	s25 =	sadd.s32 $0x3C0, s1;
	s24 =	simm.s32 $0x78  }
.LBB2_2:
0x175: {  	[tilespmem:s15], [sflag:$0x4] =	stream.linear.gather [hbm4b:s28+s5], $0x50, $0x38;
	[tilespmem:$0x1BC00] =	vst v63  }
0x176: {  	_ =	swait.ge [sflag:s8], $0x50  }
0x177: {  	[sflag:s8] =	ssyncset.done $0x0  }
0x178: {  	[sflag:s8] =	ssyncadd.s32 $0xFFFFFFB0  }
0x179: {  	_ =	swait.ge [sflag:s8], $0x50  }
0x17a: {  	[sflag:s8] =	ssyncset.done $0x0  }
0x17b: {  	[sflag:s8] =	ssyncadd.s32 $0xFFFFFFB0  }
0x17c: {  	[tilespmem:s29], [sflag:$0x7] =	stream.indirect.gather [hbm4b:s0+s11], $0x80, s23, s11, $0xb8;
	[tilespmem:$0x1BC00] =	vst v63  }
0x17d: {  	_ =	swait.ge [sflag:s3], $0x2800  }
0x17e: {  	[sflag:s3] =	ssyncset.done $0x0  }
0x17f: {  	[sflag:s3] =	ssyncadd.s32 $0xFFFFD800  }
0x180: {  	[spmem:s4] =	stream.indirect.scatter.add.f32 [tilespmem:s13], [sflag:$0x9], $0x80, s9, s11, $0xb8;
	[tilespmem:$0x1BC00] =	vst v63  }
0x181: {  	_ =	swait.ge [sflag:s22], $0x2800  }
0x182: {  	s28 =	smov.u32 s24;
	s30 =	rddreg [dreg:$0xf];
	[sflag:s22] =	ssyncset.done $0x0  }
0x183: {  	s1 =	rddreg [dreg:$0x17];
	[sflag:s22] =	ssyncadd.s32 $0xFFFFD800;
	s30 =	sadd.s32 s28, s30  }
0x184: {  	[tilespmem:s5], [sflag:$0x1] =	stream.linear.gather [hbm4b:s30+s5], $0x50, $0x38;
	[tilespmem:$0x1BC00] =	vst v63  }
0x185: {  	s1 =	sadd.s32 s28, s1  }
0x186: {  	[tilespmem:s2], [sflag:$0x1] =	stream.linear.gather [hbm4b:s1+s5], $0x50, $0x38;
	[tilespmem:$0x1BC00] =	vst v63  }
0x187: {  	_ =	swait.ge [sflag:s17], $0x50  }
0x188: {  	[sflag:s17] =	ssyncset.done $0x0  }
0x189: {  	[sflag:s17] =	ssyncadd.s32 $0xFFFFFFB0  }
0x18a: {  	_ =	swait.ge [sflag:s17], $0x50  }
0x18b: {  	[sflag:s17] =	ssyncset.done $0x0  }
0x18c: {  	[sflag:s17] =	ssyncadd.s32 $0xFFFFFFB0  }
0x18d: {  	[tilespmem:s26], [sflag:$0x5] =	stream.indirect.gather [hbm4b:s0+s11], $0x80, s14, s11, $0xb8;
	[tilespmem:$0x1BC00] =	vst v63  }
0x18e: {  	_ =	swait.ge [sflag:s18], $0x2800  }
0x18f: {  	[sflag:s18] =	ssyncset.done $0x0  }
0x190: {  	[sflag:s18] =	ssyncadd.s32 $0xFFFFD800  }
0x191: {  	[spmem:s4] =	stream.indirect.scatter.add.f32 [tilespmem:s29], [sflag:$0xA], $0x80, s20, s11, $0xb8;
	[tilespmem:$0x1BC00] =	vst v63  }
0x192: {  	_ =	swait.ge [sflag:s19], $0x2800  }
0x193: {  	s1 =	rddreg [dreg:$0xe];
	[sflag:s19] =	ssyncset.done $0x0  }
0x194: {  	[sflag:s19] =	ssyncadd.s32 $0xFFFFD800;
	s30 =	sadd.s32 s28, s1  }
0x195: {  	[tilespmem:s7], [sflag:$0x2] =	stream.linear.gather [hbm4b:s30+s5], $0x50, $0x38;
	[tilespmem:$0x1BC00] =	vst v63  }
0x196: {  	s30 =	rddreg [dreg:$0x16]  }
0x197: {  	s1 =	sadd.s32 s28, s30  }
0x198: {  	[tilespmem:s9], [sflag:$0x2] =	stream.linear.gather [hbm4b:s1+s5], $0x50, $0x38;
	[tilespmem:$0x1BC00] =	vst v63  }
0x199: {  	_ =	swait.ge [sflag:s10], $0x50  }
0x19a: {  	[sflag:s10] =	ssyncset.done $0x0  }
0x19b: {  	[sflag:s10] =	ssyncadd.s32 $0xFFFFFFB0  }
0x19c: {  	_ =	swait.ge [sflag:s10], $0x50  }
0x19d: {  	[sflag:s10] =	ssyncset.done $0x0  }
0x19e: {  	[sflag:s10] =	ssyncadd.s32 $0xFFFFFFB0  }
0x19f: {  	[tilespmem:s13], [sflag:$0x6] =	stream.indirect.gather [hbm4b:s0+s11], $0x80, s5, s11, $0xb8;
	[tilespmem:$0x1BC00] =	vst v63  }
0x1a0: {  	_ =	swait.ge [sflag:s31], $0x2800  }
0x1a1: {  	[sflag:s31] =	ssyncset.done $0x0  }
0x1a2: {  	[sflag:s31] =	ssyncadd.s32 $0xFFFFD800  }
0x1a3: {  	[spmem:s4] =	stream.indirect.scatter.add.f32 [tilespmem:s26], [sflag:$0x8], $0x80, s15, s11, $0xb8;
	[tilespmem:$0x1BC00] =	vst v63  }
0x1a4: {  	_ =	swait.ge [sflag:s21], $0x2800  }
0x1a5: {  	s1 =	rddreg [dreg:$0xd];
	[sflag:s21] =	ssyncset.done $0x0  }
0x1a6: {  	[sflag:s21] =	ssyncadd.s32 $0xFFFFD800;
	s30 =	sadd.s32 s28, s1  }
0x1a7: {  	[tilespmem:s23], [sflag:$0x3] =	stream.linear.gather [hbm4b:s30+s5], $0x50, $0x38;
	[tilespmem:$0x1BC00] =	vst v63  }
0x1a8: {  	s30 =	rddreg [dreg:$0x15]  }
0x1a9: {  	s1 =	sadd.s32 s28, s30  }
0x1aa: {  	[tilespmem:s20], [sflag:$0x3] =	stream.linear.gather [hbm4b:s1+s5], $0x50, $0x38;
	[tilespmem:$0x1BC00] =	vst v63  }
0x1ab: {  	_ =	swait.ge [sflag:s12], $0x50  }
0x1ac: {  	[sflag:s12] =	ssyncset.done $0x0  }
0x1ad: {  	[sflag:s12] =	ssyncadd.s32 $0xFFFFFFB0  }
0x1ae: {  	_ =	swait.ge [sflag:s12], $0x50  }
0x1af: {  	[sflag:s12] =	ssyncset.done $0x0  }
0x1b0: {  	[sflag:s12] =	ssyncadd.s32 $0xFFFFFFB0  }
0x1b1: {  	[tilespmem:s29], [sflag:$0x7] =	stream.indirect.gather [hbm4b:s0+s11], $0x80, s7, s11, $0xb8;
	[tilespmem:$0x1BC00] =	vst v63  }
0x1b2: {  	_ =	swait.ge [sflag:s3], $0x2800  }
0x1b3: {  	[sflag:s3] =	ssyncset.done $0x0  }
0x1b4: {  	[sflag:s3] =	ssyncadd.s32 $0xFFFFD800  }
0x1b5: {  	[spmem:s4] =	stream.indirect.scatter.add.f32 [tilespmem:s13], [sflag:$0x9], $0x80, s2, s11, $0xb8;
	[tilespmem:$0x1BC00] =	vst v63  }
0x1b6: {  	_ =	swait.ge [sflag:s22], $0x2800  }
0x1b7: {  	s1 =	rddreg [dreg:$0xc];
	[sflag:s22] =	ssyncset.done $0x0  }
0x1b8: {  	[sflag:s22] =	ssyncadd.s32 $0xFFFFD800;
	s30 =	sadd.s32 s28, s1  }
0x1b9: {  	[tilespmem:s14], [sflag:$0x4] =	stream.linear.gather [hbm4b:s30+s5], $0x50, $0x38;
	[tilespmem:$0x1BC00] =	vst v63  }
0x1ba: {  	s30 =	rddreg [dreg:$0x14]  }
0x1bb: {  	s1 =	sadd.s32 s28, s30  }
0x1bc: {  	[tilespmem:s15], [sflag:$0x4] =	stream.linear.gather [hbm4b:s1+s5], $0x50, $0x38;
	[tilespmem:$0x1BC00] =	vst v63  }
0x1bd: {  	_ =	swait.ge [sflag:s8], $0x50  }
0x1be: {  	[sflag:s8] =	ssyncset.done $0x0  }
0x1bf: {  	[sflag:s8] =	ssyncadd.s32 $0xFFFFFFB0  }
0x1c0: {  	_ =	swait.ge [sflag:s8], $0x50  }
0x1c1: {  	[sflag:s8] =	ssyncset.done $0x0  }
0x1c2: {  	[sflag:s8] =	ssyncadd.s32 $0xFFFFFFB0  }
0x1c3: {  	[tilespmem:s26], [sflag:$0x5] =	stream.indirect.gather [hbm4b:s0+s11], $0x80, s23, s11, $0xb8;
	[tilespmem:$0x1BC00] =	vst v63  }
0x1c4: {  	_ =	swait.ge [sflag:s18], $0x2800  }
0x1c5: {  	[sflag:s18] =	ssyncset.done $0x0  }
0x1c6: {  	[sflag:s18] =	ssyncadd.s32 $0xFFFFD800  }
0x1c7: {  	[spmem:s4] =	stream.indirect.scatter.add.f32 [tilespmem:s29], [sflag:$0xA], $0x80, s9, s11, $0xb8;
	[tilespmem:$0x1BC00] =	vst v63  }
0x1c8: {  	_ =	swait.ge [sflag:s19], $0x2800  }
0x1c9: {  	s1 =	rddreg [dreg:$0xb];
	[sflag:s19] =	ssyncset.done $0x0  }
0x1ca: {  	[sflag:s19] =	ssyncadd.s32 $0xFFFFD800;
	s30 =	sadd.s32 s28, s1  }
0x1cb: {  	[tilespmem:s5], [sflag:$0x1] =	stream.linear.gather [hbm4b:s30+s5], $0x50, $0x38;
	[tilespmem:$0x1BC00] =	vst v63  }
0x1cc: {  	s30 =	rddreg [dreg:$0x13]  }
0x1cd: {  	s1 =	sadd.s32 s28, s30  }
0x1ce: {  	[tilespmem:s2], [sflag:$0x1] =	stream.linear.gather [hbm4b:s1+s5], $0x50, $0x38;
	[tilespmem:$0x1BC00] =	vst v63  }
0x1cf: {  	_ =	swait.ge [sflag:s17], $0x50  }
0x1d0: {  	[sflag:s17] =	ssyncset.done $0x0  }
0x1d1: {  	[sflag:s17] =	ssyncadd.s32 $0xFFFFFFB0  }
0x1d2: {  	_ =	swait.ge [sflag:s17], $0x50  }
0x1d3: {  	[sflag:s17] =	ssyncset.done $0x0  }
0x1d4: {  	[sflag:s17] =	ssyncadd.s32 $0xFFFFFFB0  }
0x1d5: {  	[tilespmem:s13], [sflag:$0x6] =	stream.indirect.gather [hbm4b:s0+s11], $0x80, s14, s11, $0xb8;
	[tilespmem:$0x1BC00] =	vst v63  }
0x1d6: {  	_ =	swait.ge [sflag:s31], $0x2800  }
0x1d7: {  	[sflag:s31] =	ssyncset.done $0x0  }
0x1d8: {  	[sflag:s31] =	ssyncadd.s32 $0xFFFFD800  }
0x1d9: {  	[spmem:s4] =	stream.indirect.scatter.add.f32 [tilespmem:s26], [sflag:$0x8], $0x80, s20, s11, $0xb8;
	[tilespmem:$0x1BC00] =	vst v63  }
0x1da: {  	_ =	swait.ge [sflag:s21], $0x2800  }
0x1db: {  	s1 =	rddreg [dreg:$0xa];
	[sflag:s21] =	ssyncset.done $0x0  }
0x1dc: {  	[sflag:s21] =	ssyncadd.s32 $0xFFFFD800;
	s30 =	sadd.s32 s28, s1  }
0x1dd: {  	[tilespmem:s7], [sflag:$0x2] =	stream.linear.gather [hbm4b:s30+s5], $0x50, $0x38;
	[tilespmem:$0x1BC00] =	vst v63  }
0x1de: {  	s30 =	rddreg [dreg:$0x12]  }
0x1df: {  	s1 =	sadd.s32 s28, s30  }
0x1e0: {  	[tilespmem:s9], [sflag:$0x2] =	stream.linear.gather [hbm4b:s1+s5], $0x50, $0x38;
	[tilespmem:$0x1BC00] =	vst v63  }
0x1e1: {  	_ =	swait.ge [sflag:s10], $0x50  }
0x1e2: {  	[sflag:s10] =	ssyncset.done $0x0  }
0x1e3: {  	[sflag:s10] =	ssyncadd.s32 $0xFFFFFFB0  }
0x1e4: {  	_ =	swait.ge [sflag:s10], $0x50  }
0x1e5: {  	[sflag:s10] =	ssyncset.done $0x0  }
0x1e6: {  	[sflag:s10] =	ssyncadd.s32 $0xFFFFFFB0  }
0x1e7: {  	[tilespmem:s29], [sflag:$0x7] =	stream.indirect.gather [hbm4b:s0+s11], $0x80, s5, s11, $0xb8;
	[tilespmem:$0x1BC00] =	vst v63  }
0x1e8: {  	_ =	swait.ge [sflag:s3], $0x2800  }
0x1e9: {  	[sflag:s3] =	ssyncset.done $0x0  }
0x1ea: {  	[sflag:s3] =	ssyncadd.s32 $0xFFFFD800  }
0x1eb: {  	[spmem:s4] =	stream.indirect.scatter.add.f32 [tilespmem:s13], [sflag:$0x9], $0x80, s15, s11, $0xb8;
	[tilespmem:$0x1BC00] =	vst v63  }
0x1ec: {  	_ =	swait.ge [sflag:s22], $0x2800  }
0x1ed: {  	s1 =	rddreg [dreg:$0x9];
	[sflag:s22] =	ssyncset.done $0x0  }
0x1ee: {  	[sflag:s22] =	ssyncadd.s32 $0xFFFFD800;
	s30 =	sadd.s32 s28, s1  }
0x1ef: {  	[tilespmem:s23], [sflag:$0x3] =	stream.linear.gather [hbm4b:s30+s5], $0x50, $0x38;
	[tilespmem:$0x1BC00] =	vst v63  }
0x1f0: {  	s30 =	rddreg [dreg:$0x18]  }
0x1f1: {  	s1 =	sadd.s32 s28, s30  }
0x1f2: {  	[tilespmem:s20], [sflag:$0x3] =	stream.linear.gather [hbm4b:s1+s5], $0x50, $0x38;
	[tilespmem:$0x1BC00] =	vst v63  }
0x1f3: {  	_ =	swait.ge [sflag:s12], $0x50  }
0x1f4: {  	[sflag:s12] =	ssyncset.done $0x0  }
0x1f5: {  	[sflag:s12] =	ssyncadd.s32 $0xFFFFFFB0  }
0x1f6: {  	_ =	swait.ge [sflag:s12], $0x50  }
0x1f7: {  	[sflag:s12] =	ssyncset.done $0x0  }
0x1f8: {  	[sflag:s12] =	ssyncadd.s32 $0xFFFFFFB0  }
0x1f9: {  	[tilespmem:s26], [sflag:$0x5] =	stream.indirect.gather [hbm4b:s0+s11], $0x80, s7, s11, $0xb8;
	[tilespmem:$0x1BC00] =	vst v63  }
0x1fa: {  	_ =	swait.ge [sflag:s18], $0x2800  }
0x1fb: {  	[sflag:s18] =	ssyncset.done $0x0  }
0x1fc: {  	[sflag:s18] =	ssyncadd.s32 $0xFFFFD800  }
0x1fd: {  	[spmem:s4] =	stream.indirect.scatter.add.f32 [tilespmem:s29], [sflag:$0xA], $0x80, s2, s11, $0xb8;
	[tilespmem:$0x1BC00] =	vst v63  }
0x1fe: {  	_ =	swait.ge [sflag:s19], $0x2800  }
0x1ff: {  	s1 =	rddreg [dreg:$0x8];
	[sflag:s19] =	ssyncset.done $0x0  }
0x200: {  	[sflag:s19] =	ssyncadd.s32 $0xFFFFD800;
	s30 =	sadd.s32 s28, s1  }
0x201: {  	[tilespmem:s14], [sflag:$0x4] =	stream.linear.gather [hbm4b:s30+s5], $0x50, $0x38;
	[tilespmem:$0x1BC00] =	vst v63  }
0x202: {  	s1 =	sadd.s32 s28, s6  }
0x203: {  	[tilespmem:s15], [sflag:$0x4] =	stream.linear.gather [hbm4b:s1+s5], $0x50, $0x38;
	[tilespmem:$0x1BC00] =	vst v63  }
0x204: {  	_ =	swait.ge [sflag:s8], $0x50  }
0x205: {  	[sflag:s8] =	ssyncset.done $0x0  }
0x206: {  	[sflag:s8] =	ssyncadd.s32 $0xFFFFFFB0  }
0x207: {  	_ =	swait.ge [sflag:s8], $0x50  }
0x208: {  	[sflag:s8] =	ssyncset.done $0x0  }
0x209: {  	[sflag:s8] =	ssyncadd.s32 $0xFFFFFFB0  }
0x20a: {  	[tilespmem:s13], [sflag:$0x6] =	stream.indirect.gather [hbm4b:s0+s11], $0x80, s23, s11, $0xb8;
	[tilespmem:$0x1BC00] =	vst v63  }
0x20b: {  	_ =	swait.ge [sflag:s31], $0x2800  }
0x20c: {  	[sflag:s31] =	ssyncset.done $0x0  }
0x20d: {  	[sflag:s31] =	ssyncadd.s32 $0xFFFFD800  }
0x20e: {  	[spmem:s4] =	stream.indirect.scatter.add.f32 [tilespmem:s26], [sflag:$0x8], $0x80, s9, s11, $0xb8;
	[tilespmem:$0x1BC00] =	vst v63  }
0x20f: {  	_ =	swait.ge [sflag:s21], $0x2800  }
0x210: {  	s30 =	sshrl.u32 s25, $0x3;
	[sflag:s21] =	ssyncset.done $0x0  }
0x211: {  	s1 =	sadd.s32 s16, s30;
	[sflag:s21] =	ssyncadd.s32 $0xFFFFD800  }
0x212: {  	[tilespmem:s5], [sflag:$0x1] =	stream.linear.gather [hbm4b:s1+s5], $0x50, $0x38;
	[tilespmem:$0x1BC00] =	vst v63  }
0x213: {  	s1 =	rddreg [dreg:$0x1a]  }
0x214: {  	s1 =	sadd.s32 s1, s30  }
0x215: {  	[tilespmem:s2], [sflag:$0x1] =	stream.linear.gather [hbm4b:s1+s5], $0x50, $0x38;
	[tilespmem:$0x1BC00] =	vst v63  }
0x216: {  	_ =	swait.ge [sflag:s17], $0x50  }
0x217: {  	[sflag:s17] =	ssyncset.done $0x0  }
0x218: {  	[sflag:s17] =	ssyncadd.s32 $0xFFFFFFB0  }
0x219: {  	_ =	swait.ge [sflag:s17], $0x50  }
0x21a: {  	[sflag:s17] =	ssyncset.done $0x0  }
0x21b: {  	[sflag:s17] =	ssyncadd.s32 $0xFFFFFFB0  }
0x21c: {  	[tilespmem:s29], [sflag:$0x7] =	stream.indirect.gather [hbm4b:s0+s11], $0x80, s14, s11, $0xb8;
	[tilespmem:$0x1BC00] =	vst v63  }
0x21d: {  	_ =	swait.ge [sflag:s3], $0x2800  }
0x21e: {  	[sflag:s3] =	ssyncset.done $0x0  }
0x21f: {  	[sflag:s3] =	ssyncadd.s32 $0xFFFFD800  }
0x220: {  	[spmem:s4] =	stream.indirect.scatter.add.f32 [tilespmem:s13], [sflag:$0x9], $0x80, s20, s11, $0xb8;
	[tilespmem:$0x1BC00] =	vst v63  }
0x221: {  	_ =	swait.ge [sflag:s22], $0x2800  }
0x222: {  	s30 =	rddreg [dreg:$0x7];
	[sflag:s22] =	ssyncset.done $0x0  }
0x223: {  	[sflag:s22] =	ssyncadd.s32 $0xFFFFD800;
	s1 =	sadd.s32 s28, s30;
	s30 =	rddreg [dreg:$0x19]  }
0x224: {  	[tilespmem:s7], [sflag:$0x2] =	stream.linear.gather [hbm4b:s1+s5], $0x50, $0x38;
	[tilespmem:$0x1BC00] =	vst v63  }
0x225: {  	s1 =	sadd.s32 s28, s30  }
0x226: {  	[tilespmem:s9], [sflag:$0x2] =	stream.linear.gather [hbm4b:s1+s5], $0x50, $0x38;
	[tilespmem:$0x1BC00] =	vst v63  }
0x227: {  	_ =	swait.ge [sflag:s10], $0x50  }
0x228: {  	[sflag:s10] =	ssyncset.done $0x0  }
0x229: {  	[sflag:s10] =	ssyncadd.s32 $0xFFFFFFB0  }
0x22a: {  	_ =	swait.ge [sflag:s10], $0x50  }
0x22b: {  	[sflag:s10] =	ssyncset.done $0x0  }
0x22c: {  	[sflag:s10] =	ssyncadd.s32 $0xFFFFFFB0  }
0x22d: {  	[tilespmem:s26], [sflag:$0x5] =	stream.indirect.gather [hbm4b:s0+s11], $0x80, s5, s11, $0xb8;
	[tilespmem:$0x1BC00] =	vst v63  }
0x22e: {  	_ =	swait.ge [sflag:s18], $0x2800  }
0x22f: {  	[sflag:s18] =	ssyncset.done $0x0  }
0x230: {  	[sflag:s18] =	ssyncadd.s32 $0xFFFFD800  }
0x231: {  	[spmem:s4] =	stream.indirect.scatter.add.f32 [tilespmem:s29], [sflag:$0xA], $0x80, s15, s11, $0xb8;
	[tilespmem:$0x1BC00] =	vst v63  }
0x232: {  	_ =	swait.ge [sflag:s19], $0x2800  }
0x233: {  	s30 =	rddreg [dreg:$0x6];
	[sflag:s19] =	ssyncset.done $0x0  }
0x234: {  	[sflag:s19] =	ssyncadd.s32 $0xFFFFD800;
	s1 =	sadd.s32 s28, s30;
	s30 =	rddreg [dreg:$0x11]  }
0x235: {  	[tilespmem:s23], [sflag:$0x3] =	stream.linear.gather [hbm4b:s1+s5], $0x50, $0x38;
	[tilespmem:$0x1BC00] =	vst v63  }
0x236: {  	s1 =	sadd.s32 s28, s30  }
0x237: {  	[tilespmem:s20], [sflag:$0x3] =	stream.linear.gather [hbm4b:s1+s5], $0x50, $0x38;
	[tilespmem:$0x1BC00] =	vst v63  }
0x238: {  	_ =	swait.ge [sflag:s12], $0x50  }
0x239: {  	[sflag:s12] =	ssyncset.done $0x0  }
0x23a: {  	[sflag:s12] =	ssyncadd.s32 $0xFFFFFFB0  }
0x23b: {  	_ =	swait.ge [sflag:s12], $0x50  }
0x23c: {  	[sflag:s12] =	ssyncset.done $0x0  }
0x23d: {  	[sflag:s12] =	ssyncadd.s32 $0xFFFFFFB0  }
0x23e: {  	[tilespmem:s13], [sflag:$0x6] =	stream.indirect.gather [hbm4b:s0+s11], $0x80, s7, s11, $0xb8;
	[tilespmem:$0x1BC00] =	vst v63  }
0x23f: {  	_ =	swait.ge [sflag:s31], $0x2800  }
0x240: {  	[sflag:s31] =	ssyncset.done $0x0  }
0x241: {  	p0 =	sne.s32 s24, $0x438;
	[sflag:s31] =	ssyncadd.s32 $0xFFFFD800  }
0x242: {  	[spmem:s4] =	stream.indirect.scatter.add.f32 [tilespmem:s26], [sflag:$0x8], $0x80, s2, s11, $0xb8;
	[tilespmem:$0x1BC00] =	vst v63  }
.Ltmp0:
0x243: {  	_ =	swait.ge [sflag:s21], $0x2800;
	(pc) =	sbr.rel @p0 .LBB2_2-.Ltmp0, $4  }
0x244: {  	s30 =	rddreg [dreg:$0x5];
	[sflag:s21] =	ssyncset.done $0x0  }
0x245: {  	[sflag:s21] =	ssyncadd.s32 $0xFFFFD800;
	s1 =	sadd.s32 s28, s30;
	s30 =	rddreg [dreg:$0x10]  }
0x246: {  	[tilespmem:s14], [sflag:$0x4] =	stream.linear.gather [hbm4b:s1+s5], $0x50, $0x38;
	[tilespmem:$0x1BC00] =	vst v63  }
0x247: {  	s24 =	sadd.s32 $0x78, s24;
	s25 =	sadd.s32 $0x3C0, s25;
	s28 =	sadd.s32 s28, s30  }
0x248: {  	[tilespmem:s15], [sflag:$0x4] =	stream.linear.gather [hbm4b:s28+s5], $0x50, $0x38;
	[tilespmem:$0x1BC00] =	vst v63  }
0x249: {  	_ =	swait.ge [sflag:s8], $0x50  }
0x24a: {  	[sflag:s8] =	ssyncset.done $0x0  }
0x24b: {  	[sflag:s8] =	ssyncadd.s32 $0xFFFFFFB0  }
0x24c: {  	_ =	swait.ge [sflag:s8], $0x50  }
0x24d: {  	[sflag:s8] =	ssyncset.done $0x0  }
0x24e: {  	[sflag:s8] =	ssyncadd.s32 $0xFFFFFFB0  }
0x24f: {  	[tilespmem:s29], [sflag:$0x7] =	stream.indirect.gather [hbm4b:s0+s11], $0x80, s23, s11, $0xb8;
	[tilespmem:$0x1BC00] =	vst v63  }
0x250: {  	_ =	swait.ge [sflag:s3], $0x2800  }
0x251: {  	[sflag:s3] =	ssyncset.done $0x0  }
0x252: {  	[sflag:s3] =	ssyncadd.s32 $0xFFFFD800  }
0x253: {  	[spmem:s4] =	stream.indirect.scatter.add.f32 [tilespmem:s13], [sflag:$0x9], $0x80, s9, s11, $0xb8;
	[tilespmem:$0x1BC00] =	vst v63  }
0x254: {  	_ =	swait.ge [sflag:s22], $0x2800  }
0x255: {  	s1 =	sld [smem:$0x7ED]  }
0x256: {  	[sflag:s22] =	ssyncset.done $0x0  }
0x257: {  	s30 =	simm.s32 $0x0;
	s24 =	sld [smem:$0x7EE];
	[sflag:s22] =	ssyncadd.s32 $0xFFFFD800  }
0x258: {  	[tilespmem:s30], [sflag:$0x1] =	stream.linear.gather [hbm4b:s1+s30], $0x50, $0x38;
	[tilespmem:$0x1BC00] =	vst v63  }
0x259: {  	_ = 	snop  }
0x25a: {  	[tilespmem:s2], [sflag:$0x1] =	stream.linear.gather [hbm4b:s24+s30], $0x50, $0x38;
	[tilespmem:$0x1BC00] =	vst v63  }
0x25b: {  	_ =	swait.ge [sflag:s17], $0x50  }
0x25c: {  	[sflag:s17] =	ssyncset.done $0x0  }
0x25d: {  	[sflag:s17] =	ssyncadd.s32 $0xFFFFFFB0  }
0x25e: {  	_ =	swait.ge [sflag:s17], $0x50  }
0x25f: {  	[sflag:s17] =	ssyncset.done $0x0  }
0x260: {  	[sflag:s17] =	ssyncadd.s32 $0xFFFFFFB0  }
0x261: {  	[tilespmem:s26], [sflag:$0x5] =	stream.indirect.gather [hbm4b:s0+s11], $0x80, s14, s11, $0xb8;
	[tilespmem:$0x1BC00] =	vst v63  }
0x262: {  	_ =	swait.ge [sflag:s18], $0x2800  }
0x263: {  	[sflag:s18] =	ssyncset.done $0x0  }
0x264: {  	[sflag:s18] =	ssyncadd.s32 $0xFFFFD800  }
0x265: {  	[spmem:s4] =	stream.indirect.scatter.add.f32 [tilespmem:s29], [sflag:$0xA], $0x80, s20, s11, $0xb8;
	[tilespmem:$0x1BC00] =	vst v63  }
0x266: {  	_ =	swait.ge [sflag:s19], $0x2800  }
0x267: {  	[sflag:s19] =	ssyncset.done $0x0  }
0x268: {  	[sflag:s19] =	ssyncadd.s32 $0xFFFFD800  }
0x269: {  	_ =	swait.ge [sflag:s10], $0x50  }
0x26a: {  	[sflag:s10] =	ssyncset.done $0x0  }
0x26b: {  	[sflag:s10] =	ssyncadd.s32 $0xFFFFFFB0  }
0x26c: {  	_ =	swait.ge [sflag:s10], $0x50  }
0x26d: {  	[sflag:s10] =	ssyncset.done $0x0  }
0x26e: {  	[sflag:s10] =	ssyncadd.s32 $0xFFFFFFB0  }
0x26f: {  	[tilespmem:s13], [sflag:$0x6] =	stream.indirect.gather [hbm4b:s0+s11], $0x80, s30, s11, $0xb8;
	[tilespmem:$0x1BC00] =	vst v63  }
0x270: {  	_ =	swait.ge [sflag:s31], $0x2800  }
0x271: {  	[sflag:s31] =	ssyncset.done $0x0  }
0x272: {  	[sflag:s31] =	ssyncadd.s32 $0xFFFFD800  }
0x273: {  	[spmem:s4] =	stream.indirect.scatter.add.f32 [tilespmem:s26], [sflag:$0x8], $0x80, s15, s11, $0xb8;
	[tilespmem:$0x1BC00] =	vst v63  }
0x274: {  	_ =	swait.ge [sflag:s21], $0x2800  }
0x275: {  	[sflag:s21] =	ssyncset.done $0x0  }
0x276: {  	[sflag:s21] =	ssyncadd.s32 $0xFFFFD800  }
0x277: {  	_ =	swait.ge [sflag:s3], $0x2800  }
0x278: {  	[sflag:s3] =	ssyncset.done $0x0  }
0x279: {  	[sflag:s3] =	ssyncadd.s32 $0xFFFFD800  }
0x27a: {  	[spmem:s4] =	stream.indirect.scatter.add.f32 [tilespmem:s13], [sflag:$0x9], $0x80, s2, s11, $0xb8;
	[tilespmem:$0x1BC00] =	vst v63  }
0x27b: {  	_ =	swait.ge [sflag:s22], $0x2800  }
0x27c: {  	[sflag:s22] =	ssyncset.done $0x0  }
0x27d: {  	[sflag:s22] =	ssyncadd.s32 $0xFFFFD800  }
0x27e: {  	_ =	swait.ge [sflag:s19], $0x2800  }
0x27f: {  	[sflag:s19] =	ssyncset.done $0x0  }
0x280: {  	[sflag:s19] =	ssyncadd.s32 $0xFFFFD800  }
0x281: {  	[bflag:$0x0] =	sbarrier.arrive $0xFFFF  }
0x282: {  	s16 =	sld [smem:$0x7F8];
	_ =	sdelay $0x1  }
0x283: {  	s24 =	simm.s32 $0xB  }
0x284: {  	[tilespmem:s26], [sflag:$0xB] =	stream.linear.gather [spmem:s16], $0x2800, $0x38;
	[tilespmem:$0x1BC00] =	vst v63  }
0x285: {  	_ =	swait.ge [sflag:s24], $0x2800  }
0x286: {  	[sflag:s24] =	ssyncset.done $0x0  }
0x287: {  	s25 =	rddreg [dreg:$0x1b];
	[sflag:s24] =	ssyncadd.s32 $0xFFFFD800  }
0x288: {  	[hbm4b:s25+s30] =	stream.linear.scatter [tilespmem:s26], [sflag:$0x8], $0x2800, $0x38;
	[tilespmem:$0x1BC00] =	vst v63  }
0x289: {  	s25 =	sld [smem:$0x7EF];
	_ =	sdelay $0x2  }
0x28a: {  	[tilespmem:s13], [sflag:$0xB] =	stream.linear.gather [spmem:s25], $0x2800, $0x38;
	[tilespmem:$0x1BC00] =	vst v63  }
0x28b: {  	_ =	swait.ge [sflag:s24], $0x2800  }
0x28c: {  	[sflag:s24] =	ssyncset.done $0x0  }
0x28d: {  	s25 =	rddreg [dreg:$0x1c];
	[sflag:s24] =	ssyncadd.s32 $0xFFFFD800  }
0x28e: {  	[hbm4b:s25+s30] =	stream.linear.scatter [tilespmem:s13], [sflag:$0x9], $0x2800, $0x38;
	[tilespmem:$0x1BC00] =	vst v63  }
0x28f: {  	s25 =	sld [smem:$0x7F0];
	_ =	sdelay $0x2  }
0x290: {  	[tilespmem:s29], [sflag:$0xB] =	stream.linear.gather [spmem:s25], $0x2800, $0x38;
	[tilespmem:$0x1BC00] =	vst v63  }
0x291: {  	_ =	swait.ge [sflag:s24], $0x2800  }
0x292: {  	[sflag:s24] =	ssyncset.done $0x0  }
0x293: {  	s25 =	rddreg [dreg:$0x1d];
	[sflag:s24] =	ssyncadd.s32 $0xFFFFD800  }
0x294: {  	[hbm4b:s25+s30] =	stream.linear.scatter [tilespmem:s29], [sflag:$0xA], $0x2800, $0x38;
	[tilespmem:$0x1BC00] =	vst v63  }
0x295: {  	_ =	swait.ge [sflag:s22], $0x2800  }
0x296: {  	s25 =	sld [smem:$0x7FB]  }
0x297: {  	[sflag:s22] =	ssyncset.done $0x0  }
0x298: {  	[sflag:s22] =	ssyncadd.s32 $0xFFFFD800  }
0x299: {  	[tilespmem:s26], [sflag:$0xB] =	stream.linear.gather [spmem:s25], $0x2800, $0x38;
	[tilespmem:$0x1BC00] =	vst v63  }
0x29a: {  	_ =	swait.ge [sflag:s24], $0x2800  }
0x29b: {  	[sflag:s24] =	ssyncset.done $0x0  }
0x29c: {  	s25 =	rddreg [dreg:$0x1e];
	[sflag:s24] =	ssyncadd.s32 $0xFFFFD800  }
0x29d: {  	[hbm4b:s25+s30] =	stream.linear.scatter [tilespmem:s26], [sflag:$0x8], $0x2800, $0x38;
	[tilespmem:$0x1BC00] =	vst v63  }
0x29e: {  	_ =	swait.ge [sflag:s19], $0x2800  }
0x29f: {  	s25 =	sld [smem:$0x7F1]  }
0x2a0: {  	[sflag:s19] =	ssyncset.done $0x0  }
0x2a1: {  	[sflag:s19] =	ssyncadd.s32 $0xFFFFD800  }
0x2a2: {  	[tilespmem:s13], [sflag:$0xB] =	stream.linear.gather [spmem:s25], $0x2800, $0x38;
	[tilespmem:$0x1BC00] =	vst v63  }
0x2a3: {  	_ =	swait.ge [sflag:s24], $0x2800  }
0x2a4: {  	[sflag:s24] =	ssyncset.done $0x0  }
0x2a5: {  	s25 =	rddreg [dreg:$0x1f];
	[sflag:s24] =	ssyncadd.s32 $0xFFFFD800  }
0x2a6: {  	[hbm4b:s25+s30] =	stream.linear.scatter [tilespmem:s13], [sflag:$0x9], $0x2800, $0x38;
	[tilespmem:$0x1BC00] =	vst v63  }
0x2a7: {  	_ =	swait.ge [sflag:s21], $0x2800  }
0x2a8: {  	s25 =	sld [smem:$0x7F2]  }
0x2a9: {  	[sflag:s21] =	ssyncset.done $0x0  }
0x2aa: {  	[sflag:s21] =	ssyncadd.s32 $0xFFFFD800  }
0x2ab: {  	[tilespmem:s29], [sflag:$0xB] =	stream.linear.gather [spmem:s25], $0x2800, $0x38;
	[tilespmem:$0x1BC00] =	vst v63  }
0x2ac: {  	_ =	swait.ge [sflag:s24], $0x2800  }
0x2ad: {  	s25 =	sld [smem:$0x7D7]  }
0x2ae: {  	[sflag:s24] =	ssyncset.done $0x0  }
0x2af: {  	[sflag:s24] =	ssyncadd.s32 $0xFFFFD800  }
0x2b0: {  	[hbm4b:s25+s30] =	stream.linear.scatter [tilespmem:s29], [sflag:$0xA], $0x2800, $0x38;
	[tilespmem:$0x1BC00] =	vst v63  }
0x2b1: {  	_ =	swait.ge [sflag:s22], $0x2800  }
0x2b2: {  	s28 =	sld [smem:$0x7FC]  }
0x2b3: {  	[sflag:s22] =	ssyncset.done $0x0  }
0x2b4: {  	[sflag:s22] =	ssyncadd.s32 $0xFFFFD800  }
0x2b5: {  	[tilespmem:s26], [sflag:$0xB] =	stream.linear.gather [spmem:s28], $0x2800, $0x38;
	[tilespmem:$0x1BC00] =	vst v63  }
0x2b6: {  	_ =	swait.ge [sflag:s24], $0x2800  }
0x2b7: {  	s25 =	sld [smem:$0x7D8]  }
0x2b8: {  	[sflag:s24] =	ssyncset.done $0x0  }
0x2b9: {  	[sflag:s24] =	ssyncadd.s32 $0xFFFFD800  }
0x2ba: {  	[hbm4b:s25+s30] =	stream.linear.scatter [tilespmem:s26], [sflag:$0x8], $0x2800, $0x38;
	[tilespmem:$0x1BC00] =	vst v63  }
0x2bb: {  	_ =	swait.ge [sflag:s19], $0x2800  }
0x2bc: {  	s25 =	sld [smem:$0x7FD]  }
0x2bd: {  	[sflag:s19] =	ssyncset.done $0x0  }
0x2be: {  	[sflag:s19] =	ssyncadd.s32 $0xFFFFD800  }
0x2bf: {  	[tilespmem:s13], [sflag:$0xB] =	stream.linear.gather [spmem:s25], $0x2800, $0x38;
	[tilespmem:$0x1BC00] =	vst v63  }
0x2c0: {  	_ =	swait.ge [sflag:s24], $0x2800  }
0x2c1: {  	s1 =	sld [smem:$0x7D9]  }
0x2c2: {  	[sflag:s24] =	ssyncset.done $0x0  }
0x2c3: {  	[sflag:s24] =	ssyncadd.s32 $0xFFFFD800  }
0x2c4: {  	[hbm4b:s1+s30] =	stream.linear.scatter [tilespmem:s13], [sflag:$0x9], $0x2800, $0x38;
	[tilespmem:$0x1BC00] =	vst v63  }
0x2c5: {  	_ =	swait.ge [sflag:s22], $0x2800  }
0x2c6: {  	[sflag:s22] =	ssyncset.done $0x0  }
0x2c7: {  	[sflag:s22] =	ssyncadd.s32 $0xFFFFD800  }
0x2c8: {  	_ =	swait.ge [sflag:s19], $0x2800  }
0x2c9: {  	[sflag:s19] =	ssyncset.done $0x0  }
0x2ca: {  	[sflag:s19] =	ssyncadd.s32 $0xFFFFD800  }
0x2cb: {  	_ =	swait.ge [sflag:s21], $0x2800  }
0x2cc: {  	s1 =	sld [smem:$0x7E3]  }
0x2cd: {  	[sflag:s21] =	ssyncset.done $0x0  }
0x2ce: {  	[sflag:s21] =	ssyncadd.s32 $0xFFFFD800  }
0x2cf: {  	[tilespmem:s26], [sflag:$0xB] =	stream.linear.gather [hbm4b:s1+s30], $0x2800, $0x38;
	[tilespmem:$0x1BC00] =	vst v63  }
0x2d0: {  	_ =	swait.ge [sflag:s24], $0x2800  }
0x2d1: {  	[sflag:s24] =	ssyncset.done $0x0  }
0x2d2: {  	[sflag:s24] =	ssyncadd.s32 $0xFFFFD800  }
0x2d3: {  	[spmem:s16] =	stream.linear.scatter [tilespmem:s26], [sflag:$0x5], $0x2800, $0x38;
	[tilespmem:$0x1BC00] =	vst v63  }
0x2d4: {  	s16 =	sld [smem:$0x7F9];
	_ =	sdelay $0x2  }
0x2d5: {  	[spmem:s16] =	stream.linear.scatter [tilespmem:s26], [sflag:$0x5], $0x2800, $0x38;
	[tilespmem:$0x1BC00] =	vst v63  }
0x2d6: {  	s16 =	sld [smem:$0x7F0];
	_ =	sdelay $0x2  }
0x2d7: {  	[spmem:s16] =	stream.linear.scatter [tilespmem:s26], [sflag:$0x5], $0x2800, $0x38;
	[tilespmem:$0x1BC00] =	vst v63  }
0x2d8: {  	s16 =	sld [smem:$0x7FB];
	_ =	sdelay $0x2  }
0x2d9: {  	[spmem:s16] =	stream.linear.scatter [tilespmem:s26], [sflag:$0x5], $0x2800, $0x38;
	[tilespmem:$0x1BC00] =	vst v63  }
0x2da: {  	s16 =	sld [smem:$0x7F1];
	_ =	sdelay $0x2  }
0x2db: {  	[spmem:s16] =	stream.linear.scatter [tilespmem:s26], [sflag:$0x5], $0x2800, $0x38;
	[tilespmem:$0x1BC00] =	vst v63  }
0x2dc: {  	s16 =	sld [smem:$0x7F2];
	_ =	sdelay $0x2  }
0x2dd: {  	[spmem:s16] =	stream.linear.scatter [tilespmem:s26], [sflag:$0x5], $0x2800, $0x38;
	[tilespmem:$0x1BC00] =	vst v63  }
0x2de: {  	_ = 	snop  }
0x2df: {  	[spmem:s28] =	stream.linear.scatter [tilespmem:s26], [sflag:$0x5], $0x2800, $0x38;
	[tilespmem:$0x1BC00] =	vst v63  }
0x2e0: {  	_ = 	snop  }
0x2e1: {  	[spmem:s25] =	stream.linear.scatter [tilespmem:s26], [sflag:$0x5], $0x2800, $0x38;
	[tilespmem:$0x1BC00] =	vst v63  }
0x2e2: {  	_ =	swait.ge [sflag:s31], $0x2800  }
0x2e3: {  	[sflag:s31] =	ssyncset.done $0x0  }
0x2e4: {  	[sflag:s31] =	ssyncadd.s32 $0xFFFFD800  }
0x2e5: {  	_ =	swait.ge [sflag:s31], $0x2800  }
0x2e6: {  	[sflag:s31] =	ssyncset.done $0x0  }
0x2e7: {  	[sflag:s31] =	ssyncadd.s32 $0xFFFFD800  }
0x2e8: {  	_ =	swait.ge [sflag:s31], $0x2800  }
0x2e9: {  	[sflag:s31] =	ssyncset.done $0x0  }
0x2ea: {  	[sflag:s31] =	ssyncadd.s32 $0xFFFFD800  }
0x2eb: {  	_ =	swait.ge [sflag:s31], $0x2800  }
0x2ec: {  	[sflag:s31] =	ssyncset.done $0x0  }
0x2ed: {  	[sflag:s31] =	ssyncadd.s32 $0xFFFFD800  }
0x2ee: {  	_ =	swait.ge [sflag:s31], $0x2800  }
0x2ef: {  	[sflag:s31] =	ssyncset.done $0x0  }
0x2f0: {  	[sflag:s31] =	ssyncadd.s32 $0xFFFFD800  }
0x2f1: {  	_ =	swait.ge [sflag:s31], $0x2800  }
0x2f2: {  	[sflag:s31] =	ssyncset.done $0x0  }
0x2f3: {  	[sflag:s31] =	ssyncadd.s32 $0xFFFFD800  }
0x2f4: {  	_ =	swait.ge [sflag:s31], $0x2800  }
0x2f5: {  	[sflag:s31] =	ssyncset.done $0x0  }
0x2f6: {  	[sflag:s31] =	ssyncadd.s32 $0xFFFFD800  }
0x2f7: {  	_ =	swait.ge [sflag:s31], $0x2800  }
0x2f8: {  	s16 =	sld [smem:$0x7E4]  }
0x2f9: {  	[sflag:s31] =	ssyncset.done $0x0  }
0x2fa: {  	[sflag:s31] =	ssyncadd.s32 $0xFFFFD800  }
0x2fb: {  	[tilespmem:s26], [sflag:$0xB] =	stream.linear.gather [hbm4b:s16+s30], $0x2800, $0x38;
	[tilespmem:$0x1BC00] =	vst v63  }
0x2fc: {  	_ =	swait.ge [sflag:s24], $0x2800  }
0x2fd: {  	[sflag:s24] =	ssyncset.done $0x0  }
0x2fe: {  	[sflag:s24] =	ssyncadd.s32 $0xFFFFD800  }
0x2ff: {  	[bflag:$0x0] =	sbarrier.arrive $0xFFFF  }
0x300: {  	s25 =	sld [smem:$0x7EC];
	_ =	sdelay $0x1  }
0x301: {  	s16 =	sld [smem:$0x7E6]  }
0x302: {  	[tilespmem:s2], [sflag:$0x1] =	stream.linear.gather [hbm4b:s25+s30], $0x50, $0x38;
	[tilespmem:$0x1BC00] =	vst v63  }
0x303: {  	s24 =	sld [smem:$0x7E8]  }
0x304: {  	[tilespmem:s9], [sflag:$0x2] =	stream.linear.gather [hbm4b:s16+s30], $0x50, $0x38;
	[tilespmem:$0x1BC00] =	vst v63  }
0x305: {  	_ = 	snop  }
0x306: {  	[tilespmem:s20], [sflag:$0x3] =	stream.linear.gather [hbm4b:s24+s30], $0x50, $0x38;
	[tilespmem:$0x1BC00] =	vst v63  }
0x307: {  	_ =	swait.ge [sflag:s10], $0x50  }
0x308: {  	[sflag:s10] =	ssyncset.done $0x0  }
0x309: {  	s25 =	sld [smem:$0x7EA];
	[sflag:s10] =	ssyncadd.s32 $0xFFFFFFB0  }
0x30a: {  	[spmem:s4] =	stream.indirect.scatter.add.f32 [tilespmem:s26], [sflag:$0x8], $0x80, s2, s11, $0xb8;
	[tilespmem:$0x1BC00] =	vst v63  }
0x30b: {  	_ = 	snop  }
0x30c: {  	[tilespmem:s15], [sflag:$0x4] =	stream.linear.gather [hbm4b:s25+s30], $0x50, $0x38;
	[tilespmem:$0x1BC00] =	vst v63  }
0x30d: {  	_ =	swait.ge [sflag:s12], $0x50  }
0x30e: {  	[sflag:s12] =	ssyncset.done $0x0  }
0x30f: {  	[sflag:s12] =	ssyncadd.s32 $0xFFFFFFB0  }
0x310: {  	[spmem:s4] =	stream.indirect.scatter.add.f32 [tilespmem:s26], [sflag:$0x9], $0x80, s9, s11, $0xb8;
	[tilespmem:$0x1BC00] =	vst v63  }
0x311: {  	_ =	swait.ge [sflag:s22], $0x2800  }
0x312: {  	[sflag:s22] =	ssyncset.done $0x0;
	s16 =	rddreg [dreg:$0x17]  }
0x313: {  	[sflag:s22] =	ssyncadd.s32 $0xFFFFD800;
	s1 =	sadd.s32 $0x0, s16  }
0x314: {  	[tilespmem:s2], [sflag:$0x1] =	stream.linear.gather [hbm4b:s1+s5], $0x50, $0x38;
	[tilespmem:$0x1BC00] =	vst v63  }
0x315: {  	_ =	swait.ge [sflag:s8], $0x50  }
0x316: {  	[sflag:s8] =	ssyncset.done $0x0  }
0x317: {  	[sflag:s8] =	ssyncadd.s32 $0xFFFFFFB0  }
0x318: {  	[spmem:s4] =	stream.indirect.scatter.add.f32 [tilespmem:s26], [sflag:$0xA], $0x80, s20, s11, $0xb8;
	[tilespmem:$0x1BC00] =	vst v63  }
0x319: {  	_ =	swait.ge [sflag:s19], $0x2800  }
0x31a: {  	[sflag:s19] =	ssyncset.done $0x0;
	s24 =	rddreg [dreg:$0x16]  }
0x31b: {  	[sflag:s19] =	ssyncadd.s32 $0xFFFFD800;
	s1 =	sadd.s32 $0x0, s24  }
0x31c: {  	[tilespmem:s9], [sflag:$0x2] =	stream.linear.gather [hbm4b:s1+s5], $0x50, $0x38;
	[tilespmem:$0x1BC00] =	vst v63  }
0x31d: {  	_ =	swait.ge [sflag:s17], $0x50  }
0x31e: {  	[sflag:s17] =	ssyncset.done $0x0  }
0x31f: {  	[sflag:s17] =	ssyncadd.s32 $0xFFFFFFB0  }
0x320: {  	[spmem:s4] =	stream.indirect.scatter.add.f32 [tilespmem:s26], [sflag:$0x8], $0x80, s15, s11, $0xb8;
	[tilespmem:$0x1BC00] =	vst v63  }
0x321: {  	_ =	swait.ge [sflag:s21], $0x2800  }
0x322: {  	[sflag:s21] =	ssyncset.done $0x0;
	s25 =	rddreg [dreg:$0x15]  }
0x323: {  	[sflag:s21] =	ssyncadd.s32 $0xFFFFD800;
	s1 =	sadd.s32 $0x0, s25  }
0x324: {  	[tilespmem:s20], [sflag:$0x3] =	stream.linear.gather [hbm4b:s1+s5], $0x50, $0x38;
	[tilespmem:$0x1BC00] =	vst v63  }
0x325: {  	_ =	swait.ge [sflag:s10], $0x50  }
0x326: {  	[sflag:s10] =	ssyncset.done $0x0  }
0x327: {  	[sflag:s10] =	ssyncadd.s32 $0xFFFFFFB0  }
0x328: {  	[spmem:s4] =	stream.indirect.scatter.add.f32 [tilespmem:s26], [sflag:$0x9], $0x80, s2, s11, $0xb8;
	[tilespmem:$0x1BC00] =	vst v63  }
0x329: {  	_ =	swait.ge [sflag:s22], $0x2800  }
0x32a: {  	[sflag:s22] =	ssyncset.done $0x0;
	s16 =	rddreg [dreg:$0x14]  }
0x32b: {  	[sflag:s22] =	ssyncadd.s32 $0xFFFFD800;
	s1 =	sadd.s32 $0x0, s16  }
0x32c: {  	[tilespmem:s15], [sflag:$0x4] =	stream.linear.gather [hbm4b:s1+s5], $0x50, $0x38;
	[tilespmem:$0x1BC00] =	vst v63  }
0x32d: {  	_ =	swait.ge [sflag:s12], $0x50  }
0x32e: {  	[sflag:s12] =	ssyncset.done $0x0  }
0x32f: {  	[sflag:s12] =	ssyncadd.s32 $0xFFFFFFB0  }
0x330: {  	[spmem:s4] =	stream.indirect.scatter.add.f32 [tilespmem:s26], [sflag:$0xA], $0x80, s9, s11, $0xb8;
	[tilespmem:$0x1BC00] =	vst v63  }
0x331: {  	_ =	swait.ge [sflag:s19], $0x2800  }
0x332: {  	[sflag:s19] =	ssyncset.done $0x0;
	s24 =	rddreg [dreg:$0x13]  }
0x333: {  	[sflag:s19] =	ssyncadd.s32 $0xFFFFD800;
	s1 =	sadd.s32 $0x0, s24  }
0x334: {  	[tilespmem:s2], [sflag:$0x1] =	stream.linear.gather [hbm4b:s1+s5], $0x50, $0x38;
	[tilespmem:$0x1BC00] =	vst v63  }
0x335: {  	_ =	swait.ge [sflag:s8], $0x50  }
0x336: {  	[sflag:s8] =	ssyncset.done $0x0  }
0x337: {  	[sflag:s8] =	ssyncadd.s32 $0xFFFFFFB0  }
0x338: {  	[spmem:s4] =	stream.indirect.scatter.add.f32 [tilespmem:s26], [sflag:$0x8], $0x80, s20, s11, $0xb8;
	[tilespmem:$0x1BC00] =	vst v63  }
0x339: {  	_ =	swait.ge [sflag:s21], $0x2800  }
0x33a: {  	[sflag:s21] =	ssyncset.done $0x0;
	s25 =	rddreg [dreg:$0x12]  }
0x33b: {  	[sflag:s21] =	ssyncadd.s32 $0xFFFFD800;
	s1 =	sadd.s32 $0x0, s25  }
0x33c: {  	[tilespmem:s9], [sflag:$0x2] =	stream.linear.gather [hbm4b:s1+s5], $0x50, $0x38;
	[tilespmem:$0x1BC00] =	vst v63  }
0x33d: {  	_ =	swait.ge [sflag:s17], $0x50  }
0x33e: {  	[sflag:s17] =	ssyncset.done $0x0  }
0x33f: {  	[sflag:s17] =	ssyncadd.s32 $0xFFFFFFB0  }
0x340: {  	[spmem:s4] =	stream.indirect.scatter.add.f32 [tilespmem:s26], [sflag:$0x9], $0x80, s15, s11, $0xb8;
	[tilespmem:$0x1BC00] =	vst v63  }
0x341: {  	_ =	swait.ge [sflag:s22], $0x2800  }
0x342: {  	[sflag:s22] =	ssyncset.done $0x0;
	s16 =	rddreg [dreg:$0x18]  }
0x343: {  	[sflag:s22] =	ssyncadd.s32 $0xFFFFD800;
	s1 =	sadd.s32 $0x0, s16  }
0x344: {  	[tilespmem:s20], [sflag:$0x3] =	stream.linear.gather [hbm4b:s1+s5], $0x50, $0x38;
	[tilespmem:$0x1BC00] =	vst v63  }
0x345: {  	_ =	swait.ge [sflag:s10], $0x50  }
0x346: {  	[sflag:s10] =	ssyncset.done $0x0  }
0x347: {  	[sflag:s10] =	ssyncadd.s32 $0xFFFFFFB0  }
0x348: {  	[spmem:s4] =	stream.indirect.scatter.add.f32 [tilespmem:s26], [sflag:$0xA], $0x80, s2, s11, $0xb8;
	[tilespmem:$0x1BC00] =	vst v63  }
0x349: {  	_ =	swait.ge [sflag:s19], $0x2800  }
0x34a: {  	[sflag:s19] =	ssyncset.done $0x0  }
0x34b: {  	s24 =	sadd.s32 $0x0, s6;
	[sflag:s19] =	ssyncadd.s32 $0xFFFFD800  }
0x34c: {  	[tilespmem:s15], [sflag:$0x4] =	stream.linear.gather [hbm4b:s24+s5], $0x50, $0x38;
	[tilespmem:$0x1BC00] =	vst v63  }
0x34d: {  	_ =	swait.ge [sflag:s12], $0x50  }
0x34e: {  	[sflag:s12] =	ssyncset.done $0x0  }
0x34f: {  	[sflag:s12] =	ssyncadd.s32 $0xFFFFFFB0  }
0x350: {  	[spmem:s4] =	stream.indirect.scatter.add.f32 [tilespmem:s26], [sflag:$0x8], $0x80, s9, s11, $0xb8;
	[tilespmem:$0x1BC00] =	vst v63  }
0x351: {  	_ =	swait.ge [sflag:s21], $0x2800  }
0x352: {  	s25 =	sld [smem:$0x7D6]  }
0x353: {  	[sflag:s21] =	ssyncset.done $0x0  }
0x354: {  	[sflag:s21] =	ssyncadd.s32 $0xFFFFD800  }
0x355: {  	[tilespmem:s2], [sflag:$0x1] =	stream.linear.gather [hbm4b:s25+s5], $0x50, $0x38;
	[tilespmem:$0x1BC00] =	vst v63  }
0x356: {  	_ =	swait.ge [sflag:s8], $0x50  }
0x357: {  	[sflag:s8] =	ssyncset.done $0x0  }
0x358: {  	[sflag:s8] =	ssyncadd.s32 $0xFFFFFFB0  }
0x359: {  	[spmem:s4] =	stream.indirect.scatter.add.f32 [tilespmem:s26], [sflag:$0x9], $0x80, s20, s11, $0xb8;
	[tilespmem:$0x1BC00] =	vst v63  }
0x35a: {  	_ =	swait.ge [sflag:s22], $0x2800  }
0x35b: {  	s16 =	smov.u32 s6;
	[sflag:s22] =	ssyncset.done $0x0;
	s6 =	rddreg [dreg:$0x19]  }
0x35c: {  	[sflag:s22] =	ssyncadd.s32 $0xFFFFD800;
	s1 =	sadd.s32 $0x0, s6  }
0x35d: {  	[tilespmem:s9], [sflag:$0x2] =	stream.linear.gather [hbm4b:s1+s5], $0x50, $0x38;
	[tilespmem:$0x1BC00] =	vst v63  }
0x35e: {  	_ =	swait.ge [sflag:s17], $0x50  }
0x35f: {  	[sflag:s17] =	ssyncset.done $0x0  }
0x360: {  	[sflag:s17] =	ssyncadd.s32 $0xFFFFFFB0  }
0x361: {  	[spmem:s4] =	stream.indirect.scatter.add.f32 [tilespmem:s26], [sflag:$0xA], $0x80, s15, s11, $0xb8;
	[tilespmem:$0x1BC00] =	vst v63  }
0x362: {  	_ =	swait.ge [sflag:s19], $0x2800  }
0x363: {  	[sflag:s19] =	ssyncset.done $0x0;
	s24 =	rddreg [dreg:$0x11]  }
0x364: {  	[sflag:s19] =	ssyncadd.s32 $0xFFFFD800;
	s1 =	sadd.s32 $0x0, s24  }
0x365: {  	[tilespmem:s20], [sflag:$0x3] =	stream.linear.gather [hbm4b:s1+s5], $0x50, $0x38;
	[tilespmem:$0x1BC00] =	vst v63  }
0x366: {  	_ =	swait.ge [sflag:s10], $0x50  }
0x367: {  	[sflag:s10] =	ssyncset.done $0x0  }
0x368: {  	[sflag:s10] =	ssyncadd.s32 $0xFFFFFFB0  }
0x369: {  	[spmem:s4] =	stream.indirect.scatter.add.f32 [tilespmem:s26], [sflag:$0x8], $0x80, s2, s11, $0xb8;
	[tilespmem:$0x1BC00] =	vst v63  }
0x36a: {  	_ =	swait.ge [sflag:s21], $0x2800  }
0x36b: {  	s25 =	sld [smem:$0x7F6]  }
0x36c: {  	s30 =	rddreg [dreg:$0x10]  }
0x36d: {  	s24 =	simm.s32 $0x78;
	[sflag:s21] =	ssyncset.done $0x0;
	s6 =	rddreg [dreg:$0x1a]  }
0x36e: {  	[sflag:s21] =	ssyncadd.s32 $0xFFFFD800;
	s28 =	sadd.s32 $0x0, s30;
	s25 =	sadd.s32 $0x3C0, s25  }
.LBB2_4:
0x36f: {  	[tilespmem:s15], [sflag:$0x4] =	stream.linear.gather [hbm4b:s28+s5], $0x50, $0x38;
	[tilespmem:$0x1BC00] =	vst v63  }
0x370: {  	_ =	swait.ge [sflag:s12], $0x50  }
0x371: {  	[sflag:s12] =	ssyncset.done $0x0  }
0x372: {  	[sflag:s12] =	ssyncadd.s32 $0xFFFFFFB0  }
0x373: {  	[spmem:s4] =	stream.indirect.scatter.add.f32 [tilespmem:s26], [sflag:$0x9], $0x80, s9, s11, $0xb8;
	[tilespmem:$0x1BC00] =	vst v63  }
0x374: {  	_ =	swait.ge [sflag:s22], $0x2800  }
0x375: {  	s28 =	smov.u32 s24;
	[sflag:s22] =	ssyncset.done $0x0;
	s1 =	rddreg [dreg:$0x17]  }
0x376: {  	[sflag:s22] =	ssyncadd.s32 $0xFFFFD800;
	s1 =	sadd.s32 s28, s1  }
0x377: {  	[tilespmem:s2], [sflag:$0x1] =	stream.linear.gather [hbm4b:s1+s5], $0x50, $0x38;
	[tilespmem:$0x1BC00] =	vst v63  }
0x378: {  	_ =	swait.ge [sflag:s8], $0x50  }
0x379: {  	[sflag:s8] =	ssyncset.done $0x0  }
0x37a: {  	[sflag:s8] =	ssyncadd.s32 $0xFFFFFFB0  }
0x37b: {  	[spmem:s4] =	stream.indirect.scatter.add.f32 [tilespmem:s26], [sflag:$0xA], $0x80, s20, s11, $0xb8;
	[tilespmem:$0x1BC00] =	vst v63  }
0x37c: {  	_ =	swait.ge [sflag:s19], $0x2800  }
0x37d: {  	[sflag:s19] =	ssyncset.done $0x0;
	s1 =	rddreg [dreg:$0x16]  }
0x37e: {  	[sflag:s19] =	ssyncadd.s32 $0xFFFFD800;
	s1 =	sadd.s32 s28, s1  }
0x37f: {  	[tilespmem:s9], [sflag:$0x2] =	stream.linear.gather [hbm4b:s1+s5], $0x50, $0x38;
	[tilespmem:$0x1BC00] =	vst v63  }
0x380: {  	_ =	swait.ge [sflag:s17], $0x50  }
0x381: {  	[sflag:s17] =	ssyncset.done $0x0  }
0x382: {  	[sflag:s17] =	ssyncadd.s32 $0xFFFFFFB0  }
0x383: {  	[spmem:s4] =	stream.indirect.scatter.add.f32 [tilespmem:s26], [sflag:$0x8], $0x80, s15, s11, $0xb8;
	[tilespmem:$0x1BC00] =	vst v63  }
0x384: {  	_ =	swait.ge [sflag:s21], $0x2800  }
0x385: {  	[sflag:s21] =	ssyncset.done $0x0;
	s1 =	rddreg [dreg:$0x15]  }
0x386: {  	[sflag:s21] =	ssyncadd.s32 $0xFFFFD800;
	s1 =	sadd.s32 s28, s1  }
0x387: {  	[tilespmem:s20], [sflag:$0x3] =	stream.linear.gather [hbm4b:s1+s5], $0x50, $0x38;
	[tilespmem:$0x1BC00] =	vst v63  }
0x388: {  	_ =	swait.ge [sflag:s10], $0x50  }
0x389: {  	[sflag:s10] =	ssyncset.done $0x0  }
0x38a: {  	[sflag:s10] =	ssyncadd.s32 $0xFFFFFFB0  }
0x38b: {  	[spmem:s4] =	stream.indirect.scatter.add.f32 [tilespmem:s26], [sflag:$0x9], $0x80, s2, s11, $0xb8;
	[tilespmem:$0x1BC00] =	vst v63  }
0x38c: {  	_ =	swait.ge [sflag:s22], $0x2800  }
0x38d: {  	[sflag:s22] =	ssyncset.done $0x0;
	s1 =	rddreg [dreg:$0x14]  }
0x38e: {  	[sflag:s22] =	ssyncadd.s32 $0xFFFFD800;
	s1 =	sadd.s32 s28, s1  }
0x38f: {  	[tilespmem:s15], [sflag:$0x4] =	stream.linear.gather [hbm4b:s1+s5], $0x50, $0x38;
	[tilespmem:$0x1BC00] =	vst v63  }
0x390: {  	_ =	swait.ge [sflag:s12], $0x50  }
0x391: {  	[sflag:s12] =	ssyncset.done $0x0  }
0x392: {  	[sflag:s12] =	ssyncadd.s32 $0xFFFFFFB0  }
0x393: {  	[spmem:s4] =	stream.indirect.scatter.add.f32 [tilespmem:s26], [sflag:$0xA], $0x80, s9, s11, $0xb8;
	[tilespmem:$0x1BC00] =	vst v63  }
0x394: {  	_ =	swait.ge [sflag:s19], $0x2800  }
0x395: {  	[sflag:s19] =	ssyncset.done $0x0;
	s1 =	rddreg [dreg:$0x13]  }
0x396: {  	[sflag:s19] =	ssyncadd.s32 $0xFFFFD800;
	s1 =	sadd.s32 s28, s1  }
0x397: {  	[tilespmem:s2], [sflag:$0x1] =	stream.linear.gather [hbm4b:s1+s5], $0x50, $0x38;
	[tilespmem:$0x1BC00] =	vst v63  }
0x398: {  	_ =	swait.ge [sflag:s8], $0x50  }
0x399: {  	[sflag:s8] =	ssyncset.done $0x0  }
0x39a: {  	[sflag:s8] =	ssyncadd.s32 $0xFFFFFFB0  }
0x39b: {  	[spmem:s4] =	stream.indirect.scatter.add.f32 [tilespmem:s26], [sflag:$0x8], $0x80, s20, s11, $0xb8;
	[tilespmem:$0x1BC00] =	vst v63  }
0x39c: {  	_ =	swait.ge [sflag:s21], $0x2800  }
0x39d: {  	[sflag:s21] =	ssyncset.done $0x0;
	s1 =	rddreg [dreg:$0x12]  }
0x39e: {  	[sflag:s21] =	ssyncadd.s32 $0xFFFFD800;
	s1 =	sadd.s32 s28, s1  }
0x39f: {  	[tilespmem:s9], [sflag:$0x2] =	stream.linear.gather [hbm4b:s1+s5], $0x50, $0x38;
	[tilespmem:$0x1BC00] =	vst v63  }
0x3a0: {  	_ =	swait.ge [sflag:s17], $0x50  }
0x3a1: {  	[sflag:s17] =	ssyncset.done $0x0  }
0x3a2: {  	[sflag:s17] =	ssyncadd.s32 $0xFFFFFFB0  }
0x3a3: {  	[spmem:s4] =	stream.indirect.scatter.add.f32 [tilespmem:s26], [sflag:$0x9], $0x80, s15, s11, $0xb8;
	[tilespmem:$0x1BC00] =	vst v63  }
0x3a4: {  	_ =	swait.ge [sflag:s22], $0x2800  }
0x3a5: {  	[sflag:s22] =	ssyncset.done $0x0;
	s1 =	rddreg [dreg:$0x18]  }
0x3a6: {  	[sflag:s22] =	ssyncadd.s32 $0xFFFFD800;
	s1 =	sadd.s32 s28, s1  }
0x3a7: {  	[tilespmem:s20], [sflag:$0x3] =	stream.linear.gather [hbm4b:s1+s5], $0x50, $0x38;
	[tilespmem:$0x1BC00] =	vst v63  }
0x3a8: {  	_ =	swait.ge [sflag:s10], $0x50  }
0x3a9: {  	[sflag:s10] =	ssyncset.done $0x0  }
0x3aa: {  	[sflag:s10] =	ssyncadd.s32 $0xFFFFFFB0  }
0x3ab: {  	[spmem:s4] =	stream.indirect.scatter.add.f32 [tilespmem:s26], [sflag:$0xA], $0x80, s2, s11, $0xb8;
	[tilespmem:$0x1BC00] =	vst v63  }
0x3ac: {  	_ =	swait.ge [sflag:s19], $0x2800  }
0x3ad: {  	[sflag:s19] =	ssyncset.done $0x0  }
0x3ae: {  	s1 =	sadd.s32 s28, s16;
	[sflag:s19] =	ssyncadd.s32 $0xFFFFD800  }
0x3af: {  	[tilespmem:s15], [sflag:$0x4] =	stream.linear.gather [hbm4b:s1+s5], $0x50, $0x38;
	[tilespmem:$0x1BC00] =	vst v63  }
0x3b0: {  	_ =	swait.ge [sflag:s12], $0x50  }
0x3b1: {  	[sflag:s12] =	ssyncset.done $0x0  }
0x3b2: {  	[sflag:s12] =	ssyncadd.s32 $0xFFFFFFB0  }
0x3b3: {  	[spmem:s4] =	stream.indirect.scatter.add.f32 [tilespmem:s26], [sflag:$0x8], $0x80, s9, s11, $0xb8;
	[tilespmem:$0x1BC00] =	vst v63  }
0x3b4: {  	_ =	swait.ge [sflag:s21], $0x2800  }
0x3b5: {  	s1 =	sshrl.u32 s25, $0x3;
	[sflag:s21] =	ssyncset.done $0x0  }
0x3b6: {  	s1 =	sadd.s32 s6, s1;
	[sflag:s21] =	ssyncadd.s32 $0xFFFFD800  }
0x3b7: {  	[tilespmem:s2], [sflag:$0x1] =	stream.linear.gather [hbm4b:s1+s5], $0x50, $0x38;
	[tilespmem:$0x1BC00] =	vst v63  }
0x3b8: {  	_ =	swait.ge [sflag:s8], $0x50  }
0x3b9: {  	[sflag:s8] =	ssyncset.done $0x0  }
0x3ba: {  	[sflag:s8] =	ssyncadd.s32 $0xFFFFFFB0  }
0x3bb: {  	[spmem:s4] =	stream.indirect.scatter.add.f32 [tilespmem:s26], [sflag:$0x9], $0x80, s20, s11, $0xb8;
	[tilespmem:$0x1BC00] =	vst v63  }
0x3bc: {  	_ =	swait.ge [sflag:s22], $0x2800  }
0x3bd: {  	[sflag:s22] =	ssyncset.done $0x0;
	s1 =	rddreg [dreg:$0x19]  }
0x3be: {  	[sflag:s22] =	ssyncadd.s32 $0xFFFFD800;
	s1 =	sadd.s32 s28, s1  }
0x3bf: {  	[tilespmem:s9], [sflag:$0x2] =	stream.linear.gather [hbm4b:s1+s5], $0x50, $0x38;
	[tilespmem:$0x1BC00] =	vst v63  }
0x3c0: {  	_ =	swait.ge [sflag:s17], $0x50  }
0x3c1: {  	[sflag:s17] =	ssyncset.done $0x0  }
0x3c2: {  	[sflag:s17] =	ssyncadd.s32 $0xFFFFFFB0  }
0x3c3: {  	[spmem:s4] =	stream.indirect.scatter.add.f32 [tilespmem:s26], [sflag:$0xA], $0x80, s15, s11, $0xb8;
	[tilespmem:$0x1BC00] =	vst v63  }
0x3c4: {  	_ =	swait.ge [sflag:s19], $0x2800  }
0x3c5: {  	[sflag:s19] =	ssyncset.done $0x0;
	s1 =	rddreg [dreg:$0x11]  }
0x3c6: {  	[sflag:s19] =	ssyncadd.s32 $0xFFFFD800;
	s1 =	sadd.s32 s28, s1  }
0x3c7: {  	[tilespmem:s20], [sflag:$0x3] =	stream.linear.gather [hbm4b:s1+s5], $0x50, $0x38;
	[tilespmem:$0x1BC00] =	vst v63  }
0x3c8: {  	_ =	swait.ge [sflag:s10], $0x50  }
0x3c9: {  	p0 =	sne.s32 s24, $0x438;
	[sflag:s10] =	ssyncset.done $0x0  }
.Ltmp1:
0x3ca: {  	[sflag:s10] =	ssyncadd.s32 $0xFFFFFFB0;
	(pc) =	sbr.rel @p0 .LBB2_4-.Ltmp1, $4  }
0x3cb: {  	[spmem:s4] =	stream.indirect.scatter.add.f32 [tilespmem:s26], [sflag:$0x8], $0x80, s2, s11, $0xb8;
	[tilespmem:$0x1BC00] =	vst v63  }
0x3cc: {  	_ =	swait.ge [sflag:s21], $0x2800  }
0x3cd: {  	s24 =	sadd.s32 $0x78, s24;
	[sflag:s21] =	ssyncset.done $0x0  }
0x3ce: {  	s25 =	sadd.s32 $0x3C0, s25;
	s28 =	sadd.s32 s28, s30;
	[sflag:s21] =	ssyncadd.s32 $0xFFFFD800  }
0x3cf: {  	[tilespmem:s15], [sflag:$0x4] =	stream.linear.gather [hbm4b:s28+s5], $0x50, $0x38;
	[tilespmem:$0x1BC00] =	vst v63  }
0x3d0: {  	_ =	swait.ge [sflag:s12], $0x50  }
0x3d1: {  	[sflag:s12] =	ssyncset.done $0x0  }
0x3d2: {  	[sflag:s12] =	ssyncadd.s32 $0xFFFFFFB0  }
0x3d3: {  	[spmem:s4] =	stream.indirect.scatter.add.f32 [tilespmem:s26], [sflag:$0x9], $0x80, s9, s11, $0xb8;
	[tilespmem:$0x1BC00] =	vst v63  }
0x3d4: {  	_ =	swait.ge [sflag:s22], $0x2800  }
0x3d5: {  	s1 =	sld [smem:$0x7EE]  }
0x3d6: {  	[sflag:s22] =	ssyncset.done $0x0  }
0x3d7: {  	[sflag:s22] =	ssyncadd.s32 $0xFFFFD800  }
0x3d8: {  	[tilespmem:s2], [sflag:$0x1] =	stream.linear.gather [hbm4b:s1+s5], $0x50, $0x38;
	[tilespmem:$0x1BC00] =	vst v63  }
0x3d9: {  	_ =	swait.ge [sflag:s8], $0x50  }
0x3da: {  	[sflag:s8] =	ssyncset.done $0x0  }
0x3db: {  	[sflag:s8] =	ssyncadd.s32 $0xFFFFFFB0  }
0x3dc: {  	[spmem:s4] =	stream.indirect.scatter.add.f32 [tilespmem:s26], [sflag:$0xA], $0x80, s20, s11, $0xb8;
	[tilespmem:$0x1BC00] =	vst v63  }
0x3dd: {  	_ =	swait.ge [sflag:s19], $0x2800  }
0x3de: {  	[sflag:s19] =	ssyncset.done $0x0  }
0x3df: {  	[sflag:s19] =	ssyncadd.s32 $0xFFFFD800  }
0x3e0: {  	_ =	swait.ge [sflag:s17], $0x50  }
0x3e1: {  	[sflag:s17] =	ssyncset.done $0x0  }
0x3e2: {  	[sflag:s17] =	ssyncadd.s32 $0xFFFFFFB0  }
0x3e3: {  	[spmem:s4] =	stream.indirect.scatter.add.f32 [tilespmem:s26], [sflag:$0x8], $0x80, s15, s11, $0xb8;
	[tilespmem:$0x1BC00] =	vst v63  }
0x3e4: {  	_ =	swait.ge [sflag:s21], $0x2800  }
0x3e5: {  	[sflag:s21] =	ssyncset.done $0x0  }
0x3e6: {  	[sflag:s21] =	ssyncadd.s32 $0xFFFFD800  }
0x3e7: {  	_ =	swait.ge [sflag:s10], $0x50  }
0x3e8: {  	[sflag:s10] =	ssyncset.done $0x0  }
0x3e9: {  	[sflag:s10] =	ssyncadd.s32 $0xFFFFFFB0  }
0x3ea: {  	[spmem:s4] =	stream.indirect.scatter.add.f32 [tilespmem:s26], [sflag:$0x9], $0x80, s2, s11, $0xb8;
	[tilespmem:$0x1BC00] =	vst v63  }
0x3eb: {  	_ =	swait.ge [sflag:s22], $0x2800  }
0x3ec: {  	[sflag:s22] =	ssyncset.done $0x0  }
0x3ed: {  	[sflag:s22] =	ssyncadd.s32 $0xFFFFD800  }
0x3ee: {  	_ =	swait.ge [sflag:s19], $0x2800  }
0x3ef: {  	[sflag:s19] =	ssyncset.done $0x0  }
0x3f0: {  	[sflag:s19] =	ssyncadd.s32 $0xFFFFD800  }
0x3f1: {  	[bflag:$0x0] =	sbarrier.arrive $0xFFFF  }
0x3f2: {  	s16 =	sld [smem:$0x7F8];
	_ =	sdelay $0x2  }
0x3f3: {  	[tilespmem:s13], [sflag:$0xB] =	stream.linear.gather [spmem:s16], $0x2800, $0x38;
	[tilespmem:$0x1BC00] =	vst v63  }
0x3f4: {  	s16 =	simm.s32 $0xB  }
0x3f5: {  	_ =	swait.ge [sflag:s16], $0x2800  }
0x3f6: {  	s24 =	sld [smem:$0x7DA]  }
0x3f7: {  	[sflag:s16] =	ssyncset.done $0x0  }
0x3f8: {  	s25 =	sld [smem:$0x7EF];
	[sflag:s16] =	ssyncadd.s32 $0xFFFFD800  }
0x3f9: {  	[hbm4b:s24+s5] =	stream.linear.scatter [tilespmem:s13], [sflag:$0x9], $0x2800, $0x38;
	[tilespmem:$0x1BC00] =	vst v63  }
0x3fa: {  	_ = 	snop  }
0x3fb: {  	[tilespmem:s29], [sflag:$0xB] =	stream.linear.gather [spmem:s25], $0x2800, $0x38;
	[tilespmem:$0x1BC00] =	vst v63  }
0x3fc: {  	_ =	swait.ge [sflag:s16], $0x2800  }
0x3fd: {  	s6 =	sld [smem:$0x7DB]  }
0x3fe: {  	[sflag:s16] =	ssyncset.done $0x0  }
0x3ff: {  	[sflag:s16] =	ssyncadd.s32 $0xFFFFD800  }
0x400: {  	[hbm4b:s6+s5] =	stream.linear.scatter [tilespmem:s29], [sflag:$0xA], $0x2800, $0x38;
	[tilespmem:$0x1BC00] =	vst v63  }
0x401: {  	_ =	swait.ge [sflag:s19], $0x2800  }
0x402: {  	s24 =	sld [smem:$0x7F0]  }
0x403: {  	[sflag:s19] =	ssyncset.done $0x0  }
0x404: {  	[sflag:s19] =	ssyncadd.s32 $0xFFFFD800  }
0x405: {  	[tilespmem:s13], [sflag:$0xB] =	stream.linear.gather [spmem:s24], $0x2800, $0x38;
	[tilespmem:$0x1BC00] =	vst v63  }
0x406: {  	_ =	swait.ge [sflag:s16], $0x2800  }
0x407: {  	s25 =	sld [smem:$0x7DC]  }
0x408: {  	[sflag:s16] =	ssyncset.done $0x0  }
0x409: {  	[sflag:s16] =	ssyncadd.s32 $0xFFFFD800  }
0x40a: {  	[hbm4b:s25+s5] =	stream.linear.scatter [tilespmem:s13], [sflag:$0x9], $0x2800, $0x38;
	[tilespmem:$0x1BC00] =	vst v63  }
0x40b: {  	_ =	swait.ge [sflag:s21], $0x2800  }
0x40c: {  	s30 =	sld [smem:$0x7FB]  }
0x40d: {  	[sflag:s21] =	ssyncset.done $0x0  }
0x40e: {  	[sflag:s21] =	ssyncadd.s32 $0xFFFFD800  }
0x40f: {  	[tilespmem:s29], [sflag:$0xB] =	stream.linear.gather [spmem:s30], $0x2800, $0x38;
	[tilespmem:$0x1BC00] =	vst v63  }
0x410: {  	_ =	swait.ge [sflag:s16], $0x2800  }
0x411: {  	s6 =	sld [smem:$0x7DD]  }
0x412: {  	[sflag:s16] =	ssyncset.done $0x0  }
0x413: {  	[sflag:s16] =	ssyncadd.s32 $0xFFFFD800  }
0x414: {  	[hbm4b:s6+s5] =	stream.linear.scatter [tilespmem:s29], [sflag:$0xA], $0x2800, $0x38;
	[tilespmem:$0x1BC00] =	vst v63  }
0x415: {  	_ =	swait.ge [sflag:s19], $0x2800  }
0x416: {  	s24 =	sld [smem:$0x7F1]  }
0x417: {  	[sflag:s19] =	ssyncset.done $0x0  }
0x418: {  	[sflag:s19] =	ssyncadd.s32 $0xFFFFD800  }
0x419: {  	[tilespmem:s13], [sflag:$0xB] =	stream.linear.gather [spmem:s24], $0x2800, $0x38;
	[tilespmem:$0x1BC00] =	vst v63  }
0x41a: {  	_ =	swait.ge [sflag:s16], $0x2800  }
0x41b: {  	s25 =	sld [smem:$0x7DE]  }
0x41c: {  	[sflag:s16] =	ssyncset.done $0x0  }
0x41d: {  	[sflag:s16] =	ssyncadd.s32 $0xFFFFD800  }
0x41e: {  	[hbm4b:s25+s5] =	stream.linear.scatter [tilespmem:s13], [sflag:$0x9], $0x2800, $0x38;
	[tilespmem:$0x1BC00] =	vst v63  }
0x41f: {  	_ =	swait.ge [sflag:s21], $0x2800  }
0x420: {  	s6 =	sld [smem:$0x7F2]  }
0x421: {  	[sflag:s21] =	ssyncset.done $0x0  }
0x422: {  	[sflag:s21] =	ssyncadd.s32 $0xFFFFD800  }
0x423: {  	[tilespmem:s29], [sflag:$0xB] =	stream.linear.gather [spmem:s6], $0x2800, $0x38;
	[tilespmem:$0x1BC00] =	vst v63  }
0x424: {  	_ =	swait.ge [sflag:s16], $0x2800  }
0x425: {  	s24 =	sld [smem:$0x7DF]  }
0x426: {  	[sflag:s16] =	ssyncset.done $0x0  }
0x427: {  	[sflag:s16] =	ssyncadd.s32 $0xFFFFD800  }
0x428: {  	[hbm4b:s24+s5] =	stream.linear.scatter [tilespmem:s29], [sflag:$0xA], $0x2800, $0x38;
	[tilespmem:$0x1BC00] =	vst v63  }
0x429: {  	_ =	swait.ge [sflag:s19], $0x2800  }
0x42a: {  	s24 =	sld [smem:$0x7FC]  }
0x42b: {  	[sflag:s19] =	ssyncset.done $0x0  }
0x42c: {  	[sflag:s19] =	ssyncadd.s32 $0xFFFFD800  }
0x42d: {  	[tilespmem:s13], [sflag:$0xB] =	stream.linear.gather [spmem:s24], $0x2800, $0x38;
	[tilespmem:$0x1BC00] =	vst v63  }
0x42e: {  	_ =	swait.ge [sflag:s16], $0x2800  }
0x42f: {  	s25 =	sld [smem:$0x7E0]  }
0x430: {  	[sflag:s16] =	ssyncset.done $0x0  }
0x431: {  	[sflag:s16] =	ssyncadd.s32 $0xFFFFD800  }
0x432: {  	[hbm4b:s25+s5] =	stream.linear.scatter [tilespmem:s13], [sflag:$0x9], $0x2800, $0x38;
	[tilespmem:$0x1BC00] =	vst v63  }
0x433: {  	_ =	swait.ge [sflag:s21], $0x2800  }
0x434: {  	s28 =	sld [smem:$0x7FD]  }
0x435: {  	[sflag:s21] =	ssyncset.done $0x0  }
0x436: {  	[sflag:s21] =	ssyncadd.s32 $0xFFFFD800  }
0x437: {  	[tilespmem:s29], [sflag:$0xB] =	stream.linear.gather [spmem:s28], $0x2800, $0x38;
	[tilespmem:$0x1BC00] =	vst v63  }
0x438: {  	_ =	swait.ge [sflag:s16], $0x2800  }
0x439: {  	s6 =	sld [smem:$0x7E1]  }
0x43a: {  	[sflag:s16] =	ssyncset.done $0x0  }
0x43b: {  	[sflag:s16] =	ssyncadd.s32 $0xFFFFD800  }
0x43c: {  	[hbm4b:s6+s5] =	stream.linear.scatter [tilespmem:s29], [sflag:$0xA], $0x2800, $0x38;
	[tilespmem:$0x1BC00] =	vst v63  }
0x43d: {  	_ =	swait.ge [sflag:s19], $0x2800  }
0x43e: {  	[sflag:s19] =	ssyncset.done $0x0  }
0x43f: {  	[sflag:s19] =	ssyncadd.s32 $0xFFFFD800  }
0x440: {  	_ =	swait.ge [sflag:s21], $0x2800  }
0x441: {  	s6 =	sld [smem:$0x7FA]  }
0x442: {  	s25 =	sld [smem:$0x7F4];
	_ =	sdelay $0x1  }
0x443: {  	s6 =	sadd.s32 $0x1, s6  }
0x444: {  	p0 =	sne.s32 s6, s25  }
.Ltmp2:
0x445: {  	_ = 	snop;
	(pc) =	sbr.rel @p0 .LBB2_1-.Ltmp2, $4  }
0x446: {  	[sflag:s21] =	ssyncset.done $0x0  }
0x447: {  	[sflag:s21] =	ssyncadd.s32 $0xFFFFD800;
	[smem:$0x7FA] =	sst s6  }
0x448: {  	s25 =	rddreg [dreg:$0x2]  }
0x449: {  	s6 =	rddreg [dreg:$0x18]  }
0x44a: {  	_ =	sfence.sel $0x180000  }
0x44b: {  	[bflag:$0x0] =	sbarrier.arrive $0xFFFF  }
0x44c: {  	_ =	strace $0x90000047  }
0x44d: {  	s0 =	stileid.u32;
	[bflag:$0x2] =	sbarrier.arrive $0xFFFF  }
0x44e: {  	p0 =	sne.s32 s0, $0x0;
	s0 =	rddreg [dreg:$0x4]  }
0x44f: {  	s0 =	sadd.s32 @!p0 $0x100000, s0  }
0x450: {  	[sflag:s0] =	ssyncadd.tile.s32 @!p0 $0x1;
	_ =	shalt  }
.Lfunc_end2:
_tile_overlayer_lowered:
.L_overlay_start_2:
0x451: {  	(tag) =	ssettag $0x2  }
0x452: {  	s0 =	rddreg [dreg:$0x0];
	s2 =	stileid.u32  }
0x453: {  	s1 =	rddreg [dreg:$0x1];
	p0 =	sne.s32 s2, $0x0  }
0x454: {  	s3 =	rddreg [dreg:$0x2];
	[bflag:$0x3] =	sbarrier.arrive $0xFFFF;
	s2 =	simm.s32 @!p0 $0x1C0B  }
0x455: {  	[timem:s3], [sflag:s2] =	dma.local @!p0 [hbm:s0], s1  }
0x456: {  	s0 =	simm.s32 @!p0 $0xB  }
0x457: {  	_ =	swait.ge @!p0 [sflag:s0], s1  }
0x458: {  	s1 =	ssub.s32 @!p0 $0x0, s1;
	[sflag:s0] =	ssyncset.done @!p0 $0x0  }
0x459: {  	[sflag:s0] =	ssyncadd.s32 @!p0 s1  }
0x45a: {  	[bflag:$0x3] =	sbarrier.arrive $0xFFFF  }
0x45b: {  	_ =	shalt  }

</sc_bundles>
